<compile_context>
chip_gen: v7x
topology: tpu7x:2x2x1
jax: 0.10.2.dev20260603
libtpu: 0.0.44.dev20260713+nightly
codegen_flags: <defaults>
</compile_context>

<pallas_src>
import functools

import jax
import jax.numpy as jnp
from jax import lax
from jax.experimental import pallas as pl
from jax.experimental.pallas import tpu as pltpu
from jax.experimental.pallas import tpu_sc as plsc

_NC = 2
_NS = 16
_L = 16
_NBUF = 4


@functools.lru_cache(maxsize=None)
def _build(B, S, V, D):
  NW = _NC * _NS
  assert B % NW == 0
  BPW = B // NW
  NCHUNK = S
  assert NCHUNK % _NBUF == 0 and NCHUNK // _NBUF >= 3
  assert BPW % _L == 0 and BPW <= 128 and BPW % 8 == 0
  assert D % _L == 0

  mesh = plsc.VectorSubcoreMesh(core_axis_name="c", subcore_axis_name="s")

  @functools.partial(
      pl.kernel,
      mesh=mesh,
      compiler_params=pltpu.CompilerParams(use_tc_tiling_on_sc=False),
      out_type=jax.ShapeDtypeStruct((S, B, D), jnp.float32),
      scratch_types=[
          pltpu.VMEM((S, BPW), jnp.float32),
          pltpu.VMEM((_NBUF, BPW), jnp.int32),
          pltpu.VMEM((S, D), jnp.float32),
          pltpu.VMEM((_NBUF, BPW, D), jnp.float32),
          pltpu.SemaphoreType.DMA,
          pltpu.SemaphoreType.DMA,
      ],
  )
  def emb(seq_hbm, tok_hbm, pos_hbm, out_hbm, idxf_v, idx_v, pos_v, rows_v,
          gsem, osem):
    wid = lax.axis_index("s") * _NC + lax.axis_index("c")
    b0 = wid * BPW
    pltpu.sync_copy(pos_hbm, pos_v)
    pltpu.sync_copy(seq_hbm.at[:, pl.ds(b0, BPW)], idxf_v)

    def issue_gather(g, buf):
      for j in range(BPW // _L):
        idx_v[buf, pl.ds(j * _L, _L)] = jax.lax.bitcast_convert_type(
            idxf_v[g, pl.ds(j * _L, _L)], jnp.int32)
      pltpu.async_copy(tok_hbm.at[idx_v.at[buf]], rows_v.at[buf], gsem)

    def wait_gather(buf):
      pltpu.make_async_copy(
          tok_hbm.at[pl.ds(0, BPW), :], rows_v.at[buf], gsem).wait()

    def issue_out(g, buf):
      pltpu.async_copy(rows_v.at[buf], out_hbm.at[g, pl.ds(b0, BPW), :],
                       osem)

    def wait_out(buf):
      pltpu.make_async_copy(rows_v.at[buf],
                            out_hbm.at[0, pl.ds(b0, BPW), :], osem).wait()

    def add_pos(g, buf):
      def b_body(bl, carry):
        for j in range(D // _L):
          pv = pos_v[g, pl.ds(j * _L, _L)]
          plsc.addupdate(rows_v.at[buf, bl, pl.ds(j * _L, _L)], pv)
        return carry

      lax.fori_loop(0, BPW, b_body, 0)

    def slot(g, b, *, first=False, last=False):
      wait_gather(b)
      if not first:
        wait_out((b + 3) % _NBUF)
      if not last:
        issue_gather(g + 3, (b + 3) % _NBUF)
      add_pos(g, b)
      issue_out(g, b)

    for g in range(3):
      issue_gather(g, g)

    slot(0, 0, first=True)
    for b in range(1, _NBUF):
      slot(b, b)

    def turn(g4, carry):
      for b in range(_NBUF):
        slot(g4 * _NBUF + b, b)
      return carry

    lax.fori_loop(1, NCHUNK // _NBUF - 1, turn, 0)

    gl = NCHUNK - _NBUF
    slot(gl, 0)
    for b in range(1, _NBUF):
      slot(gl + b, b, last=True)
    wait_out(_NBUF - 1)

  return emb


def kernel(seq, token_table, pos_table):
  B, S = seq.shape
  V, D = token_table.shape
  emb = _build(B, S, V, D)
  seq_bits = jax.lax.bitcast_convert_type(seq, jnp.float32).T
  out = emb(seq_bits, token_table, pos_table)
  return jnp.transpose(out, (1, 0, 2))

# --- scband reference (transcript-rebuilt; emitter-appended) ---
"""Pipeline reference for scband-positional-embedding-30983894073347 (READ-ONLY COPY).

The authoritative reference and input builder live on the scoring server;
editing this copy changes nothing except your own understanding.
"""

import jax, jax.numpy as jnp
import numpy as np

BATCH = 4096
SEQ_LEN = 200
VOCAB = 1000000
DIM = 64

def setup_inputs(seed: int = 0) -> dict:
    key = jax.random.key(seed)
    k1, k2, k3 = jax.random.split(key, 3)
    seq = jax.random.randint(k1, (BATCH, SEQ_LEN), 0, VOCAB, dtype=jnp.int32)
    token_table = jax.random.normal(k2, (VOCAB, DIM), dtype=jnp.float32) * 0.02
    pos_table = jax.random.normal(k3, (SEQ_LEN, DIM), dtype=jnp.float32) * 0.02
    return {"seq": seq, "token_table": token_table, "pos_table": pos_table}

def reference(seq, token_table, pos_table):
    # token embedding lookup: gather rows of the big table
    tok = jnp.take(token_table, seq, axis=0)            # [B, S, D]
    # positional embedding: range(S) lookup, broadcast over batch
    pos_idx = jnp.arange(seq.shape[1])
    pos = jnp.take(pos_table, pos_idx, axis=0)[None, :, :]  # [1, S, D]
    return tok + pos

if __name__ == "__main__":
    import jax
    _d = setup_inputs()
    print(jax.jit(kernel)(*tuple(_d.values())))

</pallas_src>

<mosaic_0001>
#map = affine_map<(d0, d1) -> (0, 0)>
#map1 = affine_map<(d0, d1) -> (0, 0, 0)>
module attributes {stable_mosaic.version = 14 : i64} {
  func.func @emb(%arg0: i32, %arg1: i32, %arg2: memref<200x4096xf32, #tpu.memory_space<hbm>>, %arg3: memref<1000000x64xf32, #tpu.memory_space<hbm>>, %arg4: memref<200x64xf32, #tpu.memory_space<hbm>>, %arg5: memref<200x4096x64xf32, #tpu.memory_space<hbm>>, %arg6: memref<200x128xf32, #tpu.memory_space<vmem>>, %arg7: memref<4x128xi32, #tpu.memory_space<vmem>>, %arg8: memref<200x64xf32, #tpu.memory_space<vmem>>, %arg9: memref<4x128x64xf32, #tpu.memory_space<vmem>>, %arg10: memref<!tpu.dma_semaphore, #tpu.memory_space<semaphore_mem>>, %arg11: memref<!tpu.dma_semaphore, #tpu.memory_space<semaphore_mem>>) attributes {dimension_semantics = [#tpu.dimension_semantics<core_parallel>, #tpu.dimension_semantics<subcore_parallel>], iteration_bounds = array<i64: 2, 16>, scalar_prefetch = 0 : i64, scratch_operands = 6 : i64, tpu.core_type = #tpu.core_type<sc_vector_subcore>, window_params = [{transform_indices = #map}, {transform_indices = #map}, {transform_indices = #map}, {transform_indices = #map1}]} {
    %mul3A = arith.constant 2 : i32
    %mul3A_0 = arith.muli %arg1, %mul3A : i32
    %add3A = arith.addi %mul3A_0, %arg0 : i32
    %mul3A_1 = arith.constant 128 : i32
    %mul3A_2 = arith.muli %add3A, %mul3A_1 : i32
    "tpu.region"() ({
      %run_scoped3A = tpu.sem_alloc : memref<!tpu.dma_semaphore, #tpu.memory_space<semaphore_mem>>
      tpu.enqueue_dma source(%arg4 : memref<200x64xf32, #tpu.memory_space<hbm>>) target(%arg8 : memref<200x64xf32, #tpu.memory_space<vmem>>) target_semaphore(%run_scoped3A : memref<!tpu.dma_semaphore, #tpu.memory_space<semaphore_mem>>)
      tpu.wait_dma2 semaphore(%run_scoped3A : memref<!tpu.dma_semaphore, #tpu.memory_space<semaphore_mem>>) src(%arg4 : memref<200x64xf32, #tpu.memory_space<hbm>>) dst(%arg8 : memref<200x64xf32, #tpu.memory_space<vmem>>)
      tpu.yield
    }) : () -> ()
    "tpu.region"() ({
      %run_scoped3A = tpu.sem_alloc : memref<!tpu.dma_semaphore, #tpu.memory_space<semaphore_mem>>
      %dma_start3A_1291 = arith.constant 0 : i32
      %dma_start3A_1292 = tpu.memref_slice %arg2[%dma_start3A_1291, %mul3A_2] : memref<200x4096xf32, #tpu.memory_space<hbm>> -> memref<200x128xf32, #tpu.memory_space<hbm>>
      %dma_start3A_1293 = arith.constant 0 : i32
      %dma_start3A_1294 = tpu.memref_slice %arg2[%dma_start3A_1293, %mul3A_2] : memref<200x4096xf32, #tpu.memory_space<hbm>> -> memref<200x128xf32, #tpu.memory_space<hbm>>
      tpu.enqueue_dma source(%dma_start3A_1294 : memref<200x128xf32, #tpu.memory_space<hbm>>) target(%arg6 : memref<200x128xf32, #tpu.memory_space<vmem>>) target_semaphore(%run_scoped3A : memref<!tpu.dma_semaphore, #tpu.memory_space<semaphore_mem>>)
      %dma_wait3A_1295 = arith.constant 0 : i32
      %dma_wait3A_1296 = tpu.memref_slice %arg2[%dma_wait3A_1295, %mul3A_2] : memref<200x4096xf32, #tpu.memory_space<hbm>> -> memref<200x128xf32, #tpu.memory_space<hbm>>
      %dma_wait3A_1297 = arith.constant 0 : i32
      %dma_wait3A_1298 = tpu.memref_slice %arg2[%dma_wait3A_1297, %mul3A_2] : memref<200x4096xf32, #tpu.memory_space<hbm>> -> memref<200x128xf32, #tpu.memory_space<hbm>>
      tpu.wait_dma2 semaphore(%run_scoped3A : memref<!tpu.dma_semaphore, #tpu.memory_space<semaphore_mem>>) src(%dma_wait3A_1298 : memref<200x128xf32, #tpu.memory_space<hbm>>) dst(%arg6 : memref<200x128xf32, #tpu.memory_space<vmem>>)
      tpu.yield
    }) : () -> ()
    %get3A = arith.constant 0 : i32
    %get3A_3 = arith.index_cast %get3A : i32 to index
    %get3A_4 = arith.constant 0 : index
    %get3A_5 = tpu.vector_load %arg6[%get3A_3, %get3A_4] {strides = array<i32>} : memref<200x128xf32, #tpu.memory_space<vmem>>, vector<1x16xf32>,
    %get3A_6 = vector.shape_cast %get3A_5 : vector<1x16xf32> to vector<16xf32>
    %bitcast_convert_type3A = tpu.bitcast %get3A_6 : vector<16xf32> -> vector<16xi32>
    %swap3A = arith.constant 0 : i32
    %swap3A_7 = arith.index_cast %swap3A : i32 to index
    %swap3A_8 = arith.constant 0 : index
    %swap3A_9 = tpu.vector_load %arg7[%swap3A_7, %swap3A_8] {strides = array<i32>} : memref<4x128xi32, #tpu.memory_space<vmem>>, vector<1x16xi32>,
    %swap3A_10 = vector.shape_cast %swap3A_9 : vector<1x16xi32> to vector<16xi32>
    %swap3A_11 = vector.shape_cast %bitcast_convert_type3A : vector<16xi32> to vector<1x16xi32>
    tpu.vector_store %arg7[%swap3A_7, %swap3A_8], %swap3A_11 {strides = array<i32>} : memref<4x128xi32, #tpu.memory_space<vmem>>, vector<1x16xi32>,
    %get3A_12 = arith.constant 0 : i32
    %get3A_13 = arith.index_cast %get3A_12 : i32 to index
    %get3A_14 = arith.constant 16 : index
    %get3A_15 = tpu.vector_load %arg6[%get3A_13, %get3A_14] {strides = array<i32>} : memref<200x128xf32, #tpu.memory_space<vmem>>, vector<1x16xf32>,
    %get3A_16 = vector.shape_cast %get3A_15 : vector<1x16xf32> to vector<16xf32>
    %bitcast_convert_type3A_17 = tpu.bitcast %get3A_16 : vector<16xf32> -> vector<16xi32>
    %swap3A_18 = arith.constant 0 : i32
    %swap3A_19 = arith.index_cast %swap3A_18 : i32 to index
    %swap3A_20 = arith.constant 16 : index
    %swap3A_21 = tpu.vector_load %arg7[%swap3A_19, %swap3A_20] {strides = array<i32>} : memref<4x128xi32, #tpu.memory_space<vmem>>, vector<1x16xi32>,
    %swap3A_22 = vector.shape_cast %swap3A_21 : vector<1x16xi32> to vector<16xi32>
    %swap3A_23 = vector.shape_cast %bitcast_convert_type3A_17 : vector<16xi32> to vector<1x16xi32>
    tpu.vector_store %arg7[%swap3A_19, %swap3A_20], %swap3A_23 {strides = array<i32>} : memref<4x128xi32, #tpu.memory_space<vmem>>, vector<1x16xi32>,
    %get3A_24 = arith.constant 0 : i32
    %get3A_25 = arith.index_cast %get3A_24 : i32 to index
    %get3A_26 = arith.constant 32 : index
    %get3A_27 = tpu.vector_load %arg6[%get3A_25, %get3A_26] {strides = array<i32>} : memref<200x128xf32, #tpu.memory_space<vmem>>, vector<1x16xf32>,
    %get3A_28 = vector.shape_cast %get3A_27 : vector<1x16xf32> to vector<16xf32>
    %bitcast_convert_type3A_29 = tpu.bitcast %get3A_28 : vector<16xf32> -> vector<16xi32>
    %swap3A_30 = arith.constant 0 : i32
    %swap3A_31 = arith.index_cast %swap3A_30 : i32 to index
    %swap3A_32 = arith.constant 32 : index
    %swap3A_33 = tpu.vector_load %arg7[%swap3A_31, %swap3A_32] {strides = array<i32>} : memref<4x128xi32, #tpu.memory_space<vmem>>, vector<1x16xi32>,
    %swap3A_34 = vector.shape_cast %swap3A_33 : vector<1x16xi32> to vector<16xi32>
    %swap3A_35 = vector.shape_cast %bitcast_convert_type3A_29 : vector<16xi32> to vector<1x16xi32>
    tpu.vector_store %arg7[%swap3A_31, %swap3A_32], %swap3A_35 {strides = array<i32>} : memref<4x128xi32, #tpu.memory_space<vmem>>, vector<1x16xi32>,
    %get3A_36 = arith.constant 0 : i32
    %get3A_37 = arith.index_cast %get3A_36 : i32 to index
    %get3A_38 = arith.constant 48 : index
    %get3A_39 = tpu.vector_load %arg6[%get3A_37, %get3A_38] {strides = array<i32>} : memref<200x128xf32, #tpu.memory_space<vmem>>, vector<1x16xf32>,
    %get3A_40 = vector.shape_cast %get3A_39 : vector<1x16xf32> to vector<16xf32>
    %bitcast_convert_type3A_41 = tpu.bitcast %get3A_40 : vector<16xf32> -> vector<16xi32>
    %swap3A_42 = arith.constant 0 : i32
    %swap3A_43 = arith.index_cast %swap3A_42 : i32 to index
    %swap3A_44 = arith.constant 48 : index
    %swap3A_45 = tpu.vector_load %arg7[%swap3A_43, %swap3A_44] {strides = array<i32>} : memref<4x128xi32, #tpu.memory_space<vmem>>, vector<1x16xi32>,
    %swap3A_46 = vector.shape_cast %swap3A_45 : vector<1x16xi32> to vector<16xi32>
    %swap3A_47 = vector.shape_cast %bitcast_convert_type3A_41 : vector<16xi32> to vector<1x16xi32>
    tpu.vector_store %arg7[%swap3A_43, %swap3A_44], %swap3A_47 {strides = array<i32>} : memref<4x128xi32, #tpu.memory_space<vmem>>, vector<1x16xi32>,
    %get3A_48 = arith.constant 0 : i32
    %get3A_49 = arith.index_cast %get3A_48 : i32 to index
    %get3A_50 = arith.constant 64 : index
    %get3A_51 = tpu.vector_load %arg6[%get3A_49, %get3A_50] {strides = array<i32>} : memref<200x128xf32, #tpu.memory_space<vmem>>, vector<1x16xf32>,
    %get3A_52 = vector.shape_cast %get3A_51 : vector<1x16xf32> to vector<16xf32>
    %bitcast_convert_type3A_53 = tpu.bitcast %get3A_52 : vector<16xf32> -> vector<16xi32>
    %swap3A_54 = arith.constant 0 : i32
    %swap3A_55 = arith.index_cast %swap3A_54 : i32 to index
    %swap3A_56 = arith.constant 64 : index
    %swap3A_57 = tpu.vector_load %arg7[%swap3A_55, %swap3A_56] {strides = array<i32>} : memref<4x128xi32, #tpu.memory_space<vmem>>, vector<1x16xi32>,
    %swap3A_58 = vector.shape_cast %swap3A_57 : vector<1x16xi32> to vector<16xi32>
    %swap3A_59 = vector.shape_cast %bitcast_convert_type3A_53 : vector<16xi32> to vector<1x16xi32>
    tpu.vector_store %arg7[%swap3A_55, %swap3A_56], %swap3A_59 {strides = array<i32>} : memref<4x128xi32, #tpu.memory_space<vmem>>, vector<1x16xi32>,
    %get3A_60 = arith.constant 0 : i32
    %get3A_61 = arith.index_cast %get3A_60 : i32 to index
    %get3A_62 = arith.constant 80 : index
    %get3A_63 = tpu.vector_load %arg6[%get3A_61, %get3A_62] {strides = array<i32>} : memref<200x128xf32, #tpu.memory_space<vmem>>, vector<1x16xf32>,
    %get3A_64 = vector.shape_cast %get3A_63 : vector<1x16xf32> to vector<16xf32>
    %bitcast_convert_type3A_65 = tpu.bitcast %get3A_64 : vector<16xf32> -> vector<16xi32>
    %swap3A_66 = arith.constant 0 : i32
    %swap3A_67 = arith.index_cast %swap3A_66 : i32 to index
    %swap3A_68 = arith.constant 80 : index
    %swap3A_69 = tpu.vector_load %arg7[%swap3A_67, %swap3A_68] {strides = array<i32>} : memref<4x128xi32, #tpu.memory_space<vmem>>, vector<1x16xi32>,
    %swap3A_70 = vector.shape_cast %swap3A_69 : vector<1x16xi32> to vector<16xi32>
    %swap3A_71 = vector.shape_cast %bitcast_convert_type3A_65 : vector<16xi32> to vector<1x16xi32>
    tpu.vector_store %arg7[%swap3A_67, %swap3A_68], %swap3A_71 {strides = array<i32>} : memref<4x128xi32, #tpu.memory_space<vmem>>, vector<1x16xi32>,
    %get3A_72 = arith.constant 0 : i32
    %get3A_73 = arith.index_cast %get3A_72 : i32 to index
    %get3A_74 = arith.constant 96 : index
    %get3A_75 = tpu.vector_load %arg6[%get3A_73, %get3A_74] {strides = array<i32>} : memref<200x128xf32, #tpu.memory_space<vmem>>, vector<1x16xf32>,
    %get3A_76 = vector.shape_cast %get3A_75 : vector<1x16xf32> to vector<16xf32>
    %bitcast_convert_type3A_77 = tpu.bitcast %get3A_76 : vector<16xf32> -> vector<16xi32>
    %swap3A_78 = arith.constant 0 : i32
    %swap3A_79 = arith.index_cast %swap3A_78 : i32 to index
    %swap3A_80 = arith.constant 96 : index
    %swap3A_81 = tpu.vector_load %arg7[%swap3A_79, %swap3A_80] {strides = array<i32>} : memref<4x128xi32, #tpu.memory_space<vmem>>, vector<1x16xi32>,
    %swap3A_82 = vector.shape_cast %swap3A_81 : vector<1x16xi32> to vector<16xi32>
    %swap3A_83 = vector.shape_cast %bitcast_convert_type3A_77 : vector<16xi32> to vector<1x16xi32>
    tpu.vector_store %arg7[%swap3A_79, %swap3A_80], %swap3A_83 {strides = array<i32>} : memref<4x128xi32, #tpu.memory_space<vmem>>, vector<1x16xi32>,
    %get3A_84 = arith.constant 0 : i32
    %get3A_85 = arith.index_cast %get3A_84 : i32 to index
    %get3A_86 = arith.constant 112 : index
    %get3A_87 = tpu.vector_load %arg6[%get3A_85, %get3A_86] {strides = array<i32>} : memref<200x128xf32, #tpu.memory_space<vmem>>, vector<1x16xf32>,
    %get3A_88 = vector.shape_cast %get3A_87 : vector<1x16xf32> to vector<16xf32>
    %bitcast_convert_type3A_89 = tpu.bitcast %get3A_88 : vector<16xf32> -> vector<16xi32>
    %swap3A_90 = arith.constant 0 : i32
    %swap3A_91 = arith.index_cast %swap3A_90 : i32 to index
    %swap3A_92 = arith.constant 112 : index
    %swap3A_93 = tpu.vector_load %arg7[%swap3A_91, %swap3A_92] {strides = array<i32>} : memref<4x128xi32, #tpu.memory_space<vmem>>, vector<1x16xi32>,
    %swap3A_94 = vector.shape_cast %swap3A_93 : vector<1x16xi32> to vector<16xi32>
    %swap3A_95 = vector.shape_cast %bitcast_convert_type3A_89 : vector<16xi32> to vector<1x16xi32>
    tpu.vector_store %arg7[%swap3A_91, %swap3A_92], %swap3A_95 {strides = array<i32>} : memref<4x128xi32, #tpu.memory_space<vmem>>, vector<1x16xi32>,
    %dma_start3A = arith.constant 0 : i32
    %dma_start3A_96 = arith.constant 0 : i32
    %dma_start3A_97 = arith.constant 0 : i32
    %dma_start3A_98 = arith.constant 0 : i32
    %dma_start3A_99 = tpu.memref_slice %arg9[%dma_start3A_96, %dma_start3A_97, %dma_start3A_98] : memref<4x128x64xf32, #tpu.memory_space<vmem>> -> memref<1x128x64xf32, #tpu.memory_space<vmem>>
    %dma_start3A_100 = tpu.memref_squeeze %dma_start3A_99 : memref<1x128x64xf32, #tpu.memory_space<vmem>> -> memref<128x64xf32, #tpu.memory_space<vmem>>
    %dma_start3A_101 = arith.constant 0 : i32
    %dma_start3A_102 = tpu.memref_slice %arg7[%dma_start3A, %dma_start3A_101] : memref<4x128xi32, #tpu.memory_space<vmem>> -> memref<1x128xi32, #tpu.memory_space<vmem>>
    %dma_start3A_103 = tpu.memref_squeeze %dma_start3A_102 : memref<1x128xi32, #tpu.memory_space<vmem>> -> memref<128xi32, #tpu.memory_space<vmem>>
    %dma_start3A_104 = arith.constant 0 : i32
    %dma_start3A_105 = arith.constant 0 : i32
    %dma_start3A_106 = tpu.memref_slice %arg3[%dma_start3A_104, %dma_start3A_105] : memref<1000000x64xf32, #tpu.memory_space<hbm>> -> memref<1000000x64xf32, #tpu.memory_space<hbm>>
    tpu.enqueue_indirect_dma source(%dma_start3A_106 : memref<1000000x64xf32, #tpu.memory_space<hbm>>) target(%dma_start3A_100 : memref<128x64xf32, #tpu.memory_space<vmem>>) offsets(%dma_start3A_103 : memref<128xi32, #tpu.memory_space<vmem>>) semaphore(%arg10 : memref<!tpu.dma_semaphore, #tpu.memory_space<semaphore_mem>>)
    %get3A_107 = arith.constant 1 : i32
    %get3A_108 = arith.index_cast %get3A_107 : i32 to index
    %get3A_109 = arith.constant 0 : index
    %get3A_110 = tpu.vector_load %arg6[%get3A_108, %get3A_109] {strides = array<i32>} : memref<200x128xf32, #tpu.memory_space<vmem>>, vector<1x16xf32>,
    %get3A_111 = vector.shape_cast %get3A_110 : vector<1x16xf32> to vector<16xf32>
    %bitcast_convert_type3A_112 = tpu.bitcast %get3A_111 : vector<16xf32> -> vector<16xi32>
    %swap3A_113 = arith.constant 1 : i32
    %swap3A_114 = arith.index_cast %swap3A_113 : i32 to index
    %swap3A_115 = arith.constant 0 : index
    %swap3A_116 = tpu.vector_load %arg7[%swap3A_114, %swap3A_115] {strides = array<i32>} : memref<4x128xi32, #tpu.memory_space<vmem>>, vector<1x16xi32>,
    %swap3A_117 = vector.shape_cast %swap3A_116 : vector<1x16xi32> to vector<16xi32>
    %swap3A_118 = vector.shape_cast %bitcast_convert_type3A_112 : vector<16xi32> to vector<1x16xi32>
    tpu.vector_store %arg7[%swap3A_114, %swap3A_115], %swap3A_118 {strides = array<i32>} : memref<4x128xi32, #tpu.memory_space<vmem>>, vector<1x16xi32>,
    %get3A_119 = arith.constant 1 : i32
    %get3A_120 = arith.index_cast %get3A_119 : i32 to index
    %get3A_121 = arith.constant 16 : index
    %get3A_122 = tpu.vector_load %arg6[%get3A_120, %get3A_121] {strides = array<i32>} : memref<200x128xf32, #tpu.memory_space<vmem>>, vector<1x16xf32>,
    %get3A_123 = vector.shape_cast %get3A_122 : vector<1x16xf32> to vector<16xf32>
    %bitcast_convert_type3A_124 = tpu.bitcast %get3A_123 : vector<16xf32> -> vector<16xi32>
    %swap3A_125 = arith.constant 1 : i32
    %swap3A_126 = arith.index_cast %swap3A_125 : i32 to index
    %swap3A_127 = arith.constant 16 : index
    %swap3A_128 = tpu.vector_load %arg7[%swap3A_126, %swap3A_127] {strides = array<i32>} : memref<4x128xi32, #tpu.memory_space<vmem>>, vector<1x16xi32>,
    %swap3A_129 = vector.shape_cast %swap3A_128 : vector<1x16xi32> to vector<16xi32>
    %swap3A_130 = vector.shape_cast %bitcast_convert_type3A_124 : vector<16xi32> to vector<1x16xi32>
    tpu.vector_store %arg7[%swap3A_126, %swap3A_127], %swap3A_130 {strides = array<i32>} : memref<4x128xi32, #tpu.memory_space<vmem>>, vector<1x16xi32>,
    %get3A_131 = arith.constant 1 : i32
    %get3A_132 = arith.index_cast %get3A_131 : i32 to index
    %get3A_133 = arith.constant 32 : index
    %get3A_134 = tpu.vector_load %arg6[%get3A_132, %get3A_133] {strides = array<i32>} : memref<200x128xf32, #tpu.memory_space<vmem>>, vector<1x16xf32>,
    %get3A_135 = vector.shape_cast %get3A_134 : vector<1x16xf32> to vector<16xf32>
    %bitcast_convert_type3A_136 = tpu.bitcast %get3A_135 : vector<16xf32> -> vector<16xi32>
    %swap3A_137 = arith.constant 1 : i32
    %swap3A_138 = arith.index_cast %swap3A_137 : i32 to index
    %swap3A_139 = arith.constant 32 : index
    %swap3A_140 = tpu.vector_load %arg7[%swap3A_138, %swap3A_139] {strides = array<i32>} : memref<4x128xi32, #tpu.memory_space<vmem>>, vector<1x16xi32>,
    %swap3A_141 = vector.shape_cast %swap3A_140 : vector<1x16xi32> to vector<16xi32>
    %swap3A_142 = vector.shape_cast %bitcast_convert_type3A_136 : vector<16xi32> to vector<1x16xi32>
    tpu.vector_store %arg7[%swap3A_138, %swap3A_139], %swap3A_142 {strides = array<i32>} : memref<4x128xi32, #tpu.memory_space<vmem>>, vector<1x16xi32>,
    %get3A_143 = arith.constant 1 : i32
    %get3A_144 = arith.index_cast %get3A_143 : i32 to index
    %get3A_145 = arith.constant 48 : index
    %get3A_146 = tpu.vector_load %arg6[%get3A_144, %get3A_145] {strides = array<i32>} : memref<200x128xf32, #tpu.memory_space<vmem>>, vector<1x16xf32>,
    %get3A_147 = vector.shape_cast %get3A_146 : vector<1x16xf32> to vector<16xf32>
    %bitcast_convert_type3A_148 = tpu.bitcast %get3A_147 : vector<16xf32> -> vector<16xi32>
    %swap3A_149 = arith.constant 1 : i32
    %swap3A_150 = arith.index_cast %swap3A_149 : i32 to index
    %swap3A_151 = arith.constant 48 : index
    %swap3A_152 = tpu.vector_load %arg7[%swap3A_150, %swap3A_151] {strides = array<i32>} : memref<4x128xi32, #tpu.memory_space<vmem>>, vector<1x16xi32>,
    %swap3A_153 = vector.shape_cast %swap3A_152 : vector<1x16xi32> to vector<16xi32>
    %swap3A_154 = vector.shape_cast %bitcast_convert_type3A_148 : vector<16xi32> to vector<1x16xi32>
    tpu.vector_store %arg7[%swap3A_150, %swap3A_151], %swap3A_154 {strides = array<i32>} : memref<4x128xi32, #tpu.memory_space<vmem>>, vector<1x16xi32>,
    %get3A_155 = arith.constant 1 : i32
    %get3A_156 = arith.index_cast %get3A_155 : i32 to index
    %get3A_157 = arith.constant 64 : index
    %get3A_158 = tpu.vector_load %arg6[%get3A_156, %get3A_157] {strides = array<i32>} : memref<200x128xf32, #tpu.memory_space<vmem>>, vector<1x16xf32>,
    %get3A_159 = vector.shape_cast %get3A_158 : vector<1x16xf32> to vector<16xf32>
    %bitcast_convert_type3A_160 = tpu.bitcast %get3A_159 : vector<16xf32> -> vector<16xi32>
    %swap3A_161 = arith.constant 1 : i32
    %swap3A_162 = arith.index_cast %swap3A_161 : i32 to index
    %swap3A_163 = arith.constant 64 : index
    %swap3A_164 = tpu.vector_load %arg7[%swap3A_162, %swap3A_163] {strides = array<i32>} : memref<4x128xi32, #tpu.memory_space<vmem>>, vector<1x16xi32>,
    %swap3A_165 = vector.shape_cast %swap3A_164 : vector<1x16xi32> to vector<16xi32>
    %swap3A_166 = vector.shape_cast %bitcast_convert_type3A_160 : vector<16xi32> to vector<1x16xi32>
    tpu.vector_store %arg7[%swap3A_162, %swap3A_163], %swap3A_166 {strides = array<i32>} : memref<4x128xi32, #tpu.memory_space<vmem>>, vector<1x16xi32>,
    %get3A_167 = arith.constant 1 : i32
    %get3A_168 = arith.index_cast %get3A_167 : i32 to index
    %get3A_169 = arith.constant 80 : index
    %get3A_170 = tpu.vector_load %arg6[%get3A_168, %get3A_169] {strides = array<i32>} : memref<200x128xf32, #tpu.memory_space<vmem>>, vector<1x16xf32>,
    %get3A_171 = vector.shape_cast %get3A_170 : vector<1x16xf32> to vector<16xf32>
    %bitcast_convert_type3A_172 = tpu.bitcast %get3A_171 : vector<16xf32> -> vector<16xi32>
    %swap3A_173 = arith.constant 1 : i32
    %swap3A_174 = arith.index_cast %swap3A_173 : i32 to index
    %swap3A_175 = arith.constant 80 : index
    %swap3A_176 = tpu.vector_load %arg7[%swap3A_174, %swap3A_175] {strides = array<i32>} : memref<4x128xi32, #tpu.memory_space<vmem>>, vector<1x16xi32>,
    %swap3A_177 = vector.shape_cast %swap3A_176 : vector<1x16xi32> to vector<16xi32>
    %swap3A_178 = vector.shape_cast %bitcast_convert_type3A_172 : vector<16xi32> to vector<1x16xi32>
    tpu.vector_store %arg7[%swap3A_174, %swap3A_175], %swap3A_178 {strides = array<i32>} : memref<4x128xi32, #tpu.memory_space<vmem>>, vector<1x16xi32>,
    %get3A_179 = arith.constant 1 : i32
    %get3A_180 = arith.index_cast %get3A_179 : i32 to index
    %get3A_181 = arith.constant 96 : index
    %get3A_182 = tpu.vector_load %arg6[%get3A_180, %get3A_181] {strides = array<i32>} : memref<200x128xf32, #tpu.memory_space<vmem>>, vector<1x16xf32>,
    %get3A_183 = vector.shape_cast %get3A_182 : vector<1x16xf32> to vector<16xf32>
    %bitcast_convert_type3A_184 = tpu.bitcast %get3A_183 : vector<16xf32> -> vector<16xi32>
    %swap3A_185 = arith.constant 1 : i32
    %swap3A_186 = arith.index_cast %swap3A_185 : i32 to index
    %swap3A_187 = arith.constant 96 : index
    %swap3A_188 = tpu.vector_load %arg7[%swap3A_186, %swap3A_187] {strides = array<i32>} : memref<4x128xi32, #tpu.memory_space<vmem>>, vector<1x16xi32>,
    %swap3A_189 = vector.shape_cast %swap3A_188 : vector<1x16xi32> to vector<16xi32>
    %swap3A_190 = vector.shape_cast %bitcast_convert_type3A_184 : vector<16xi32> to vector<1x16xi32>
    tpu.vector_store %arg7[%swap3A_186, %swap3A_187], %swap3A_190 {strides = array<i32>} : memref<4x128xi32, #tpu.memory_space<vmem>>, vector<1x16xi32>,
    %get3A_191 = arith.constant 1 : i32
    %get3A_192 = arith.index_cast %get3A_191 : i32 to index
    %get3A_193 = arith.constant 112 : index
    %get3A_194 = tpu.vector_load %arg6[%get3A_192, %get3A_193] {strides = array<i32>} : memref<200x128xf32, #tpu.memory_space<vmem>>, vector<1x16xf32>,
    %get3A_195 = vector.shape_cast %get3A_194 : vector<1x16xf32> to vector<16xf32>
    %bitcast_convert_type3A_196 = tpu.bitcast %get3A_195 : vector<16xf32> -> vector<16xi32>
    %swap3A_197 = arith.constant 1 : i32
    %swap3A_198 = arith.index_cast %swap3A_197 : i32 to index
    %swap3A_199 = arith.constant 112 : index
    %swap3A_200 = tpu.vector_load %arg7[%swap3A_198, %swap3A_199] {strides = array<i32>} : memref<4x128xi32, #tpu.memory_space<vmem>>, vector<1x16xi32>,
    %swap3A_201 = vector.shape_cast %swap3A_200 : vector<1x16xi32> to vector<16xi32>
    %swap3A_202 = vector.shape_cast %bitcast_convert_type3A_196 : vector<16xi32> to vector<1x16xi32>
    tpu.vector_store %arg7[%swap3A_198, %swap3A_199], %swap3A_202 {strides = array<i32>} : memref<4x128xi32, #tpu.memory_space<vmem>>, vector<1x16xi32>,
    %dma_start3A_203 = arith.constant 1 : i32
    %dma_start3A_204 = arith.constant 1 : i32
    %dma_start3A_205 = arith.constant 0 : i32
    %dma_start3A_206 = arith.constant 0 : i32
    %dma_start3A_207 = tpu.memref_slice %arg9[%dma_start3A_204, %dma_start3A_205, %dma_start3A_206] : memref<4x128x64xf32, #tpu.memory_space<vmem>> -> memref<1x128x64xf32, #tpu.memory_space<vmem>>
    %dma_start3A_208 = tpu.memref_squeeze %dma_start3A_207 : memref<1x128x64xf32, #tpu.memory_space<vmem>> -> memref<128x64xf32, #tpu.memory_space<vmem>>
    %dma_start3A_209 = arith.constant 0 : i32
    %dma_start3A_210 = tpu.memref_slice %arg7[%dma_start3A_203, %dma_start3A_209] : memref<4x128xi32, #tpu.memory_space<vmem>> -> memref<1x128xi32, #tpu.memory_space<vmem>>
    %dma_start3A_211 = tpu.memref_squeeze %dma_start3A_210 : memref<1x128xi32, #tpu.memory_space<vmem>> -> memref<128xi32, #tpu.memory_space<vmem>>
    %dma_start3A_212 = arith.constant 0 : i32
    %dma_start3A_213 = arith.constant 0 : i32
    %dma_start3A_214 = tpu.memref_slice %arg3[%dma_start3A_212, %dma_start3A_213] : memref<1000000x64xf32, #tpu.memory_space<hbm>> -> memref<1000000x64xf32, #tpu.memory_space<hbm>>
    tpu.enqueue_indirect_dma source(%dma_start3A_214 : memref<1000000x64xf32, #tpu.memory_space<hbm>>) target(%dma_start3A_208 : memref<128x64xf32, #tpu.memory_space<vmem>>) offsets(%dma_start3A_211 : memref<128xi32, #tpu.memory_space<vmem>>) semaphore(%arg10 : memref<!tpu.dma_semaphore, #tpu.memory_space<semaphore_mem>>)
    %get3A_215 = arith.constant 2 : i32
    %get3A_216 = arith.index_cast %get3A_215 : i32 to index
    %get3A_217 = arith.constant 0 : index
    %get3A_218 = tpu.vector_load %arg6[%get3A_216, %get3A_217] {strides = array<i32>} : memref<200x128xf32, #tpu.memory_space<vmem>>, vector<1x16xf32>,
    %get3A_219 = vector.shape_cast %get3A_218 : vector<1x16xf32> to vector<16xf32>
    %bitcast_convert_type3A_220 = tpu.bitcast %get3A_219 : vector<16xf32> -> vector<16xi32>
    %swap3A_221 = arith.constant 2 : i32
    %swap3A_222 = arith.index_cast %swap3A_221 : i32 to index
    %swap3A_223 = arith.constant 0 : index
    %swap3A_224 = tpu.vector_load %arg7[%swap3A_222, %swap3A_223] {strides = array<i32>} : memref<4x128xi32, #tpu.memory_space<vmem>>, vector<1x16xi32>,
    %swap3A_225 = vector.shape_cast %swap3A_224 : vector<1x16xi32> to vector<16xi32>
    %swap3A_226 = vector.shape_cast %bitcast_convert_type3A_220 : vector<16xi32> to vector<1x16xi32>
    tpu.vector_store %arg7[%swap3A_222, %swap3A_223], %swap3A_226 {strides = array<i32>} : memref<4x128xi32, #tpu.memory_space<vmem>>, vector<1x16xi32>,
    %get3A_227 = arith.constant 2 : i32
    %get3A_228 = arith.index_cast %get3A_227 : i32 to index
    %get3A_229 = arith.constant 16 : index
    %get3A_230 = tpu.vector_load %arg6[%get3A_228, %get3A_229] {strides = array<i32>} : memref<200x128xf32, #tpu.memory_space<vmem>>, vector<1x16xf32>,
    %get3A_231 = vector.shape_cast %get3A_230 : vector<1x16xf32> to vector<16xf32>
    %bitcast_convert_type3A_232 = tpu.bitcast %get3A_231 : vector<16xf32> -> vector<16xi32>
    %swap3A_233 = arith.constant 2 : i32
    %swap3A_234 = arith.index_cast %swap3A_233 : i32 to index
    %swap3A_235 = arith.constant 16 : index
    %swap3A_236 = tpu.vector_load %arg7[%swap3A_234, %swap3A_235] {strides = array<i32>} : memref<4x128xi32, #tpu.memory_space<vmem>>, vector<1x16xi32>,
    %swap3A_237 = vector.shape_cast %swap3A_236 : vector<1x16xi32> to vector<16xi32>
    %swap3A_238 = vector.shape_cast %bitcast_convert_type3A_232 : vector<16xi32> to vector<1x16xi32>
    tpu.vector_store %arg7[%swap3A_234, %swap3A_235], %swap3A_238 {strides = array<i32>} : memref<4x128xi32, #tpu.memory_space<vmem>>, vector<1x16xi32>,
    %get3A_239 = arith.constant 2 : i32
    %get3A_240 = arith.index_cast %get3A_239 : i32 to index
    %get3A_241 = arith.constant 32 : index
    %get3A_242 = tpu.vector_load %arg6[%get3A_240, %get3A_241] {strides = array<i32>} : memref<200x128xf32, #tpu.memory_space<vmem>>, vector<1x16xf32>,
    %get3A_243 = vector.shape_cast %get3A_242 : vector<1x16xf32> to vector<16xf32>
    %bitcast_convert_type3A_244 = tpu.bitcast %get3A_243 : vector<16xf32> -> vector<16xi32>
    %swap3A_245 = arith.constant 2 : i32
    %swap3A_246 = arith.index_cast %swap3A_245 : i32 to index
    %swap3A_247 = arith.constant 32 : index
    %swap3A_248 = tpu.vector_load %arg7[%swap3A_246, %swap3A_247] {strides = array<i32>} : memref<4x128xi32, #tpu.memory_space<vmem>>, vector<1x16xi32>,
    %swap3A_249 = vector.shape_cast %swap3A_248 : vector<1x16xi32> to vector<16xi32>
    %swap3A_250 = vector.shape_cast %bitcast_convert_type3A_244 : vector<16xi32> to vector<1x16xi32>
    tpu.vector_store %arg7[%swap3A_246, %swap3A_247], %swap3A_250 {strides = array<i32>} : memref<4x128xi32, #tpu.memory_space<vmem>>, vector<1x16xi32>,
    %get3A_251 = arith.constant 2 : i32
    %get3A_252 = arith.index_cast %get3A_251 : i32 to index
    %get3A_253 = arith.constant 48 : index
    %get3A_254 = tpu.vector_load %arg6[%get3A_252, %get3A_253] {strides = array<i32>} : memref<200x128xf32, #tpu.memory_space<vmem>>, vector<1x16xf32>,
    %get3A_255 = vector.shape_cast %get3A_254 : vector<1x16xf32> to vector<16xf32>
    %bitcast_convert_type3A_256 = tpu.bitcast %get3A_255 : vector<16xf32> -> vector<16xi32>
    %swap3A_257 = arith.constant 2 : i32
    %swap3A_258 = arith.index_cast %swap3A_257 : i32 to index
    %swap3A_259 = arith.constant 48 : index
    %swap3A_260 = tpu.vector_load %arg7[%swap3A_258, %swap3A_259] {strides = array<i32>} : memref<4x128xi32, #tpu.memory_space<vmem>>, vector<1x16xi32>,
    %swap3A_261 = vector.shape_cast %swap3A_260 : vector<1x16xi32> to vector<16xi32>
    %swap3A_262 = vector.shape_cast %bitcast_convert_type3A_256 : vector<16xi32> to vector<1x16xi32>
    tpu.vector_store %arg7[%swap3A_258, %swap3A_259], %swap3A_262 {strides = array<i32>} : memref<4x128xi32, #tpu.memory_space<vmem>>, vector<1x16xi32>,
    %get3A_263 = arith.constant 2 : i32
    %get3A_264 = arith.index_cast %get3A_263 : i32 to index
    %get3A_265 = arith.constant 64 : index
    %get3A_266 = tpu.vector_load %arg6[%get3A_264, %get3A_265] {strides = array<i32>} : memref<200x128xf32, #tpu.memory_space<vmem>>, vector<1x16xf32>,
    %get3A_267 = vector.shape_cast %get3A_266 : vector<1x16xf32> to vector<16xf32>
    %bitcast_convert_type3A_268 = tpu.bitcast %get3A_267 : vector<16xf32> -> vector<16xi32>
    %swap3A_269 = arith.constant 2 : i32
    %swap3A_270 = arith.index_cast %swap3A_269 : i32 to index
    %swap3A_271 = arith.constant 64 : index
    %swap3A_272 = tpu.vector_load %arg7[%swap3A_270, %swap3A_271] {strides = array<i32>} : memref<4x128xi32, #tpu.memory_space<vmem>>, vector<1x16xi32>,
    %swap3A_273 = vector.shape_cast %swap3A_272 : vector<1x16xi32> to vector<16xi32>
    %swap3A_274 = vector.shape_cast %bitcast_convert_type3A_268 : vector<16xi32> to vector<1x16xi32>
    tpu.vector_store %arg7[%swap3A_270, %swap3A_271], %swap3A_274 {strides = array<i32>} : memref<4x128xi32, #tpu.memory_space<vmem>>, vector<1x16xi32>,
    %get3A_275 = arith.constant 2 : i32
    %get3A_276 = arith.index_cast %get3A_275 : i32 to index
    %get3A_277 = arith.constant 80 : index
    %get3A_278 = tpu.vector_load %arg6[%get3A_276, %get3A_277] {strides = array<i32>} : memref<200x128xf32, #tpu.memory_space<vmem>>, vector<1x16xf32>,
    %get3A_279 = vector.shape_cast %get3A_278 : vector<1x16xf32> to vector<16xf32>
    %bitcast_convert_type3A_280 = tpu.bitcast %get3A_279 : vector<16xf32> -> vector<16xi32>
    %swap3A_281 = arith.constant 2 : i32
    %swap3A_282 = arith.index_cast %swap3A_281 : i32 to index
    %swap3A_283 = arith.constant 80 : index
    %swap3A_284 = tpu.vector_load %arg7[%swap3A_282, %swap3A_283] {strides = array<i32>} : memref<4x128xi32, #tpu.memory_space<vmem>>, vector<1x16xi32>,
    %swap3A_285 = vector.shape_cast %swap3A_284 : vector<1x16xi32> to vector<16xi32>
    %swap3A_286 = vector.shape_cast %bitcast_convert_type3A_280 : vector<16xi32> to vector<1x16xi32>
    tpu.vector_store %arg7[%swap3A_282, %swap3A_283], %swap3A_286 {strides = array<i32>} : memref<4x128xi32, #tpu.memory_space<vmem>>, vector<1x16xi32>,
    %get3A_287 = arith.constant 2 : i32
    %get3A_288 = arith.index_cast %get3A_287 : i32 to index
    %get3A_289 = arith.constant 96 : index
    %get3A_290 = tpu.vector_load %arg6[%get3A_288, %get3A_289] {strides = array<i32>} : memref<200x128xf32, #tpu.memory_space<vmem>>, vector<1x16xf32>,
    %get3A_291 = vector.shape_cast %get3A_290 : vector<1x16xf32> to vector<16xf32>
    %bitcast_convert_type3A_292 = tpu.bitcast %get3A_291 : vector<16xf32> -> vector<16xi32>
    %swap3A_293 = arith.constant 2 : i32
    %swap3A_294 = arith.index_cast %swap3A_293 : i32 to index
    %swap3A_295 = arith.constant 96 : index
    %swap3A_296 = tpu.vector_load %arg7[%swap3A_294, %swap3A_295] {strides = array<i32>} : memref<4x128xi32, #tpu.memory_space<vmem>>, vector<1x16xi32>,
    %swap3A_297 = vector.shape_cast %swap3A_296 : vector<1x16xi32> to vector<16xi32>
    %swap3A_298 = vector.shape_cast %bitcast_convert_type3A_292 : vector<16xi32> to vector<1x16xi32>
    tpu.vector_store %arg7[%swap3A_294, %swap3A_295], %swap3A_298 {strides = array<i32>} : memref<4x128xi32, #tpu.memory_space<vmem>>, vector<1x16xi32>,
    %get3A_299 = arith.constant 2 : i32
    %get3A_300 = arith.index_cast %get3A_299 : i32 to index
    %get3A_301 = arith.constant 112 : index
    %get3A_302 = tpu.vector_load %arg6[%get3A_300, %get3A_301] {strides = array<i32>} : memref<200x128xf32, #tpu.memory_space<vmem>>, vector<1x16xf32>,
    %get3A_303 = vector.shape_cast %get3A_302 : vector<1x16xf32> to vector<16xf32>
    %bitcast_convert_type3A_304 = tpu.bitcast %get3A_303 : vector<16xf32> -> vector<16xi32>
    %swap3A_305 = arith.constant 2 : i32
    %swap3A_306 = arith.index_cast %swap3A_305 : i32 to index
    %swap3A_307 = arith.constant 112 : index
    %swap3A_308 = tpu.vector_load %arg7[%swap3A_306, %swap3A_307] {strides = array<i32>} : memref<4x128xi32, #tpu.memory_space<vmem>>, vector<1x16xi32>,
    %swap3A_309 = vector.shape_cast %swap3A_308 : vector<1x16xi32> to vector<16xi32>
    %swap3A_310 = vector.shape_cast %bitcast_convert_type3A_304 : vector<16xi32> to vector<1x16xi32>
    tpu.vector_store %arg7[%swap3A_306, %swap3A_307], %swap3A_310 {strides = array<i32>} : memref<4x128xi32, #tpu.memory_space<vmem>>, vector<1x16xi32>,
    %dma_start3A_311 = arith.constant 2 : i32
    %dma_start3A_312 = arith.constant 2 : i32
    %dma_start3A_313 = arith.constant 0 : i32
    %dma_start3A_314 = arith.constant 0 : i32
    %dma_start3A_315 = tpu.memref_slice %arg9[%dma_start3A_312, %dma_start3A_313, %dma_start3A_314] : memref<4x128x64xf32, #tpu.memory_space<vmem>> -> memref<1x128x64xf32, #tpu.memory_space<vmem>>
    %dma_start3A_316 = tpu.memref_squeeze %dma_start3A_315 : memref<1x128x64xf32, #tpu.memory_space<vmem>> -> memref<128x64xf32, #tpu.memory_space<vmem>>
    %dma_start3A_317 = arith.constant 0 : i32
    %dma_start3A_318 = tpu.memref_slice %arg7[%dma_start3A_311, %dma_start3A_317] : memref<4x128xi32, #tpu.memory_space<vmem>> -> memref<1x128xi32, #tpu.memory_space<vmem>>
    %dma_start3A_319 = tpu.memref_squeeze %dma_start3A_318 : memref<1x128xi32, #tpu.memory_space<vmem>> -> memref<128xi32, #tpu.memory_space<vmem>>
    %dma_start3A_320 = arith.constant 0 : i32
    %dma_start3A_321 = arith.constant 0 : i32
    %dma_start3A_322 = tpu.memref_slice %arg3[%dma_start3A_320, %dma_start3A_321] : memref<1000000x64xf32, #tpu.memory_space<hbm>> -> memref<1000000x64xf32, #tpu.memory_space<hbm>>
    tpu.enqueue_indirect_dma source(%dma_start3A_322 : memref<1000000x64xf32, #tpu.memory_space<hbm>>) target(%dma_start3A_316 : memref<128x64xf32, #tpu.memory_space<vmem>>) offsets(%dma_start3A_319 : memref<128xi32, #tpu.memory_space<vmem>>) semaphore(%arg10 : memref<!tpu.dma_semaphore, #tpu.memory_space<semaphore_mem>>)
    %dma_wait3A = arith.constant 0 : i32
    %dma_wait3A_323 = arith.constant 0 : i32
    %dma_wait3A_324 = arith.constant 0 : i32
    %dma_wait3A_325 = tpu.memref_slice %arg9[%dma_wait3A, %dma_wait3A_323, %dma_wait3A_324] : memref<4x128x64xf32, #tpu.memory_space<vmem>> -> memref<1x128x64xf32, #tpu.memory_space<vmem>>
    %dma_wait3A_326 = tpu.memref_squeeze %dma_wait3A_325 : memref<1x128x64xf32, #tpu.memory_space<vmem>> -> memref<128x64xf32, #tpu.memory_space<vmem>>
    %dma_wait3A_327 = arith.constant 0 : i32
    %dma_wait3A_328 = arith.constant 0 : i32
    %dma_wait3A_329 = tpu.memref_slice %arg3[%dma_wait3A_327, %dma_wait3A_328] : memref<1000000x64xf32, #tpu.memory_space<hbm>> -> memref<128x64xf32, #tpu.memory_space<hbm>>
    %dma_wait3A_330 = arith.constant 0 : i32
    %dma_wait3A_331 = arith.constant 0 : i32
    %dma_wait3A_332 = tpu.memref_slice %arg9[%dma_wait3A, %dma_wait3A_330, %dma_wait3A_331] : memref<4x128x64xf32, #tpu.memory_space<vmem>> -> memref<1x128x64xf32, #tpu.memory_space<vmem>>
    %dma_wait3A_333 = tpu.memref_squeeze %dma_wait3A_332 : memref<1x128x64xf32, #tpu.memory_space<vmem>> -> memref<128x64xf32, #tpu.memory_space<vmem>>
    %dma_wait3A_334 = arith.constant 0 : i32
    %dma_wait3A_335 = arith.constant 0 : i32
    %dma_wait3A_336 = tpu.memref_slice %arg3[%dma_wait3A_334, %dma_wait3A_335] : memref<1000000x64xf32, #tpu.memory_space<hbm>> -> memref<128x64xf32, #tpu.memory_space<hbm>>
    tpu.wait_dma2 semaphore(%arg10 : memref<!tpu.dma_semaphore, #tpu.memory_space<semaphore_mem>>) src(%dma_wait3A_336 : memref<128x64xf32, #tpu.memory_space<hbm>>) dst(%dma_wait3A_333 : memref<128x64xf32, #tpu.memory_space<vmem>>)
    %get3A_337 = arith.constant 3 : i32
    %get3A_338 = arith.index_cast %get3A_337 : i32 to index
    %get3A_339 = arith.constant 0 : index
    %get3A_340 = tpu.vector_load %arg6[%get3A_338, %get3A_339] {strides = array<i32>} : memref<200x128xf32, #tpu.memory_space<vmem>>, vector<1x16xf32>,
    %get3A_341 = vector.shape_cast %get3A_340 : vector<1x16xf32> to vector<16xf32>
    %bitcast_convert_type3A_342 = tpu.bitcast %get3A_341 : vector<16xf32> -> vector<16xi32>
    %swap3A_343 = arith.constant 3 : i32
    %swap3A_344 = arith.index_cast %swap3A_343 : i32 to index
    %swap3A_345 = arith.constant 0 : index
    %swap3A_346 = tpu.vector_load %arg7[%swap3A_344, %swap3A_345] {strides = array<i32>} : memref<4x128xi32, #tpu.memory_space<vmem>>, vector<1x16xi32>,
    %swap3A_347 = vector.shape_cast %swap3A_346 : vector<1x16xi32> to vector<16xi32>
    %swap3A_348 = vector.shape_cast %bitcast_convert_type3A_342 : vector<16xi32> to vector<1x16xi32>
    tpu.vector_store %arg7[%swap3A_344, %swap3A_345], %swap3A_348 {strides = array<i32>} : memref<4x128xi32, #tpu.memory_space<vmem>>, vector<1x16xi32>,
    %get3A_349 = arith.constant 3 : i32
    %get3A_350 = arith.index_cast %get3A_349 : i32 to index
    %get3A_351 = arith.constant 16 : index
    %get3A_352 = tpu.vector_load %arg6[%get3A_350, %get3A_351] {strides = array<i32>} : memref<200x128xf32, #tpu.memory_space<vmem>>, vector<1x16xf32>,
    %get3A_353 = vector.shape_cast %get3A_352 : vector<1x16xf32> to vector<16xf32>
    %bitcast_convert_type3A_354 = tpu.bitcast %get3A_353 : vector<16xf32> -> vector<16xi32>
    %swap3A_355 = arith.constant 3 : i32
    %swap3A_356 = arith.index_cast %swap3A_355 : i32 to index
    %swap3A_357 = arith.constant 16 : index
    %swap3A_358 = tpu.vector_load %arg7[%swap3A_356, %swap3A_357] {strides = array<i32>} : memref<4x128xi32, #tpu.memory_space<vmem>>, vector<1x16xi32>,
    %swap3A_359 = vector.shape_cast %swap3A_358 : vector<1x16xi32> to vector<16xi32>
    %swap3A_360 = vector.shape_cast %bitcast_convert_type3A_354 : vector<16xi32> to vector<1x16xi32>
    tpu.vector_store %arg7[%swap3A_356, %swap3A_357], %swap3A_360 {strides = array<i32>} : memref<4x128xi32, #tpu.memory_space<vmem>>, vector<1x16xi32>,
    %get3A_361 = arith.constant 3 : i32
    %get3A_362 = arith.index_cast %get3A_361 : i32 to index
    %get3A_363 = arith.constant 32 : index
    %get3A_364 = tpu.vector_load %arg6[%get3A_362, %get3A_363] {strides = array<i32>} : memref<200x128xf32, #tpu.memory_space<vmem>>, vector<1x16xf32>,
    %get3A_365 = vector.shape_cast %get3A_364 : vector<1x16xf32> to vector<16xf32>
    %bitcast_convert_type3A_366 = tpu.bitcast %get3A_365 : vector<16xf32> -> vector<16xi32>
    %swap3A_367 = arith.constant 3 : i32
    %swap3A_368 = arith.index_cast %swap3A_367 : i32 to index
    %swap3A_369 = arith.constant 32 : index
    %swap3A_370 = tpu.vector_load %arg7[%swap3A_368, %swap3A_369] {strides = array<i32>} : memref<4x128xi32, #tpu.memory_space<vmem>>, vector<1x16xi32>,
    %swap3A_371 = vector.shape_cast %swap3A_370 : vector<1x16xi32> to vector<16xi32>
    %swap3A_372 = vector.shape_cast %bitcast_convert_type3A_366 : vector<16xi32> to vector<1x16xi32>
    tpu.vector_store %arg7[%swap3A_368, %swap3A_369], %swap3A_372 {strides = array<i32>} : memref<4x128xi32, #tpu.memory_space<vmem>>, vector<1x16xi32>,
    %get3A_373 = arith.constant 3 : i32
    %get3A_374 = arith.index_cast %get3A_373 : i32 to index
    %get3A_375 = arith.constant 48 : index
    %get3A_376 = tpu.vector_load %arg6[%get3A_374, %get3A_375] {strides = array<i32>} : memref<200x128xf32, #tpu.memory_space<vmem>>, vector<1x16xf32>,
    %get3A_377 = vector.shape_cast %get3A_376 : vector<1x16xf32> to vector<16xf32>
    %bitcast_convert_type3A_378 = tpu.bitcast %get3A_377 : vector<16xf32> -> vector<16xi32>
    %swap3A_379 = arith.constant 3 : i32
    %swap3A_380 = arith.index_cast %swap3A_379 : i32 to index
    %swap3A_381 = arith.constant 48 : index
    %swap3A_382 = tpu.vector_load %arg7[%swap3A_380, %swap3A_381] {strides = array<i32>} : memref<4x128xi32, #tpu.memory_space<vmem>>, vector<1x16xi32>,
    %swap3A_383 = vector.shape_cast %swap3A_382 : vector<1x16xi32> to vector<16xi32>
    %swap3A_384 = vector.shape_cast %bitcast_convert_type3A_378 : vector<16xi32> to vector<1x16xi32>
    tpu.vector_store %arg7[%swap3A_380, %swap3A_381], %swap3A_384 {strides = array<i32>} : memref<4x128xi32, #tpu.memory_space<vmem>>, vector<1x16xi32>,
    %get3A_385 = arith.constant 3 : i32
    %get3A_386 = arith.index_cast %get3A_385 : i32 to index
    %get3A_387 = arith.constant 64 : index
    %get3A_388 = tpu.vector_load %arg6[%get3A_386, %get3A_387] {strides = array<i32>} : memref<200x128xf32, #tpu.memory_space<vmem>>, vector<1x16xf32>,
    %get3A_389 = vector.shape_cast %get3A_388 : vector<1x16xf32> to vector<16xf32>
    %bitcast_convert_type3A_390 = tpu.bitcast %get3A_389 : vector<16xf32> -> vector<16xi32>
    %swap3A_391 = arith.constant 3 : i32
    %swap3A_392 = arith.index_cast %swap3A_391 : i32 to index
    %swap3A_393 = arith.constant 64 : index
    %swap3A_394 = tpu.vector_load %arg7[%swap3A_392, %swap3A_393] {strides = array<i32>} : memref<4x128xi32, #tpu.memory_space<vmem>>, vector<1x16xi32>,
    %swap3A_395 = vector.shape_cast %swap3A_394 : vector<1x16xi32> to vector<16xi32>
    %swap3A_396 = vector.shape_cast %bitcast_convert_type3A_390 : vector<16xi32> to vector<1x16xi32>
    tpu.vector_store %arg7[%swap3A_392, %swap3A_393], %swap3A_396 {strides = array<i32>} : memref<4x128xi32, #tpu.memory_space<vmem>>, vector<1x16xi32>,
    %get3A_397 = arith.constant 3 : i32
    %get3A_398 = arith.index_cast %get3A_397 : i32 to index
    %get3A_399 = arith.constant 80 : index
    %get3A_400 = tpu.vector_load %arg6[%get3A_398, %get3A_399] {strides = array<i32>} : memref<200x128xf32, #tpu.memory_space<vmem>>, vector<1x16xf32>,
    %get3A_401 = vector.shape_cast %get3A_400 : vector<1x16xf32> to vector<16xf32>
    %bitcast_convert_type3A_402 = tpu.bitcast %get3A_401 : vector<16xf32> -> vector<16xi32>
    %swap3A_403 = arith.constant 3 : i32
    %swap3A_404 = arith.index_cast %swap3A_403 : i32 to index
    %swap3A_405 = arith.constant 80 : index
    %swap3A_406 = tpu.vector_load %arg7[%swap3A_404, %swap3A_405] {strides = array<i32>} : memref<4x128xi32, #tpu.memory_space<vmem>>, vector<1x16xi32>,
    %swap3A_407 = vector.shape_cast %swap3A_406 : vector<1x16xi32> to vector<16xi32>
    %swap3A_408 = vector.shape_cast %bitcast_convert_type3A_402 : vector<16xi32> to vector<1x16xi32>
    tpu.vector_store %arg7[%swap3A_404, %swap3A_405], %swap3A_408 {strides = array<i32>} : memref<4x128xi32, #tpu.memory_space<vmem>>, vector<1x16xi32>,
    %get3A_409 = arith.constant 3 : i32
    %get3A_410 = arith.index_cast %get3A_409 : i32 to index
    %get3A_411 = arith.constant 96 : index
    %get3A_412 = tpu.vector_load %arg6[%get3A_410, %get3A_411] {strides = array<i32>} : memref<200x128xf32, #tpu.memory_space<vmem>>, vector<1x16xf32>,
    %get3A_413 = vector.shape_cast %get3A_412 : vector<1x16xf32> to vector<16xf32>
    %bitcast_convert_type3A_414 = tpu.bitcast %get3A_413 : vector<16xf32> -> vector<16xi32>
    %swap3A_415 = arith.constant 3 : i32
    %swap3A_416 = arith.index_cast %swap3A_415 : i32 to index
    %swap3A_417 = arith.constant 96 : index
    %swap3A_418 = tpu.vector_load %arg7[%swap3A_416, %swap3A_417] {strides = array<i32>} : memref<4x128xi32, #tpu.memory_space<vmem>>, vector<1x16xi32>,
    %swap3A_419 = vector.shape_cast %swap3A_418 : vector<1x16xi32> to vector<16xi32>
    %swap3A_420 = vector.shape_cast %bitcast_convert_type3A_414 : vector<16xi32> to vector<1x16xi32>
    tpu.vector_store %arg7[%swap3A_416, %swap3A_417], %swap3A_420 {strides = array<i32>} : memref<4x128xi32, #tpu.memory_space<vmem>>, vector<1x16xi32>,
    %get3A_421 = arith.constant 3 : i32
    %get3A_422 = arith.index_cast %get3A_421 : i32 to index
    %get3A_423 = arith.constant 112 : index
    %get3A_424 = tpu.vector_load %arg6[%get3A_422, %get3A_423] {strides = array<i32>} : memref<200x128xf32, #tpu.memory_space<vmem>>, vector<1x16xf32>,
    %get3A_425 = vector.shape_cast %get3A_424 : vector<1x16xf32> to vector<16xf32>
    %bitcast_convert_type3A_426 = tpu.bitcast %get3A_425 : vector<16xf32> -> vector<16xi32>
    %swap3A_427 = arith.constant 3 : i32
    %swap3A_428 = arith.index_cast %swap3A_427 : i32 to index
    %swap3A_429 = arith.constant 112 : index
    %swap3A_430 = tpu.vector_load %arg7[%swap3A_428, %swap3A_429] {strides = array<i32>} : memref<4x128xi32, #tpu.memory_space<vmem>>, vector<1x16xi32>,
    %swap3A_431 = vector.shape_cast %swap3A_430 : vector<1x16xi32> to vector<16xi32>
    %swap3A_432 = vector.shape_cast %bitcast_convert_type3A_426 : vector<16xi32> to vector<1x16xi32>
    tpu.vector_store %arg7[%swap3A_428, %swap3A_429], %swap3A_432 {strides = array<i32>} : memref<4x128xi32, #tpu.memory_space<vmem>>, vector<1x16xi32>,
    %dma_start3A_433 = arith.constant 3 : i32
    %dma_start3A_434 = arith.constant 3 : i32
    %dma_start3A_435 = arith.constant 0 : i32
    %dma_start3A_436 = arith.constant 0 : i32
    %dma_start3A_437 = tpu.memref_slice %arg9[%dma_start3A_434, %dma_start3A_435, %dma_start3A_436] : memref<4x128x64xf32, #tpu.memory_space<vmem>> -> memref<1x128x64xf32, #tpu.memory_space<vmem>>
    %dma_start3A_438 = tpu.memref_squeeze %dma_start3A_437 : memref<1x128x64xf32, #tpu.memory_space<vmem>> -> memref<128x64xf32, #tpu.memory_space<vmem>>
    %dma_start3A_439 = arith.constant 0 : i32
    %dma_start3A_440 = tpu.memref_slice %arg7[%dma_start3A_433, %dma_start3A_439] : memref<4x128xi32, #tpu.memory_space<vmem>> -> memref<1x128xi32, #tpu.memory_space<vmem>>
    %dma_start3A_441 = tpu.memref_squeeze %dma_start3A_440 : memref<1x128xi32, #tpu.memory_space<vmem>> -> memref<128xi32, #tpu.memory_space<vmem>>
    %dma_start3A_442 = arith.constant 0 : i32
    %dma_start3A_443 = arith.constant 0 : i32
    %dma_start3A_444 = tpu.memref_slice %arg3[%dma_start3A_442, %dma_start3A_443] : memref<1000000x64xf32, #tpu.memory_space<hbm>> -> memref<1000000x64xf32, #tpu.memory_space<hbm>>
    tpu.enqueue_indirect_dma source(%dma_start3A_444 : memref<1000000x64xf32, #tpu.memory_space<hbm>>) target(%dma_start3A_438 : memref<128x64xf32, #tpu.memory_space<vmem>>) offsets(%dma_start3A_441 : memref<128xi32, #tpu.memory_space<vmem>>) semaphore(%arg10 : memref<!tpu.dma_semaphore, #tpu.memory_space<semaphore_mem>>)
    %scan3A = arith.constant 0 : i32
    %scan3A_445 = arith.constant 0 : i32
    %scan3A_446 = arith.constant 128 : i32
    %scan3A_447 = arith.addi %scan3A_445, %scan3A_446 : i32
    %scan3A_448 = arith.constant 1 : i32
    scf.for %scan3A_1291 = %scan3A_445 to %scan3A_447 step %scan3A_448  : i32 {
      %get3A_1292 = arith.constant 0 : i32
      %get3A_1293 = arith.index_cast %get3A_1292 : i32 to index
      %get3A_1294 = arith.constant 0 : index
      %get3A_1295 = tpu.vector_load %arg8[%get3A_1293, %get3A_1294] {strides = array<i32>} : memref<200x64xf32, #tpu.memory_space<vmem>>, vector<1x16xf32>,
      %get3A_1296 = vector.shape_cast %get3A_1295 : vector<1x16xf32> to vector<16xf32>
      %swap3A_1297 = arith.constant 0 : i32
      %swap3A_1298 = arith.index_cast %swap3A_1297 : i32 to index
      %swap3A_1299 = arith.index_cast %scan3A_1291 : i32 to index
      %swap3A_1300 = arith.constant 0 : index
      %swap3A_1301 = tpu.vector_load %arg9[%swap3A_1298, %swap3A_1299, %swap3A_1300] {strides = array<i32>} : memref<4x128x64xf32, #tpu.memory_space<vmem>>, vector<1x1x16xf32>,
      %swap3A_1302 = vector.shape_cast %swap3A_1301 : vector<1x1x16xf32> to vector<16xf32>
      %swap3A_1303 = vector.shape_cast %get3A_1296 : vector<16xf32> to vector<1x1x16xf32>
      tpu.vector_store %arg9[%swap3A_1298, %swap3A_1299, %swap3A_1300], %swap3A_1303 {add = true, strides = array<i32>} : memref<4x128x64xf32, #tpu.memory_space<vmem>>, vector<1x1x16xf32>,
      %get3A_1304 = arith.constant 0 : i32
      %get3A_1305 = arith.index_cast %get3A_1304 : i32 to index
      %get3A_1306 = arith.constant 16 : index
      %get3A_1307 = tpu.vector_load %arg8[%get3A_1305, %get3A_1306] {strides = array<i32>} : memref<200x64xf32, #tpu.memory_space<vmem>>, vector<1x16xf32>,
      %get3A_1308 = vector.shape_cast %get3A_1307 : vector<1x16xf32> to vector<16xf32>
      %swap3A_1309 = arith.constant 0 : i32
      %swap3A_1310 = arith.index_cast %swap3A_1309 : i32 to index
      %swap3A_1311 = arith.index_cast %scan3A_1291 : i32 to index
      %swap3A_1312 = arith.constant 16 : index
      %swap3A_1313 = tpu.vector_load %arg9[%swap3A_1310, %swap3A_1311, %swap3A_1312] {strides = array<i32>} : memref<4x128x64xf32, #tpu.memory_space<vmem>>, vector<1x1x16xf32>,
      %swap3A_1314 = vector.shape_cast %swap3A_1313 : vector<1x1x16xf32> to vector<16xf32>
      %swap3A_1315 = vector.shape_cast %get3A_1308 : vector<16xf32> to vector<1x1x16xf32>
      tpu.vector_store %arg9[%swap3A_1310, %swap3A_1311, %swap3A_1312], %swap3A_1315 {add = true, strides = array<i32>} : memref<4x128x64xf32, #tpu.memory_space<vmem>>, vector<1x1x16xf32>,
      %get3A_1316 = arith.constant 0 : i32
      %get3A_1317 = arith.index_cast %get3A_1316 : i32 to index
      %get3A_1318 = arith.constant 32 : index
      %get3A_1319 = tpu.vector_load %arg8[%get3A_1317, %get3A_1318] {strides = array<i32>} : memref<200x64xf32, #tpu.memory_space<vmem>>, vector<1x16xf32>,
      %get3A_1320 = vector.shape_cast %get3A_1319 : vector<1x16xf32> to vector<16xf32>
      %swap3A_1321 = arith.constant 0 : i32
      %swap3A_1322 = arith.index_cast %swap3A_1321 : i32 to index
      %swap3A_1323 = arith.index_cast %scan3A_1291 : i32 to index
      %swap3A_1324 = arith.constant 32 : index
      %swap3A_1325 = tpu.vector_load %arg9[%swap3A_1322, %swap3A_1323, %swap3A_1324] {strides = array<i32>} : memref<4x128x64xf32, #tpu.memory_space<vmem>>, vector<1x1x16xf32>,
      %swap3A_1326 = vector.shape_cast %swap3A_1325 : vector<1x1x16xf32> to vector<16xf32>
      %swap3A_1327 = vector.shape_cast %get3A_1320 : vector<16xf32> to vector<1x1x16xf32>
      tpu.vector_store %arg9[%swap3A_1322, %swap3A_1323, %swap3A_1324], %swap3A_1327 {add = true, strides = array<i32>} : memref<4x128x64xf32, #tpu.memory_space<vmem>>, vector<1x1x16xf32>,
      %get3A_1328 = arith.constant 0 : i32
      %get3A_1329 = arith.index_cast %get3A_1328 : i32 to index
      %get3A_1330 = arith.constant 48 : index
      %get3A_1331 = tpu.vector_load %arg8[%get3A_1329, %get3A_1330] {strides = array<i32>} : memref<200x64xf32, #tpu.memory_space<vmem>>, vector<1x16xf32>,
      %get3A_1332 = vector.shape_cast %get3A_1331 : vector<1x16xf32> to vector<16xf32>
      %swap3A_1333 = arith.constant 0 : i32
      %swap3A_1334 = arith.index_cast %swap3A_1333 : i32 to index
      %swap3A_1335 = arith.index_cast %scan3A_1291 : i32 to index
      %swap3A_1336 = arith.constant 48 : index
      %swap3A_1337 = tpu.vector_load %arg9[%swap3A_1334, %swap3A_1335, %swap3A_1336] {strides = array<i32>} : memref<4x128x64xf32, #tpu.memory_space<vmem>>, vector<1x1x16xf32>,
      %swap3A_1338 = vector.shape_cast %swap3A_1337 : vector<1x1x16xf32> to vector<16xf32>
      %swap3A_1339 = vector.shape_cast %get3A_1332 : vector<16xf32> to vector<1x1x16xf32>
      tpu.vector_store %arg9[%swap3A_1334, %swap3A_1335, %swap3A_1336], %swap3A_1339 {add = true, strides = array<i32>} : memref<4x128x64xf32, #tpu.memory_space<vmem>>, vector<1x1x16xf32>,
    }
    %scan3A_449 = arith.constant 128 : i32
    %dma_start3A_450 = arith.constant 0 : i32
    %dma_start3A_451 = arith.constant 0 : i32
    %dma_start3A_452 = arith.constant 0 : i32
    %dma_start3A_453 = arith.constant 0 : i32
    %dma_start3A_454 = tpu.memref_slice %arg9[%dma_start3A_450, %dma_start3A_452, %dma_start3A_453] : memref<4x128x64xf32, #tpu.memory_space<vmem>> -> memref<1x128x64xf32, #tpu.memory_space<vmem>>
    %dma_start3A_455 = tpu.memref_squeeze %dma_start3A_454 : memref<1x128x64xf32, #tpu.memory_space<vmem>> -> memref<128x64xf32, #tpu.memory_space<vmem>>
    %dma_start3A_456 = arith.constant 0 : i32
    %dma_start3A_457 = tpu.memref_slice %arg5[%dma_start3A_451, %mul3A_2, %dma_start3A_456] : memref<200x4096x64xf32, #tpu.memory_space<hbm>> -> memref<1x128x64xf32, #tpu.memory_space<hbm>>
    %dma_start3A_458 = tpu.memref_squeeze %dma_start3A_457 : memref<1x128x64xf32, #tpu.memory_space<hbm>> -> memref<128x64xf32, #tpu.memory_space<hbm>>
    %dma_start3A_459 = arith.constant 0 : i32
    %dma_start3A_460 = tpu.memref_slice %arg5[%dma_start3A_451, %mul3A_2, %dma_start3A_459] : memref<200x4096x64xf32, #tpu.memory_space<hbm>> -> memref<1x128x64xf32, #tpu.memory_space<hbm>>
    %dma_start3A_461 = tpu.memref_squeeze %dma_start3A_460 : memref<1x128x64xf32, #tpu.memory_space<hbm>> -> memref<128x64xf32, #tpu.memory_space<hbm>>
    %dma_start3A_462 = arith.constant 0 : i32
    %dma_start3A_463 = arith.constant 0 : i32
    %dma_start3A_464 = tpu.memref_slice %arg9[%dma_start3A_450, %dma_start3A_462, %dma_start3A_463] : memref<4x128x64xf32, #tpu.memory_space<vmem>> -> memref<1x128x64xf32, #tpu.memory_space<vmem>>
    %dma_start3A_465 = tpu.memref_squeeze %dma_start3A_464 : memref<1x128x64xf32, #tpu.memory_space<vmem>> -> memref<128x64xf32, #tpu.memory_space<vmem>>
    tpu.enqueue_dma source(%dma_start3A_465 : memref<128x64xf32, #tpu.memory_space<vmem>>) target(%dma_start3A_461 : memref<128x64xf32, #tpu.memory_space<hbm>>) target_semaphore(%arg11 : memref<!tpu.dma_semaphore, #tpu.memory_space<semaphore_mem>>)
    %dma_wait3A_466 = arith.constant 1 : i32
    %dma_wait3A_467 = arith.constant 0 : i32
    %dma_wait3A_468 = arith.constant 0 : i32
    %dma_wait3A_469 = tpu.memref_slice %arg9[%dma_wait3A_466, %dma_wait3A_467, %dma_wait3A_468] : memref<4x128x64xf32, #tpu.memory_space<vmem>> -> memref<1x128x64xf32, #tpu.memory_space<vmem>>
    %dma_wait3A_470 = tpu.memref_squeeze %dma_wait3A_469 : memref<1x128x64xf32, #tpu.memory_space<vmem>> -> memref<128x64xf32, #tpu.memory_space<vmem>>
    %dma_wait3A_471 = arith.constant 0 : i32
    %dma_wait3A_472 = arith.constant 0 : i32
    %dma_wait3A_473 = tpu.memref_slice %arg3[%dma_wait3A_471, %dma_wait3A_472] : memref<1000000x64xf32, #tpu.memory_space<hbm>> -> memref<128x64xf32, #tpu.memory_space<hbm>>
    %dma_wait3A_474 = arith.constant 0 : i32
    %dma_wait3A_475 = arith.constant 0 : i32
    %dma_wait3A_476 = tpu.memref_slice %arg9[%dma_wait3A_466, %dma_wait3A_474, %dma_wait3A_475] : memref<4x128x64xf32, #tpu.memory_space<vmem>> -> memref<1x128x64xf32, #tpu.memory_space<vmem>>
    %dma_wait3A_477 = tpu.memref_squeeze %dma_wait3A_476 : memref<1x128x64xf32, #tpu.memory_space<vmem>> -> memref<128x64xf32, #tpu.memory_space<vmem>>
    %dma_wait3A_478 = arith.constant 0 : i32
    %dma_wait3A_479 = arith.constant 0 : i32
    %dma_wait3A_480 = tpu.memref_slice %arg3[%dma_wait3A_478, %dma_wait3A_479] : memref<1000000x64xf32, #tpu.memory_space<hbm>> -> memref<128x64xf32, #tpu.memory_space<hbm>>
    tpu.wait_dma2 semaphore(%arg10 : memref<!tpu.dma_semaphore, #tpu.memory_space<semaphore_mem>>) src(%dma_wait3A_480 : memref<128x64xf32, #tpu.memory_space<hbm>>) dst(%dma_wait3A_477 : memref<128x64xf32, #tpu.memory_space<vmem>>)
    %dma_wait3A_481 = arith.constant 0 : i32
    %dma_wait3A_482 = arith.constant 0 : i32
    %dma_wait3A_483 = arith.constant 0 : i32
    %dma_wait3A_484 = arith.constant 0 : i32
    %dma_wait3A_485 = tpu.memref_slice %arg9[%dma_wait3A_481, %dma_wait3A_483, %dma_wait3A_484] : memref<4x128x64xf32, #tpu.memory_space<vmem>> -> memref<1x128x64xf32, #tpu.memory_space<vmem>>
    %dma_wait3A_486 = tpu.memref_squeeze %dma_wait3A_485 : memref<1x128x64xf32, #tpu.memory_space<vmem>> -> memref<128x64xf32, #tpu.memory_space<vmem>>
    %dma_wait3A_487 = arith.constant 0 : i32
    %dma_wait3A_488 = tpu.memref_slice %arg5[%dma_wait3A_482, %mul3A_2, %dma_wait3A_487] : memref<200x4096x64xf32, #tpu.memory_space<hbm>> -> memref<1x128x64xf32, #tpu.memory_space<hbm>>
    %dma_wait3A_489 = tpu.memref_squeeze %dma_wait3A_488 : memref<1x128x64xf32, #tpu.memory_space<hbm>> -> memref<128x64xf32, #tpu.memory_space<hbm>>
    %dma_wait3A_490 = arith.constant 0 : i32
    %dma_wait3A_491 = tpu.memref_slice %arg5[%dma_wait3A_482, %mul3A_2, %dma_wait3A_490] : memref<200x4096x64xf32, #tpu.memory_space<hbm>> -> memref<1x128x64xf32, #tpu.memory_space<hbm>>
    %dma_wait3A_492 = tpu.memref_squeeze %dma_wait3A_491 : memref<1x128x64xf32, #tpu.memory_space<hbm>> -> memref<128x64xf32, #tpu.memory_space<hbm>>
    %dma_wait3A_493 = arith.constant 0 : i32
    %dma_wait3A_494 = arith.constant 0 : i32
    %dma_wait3A_495 = tpu.memref_slice %arg9[%dma_wait3A_481, %dma_wait3A_493, %dma_wait3A_494] : memref<4x128x64xf32, #tpu.memory_space<vmem>> -> memref<1x128x64xf32, #tpu.memory_space<vmem>>
    %dma_wait3A_496 = tpu.memref_squeeze %dma_wait3A_495 : memref<1x128x64xf32, #tpu.memory_space<vmem>> -> memref<128x64xf32, #tpu.memory_space<vmem>>
    tpu.wait_dma2 semaphore(%arg11 : memref<!tpu.dma_semaphore, #tpu.memory_space<semaphore_mem>>) src(%dma_wait3A_496 : memref<128x64xf32, #tpu.memory_space<vmem>>) dst(%dma_wait3A_492 : memref<128x64xf32, #tpu.memory_space<hbm>>)
    %get3A_497 = arith.constant 4 : i32
    %get3A_498 = arith.index_cast %get3A_497 : i32 to index
    %get3A_499 = arith.constant 0 : index
    %get3A_500 = tpu.vector_load %arg6[%get3A_498, %get3A_499] {strides = array<i32>} : memref<200x128xf32, #tpu.memory_space<vmem>>, vector<1x16xf32>,
    %get3A_501 = vector.shape_cast %get3A_500 : vector<1x16xf32> to vector<16xf32>
    %bitcast_convert_type3A_502 = tpu.bitcast %get3A_501 : vector<16xf32> -> vector<16xi32>
    %swap3A_503 = arith.constant 0 : i32
    %swap3A_504 = arith.index_cast %swap3A_503 : i32 to index
    %swap3A_505 = arith.constant 0 : index
    %swap3A_506 = tpu.vector_load %arg7[%swap3A_504, %swap3A_505] {strides = array<i32>} : memref<4x128xi32, #tpu.memory_space<vmem>>, vector<1x16xi32>,
    %swap3A_507 = vector.shape_cast %swap3A_506 : vector<1x16xi32> to vector<16xi32>
    %swap3A_508 = vector.shape_cast %bitcast_convert_type3A_502 : vector<16xi32> to vector<1x16xi32>
    tpu.vector_store %arg7[%swap3A_504, %swap3A_505], %swap3A_508 {strides = array<i32>} : memref<4x128xi32, #tpu.memory_space<vmem>>, vector<1x16xi32>,
    %get3A_509 = arith.constant 4 : i32
    %get3A_510 = arith.index_cast %get3A_509 : i32 to index
    %get3A_511 = arith.constant 16 : index
    %get3A_512 = tpu.vector_load %arg6[%get3A_510, %get3A_511] {strides = array<i32>} : memref<200x128xf32, #tpu.memory_space<vmem>>, vector<1x16xf32>,
    %get3A_513 = vector.shape_cast %get3A_512 : vector<1x16xf32> to vector<16xf32>
    %bitcast_convert_type3A_514 = tpu.bitcast %get3A_513 : vector<16xf32> -> vector<16xi32>
    %swap3A_515 = arith.constant 0 : i32
    %swap3A_516 = arith.index_cast %swap3A_515 : i32 to index
    %swap3A_517 = arith.constant 16 : index
    %swap3A_518 = tpu.vector_load %arg7[%swap3A_516, %swap3A_517] {strides = array<i32>} : memref<4x128xi32, #tpu.memory_space<vmem>>, vector<1x16xi32>,
    %swap3A_519 = vector.shape_cast %swap3A_518 : vector<1x16xi32> to vector<16xi32>
    %swap3A_520 = vector.shape_cast %bitcast_convert_type3A_514 : vector<16xi32> to vector<1x16xi32>
    tpu.vector_store %arg7[%swap3A_516, %swap3A_517], %swap3A_520 {strides = array<i32>} : memref<4x128xi32, #tpu.memory_space<vmem>>, vector<1x16xi32>,
    %get3A_521 = arith.constant 4 : i32
    %get3A_522 = arith.index_cast %get3A_521 : i32 to index
    %get3A_523 = arith.constant 32 : index
    %get3A_524 = tpu.vector_load %arg6[%get3A_522, %get3A_523] {strides = array<i32>} : memref<200x128xf32, #tpu.memory_space<vmem>>, vector<1x16xf32>,
    %get3A_525 = vector.shape_cast %get3A_524 : vector<1x16xf32> to vector<16xf32>
    %bitcast_convert_type3A_526 = tpu.bitcast %get3A_525 : vector<16xf32> -> vector<16xi32>
    %swap3A_527 = arith.constant 0 : i32
    %swap3A_528 = arith.index_cast %swap3A_527 : i32 to index
    %swap3A_529 = arith.constant 32 : index
    %swap3A_530 = tpu.vector_load %arg7[%swap3A_528, %swap3A_529] {strides = array<i32>} : memref<4x128xi32, #tpu.memory_space<vmem>>, vector<1x16xi32>,
    %swap3A_531 = vector.shape_cast %swap3A_530 : vector<1x16xi32> to vector<16xi32>
    %swap3A_532 = vector.shape_cast %bitcast_convert_type3A_526 : vector<16xi32> to vector<1x16xi32>
    tpu.vector_store %arg7[%swap3A_528, %swap3A_529], %swap3A_532 {strides = array<i32>} : memref<4x128xi32, #tpu.memory_space<vmem>>, vector<1x16xi32>,
    %get3A_533 = arith.constant 4 : i32
    %get3A_534 = arith.index_cast %get3A_533 : i32 to index
    %get3A_535 = arith.constant 48 : index
    %get3A_536 = tpu.vector_load %arg6[%get3A_534, %get3A_535] {strides = array<i32>} : memref<200x128xf32, #tpu.memory_space<vmem>>, vector<1x16xf32>,
    %get3A_537 = vector.shape_cast %get3A_536 : vector<1x16xf32> to vector<16xf32>
    %bitcast_convert_type3A_538 = tpu.bitcast %get3A_537 : vector<16xf32> -> vector<16xi32>
    %swap3A_539 = arith.constant 0 : i32
    %swap3A_540 = arith.index_cast %swap3A_539 : i32 to index
    %swap3A_541 = arith.constant 48 : index
    %swap3A_542 = tpu.vector_load %arg7[%swap3A_540, %swap3A_541] {strides = array<i32>} : memref<4x128xi32, #tpu.memory_space<vmem>>, vector<1x16xi32>,
    %swap3A_543 = vector.shape_cast %swap3A_542 : vector<1x16xi32> to vector<16xi32>
    %swap3A_544 = vector.shape_cast %bitcast_convert_type3A_538 : vector<16xi32> to vector<1x16xi32>
    tpu.vector_store %arg7[%swap3A_540, %swap3A_541], %swap3A_544 {strides = array<i32>} : memref<4x128xi32, #tpu.memory_space<vmem>>, vector<1x16xi32>,
    %get3A_545 = arith.constant 4 : i32
    %get3A_546 = arith.index_cast %get3A_545 : i32 to index
    %get3A_547 = arith.constant 64 : index
    %get3A_548 = tpu.vector_load %arg6[%get3A_546, %get3A_547] {strides = array<i32>} : memref<200x128xf32, #tpu.memory_space<vmem>>, vector<1x16xf32>,
    %get3A_549 = vector.shape_cast %get3A_548 : vector<1x16xf32> to vector<16xf32>
    %bitcast_convert_type3A_550 = tpu.bitcast %get3A_549 : vector<16xf32> -> vector<16xi32>
    %swap3A_551 = arith.constant 0 : i32
    %swap3A_552 = arith.index_cast %swap3A_551 : i32 to index
    %swap3A_553 = arith.constant 64 : index
    %swap3A_554 = tpu.vector_load %arg7[%swap3A_552, %swap3A_553] {strides = array<i32>} : memref<4x128xi32, #tpu.memory_space<vmem>>, vector<1x16xi32>,
    %swap3A_555 = vector.shape_cast %swap3A_554 : vector<1x16xi32> to vector<16xi32>
    %swap3A_556 = vector.shape_cast %bitcast_convert_type3A_550 : vector<16xi32> to vector<1x16xi32>
    tpu.vector_store %arg7[%swap3A_552, %swap3A_553], %swap3A_556 {strides = array<i32>} : memref<4x128xi32, #tpu.memory_space<vmem>>, vector<1x16xi32>,
    %get3A_557 = arith.constant 4 : i32
    %get3A_558 = arith.index_cast %get3A_557 : i32 to index
    %get3A_559 = arith.constant 80 : index
    %get3A_560 = tpu.vector_load %arg6[%get3A_558, %get3A_559] {strides = array<i32>} : memref<200x128xf32, #tpu.memory_space<vmem>>, vector<1x16xf32>,
    %get3A_561 = vector.shape_cast %get3A_560 : vector<1x16xf32> to vector<16xf32>
    %bitcast_convert_type3A_562 = tpu.bitcast %get3A_561 : vector<16xf32> -> vector<16xi32>
    %swap3A_563 = arith.constant 0 : i32
    %swap3A_564 = arith.index_cast %swap3A_563 : i32 to index
    %swap3A_565 = arith.constant 80 : index
    %swap3A_566 = tpu.vector_load %arg7[%swap3A_564, %swap3A_565] {strides = array<i32>} : memref<4x128xi32, #tpu.memory_space<vmem>>, vector<1x16xi32>,
    %swap3A_567 = vector.shape_cast %swap3A_566 : vector<1x16xi32> to vector<16xi32>
    %swap3A_568 = vector.shape_cast %bitcast_convert_type3A_562 : vector<16xi32> to vector<1x16xi32>
    tpu.vector_store %arg7[%swap3A_564, %swap3A_565], %swap3A_568 {strides = array<i32>} : memref<4x128xi32, #tpu.memory_space<vmem>>, vector<1x16xi32>,
    %get3A_569 = arith.constant 4 : i32
    %get3A_570 = arith.index_cast %get3A_569 : i32 to index
    %get3A_571 = arith.constant 96 : index
    %get3A_572 = tpu.vector_load %arg6[%get3A_570, %get3A_571] {strides = array<i32>} : memref<200x128xf32, #tpu.memory_space<vmem>>, vector<1x16xf32>,
    %get3A_573 = vector.shape_cast %get3A_572 : vector<1x16xf32> to vector<16xf32>
    %bitcast_convert_type3A_574 = tpu.bitcast %get3A_573 : vector<16xf32> -> vector<16xi32>
    %swap3A_575 = arith.constant 0 : i32
    %swap3A_576 = arith.index_cast %swap3A_575 : i32 to index
    %swap3A_577 = arith.constant 96 : index
    %swap3A_578 = tpu.vector_load %arg7[%swap3A_576, %swap3A_577] {strides = array<i32>} : memref<4x128xi32, #tpu.memory_space<vmem>>, vector<1x16xi32>,
    %swap3A_579 = vector.shape_cast %swap3A_578 : vector<1x16xi32> to vector<16xi32>
    %swap3A_580 = vector.shape_cast %bitcast_convert_type3A_574 : vector<16xi32> to vector<1x16xi32>
    tpu.vector_store %arg7[%swap3A_576, %swap3A_577], %swap3A_580 {strides = array<i32>} : memref<4x128xi32, #tpu.memory_space<vmem>>, vector<1x16xi32>,
    %get3A_581 = arith.constant 4 : i32
    %get3A_582 = arith.index_cast %get3A_581 : i32 to index
    %get3A_583 = arith.constant 112 : index
    %get3A_584 = tpu.vector_load %arg6[%get3A_582, %get3A_583] {strides = array<i32>} : memref<200x128xf32, #tpu.memory_space<vmem>>, vector<1x16xf32>,
    %get3A_585 = vector.shape_cast %get3A_584 : vector<1x16xf32> to vector<16xf32>
    %bitcast_convert_type3A_586 = tpu.bitcast %get3A_585 : vector<16xf32> -> vector<16xi32>
    %swap3A_587 = arith.constant 0 : i32
    %swap3A_588 = arith.index_cast %swap3A_587 : i32 to index
    %swap3A_589 = arith.constant 112 : index
    %swap3A_590 = tpu.vector_load %arg7[%swap3A_588, %swap3A_589] {strides = array<i32>} : memref<4x128xi32, #tpu.memory_space<vmem>>, vector<1x16xi32>,
    %swap3A_591 = vector.shape_cast %swap3A_590 : vector<1x16xi32> to vector<16xi32>
    %swap3A_592 = vector.shape_cast %bitcast_convert_type3A_586 : vector<16xi32> to vector<1x16xi32>
    tpu.vector_store %arg7[%swap3A_588, %swap3A_589], %swap3A_592 {strides = array<i32>} : memref<4x128xi32, #tpu.memory_space<vmem>>, vector<1x16xi32>,
    %dma_start3A_593 = arith.constant 0 : i32
    %dma_start3A_594 = arith.constant 0 : i32
    %dma_start3A_595 = arith.constant 0 : i32
    %dma_start3A_596 = arith.constant 0 : i32
    %dma_start3A_597 = tpu.memref_slice %arg9[%dma_start3A_594, %dma_start3A_595, %dma_start3A_596] : memref<4x128x64xf32, #tpu.memory_space<vmem>> -> memref<1x128x64xf32, #tpu.memory_space<vmem>>
    %dma_start3A_598 = tpu.memref_squeeze %dma_start3A_597 : memref<1x128x64xf32, #tpu.memory_space<vmem>> -> memref<128x64xf32, #tpu.memory_space<vmem>>
    %dma_start3A_599 = arith.constant 0 : i32
    %dma_start3A_600 = tpu.memref_slice %arg7[%dma_start3A_593, %dma_start3A_599] : memref<4x128xi32, #tpu.memory_space<vmem>> -> memref<1x128xi32, #tpu.memory_space<vmem>>
    %dma_start3A_601 = tpu.memref_squeeze %dma_start3A_600 : memref<1x128xi32, #tpu.memory_space<vmem>> -> memref<128xi32, #tpu.memory_space<vmem>>
    %dma_start3A_602 = arith.constant 0 : i32
    %dma_start3A_603 = arith.constant 0 : i32
    %dma_start3A_604 = tpu.memref_slice %arg3[%dma_start3A_602, %dma_start3A_603] : memref<1000000x64xf32, #tpu.memory_space<hbm>> -> memref<1000000x64xf32, #tpu.memory_space<hbm>>
    tpu.enqueue_indirect_dma source(%dma_start3A_604 : memref<1000000x64xf32, #tpu.memory_space<hbm>>) target(%dma_start3A_598 : memref<128x64xf32, #tpu.memory_space<vmem>>) offsets(%dma_start3A_601 : memref<128xi32, #tpu.memory_space<vmem>>) semaphore(%arg10 : memref<!tpu.dma_semaphore, #tpu.memory_space<semaphore_mem>>)
    %scan3A_605 = arith.constant 0 : i32
    %scan3A_606 = arith.constant 0 : i32
    %scan3A_607 = arith.constant 128 : i32
    %scan3A_608 = arith.addi %scan3A_606, %scan3A_607 : i32
    %scan3A_609 = arith.constant 1 : i32
    scf.for %scan3A_1291 = %scan3A_606 to %scan3A_608 step %scan3A_609  : i32 {
      %get3A_1292 = arith.constant 1 : i32
      %get3A_1293 = arith.index_cast %get3A_1292 : i32 to index
      %get3A_1294 = arith.constant 0 : index
      %get3A_1295 = tpu.vector_load %arg8[%get3A_1293, %get3A_1294] {strides = array<i32>} : memref<200x64xf32, #tpu.memory_space<vmem>>, vector<1x16xf32>,
      %get3A_1296 = vector.shape_cast %get3A_1295 : vector<1x16xf32> to vector<16xf32>
      %swap3A_1297 = arith.constant 1 : i32
      %swap3A_1298 = arith.index_cast %swap3A_1297 : i32 to index
      %swap3A_1299 = arith.index_cast %scan3A_1291 : i32 to index
      %swap3A_1300 = arith.constant 0 : index
      %swap3A_1301 = tpu.vector_load %arg9[%swap3A_1298, %swap3A_1299, %swap3A_1300] {strides = array<i32>} : memref<4x128x64xf32, #tpu.memory_space<vmem>>, vector<1x1x16xf32>,
      %swap3A_1302 = vector.shape_cast %swap3A_1301 : vector<1x1x16xf32> to vector<16xf32>
      %swap3A_1303 = vector.shape_cast %get3A_1296 : vector<16xf32> to vector<1x1x16xf32>
      tpu.vector_store %arg9[%swap3A_1298, %swap3A_1299, %swap3A_1300], %swap3A_1303 {add = true, strides = array<i32>} : memref<4x128x64xf32, #tpu.memory_space<vmem>>, vector<1x1x16xf32>,
      %get3A_1304 = arith.constant 1 : i32
      %get3A_1305 = arith.index_cast %get3A_1304 : i32 to index
      %get3A_1306 = arith.constant 16 : index
      %get3A_1307 = tpu.vector_load %arg8[%get3A_1305, %get3A_1306] {strides = array<i32>} : memref<200x64xf32, #tpu.memory_space<vmem>>, vector<1x16xf32>,
      %get3A_1308 = vector.shape_cast %get3A_1307 : vector<1x16xf32> to vector<16xf32>
      %swap3A_1309 = arith.constant 1 : i32
      %swap3A_1310 = arith.index_cast %swap3A_1309 : i32 to index
      %swap3A_1311 = arith.index_cast %scan3A_1291 : i32 to index
      %swap3A_1312 = arith.constant 16 : index
      %swap3A_1313 = tpu.vector_load %arg9[%swap3A_1310, %swap3A_1311, %swap3A_1312] {strides = array<i32>} : memref<4x128x64xf32, #tpu.memory_space<vmem>>, vector<1x1x16xf32>,
      %swap3A_1314 = vector.shape_cast %swap3A_1313 : vector<1x1x16xf32> to vector<16xf32>
      %swap3A_1315 = vector.shape_cast %get3A_1308 : vector<16xf32> to vector<1x1x16xf32>
      tpu.vector_store %arg9[%swap3A_1310, %swap3A_1311, %swap3A_1312], %swap3A_1315 {add = true, strides = array<i32>} : memref<4x128x64xf32, #tpu.memory_space<vmem>>, vector<1x1x16xf32>,
      %get3A_1316 = arith.constant 1 : i32
      %get3A_1317 = arith.index_cast %get3A_1316 : i32 to index
      %get3A_1318 = arith.constant 32 : index
      %get3A_1319 = tpu.vector_load %arg8[%get3A_1317, %get3A_1318] {strides = array<i32>} : memref<200x64xf32, #tpu.memory_space<vmem>>, vector<1x16xf32>,
      %get3A_1320 = vector.shape_cast %get3A_1319 : vector<1x16xf32> to vector<16xf32>
      %swap3A_1321 = arith.constant 1 : i32
      %swap3A_1322 = arith.index_cast %swap3A_1321 : i32 to index
      %swap3A_1323 = arith.index_cast %scan3A_1291 : i32 to index
      %swap3A_1324 = arith.constant 32 : index
      %swap3A_1325 = tpu.vector_load %arg9[%swap3A_1322, %swap3A_1323, %swap3A_1324] {strides = array<i32>} : memref<4x128x64xf32, #tpu.memory_space<vmem>>, vector<1x1x16xf32>,
      %swap3A_1326 = vector.shape_cast %swap3A_1325 : vector<1x1x16xf32> to vector<16xf32>
      %swap3A_1327 = vector.shape_cast %get3A_1320 : vector<16xf32> to vector<1x1x16xf32>
      tpu.vector_store %arg9[%swap3A_1322, %swap3A_1323, %swap3A_1324], %swap3A_1327 {add = true, strides = array<i32>} : memref<4x128x64xf32, #tpu.memory_space<vmem>>, vector<1x1x16xf32>,
      %get3A_1328 = arith.constant 1 : i32
      %get3A_1329 = arith.index_cast %get3A_1328 : i32 to index
      %get3A_1330 = arith.constant 48 : index
      %get3A_1331 = tpu.vector_load %arg8[%get3A_1329, %get3A_1330] {strides = array<i32>} : memref<200x64xf32, #tpu.memory_space<vmem>>, vector<1x16xf32>,
      %get3A_1332 = vector.shape_cast %get3A_1331 : vector<1x16xf32> to vector<16xf32>
      %swap3A_1333 = arith.constant 1 : i32
      %swap3A_1334 = arith.index_cast %swap3A_1333 : i32 to index
      %swap3A_1335 = arith.index_cast %scan3A_1291 : i32 to index
      %swap3A_1336 = arith.constant 48 : index
      %swap3A_1337 = tpu.vector_load %arg9[%swap3A_1334, %swap3A_1335, %swap3A_1336] {strides = array<i32>} : memref<4x128x64xf32, #tpu.memory_space<vmem>>, vector<1x1x16xf32>,
      %swap3A_1338 = vector.shape_cast %swap3A_1337 : vector<1x1x16xf32> to vector<16xf32>
      %swap3A_1339 = vector.shape_cast %get3A_1332 : vector<16xf32> to vector<1x1x16xf32>
      tpu.vector_store %arg9[%swap3A_1334, %swap3A_1335, %swap3A_1336], %swap3A_1339 {add = true, strides = array<i32>} : memref<4x128x64xf32, #tpu.memory_space<vmem>>, vector<1x1x16xf32>,
    }
    %scan3A_610 = arith.constant 128 : i32
    %dma_start3A_611 = arith.constant 1 : i32
    %dma_start3A_612 = arith.constant 1 : i32
    %dma_start3A_613 = arith.constant 0 : i32
    %dma_start3A_614 = arith.constant 0 : i32
    %dma_start3A_615 = tpu.memref_slice %arg9[%dma_start3A_611, %dma_start3A_613, %dma_start3A_614] : memref<4x128x64xf32, #tpu.memory_space<vmem>> -> memref<1x128x64xf32, #tpu.memory_space<vmem>>
    %dma_start3A_616 = tpu.memref_squeeze %dma_start3A_615 : memref<1x128x64xf32, #tpu.memory_space<vmem>> -> memref<128x64xf32, #tpu.memory_space<vmem>>
    %dma_start3A_617 = arith.constant 0 : i32
    %dma_start3A_618 = tpu.memref_slice %arg5[%dma_start3A_612, %mul3A_2, %dma_start3A_617] : memref<200x4096x64xf32, #tpu.memory_space<hbm>> -> memref<1x128x64xf32, #tpu.memory_space<hbm>>
    %dma_start3A_619 = tpu.memref_squeeze %dma_start3A_618 : memref<1x128x64xf32, #tpu.memory_space<hbm>> -> memref<128x64xf32, #tpu.memory_space<hbm>>
    %dma_start3A_620 = arith.constant 0 : i32
    %dma_start3A_621 = tpu.memref_slice %arg5[%dma_start3A_612, %mul3A_2, %dma_start3A_620] : memref<200x4096x64xf32, #tpu.memory_space<hbm>> -> memref<1x128x64xf32, #tpu.memory_space<hbm>>
    %dma_start3A_622 = tpu.memref_squeeze %dma_start3A_621 : memref<1x128x64xf32, #tpu.memory_space<hbm>> -> memref<128x64xf32, #tpu.memory_space<hbm>>
    %dma_start3A_623 = arith.constant 0 : i32
    %dma_start3A_624 = arith.constant 0 : i32
    %dma_start3A_625 = tpu.memref_slice %arg9[%dma_start3A_611, %dma_start3A_623, %dma_start3A_624] : memref<4x128x64xf32, #tpu.memory_space<vmem>> -> memref<1x128x64xf32, #tpu.memory_space<vmem>>
    %dma_start3A_626 = tpu.memref_squeeze %dma_start3A_625 : memref<1x128x64xf32, #tpu.memory_space<vmem>> -> memref<128x64xf32, #tpu.memory_space<vmem>>
    tpu.enqueue_dma source(%dma_start3A_626 : memref<128x64xf32, #tpu.memory_space<vmem>>) target(%dma_start3A_622 : memref<128x64xf32, #tpu.memory_space<hbm>>) target_semaphore(%arg11 : memref<!tpu.dma_semaphore, #tpu.memory_space<semaphore_mem>>)
    %dma_wait3A_627 = arith.constant 2 : i32
    %dma_wait3A_628 = arith.constant 0 : i32
    %dma_wait3A_629 = arith.constant 0 : i32
    %dma_wait3A_630 = tpu.memref_slice %arg9[%dma_wait3A_627, %dma_wait3A_628, %dma_wait3A_629] : memref<4x128x64xf32, #tpu.memory_space<vmem>> -> memref<1x128x64xf32, #tpu.memory_space<vmem>>
    %dma_wait3A_631 = tpu.memref_squeeze %dma_wait3A_630 : memref<1x128x64xf32, #tpu.memory_space<vmem>> -> memref<128x64xf32, #tpu.memory_space<vmem>>
    %dma_wait3A_632 = arith.constant 0 : i32
    %dma_wait3A_633 = arith.constant 0 : i32
    %dma_wait3A_634 = tpu.memref_slice %arg3[%dma_wait3A_632, %dma_wait3A_633] : memref<1000000x64xf32, #tpu.memory_space<hbm>> -> memref<128x64xf32, #tpu.memory_space<hbm>>
    %dma_wait3A_635 = arith.constant 0 : i32
    %dma_wait3A_636 = arith.constant 0 : i32
    %dma_wait3A_637 = tpu.memref_slice %arg9[%dma_wait3A_627, %dma_wait3A_635, %dma_wait3A_636] : memref<4x128x64xf32, #tpu.memory_space<vmem>> -> memref<1x128x64xf32, #tpu.memory_space<vmem>>
    %dma_wait3A_638 = tpu.memref_squeeze %dma_wait3A_637 : memref<1x128x64xf32, #tpu.memory_space<vmem>> -> memref<128x64xf32, #tpu.memory_space<vmem>>
    %dma_wait3A_639 = arith.constant 0 : i32
    %dma_wait3A_640 = arith.constant 0 : i32
    %dma_wait3A_641 = tpu.memref_slice %arg3[%dma_wait3A_639, %dma_wait3A_640] : memref<1000000x64xf32, #tpu.memory_space<hbm>> -> memref<128x64xf32, #tpu.memory_space<hbm>>
    tpu.wait_dma2 semaphore(%arg10 : memref<!tpu.dma_semaphore, #tpu.memory_space<semaphore_mem>>) src(%dma_wait3A_641 : memref<128x64xf32, #tpu.memory_space<hbm>>) dst(%dma_wait3A_638 : memref<128x64xf32, #tpu.memory_space<vmem>>)
    %dma_wait3A_642 = arith.constant 1 : i32
    %dma_wait3A_643 = arith.constant 0 : i32
    %dma_wait3A_644 = arith.constant 0 : i32
    %dma_wait3A_645 = arith.constant 0 : i32
    %dma_wait3A_646 = tpu.memref_slice %arg9[%dma_wait3A_642, %dma_wait3A_644, %dma_wait3A_645] : memref<4x128x64xf32, #tpu.memory_space<vmem>> -> memref<1x128x64xf32, #tpu.memory_space<vmem>>
    %dma_wait3A_647 = tpu.memref_squeeze %dma_wait3A_646 : memref<1x128x64xf32, #tpu.memory_space<vmem>> -> memref<128x64xf32, #tpu.memory_space<vmem>>
    %dma_wait3A_648 = arith.constant 0 : i32
    %dma_wait3A_649 = tpu.memref_slice %arg5[%dma_wait3A_643, %mul3A_2, %dma_wait3A_648] : memref<200x4096x64xf32, #tpu.memory_space<hbm>> -> memref<1x128x64xf32, #tpu.memory_space<hbm>>
    %dma_wait3A_650 = tpu.memref_squeeze %dma_wait3A_649 : memref<1x128x64xf32, #tpu.memory_space<hbm>> -> memref<128x64xf32, #tpu.memory_space<hbm>>
    %dma_wait3A_651 = arith.constant 0 : i32
    %dma_wait3A_652 = tpu.memref_slice %arg5[%dma_wait3A_643, %mul3A_2, %dma_wait3A_651] : memref<200x4096x64xf32, #tpu.memory_space<hbm>> -> memref<1x128x64xf32, #tpu.memory_space<hbm>>
    %dma_wait3A_653 = tpu.memref_squeeze %dma_wait3A_652 : memref<1x128x64xf32, #tpu.memory_space<hbm>> -> memref<128x64xf32, #tpu.memory_space<hbm>>
    %dma_wait3A_654 = arith.constant 0 : i32
    %dma_wait3A_655 = arith.constant 0 : i32
    %dma_wait3A_656 = tpu.memref_slice %arg9[%dma_wait3A_642, %dma_wait3A_654, %dma_wait3A_655] : memref<4x128x64xf32, #tpu.memory_space<vmem>> -> memref<1x128x64xf32, #tpu.memory_space<vmem>>
    %dma_wait3A_657 = tpu.memref_squeeze %dma_wait3A_656 : memref<1x128x64xf32, #tpu.memory_space<vmem>> -> memref<128x64xf32, #tpu.memory_space<vmem>>
    tpu.wait_dma2 semaphore(%arg11 : memref<!tpu.dma_semaphore, #tpu.memory_space<semaphore_mem>>) src(%dma_wait3A_657 : memref<128x64xf32, #tpu.memory_space<vmem>>) dst(%dma_wait3A_653 : memref<128x64xf32, #tpu.memory_space<hbm>>)
    %get3A_658 = arith.constant 5 : i32
    %get3A_659 = arith.index_cast %get3A_658 : i32 to index
    %get3A_660 = arith.constant 0 : index
    %get3A_661 = tpu.vector_load %arg6[%get3A_659, %get3A_660] {strides = array<i32>} : memref<200x128xf32, #tpu.memory_space<vmem>>, vector<1x16xf32>,
    %get3A_662 = vector.shape_cast %get3A_661 : vector<1x16xf32> to vector<16xf32>
    %bitcast_convert_type3A_663 = tpu.bitcast %get3A_662 : vector<16xf32> -> vector<16xi32>
    %swap3A_664 = arith.constant 1 : i32
    %swap3A_665 = arith.index_cast %swap3A_664 : i32 to index
    %swap3A_666 = arith.constant 0 : index
    %swap3A_667 = tpu.vector_load %arg7[%swap3A_665, %swap3A_666] {strides = array<i32>} : memref<4x128xi32, #tpu.memory_space<vmem>>, vector<1x16xi32>,
    %swap3A_668 = vector.shape_cast %swap3A_667 : vector<1x16xi32> to vector<16xi32>
    %swap3A_669 = vector.shape_cast %bitcast_convert_type3A_663 : vector<16xi32> to vector<1x16xi32>
    tpu.vector_store %arg7[%swap3A_665, %swap3A_666], %swap3A_669 {strides = array<i32>} : memref<4x128xi32, #tpu.memory_space<vmem>>, vector<1x16xi32>,
    %get3A_670 = arith.constant 5 : i32
    %get3A_671 = arith.index_cast %get3A_670 : i32 to index
    %get3A_672 = arith.constant 16 : index
    %get3A_673 = tpu.vector_load %arg6[%get3A_671, %get3A_672] {strides = array<i32>} : memref<200x128xf32, #tpu.memory_space<vmem>>, vector<1x16xf32>,
    %get3A_674 = vector.shape_cast %get3A_673 : vector<1x16xf32> to vector<16xf32>
    %bitcast_convert_type3A_675 = tpu.bitcast %get3A_674 : vector<16xf32> -> vector<16xi32>
    %swap3A_676 = arith.constant 1 : i32
    %swap3A_677 = arith.index_cast %swap3A_676 : i32 to index
    %swap3A_678 = arith.constant 16 : index
    %swap3A_679 = tpu.vector_load %arg7[%swap3A_677, %swap3A_678] {strides = array<i32>} : memref<4x128xi32, #tpu.memory_space<vmem>>, vector<1x16xi32>,
    %swap3A_680 = vector.shape_cast %swap3A_679 : vector<1x16xi32> to vector<16xi32>
    %swap3A_681 = vector.shape_cast %bitcast_convert_type3A_675 : vector<16xi32> to vector<1x16xi32>
    tpu.vector_store %arg7[%swap3A_677, %swap3A_678], %swap3A_681 {strides = array<i32>} : memref<4x128xi32, #tpu.memory_space<vmem>>, vector<1x16xi32>,
    %get3A_682 = arith.constant 5 : i32
    %get3A_683 = arith.index_cast %get3A_682 : i32 to index
    %get3A_684 = arith.constant 32 : index
    %get3A_685 = tpu.vector_load %arg6[%get3A_683, %get3A_684] {strides = array<i32>} : memref<200x128xf32, #tpu.memory_space<vmem>>, vector<1x16xf32>,
    %get3A_686 = vector.shape_cast %get3A_685 : vector<1x16xf32> to vector<16xf32>
    %bitcast_convert_type3A_687 = tpu.bitcast %get3A_686 : vector<16xf32> -> vector<16xi32>
    %swap3A_688 = arith.constant 1 : i32
    %swap3A_689 = arith.index_cast %swap3A_688 : i32 to index
    %swap3A_690 = arith.constant 32 : index
    %swap3A_691 = tpu.vector_load %arg7[%swap3A_689, %swap3A_690] {strides = array<i32>} : memref<4x128xi32, #tpu.memory_space<vmem>>, vector<1x16xi32>,
    %swap3A_692 = vector.shape_cast %swap3A_691 : vector<1x16xi32> to vector<16xi32>
    %swap3A_693 = vector.shape_cast %bitcast_convert_type3A_687 : vector<16xi32> to vector<1x16xi32>
    tpu.vector_store %arg7[%swap3A_689, %swap3A_690], %swap3A_693 {strides = array<i32>} : memref<4x128xi32, #tpu.memory_space<vmem>>, vector<1x16xi32>,
    %get3A_694 = arith.constant 5 : i32
    %get3A_695 = arith.index_cast %get3A_694 : i32 to index
    %get3A_696 = arith.constant 48 : index
    %get3A_697 = tpu.vector_load %arg6[%get3A_695, %get3A_696] {strides = array<i32>} : memref<200x128xf32, #tpu.memory_space<vmem>>, vector<1x16xf32>,
    %get3A_698 = vector.shape_cast %get3A_697 : vector<1x16xf32> to vector<16xf32>
    %bitcast_convert_type3A_699 = tpu.bitcast %get3A_698 : vector<16xf32> -> vector<16xi32>
    %swap3A_700 = arith.constant 1 : i32
    %swap3A_701 = arith.index_cast %swap3A_700 : i32 to index
    %swap3A_702 = arith.constant 48 : index
    %swap3A_703 = tpu.vector_load %arg7[%swap3A_701, %swap3A_702] {strides = array<i32>} : memref<4x128xi32, #tpu.memory_space<vmem>>, vector<1x16xi32>,
    %swap3A_704 = vector.shape_cast %swap3A_703 : vector<1x16xi32> to vector<16xi32>
    %swap3A_705 = vector.shape_cast %bitcast_convert_type3A_699 : vector<16xi32> to vector<1x16xi32>
    tpu.vector_store %arg7[%swap3A_701, %swap3A_702], %swap3A_705 {strides = array<i32>} : memref<4x128xi32, #tpu.memory_space<vmem>>, vector<1x16xi32>,
    %get3A_706 = arith.constant 5 : i32
    %get3A_707 = arith.index_cast %get3A_706 : i32 to index
    %get3A_708 = arith.constant 64 : index
    %get3A_709 = tpu.vector_load %arg6[%get3A_707, %get3A_708] {strides = array<i32>} : memref<200x128xf32, #tpu.memory_space<vmem>>, vector<1x16xf32>,
    %get3A_710 = vector.shape_cast %get3A_709 : vector<1x16xf32> to vector<16xf32>
    %bitcast_convert_type3A_711 = tpu.bitcast %get3A_710 : vector<16xf32> -> vector<16xi32>
    %swap3A_712 = arith.constant 1 : i32
    %swap3A_713 = arith.index_cast %swap3A_712 : i32 to index
    %swap3A_714 = arith.constant 64 : index
    %swap3A_715 = tpu.vector_load %arg7[%swap3A_713, %swap3A_714] {strides = array<i32>} : memref<4x128xi32, #tpu.memory_space<vmem>>, vector<1x16xi32>,
    %swap3A_716 = vector.shape_cast %swap3A_715 : vector<1x16xi32> to vector<16xi32>
    %swap3A_717 = vector.shape_cast %bitcast_convert_type3A_711 : vector<16xi32> to vector<1x16xi32>
    tpu.vector_store %arg7[%swap3A_713, %swap3A_714], %swap3A_717 {strides = array<i32>} : memref<4x128xi32, #tpu.memory_space<vmem>>, vector<1x16xi32>,
    %get3A_718 = arith.constant 5 : i32
    %get3A_719 = arith.index_cast %get3A_718 : i32 to index
    %get3A_720 = arith.constant 80 : index
    %get3A_721 = tpu.vector_load %arg6[%get3A_719, %get3A_720] {strides = array<i32>} : memref<200x128xf32, #tpu.memory_space<vmem>>, vector<1x16xf32>,
    %get3A_722 = vector.shape_cast %get3A_721 : vector<1x16xf32> to vector<16xf32>
    %bitcast_convert_type3A_723 = tpu.bitcast %get3A_722 : vector<16xf32> -> vector<16xi32>
    %swap3A_724 = arith.constant 1 : i32
    %swap3A_725 = arith.index_cast %swap3A_724 : i32 to index
    %swap3A_726 = arith.constant 80 : index
    %swap3A_727 = tpu.vector_load %arg7[%swap3A_725, %swap3A_726] {strides = array<i32>} : memref<4x128xi32, #tpu.memory_space<vmem>>, vector<1x16xi32>,
    %swap3A_728 = vector.shape_cast %swap3A_727 : vector<1x16xi32> to vector<16xi32>
    %swap3A_729 = vector.shape_cast %bitcast_convert_type3A_723 : vector<16xi32> to vector<1x16xi32>
    tpu.vector_store %arg7[%swap3A_725, %swap3A_726], %swap3A_729 {strides = array<i32>} : memref<4x128xi32, #tpu.memory_space<vmem>>, vector<1x16xi32>,
    %get3A_730 = arith.constant 5 : i32
    %get3A_731 = arith.index_cast %get3A_730 : i32 to index
    %get3A_732 = arith.constant 96 : index
    %get3A_733 = tpu.vector_load %arg6[%get3A_731, %get3A_732] {strides = array<i32>} : memref<200x128xf32, #tpu.memory_space<vmem>>, vector<1x16xf32>,
    %get3A_734 = vector.shape_cast %get3A_733 : vector<1x16xf32> to vector<16xf32>
    %bitcast_convert_type3A_735 = tpu.bitcast %get3A_734 : vector<16xf32> -> vector<16xi32>
    %swap3A_736 = arith.constant 1 : i32
    %swap3A_737 = arith.index_cast %swap3A_736 : i32 to index
    %swap3A_738 = arith.constant 96 : index
    %swap3A_739 = tpu.vector_load %arg7[%swap3A_737, %swap3A_738] {strides = array<i32>} : memref<4x128xi32, #tpu.memory_space<vmem>>, vector<1x16xi32>,
    %swap3A_740 = vector.shape_cast %swap3A_739 : vector<1x16xi32> to vector<16xi32>
    %swap3A_741 = vector.shape_cast %bitcast_convert_type3A_735 : vector<16xi32> to vector<1x16xi32>
    tpu.vector_store %arg7[%swap3A_737, %swap3A_738], %swap3A_741 {strides = array<i32>} : memref<4x128xi32, #tpu.memory_space<vmem>>, vector<1x16xi32>,
    %get3A_742 = arith.constant 5 : i32
    %get3A_743 = arith.index_cast %get3A_742 : i32 to index
    %get3A_744 = arith.constant 112 : index
    %get3A_745 = tpu.vector_load %arg6[%get3A_743, %get3A_744] {strides = array<i32>} : memref<200x128xf32, #tpu.memory_space<vmem>>, vector<1x16xf32>,
    %get3A_746 = vector.shape_cast %get3A_745 : vector<1x16xf32> to vector<16xf32>
    %bitcast_convert_type3A_747 = tpu.bitcast %get3A_746 : vector<16xf32> -> vector<16xi32>
    %swap3A_748 = arith.constant 1 : i32
    %swap3A_749 = arith.index_cast %swap3A_748 : i32 to index
    %swap3A_750 = arith.constant 112 : index
    %swap3A_751 = tpu.vector_load %arg7[%swap3A_749, %swap3A_750] {strides = array<i32>} : memref<4x128xi32, #tpu.memory_space<vmem>>, vector<1x16xi32>,
    %swap3A_752 = vector.shape_cast %swap3A_751 : vector<1x16xi32> to vector<16xi32>
    %swap3A_753 = vector.shape_cast %bitcast_convert_type3A_747 : vector<16xi32> to vector<1x16xi32>
    tpu.vector_store %arg7[%swap3A_749, %swap3A_750], %swap3A_753 {strides = array<i32>} : memref<4x128xi32, #tpu.memory_space<vmem>>, vector<1x16xi32>,
    %dma_start3A_754 = arith.constant 1 : i32
    %dma_start3A_755 = arith.constant 1 : i32
    %dma_start3A_756 = arith.constant 0 : i32
    %dma_start3A_757 = arith.constant 0 : i32
    %dma_start3A_758 = tpu.memref_slice %arg9[%dma_start3A_755, %dma_start3A_756, %dma_start3A_757] : memref<4x128x64xf32, #tpu.memory_space<vmem>> -> memref<1x128x64xf32, #tpu.memory_space<vmem>>
    %dma_start3A_759 = tpu.memref_squeeze %dma_start3A_758 : memref<1x128x64xf32, #tpu.memory_space<vmem>> -> memref<128x64xf32, #tpu.memory_space<vmem>>
    %dma_start3A_760 = arith.constant 0 : i32
    %dma_start3A_761 = tpu.memref_slice %arg7[%dma_start3A_754, %dma_start3A_760] : memref<4x128xi32, #tpu.memory_space<vmem>> -> memref<1x128xi32, #tpu.memory_space<vmem>>
    %dma_start3A_762 = tpu.memref_squeeze %dma_start3A_761 : memref<1x128xi32, #tpu.memory_space<vmem>> -> memref<128xi32, #tpu.memory_space<vmem>>
    %dma_start3A_763 = arith.constant 0 : i32
    %dma_start3A_764 = arith.constant 0 : i32
    %dma_start3A_765 = tpu.memref_slice %arg3[%dma_start3A_763, %dma_start3A_764] : memref<1000000x64xf32, #tpu.memory_space<hbm>> -> memref<1000000x64xf32, #tpu.memory_space<hbm>>
    tpu.enqueue_indirect_dma source(%dma_start3A_765 : memref<1000000x64xf32, #tpu.memory_space<hbm>>) target(%dma_start3A_759 : memref<128x64xf32, #tpu.memory_space<vmem>>) offsets(%dma_start3A_762 : memref<128xi32, #tpu.memory_space<vmem>>) semaphore(%arg10 : memref<!tpu.dma_semaphore, #tpu.memory_space<semaphore_mem>>)
    %scan3A_766 = arith.constant 0 : i32
    %scan3A_767 = arith.constant 0 : i32
    %scan3A_768 = arith.constant 128 : i32
    %scan3A_769 = arith.addi %scan3A_767, %scan3A_768 : i32
    %scan3A_770 = arith.constant 1 : i32
    scf.for %scan3A_1291 = %scan3A_767 to %scan3A_769 step %scan3A_770  : i32 {
      %get3A_1292 = arith.constant 2 : i32
      %get3A_1293 = arith.index_cast %get3A_1292 : i32 to index
      %get3A_1294 = arith.constant 0 : index
      %get3A_1295 = tpu.vector_load %arg8[%get3A_1293, %get3A_1294] {strides = array<i32>} : memref<200x64xf32, #tpu.memory_space<vmem>>, vector<1x16xf32>,
      %get3A_1296 = vector.shape_cast %get3A_1295 : vector<1x16xf32> to vector<16xf32>
      %swap3A_1297 = arith.constant 2 : i32
      %swap3A_1298 = arith.index_cast %swap3A_1297 : i32 to index
      %swap3A_1299 = arith.index_cast %scan3A_1291 : i32 to index
      %swap3A_1300 = arith.constant 0 : index
      %swap3A_1301 = tpu.vector_load %arg9[%swap3A_1298, %swap3A_1299, %swap3A_1300] {strides = array<i32>} : memref<4x128x64xf32, #tpu.memory_space<vmem>>, vector<1x1x16xf32>,
      %swap3A_1302 = vector.shape_cast %swap3A_1301 : vector<1x1x16xf32> to vector<16xf32>
      %swap3A_1303 = vector.shape_cast %get3A_1296 : vector<16xf32> to vector<1x1x16xf32>
      tpu.vector_store %arg9[%swap3A_1298, %swap3A_1299, %swap3A_1300], %swap3A_1303 {add = true, strides = array<i32>} : memref<4x128x64xf32, #tpu.memory_space<vmem>>, vector<1x1x16xf32>,
      %get3A_1304 = arith.constant 2 : i32
      %get3A_1305 = arith.index_cast %get3A_1304 : i32 to index
      %get3A_1306 = arith.constant 16 : index
      %get3A_1307 = tpu.vector_load %arg8[%get3A_1305, %get3A_1306] {strides = array<i32>} : memref<200x64xf32, #tpu.memory_space<vmem>>, vector<1x16xf32>,
      %get3A_1308 = vector.shape_cast %get3A_1307 : vector<1x16xf32> to vector<16xf32>
      %swap3A_1309 = arith.constant 2 : i32
      %swap3A_1310 = arith.index_cast %swap3A_1309 : i32 to index
      %swap3A_1311 = arith.index_cast %scan3A_1291 : i32 to index
      %swap3A_1312 = arith.constant 16 : index
      %swap3A_1313 = tpu.vector_load %arg9[%swap3A_1310, %swap3A_1311, %swap3A_1312] {strides = array<i32>} : memref<4x128x64xf32, #tpu.memory_space<vmem>>, vector<1x1x16xf32>,
      %swap3A_1314 = vector.shape_cast %swap3A_1313 : vector<1x1x16xf32> to vector<16xf32>
      %swap3A_1315 = vector.shape_cast %get3A_1308 : vector<16xf32> to vector<1x1x16xf32>
      tpu.vector_store %arg9[%swap3A_1310, %swap3A_1311, %swap3A_1312], %swap3A_1315 {add = true, strides = array<i32>} : memref<4x128x64xf32, #tpu.memory_space<vmem>>, vector<1x1x16xf32>,
      %get3A_1316 = arith.constant 2 : i32
      %get3A_1317 = arith.index_cast %get3A_1316 : i32 to index
      %get3A_1318 = arith.constant 32 : index
      %get3A_1319 = tpu.vector_load %arg8[%get3A_1317, %get3A_1318] {strides = array<i32>} : memref<200x64xf32, #tpu.memory_space<vmem>>, vector<1x16xf32>,
      %get3A_1320 = vector.shape_cast %get3A_1319 : vector<1x16xf32> to vector<16xf32>
      %swap3A_1321 = arith.constant 2 : i32
      %swap3A_1322 = arith.index_cast %swap3A_1321 : i32 to index
      %swap3A_1323 = arith.index_cast %scan3A_1291 : i32 to index
      %swap3A_1324 = arith.constant 32 : index
      %swap3A_1325 = tpu.vector_load %arg9[%swap3A_1322, %swap3A_1323, %swap3A_1324] {strides = array<i32>} : memref<4x128x64xf32, #tpu.memory_space<vmem>>, vector<1x1x16xf32>,
      %swap3A_1326 = vector.shape_cast %swap3A_1325 : vector<1x1x16xf32> to vector<16xf32>
      %swap3A_1327 = vector.shape_cast %get3A_1320 : vector<16xf32> to vector<1x1x16xf32>
      tpu.vector_store %arg9[%swap3A_1322, %swap3A_1323, %swap3A_1324], %swap3A_1327 {add = true, strides = array<i32>} : memref<4x128x64xf32, #tpu.memory_space<vmem>>, vector<1x1x16xf32>,
      %get3A_1328 = arith.constant 2 : i32
      %get3A_1329 = arith.index_cast %get3A_1328 : i32 to index
      %get3A_1330 = arith.constant 48 : index
      %get3A_1331 = tpu.vector_load %arg8[%get3A_1329, %get3A_1330] {strides = array<i32>} : memref<200x64xf32, #tpu.memory_space<vmem>>, vector<1x16xf32>,
      %get3A_1332 = vector.shape_cast %get3A_1331 : vector<1x16xf32> to vector<16xf32>
      %swap3A_1333 = arith.constant 2 : i32
      %swap3A_1334 = arith.index_cast %swap3A_1333 : i32 to index
      %swap3A_1335 = arith.index_cast %scan3A_1291 : i32 to index
      %swap3A_1336 = arith.constant 48 : index
      %swap3A_1337 = tpu.vector_load %arg9[%swap3A_1334, %swap3A_1335, %swap3A_1336] {strides = array<i32>} : memref<4x128x64xf32, #tpu.memory_space<vmem>>, vector<1x1x16xf32>,
      %swap3A_1338 = vector.shape_cast %swap3A_1337 : vector<1x1x16xf32> to vector<16xf32>
      %swap3A_1339 = vector.shape_cast %get3A_1332 : vector<16xf32> to vector<1x1x16xf32>
      tpu.vector_store %arg9[%swap3A_1334, %swap3A_1335, %swap3A_1336], %swap3A_1339 {add = true, strides = array<i32>} : memref<4x128x64xf32, #tpu.memory_space<vmem>>, vector<1x1x16xf32>,
    }
    %scan3A_771 = arith.constant 128 : i32
    %dma_start3A_772 = arith.constant 2 : i32
    %dma_start3A_773 = arith.constant 2 : i32
    %dma_start3A_774 = arith.constant 0 : i32
    %dma_start3A_775 = arith.constant 0 : i32
    %dma_start3A_776 = tpu.memref_slice %arg9[%dma_start3A_772, %dma_start3A_774, %dma_start3A_775] : memref<4x128x64xf32, #tpu.memory_space<vmem>> -> memref<1x128x64xf32, #tpu.memory_space<vmem>>
    %dma_start3A_777 = tpu.memref_squeeze %dma_start3A_776 : memref<1x128x64xf32, #tpu.memory_space<vmem>> -> memref<128x64xf32, #tpu.memory_space<vmem>>
    %dma_start3A_778 = arith.constant 0 : i32
    %dma_start3A_779 = tpu.memref_slice %arg5[%dma_start3A_773, %mul3A_2, %dma_start3A_778] : memref<200x4096x64xf32, #tpu.memory_space<hbm>> -> memref<1x128x64xf32, #tpu.memory_space<hbm>>
    %dma_start3A_780 = tpu.memref_squeeze %dma_start3A_779 : memref<1x128x64xf32, #tpu.memory_space<hbm>> -> memref<128x64xf32, #tpu.memory_space<hbm>>
    %dma_start3A_781 = arith.constant 0 : i32
    %dma_start3A_782 = tpu.memref_slice %arg5[%dma_start3A_773, %mul3A_2, %dma_start3A_781] : memref<200x4096x64xf32, #tpu.memory_space<hbm>> -> memref<1x128x64xf32, #tpu.memory_space<hbm>>
    %dma_start3A_783 = tpu.memref_squeeze %dma_start3A_782 : memref<1x128x64xf32, #tpu.memory_space<hbm>> -> memref<128x64xf32, #tpu.memory_space<hbm>>
    %dma_start3A_784 = arith.constant 0 : i32
    %dma_start3A_785 = arith.constant 0 : i32
    %dma_start3A_786 = tpu.memref_slice %arg9[%dma_start3A_772, %dma_start3A_784, %dma_start3A_785] : memref<4x128x64xf32, #tpu.memory_space<vmem>> -> memref<1x128x64xf32, #tpu.memory_space<vmem>>
    %dma_start3A_787 = tpu.memref_squeeze %dma_start3A_786 : memref<1x128x64xf32, #tpu.memory_space<vmem>> -> memref<128x64xf32, #tpu.memory_space<vmem>>
    tpu.enqueue_dma source(%dma_start3A_787 : memref<128x64xf32, #tpu.memory_space<vmem>>) target(%dma_start3A_783 : memref<128x64xf32, #tpu.memory_space<hbm>>) target_semaphore(%arg11 : memref<!tpu.dma_semaphore, #tpu.memory_space<semaphore_mem>>)
    %dma_wait3A_788 = arith.constant 3 : i32
    %dma_wait3A_789 = arith.constant 0 : i32
    %dma_wait3A_790 = arith.constant 0 : i32
    %dma_wait3A_791 = tpu.memref_slice %arg9[%dma_wait3A_788, %dma_wait3A_789, %dma_wait3A_790] : memref<4x128x64xf32, #tpu.memory_space<vmem>> -> memref<1x128x64xf32, #tpu.memory_space<vmem>>
    %dma_wait3A_792 = tpu.memref_squeeze %dma_wait3A_791 : memref<1x128x64xf32, #tpu.memory_space<vmem>> -> memref<128x64xf32, #tpu.memory_space<vmem>>
    %dma_wait3A_793 = arith.constant 0 : i32
    %dma_wait3A_794 = arith.constant 0 : i32
    %dma_wait3A_795 = tpu.memref_slice %arg3[%dma_wait3A_793, %dma_wait3A_794] : memref<1000000x64xf32, #tpu.memory_space<hbm>> -> memref<128x64xf32, #tpu.memory_space<hbm>>
    %dma_wait3A_796 = arith.constant 0 : i32
    %dma_wait3A_797 = arith.constant 0 : i32
    %dma_wait3A_798 = tpu.memref_slice %arg9[%dma_wait3A_788, %dma_wait3A_796, %dma_wait3A_797] : memref<4x128x64xf32, #tpu.memory_space<vmem>> -> memref<1x128x64xf32, #tpu.memory_space<vmem>>
    %dma_wait3A_799 = tpu.memref_squeeze %dma_wait3A_798 : memref<1x128x64xf32, #tpu.memory_space<vmem>> -> memref<128x64xf32, #tpu.memory_space<vmem>>
    %dma_wait3A_800 = arith.constant 0 : i32
    %dma_wait3A_801 = arith.constant 0 : i32
    %dma_wait3A_802 = tpu.memref_slice %arg3[%dma_wait3A_800, %dma_wait3A_801] : memref<1000000x64xf32, #tpu.memory_space<hbm>> -> memref<128x64xf32, #tpu.memory_space<hbm>>
    tpu.wait_dma2 semaphore(%arg10 : memref<!tpu.dma_semaphore, #tpu.memory_space<semaphore_mem>>) src(%dma_wait3A_802 : memref<128x64xf32, #tpu.memory_space<hbm>>) dst(%dma_wait3A_799 : memref<128x64xf32, #tpu.memory_space<vmem>>)
    %dma_wait3A_803 = arith.constant 2 : i32
    %dma_wait3A_804 = arith.constant 0 : i32
    %dma_wait3A_805 = arith.constant 0 : i32
    %dma_wait3A_806 = arith.constant 0 : i32
    %dma_wait3A_807 = tpu.memref_slice %arg9[%dma_wait3A_803, %dma_wait3A_805, %dma_wait3A_806] : memref<4x128x64xf32, #tpu.memory_space<vmem>> -> memref<1x128x64xf32, #tpu.memory_space<vmem>>
    %dma_wait3A_808 = tpu.memref_squeeze %dma_wait3A_807 : memref<1x128x64xf32, #tpu.memory_space<vmem>> -> memref<128x64xf32, #tpu.memory_space<vmem>>
    %dma_wait3A_809 = arith.constant 0 : i32
    %dma_wait3A_810 = tpu.memref_slice %arg5[%dma_wait3A_804, %mul3A_2, %dma_wait3A_809] : memref<200x4096x64xf32, #tpu.memory_space<hbm>> -> memref<1x128x64xf32, #tpu.memory_space<hbm>>
    %dma_wait3A_811 = tpu.memref_squeeze %dma_wait3A_810 : memref<1x128x64xf32, #tpu.memory_space<hbm>> -> memref<128x64xf32, #tpu.memory_space<hbm>>
    %dma_wait3A_812 = arith.constant 0 : i32
    %dma_wait3A_813 = tpu.memref_slice %arg5[%dma_wait3A_804, %mul3A_2, %dma_wait3A_812] : memref<200x4096x64xf32, #tpu.memory_space<hbm>> -> memref<1x128x64xf32, #tpu.memory_space<hbm>>
    %dma_wait3A_814 = tpu.memref_squeeze %dma_wait3A_813 : memref<1x128x64xf32, #tpu.memory_space<hbm>> -> memref<128x64xf32, #tpu.memory_space<hbm>>
    %dma_wait3A_815 = arith.constant 0 : i32
    %dma_wait3A_816 = arith.constant 0 : i32
    %dma_wait3A_817 = tpu.memref_slice %arg9[%dma_wait3A_803, %dma_wait3A_815, %dma_wait3A_816] : memref<4x128x64xf32, #tpu.memory_space<vmem>> -> memref<1x128x64xf32, #tpu.memory_space<vmem>>
    %dma_wait3A_818 = tpu.memref_squeeze %dma_wait3A_817 : memref<1x128x64xf32, #tpu.memory_space<vmem>> -> memref<128x64xf32, #tpu.memory_space<vmem>>
    tpu.wait_dma2 semaphore(%arg11 : memref<!tpu.dma_semaphore, #tpu.memory_space<semaphore_mem>>) src(%dma_wait3A_818 : memref<128x64xf32, #tpu.memory_space<vmem>>) dst(%dma_wait3A_814 : memref<128x64xf32, #tpu.memory_space<hbm>>)
    %get3A_819 = arith.constant 6 : i32
    %get3A_820 = arith.index_cast %get3A_819 : i32 to index
    %get3A_821 = arith.constant 0 : index
    %get3A_822 = tpu.vector_load %arg6[%get3A_820, %get3A_821] {strides = array<i32>} : memref<200x128xf32, #tpu.memory_space<vmem>>, vector<1x16xf32>,
    %get3A_823 = vector.shape_cast %get3A_822 : vector<1x16xf32> to vector<16xf32>
    %bitcast_convert_type3A_824 = tpu.bitcast %get3A_823 : vector<16xf32> -> vector<16xi32>
    %swap3A_825 = arith.constant 2 : i32
    %swap3A_826 = arith.index_cast %swap3A_825 : i32 to index
    %swap3A_827 = arith.constant 0 : index
    %swap3A_828 = tpu.vector_load %arg7[%swap3A_826, %swap3A_827] {strides = array<i32>} : memref<4x128xi32, #tpu.memory_space<vmem>>, vector<1x16xi32>,
    %swap3A_829 = vector.shape_cast %swap3A_828 : vector<1x16xi32> to vector<16xi32>
    %swap3A_830 = vector.shape_cast %bitcast_convert_type3A_824 : vector<16xi32> to vector<1x16xi32>
    tpu.vector_store %arg7[%swap3A_826, %swap3A_827], %swap3A_830 {strides = array<i32>} : memref<4x128xi32, #tpu.memory_space<vmem>>, vector<1x16xi32>,
    %get3A_831 = arith.constant 6 : i32
    %get3A_832 = arith.index_cast %get3A_831 : i32 to index
    %get3A_833 = arith.constant 16 : index
    %get3A_834 = tpu.vector_load %arg6[%get3A_832, %get3A_833] {strides = array<i32>} : memref<200x128xf32, #tpu.memory_space<vmem>>, vector<1x16xf32>,
    %get3A_835 = vector.shape_cast %get3A_834 : vector<1x16xf32> to vector<16xf32>
    %bitcast_convert_type3A_836 = tpu.bitcast %get3A_835 : vector<16xf32> -> vector<16xi32>
    %swap3A_837 = arith.constant 2 : i32
    %swap3A_838 = arith.index_cast %swap3A_837 : i32 to index
    %swap3A_839 = arith.constant 16 : index
    %swap3A_840 = tpu.vector_load %arg7[%swap3A_838, %swap3A_839] {strides = array<i32>} : memref<4x128xi32, #tpu.memory_space<vmem>>, vector<1x16xi32>,
    %swap3A_841 = vector.shape_cast %swap3A_840 : vector<1x16xi32> to vector<16xi32>
    %swap3A_842 = vector.shape_cast %bitcast_convert_type3A_836 : vector<16xi32> to vector<1x16xi32>
    tpu.vector_store %arg7[%swap3A_838, %swap3A_839], %swap3A_842 {strides = array<i32>} : memref<4x128xi32, #tpu.memory_space<vmem>>, vector<1x16xi32>,
    %get3A_843 = arith.constant 6 : i32
    %get3A_844 = arith.index_cast %get3A_843 : i32 to index
    %get3A_845 = arith.constant 32 : index
    %get3A_846 = tpu.vector_load %arg6[%get3A_844, %get3A_845] {strides = array<i32>} : memref<200x128xf32, #tpu.memory_space<vmem>>, vector<1x16xf32>,
    %get3A_847 = vector.shape_cast %get3A_846 : vector<1x16xf32> to vector<16xf32>
    %bitcast_convert_type3A_848 = tpu.bitcast %get3A_847 : vector<16xf32> -> vector<16xi32>
    %swap3A_849 = arith.constant 2 : i32
    %swap3A_850 = arith.index_cast %swap3A_849 : i32 to index
    %swap3A_851 = arith.constant 32 : index
    %swap3A_852 = tpu.vector_load %arg7[%swap3A_850, %swap3A_851] {strides = array<i32>} : memref<4x128xi32, #tpu.memory_space<vmem>>, vector<1x16xi32>,
    %swap3A_853 = vector.shape_cast %swap3A_852 : vector<1x16xi32> to vector<16xi32>
    %swap3A_854 = vector.shape_cast %bitcast_convert_type3A_848 : vector<16xi32> to vector<1x16xi32>
    tpu.vector_store %arg7[%swap3A_850, %swap3A_851], %swap3A_854 {strides = array<i32>} : memref<4x128xi32, #tpu.memory_space<vmem>>, vector<1x16xi32>,
    %get3A_855 = arith.constant 6 : i32
    %get3A_856 = arith.index_cast %get3A_855 : i32 to index
    %get3A_857 = arith.constant 48 : index
    %get3A_858 = tpu.vector_load %arg6[%get3A_856, %get3A_857] {strides = array<i32>} : memref<200x128xf32, #tpu.memory_space<vmem>>, vector<1x16xf32>,
    %get3A_859 = vector.shape_cast %get3A_858 : vector<1x16xf32> to vector<16xf32>
    %bitcast_convert_type3A_860 = tpu.bitcast %get3A_859 : vector<16xf32> -> vector<16xi32>
    %swap3A_861 = arith.constant 2 : i32
    %swap3A_862 = arith.index_cast %swap3A_861 : i32 to index
    %swap3A_863 = arith.constant 48 : index
    %swap3A_864 = tpu.vector_load %arg7[%swap3A_862, %swap3A_863] {strides = array<i32>} : memref<4x128xi32, #tpu.memory_space<vmem>>, vector<1x16xi32>,
    %swap3A_865 = vector.shape_cast %swap3A_864 : vector<1x16xi32> to vector<16xi32>
    %swap3A_866 = vector.shape_cast %bitcast_convert_type3A_860 : vector<16xi32> to vector<1x16xi32>
    tpu.vector_store %arg7[%swap3A_862, %swap3A_863], %swap3A_866 {strides = array<i32>} : memref<4x128xi32, #tpu.memory_space<vmem>>, vector<1x16xi32>,
    %get3A_867 = arith.constant 6 : i32
    %get3A_868 = arith.index_cast %get3A_867 : i32 to index
    %get3A_869 = arith.constant 64 : index
    %get3A_870 = tpu.vector_load %arg6[%get3A_868, %get3A_869] {strides = array<i32>} : memref<200x128xf32, #tpu.memory_space<vmem>>, vector<1x16xf32>,
    %get3A_871 = vector.shape_cast %get3A_870 : vector<1x16xf32> to vector<16xf32>
    %bitcast_convert_type3A_872 = tpu.bitcast %get3A_871 : vector<16xf32> -> vector<16xi32>
    %swap3A_873 = arith.constant 2 : i32
    %swap3A_874 = arith.index_cast %swap3A_873 : i32 to index
    %swap3A_875 = arith.constant 64 : index
    %swap3A_876 = tpu.vector_load %arg7[%swap3A_874, %swap3A_875] {strides = array<i32>} : memref<4x128xi32, #tpu.memory_space<vmem>>, vector<1x16xi32>,
    %swap3A_877 = vector.shape_cast %swap3A_876 : vector<1x16xi32> to vector<16xi32>
    %swap3A_878 = vector.shape_cast %bitcast_convert_type3A_872 : vector<16xi32> to vector<1x16xi32>
    tpu.vector_store %arg7[%swap3A_874, %swap3A_875], %swap3A_878 {strides = array<i32>} : memref<4x128xi32, #tpu.memory_space<vmem>>, vector<1x16xi32>,
    %get3A_879 = arith.constant 6 : i32
    %get3A_880 = arith.index_cast %get3A_879 : i32 to index
    %get3A_881 = arith.constant 80 : index
    %get3A_882 = tpu.vector_load %arg6[%get3A_880, %get3A_881] {strides = array<i32>} : memref<200x128xf32, #tpu.memory_space<vmem>>, vector<1x16xf32>,
    %get3A_883 = vector.shape_cast %get3A_882 : vector<1x16xf32> to vector<16xf32>
    %bitcast_convert_type3A_884 = tpu.bitcast %get3A_883 : vector<16xf32> -> vector<16xi32>
    %swap3A_885 = arith.constant 2 : i32
    %swap3A_886 = arith.index_cast %swap3A_885 : i32 to index
    %swap3A_887 = arith.constant 80 : index
    %swap3A_888 = tpu.vector_load %arg7[%swap3A_886, %swap3A_887] {strides = array<i32>} : memref<4x128xi32, #tpu.memory_space<vmem>>, vector<1x16xi32>,
    %swap3A_889 = vector.shape_cast %swap3A_888 : vector<1x16xi32> to vector<16xi32>
    %swap3A_890 = vector.shape_cast %bitcast_convert_type3A_884 : vector<16xi32> to vector<1x16xi32>
    tpu.vector_store %arg7[%swap3A_886, %swap3A_887], %swap3A_890 {strides = array<i32>} : memref<4x128xi32, #tpu.memory_space<vmem>>, vector<1x16xi32>,
    %get3A_891 = arith.constant 6 : i32
    %get3A_892 = arith.index_cast %get3A_891 : i32 to index
    %get3A_893 = arith.constant 96 : index
    %get3A_894 = tpu.vector_load %arg6[%get3A_892, %get3A_893] {strides = array<i32>} : memref<200x128xf32, #tpu.memory_space<vmem>>, vector<1x16xf32>,
    %get3A_895 = vector.shape_cast %get3A_894 : vector<1x16xf32> to vector<16xf32>
    %bitcast_convert_type3A_896 = tpu.bitcast %get3A_895 : vector<16xf32> -> vector<16xi32>
    %swap3A_897 = arith.constant 2 : i32
    %swap3A_898 = arith.index_cast %swap3A_897 : i32 to index
    %swap3A_899 = arith.constant 96 : index
    %swap3A_900 = tpu.vector_load %arg7[%swap3A_898, %swap3A_899] {strides = array<i32>} : memref<4x128xi32, #tpu.memory_space<vmem>>, vector<1x16xi32>,
    %swap3A_901 = vector.shape_cast %swap3A_900 : vector<1x16xi32> to vector<16xi32>
    %swap3A_902 = vector.shape_cast %bitcast_convert_type3A_896 : vector<16xi32> to vector<1x16xi32>
    tpu.vector_store %arg7[%swap3A_898, %swap3A_899], %swap3A_902 {strides = array<i32>} : memref<4x128xi32, #tpu.memory_space<vmem>>, vector<1x16xi32>,
    %get3A_903 = arith.constant 6 : i32
    %get3A_904 = arith.index_cast %get3A_903 : i32 to index
    %get3A_905 = arith.constant 112 : index
    %get3A_906 = tpu.vector_load %arg6[%get3A_904, %get3A_905] {strides = array<i32>} : memref<200x128xf32, #tpu.memory_space<vmem>>, vector<1x16xf32>,
    %get3A_907 = vector.shape_cast %get3A_906 : vector<1x16xf32> to vector<16xf32>
    %bitcast_convert_type3A_908 = tpu.bitcast %get3A_907 : vector<16xf32> -> vector<16xi32>
    %swap3A_909 = arith.constant 2 : i32
    %swap3A_910 = arith.index_cast %swap3A_909 : i32 to index
    %swap3A_911 = arith.constant 112 : index
    %swap3A_912 = tpu.vector_load %arg7[%swap3A_910, %swap3A_911] {strides = array<i32>} : memref<4x128xi32, #tpu.memory_space<vmem>>, vector<1x16xi32>,
    %swap3A_913 = vector.shape_cast %swap3A_912 : vector<1x16xi32> to vector<16xi32>
    %swap3A_914 = vector.shape_cast %bitcast_convert_type3A_908 : vector<16xi32> to vector<1x16xi32>
    tpu.vector_store %arg7[%swap3A_910, %swap3A_911], %swap3A_914 {strides = array<i32>} : memref<4x128xi32, #tpu.memory_space<vmem>>, vector<1x16xi32>,
    %dma_start3A_915 = arith.constant 2 : i32
    %dma_start3A_916 = arith.constant 2 : i32
    %dma_start3A_917 = arith.constant 0 : i32
    %dma_start3A_918 = arith.constant 0 : i32
    %dma_start3A_919 = tpu.memref_slice %arg9[%dma_start3A_916, %dma_start3A_917, %dma_start3A_918] : memref<4x128x64xf32, #tpu.memory_space<vmem>> -> memref<1x128x64xf32, #tpu.memory_space<vmem>>
    %dma_start3A_920 = tpu.memref_squeeze %dma_start3A_919 : memref<1x128x64xf32, #tpu.memory_space<vmem>> -> memref<128x64xf32, #tpu.memory_space<vmem>>
    %dma_start3A_921 = arith.constant 0 : i32
    %dma_start3A_922 = tpu.memref_slice %arg7[%dma_start3A_915, %dma_start3A_921] : memref<4x128xi32, #tpu.memory_space<vmem>> -> memref<1x128xi32, #tpu.memory_space<vmem>>
    %dma_start3A_923 = tpu.memref_squeeze %dma_start3A_922 : memref<1x128xi32, #tpu.memory_space<vmem>> -> memref<128xi32, #tpu.memory_space<vmem>>
    %dma_start3A_924 = arith.constant 0 : i32
    %dma_start3A_925 = arith.constant 0 : i32
    %dma_start3A_926 = tpu.memref_slice %arg3[%dma_start3A_924, %dma_start3A_925] : memref<1000000x64xf32, #tpu.memory_space<hbm>> -> memref<1000000x64xf32, #tpu.memory_space<hbm>>
    tpu.enqueue_indirect_dma source(%dma_start3A_926 : memref<1000000x64xf32, #tpu.memory_space<hbm>>) target(%dma_start3A_920 : memref<128x64xf32, #tpu.memory_space<vmem>>) offsets(%dma_start3A_923 : memref<128xi32, #tpu.memory_space<vmem>>) semaphore(%arg10 : memref<!tpu.dma_semaphore, #tpu.memory_space<semaphore_mem>>)
    %scan3A_927 = arith.constant 0 : i32
    %scan3A_928 = arith.constant 0 : i32
    %scan3A_929 = arith.constant 128 : i32
    %scan3A_930 = arith.addi %scan3A_928, %scan3A_929 : i32
    %scan3A_931 = arith.constant 1 : i32
    scf.for %scan3A_1291 = %scan3A_928 to %scan3A_930 step %scan3A_931  : i32 {
      %get3A_1292 = arith.constant 3 : i32
      %get3A_1293 = arith.index_cast %get3A_1292 : i32 to index
      %get3A_1294 = arith.constant 0 : index
      %get3A_1295 = tpu.vector_load %arg8[%get3A_1293, %get3A_1294] {strides = array<i32>} : memref<200x64xf32, #tpu.memory_space<vmem>>, vector<1x16xf32>,
      %get3A_1296 = vector.shape_cast %get3A_1295 : vector<1x16xf32> to vector<16xf32>
      %swap3A_1297 = arith.constant 3 : i32
      %swap3A_1298 = arith.index_cast %swap3A_1297 : i32 to index
      %swap3A_1299 = arith.index_cast %scan3A_1291 : i32 to index
      %swap3A_1300 = arith.constant 0 : index
      %swap3A_1301 = tpu.vector_load %arg9[%swap3A_1298, %swap3A_1299, %swap3A_1300] {strides = array<i32>} : memref<4x128x64xf32, #tpu.memory_space<vmem>>, vector<1x1x16xf32>,
      %swap3A_1302 = vector.shape_cast %swap3A_1301 : vector<1x1x16xf32> to vector<16xf32>
      %swap3A_1303 = vector.shape_cast %get3A_1296 : vector<16xf32> to vector<1x1x16xf32>
      tpu.vector_store %arg9[%swap3A_1298, %swap3A_1299, %swap3A_1300], %swap3A_1303 {add = true, strides = array<i32>} : memref<4x128x64xf32, #tpu.memory_space<vmem>>, vector<1x1x16xf32>,
      %get3A_1304 = arith.constant 3 : i32
      %get3A_1305 = arith.index_cast %get3A_1304 : i32 to index
      %get3A_1306 = arith.constant 16 : index
      %get3A_1307 = tpu.vector_load %arg8[%get3A_1305, %get3A_1306] {strides = array<i32>} : memref<200x64xf32, #tpu.memory_space<vmem>>, vector<1x16xf32>,
      %get3A_1308 = vector.shape_cast %get3A_1307 : vector<1x16xf32> to vector<16xf32>
      %swap3A_1309 = arith.constant 3 : i32
      %swap3A_1310 = arith.index_cast %swap3A_1309 : i32 to index
      %swap3A_1311 = arith.index_cast %scan3A_1291 : i32 to index
      %swap3A_1312 = arith.constant 16 : index
      %swap3A_1313 = tpu.vector_load %arg9[%swap3A_1310, %swap3A_1311, %swap3A_1312] {strides = array<i32>} : memref<4x128x64xf32, #tpu.memory_space<vmem>>, vector<1x1x16xf32>,
      %swap3A_1314 = vector.shape_cast %swap3A_1313 : vector<1x1x16xf32> to vector<16xf32>
      %swap3A_1315 = vector.shape_cast %get3A_1308 : vector<16xf32> to vector<1x1x16xf32>
      tpu.vector_store %arg9[%swap3A_1310, %swap3A_1311, %swap3A_1312], %swap3A_1315 {add = true, strides = array<i32>} : memref<4x128x64xf32, #tpu.memory_space<vmem>>, vector<1x1x16xf32>,
      %get3A_1316 = arith.constant 3 : i32
      %get3A_1317 = arith.index_cast %get3A_1316 : i32 to index
      %get3A_1318 = arith.constant 32 : index
      %get3A_1319 = tpu.vector_load %arg8[%get3A_1317, %get3A_1318] {strides = array<i32>} : memref<200x64xf32, #tpu.memory_space<vmem>>, vector<1x16xf32>,
      %get3A_1320 = vector.shape_cast %get3A_1319 : vector<1x16xf32> to vector<16xf32>
      %swap3A_1321 = arith.constant 3 : i32
      %swap3A_1322 = arith.index_cast %swap3A_1321 : i32 to index
      %swap3A_1323 = arith.index_cast %scan3A_1291 : i32 to index
      %swap3A_1324 = arith.constant 32 : index
      %swap3A_1325 = tpu.vector_load %arg9[%swap3A_1322, %swap3A_1323, %swap3A_1324] {strides = array<i32>} : memref<4x128x64xf32, #tpu.memory_space<vmem>>, vector<1x1x16xf32>,
      %swap3A_1326 = vector.shape_cast %swap3A_1325 : vector<1x1x16xf32> to vector<16xf32>
      %swap3A_1327 = vector.shape_cast %get3A_1320 : vector<16xf32> to vector<1x1x16xf32>
      tpu.vector_store %arg9[%swap3A_1322, %swap3A_1323, %swap3A_1324], %swap3A_1327 {add = true, strides = array<i32>} : memref<4x128x64xf32, #tpu.memory_space<vmem>>, vector<1x1x16xf32>,
      %get3A_1328 = arith.constant 3 : i32
      %get3A_1329 = arith.index_cast %get3A_1328 : i32 to index
      %get3A_1330 = arith.constant 48 : index
      %get3A_1331 = tpu.vector_load %arg8[%get3A_1329, %get3A_1330] {strides = array<i32>} : memref<200x64xf32, #tpu.memory_space<vmem>>, vector<1x16xf32>,
      %get3A_1332 = vector.shape_cast %get3A_1331 : vector<1x16xf32> to vector<16xf32>
      %swap3A_1333 = arith.constant 3 : i32
      %swap3A_1334 = arith.index_cast %swap3A_1333 : i32 to index
      %swap3A_1335 = arith.index_cast %scan3A_1291 : i32 to index
      %swap3A_1336 = arith.constant 48 : index
      %swap3A_1337 = tpu.vector_load %arg9[%swap3A_1334, %swap3A_1335, %swap3A_1336] {strides = array<i32>} : memref<4x128x64xf32, #tpu.memory_space<vmem>>, vector<1x1x16xf32>,
      %swap3A_1338 = vector.shape_cast %swap3A_1337 : vector<1x1x16xf32> to vector<16xf32>
      %swap3A_1339 = vector.shape_cast %get3A_1332 : vector<16xf32> to vector<1x1x16xf32>
      tpu.vector_store %arg9[%swap3A_1334, %swap3A_1335, %swap3A_1336], %swap3A_1339 {add = true, strides = array<i32>} : memref<4x128x64xf32, #tpu.memory_space<vmem>>, vector<1x1x16xf32>,
    }
    %scan3A_932 = arith.constant 128 : i32
    %dma_start3A_933 = arith.constant 3 : i32
    %dma_start3A_934 = arith.constant 3 : i32
    %dma_start3A_935 = arith.constant 0 : i32
    %dma_start3A_936 = arith.constant 0 : i32
    %dma_start3A_937 = tpu.memref_slice %arg9[%dma_start3A_933, %dma_start3A_935, %dma_start3A_936] : memref<4x128x64xf32, #tpu.memory_space<vmem>> -> memref<1x128x64xf32, #tpu.memory_space<vmem>>
    %dma_start3A_938 = tpu.memref_squeeze %dma_start3A_937 : memref<1x128x64xf32, #tpu.memory_space<vmem>> -> memref<128x64xf32, #tpu.memory_space<vmem>>
    %dma_start3A_939 = arith.constant 0 : i32
    %dma_start3A_940 = tpu.memref_slice %arg5[%dma_start3A_934, %mul3A_2, %dma_start3A_939] : memref<200x4096x64xf32, #tpu.memory_space<hbm>> -> memref<1x128x64xf32, #tpu.memory_space<hbm>>
    %dma_start3A_941 = tpu.memref_squeeze %dma_start3A_940 : memref<1x128x64xf32, #tpu.memory_space<hbm>> -> memref<128x64xf32, #tpu.memory_space<hbm>>
    %dma_start3A_942 = arith.constant 0 : i32
    %dma_start3A_943 = tpu.memref_slice %arg5[%dma_start3A_934, %mul3A_2, %dma_start3A_942] : memref<200x4096x64xf32, #tpu.memory_space<hbm>> -> memref<1x128x64xf32, #tpu.memory_space<hbm>>
    %dma_start3A_944 = tpu.memref_squeeze %dma_start3A_943 : memref<1x128x64xf32, #tpu.memory_space<hbm>> -> memref<128x64xf32, #tpu.memory_space<hbm>>
    %dma_start3A_945 = arith.constant 0 : i32
    %dma_start3A_946 = arith.constant 0 : i32
    %dma_start3A_947 = tpu.memref_slice %arg9[%dma_start3A_933, %dma_start3A_945, %dma_start3A_946] : memref<4x128x64xf32, #tpu.memory_space<vmem>> -> memref<1x128x64xf32, #tpu.memory_space<vmem>>
    %dma_start3A_948 = tpu.memref_squeeze %dma_start3A_947 : memref<1x128x64xf32, #tpu.memory_space<vmem>> -> memref<128x64xf32, #tpu.memory_space<vmem>>
    tpu.enqueue_dma source(%dma_start3A_948 : memref<128x64xf32, #tpu.memory_space<vmem>>) target(%dma_start3A_944 : memref<128x64xf32, #tpu.memory_space<hbm>>) target_semaphore(%arg11 : memref<!tpu.dma_semaphore, #tpu.memory_space<semaphore_mem>>)
    %scan3A_949 = arith.constant 0 : i32
    %scan3A_950 = arith.constant 1 : i32
    %scan3A_951 = arith.constant 48 : i32
    %scan3A_952 = arith.addi %scan3A_950, %scan3A_951 : i32
    %scan3A_953 = arith.constant 1 : i32
    scf.for %scan3A_1291 = %scan3A_950 to %scan3A_952 step %scan3A_953  : i32 {
      %mul3A_1292 = arith.constant 4 : i32
      %mul3A_1293 = arith.muli %scan3A_1291, %mul3A_1292 : i32
      %add3A_1294 = arith.constant 0 : i32
      %add3A_1295 = arith.addi %mul3A_1293, %add3A_1294 : i32
      %dma_wait3A_1296 = arith.constant 0 : i32
      %dma_wait3A_1297 = arith.constant 0 : i32
      %dma_wait3A_1298 = arith.constant 0 : i32
      %dma_wait3A_1299 = tpu.memref_slice %arg9[%dma_wait3A_1296, %dma_wait3A_1297, %dma_wait3A_1298] : memref<4x128x64xf32, #tpu.memory_space<vmem>> -> memref<1x128x64xf32, #tpu.memory_space<vmem>>
      %dma_wait3A_1300 = tpu.memref_squeeze %dma_wait3A_1299 : memref<1x128x64xf32, #tpu.memory_space<vmem>> -> memref<128x64xf32, #tpu.memory_space<vmem>>
      %dma_wait3A_1301 = arith.constant 0 : i32
      %dma_wait3A_1302 = arith.constant 0 : i32
      %dma_wait3A_1303 = tpu.memref_slice %arg3[%dma_wait3A_1301, %dma_wait3A_1302] : memref<1000000x64xf32, #tpu.memory_space<hbm>> -> memref<128x64xf32, #tpu.memory_space<hbm>>
      %dma_wait3A_1304 = arith.constant 0 : i32
      %dma_wait3A_1305 = arith.constant 0 : i32
      %dma_wait3A_1306 = tpu.memref_slice %arg9[%dma_wait3A_1296, %dma_wait3A_1304, %dma_wait3A_1305] : memref<4x128x64xf32, #tpu.memory_space<vmem>> -> memref<1x128x64xf32, #tpu.memory_space<vmem>>
      %dma_wait3A_1307 = tpu.memref_squeeze %dma_wait3A_1306 : memref<1x128x64xf32, #tpu.memory_space<vmem>> -> memref<128x64xf32, #tpu.memory_space<vmem>>
      %dma_wait3A_1308 = arith.constant 0 : i32
      %dma_wait3A_1309 = arith.constant 0 : i32
      %dma_wait3A_1310 = tpu.memref_slice %arg3[%dma_wait3A_1308, %dma_wait3A_1309] : memref<1000000x64xf32, #tpu.memory_space<hbm>> -> memref<128x64xf32, #tpu.memory_space<hbm>>
      tpu.wait_dma2 semaphore(%arg10 : memref<!tpu.dma_semaphore, #tpu.memory_space<semaphore_mem>>) src(%dma_wait3A_1310 : memref<128x64xf32, #tpu.memory_space<hbm>>) dst(%dma_wait3A_1307 : memref<128x64xf32, #tpu.memory_space<vmem>>)
      %dma_wait3A_1311 = arith.constant 3 : i32
      %dma_wait3A_1312 = arith.constant 0 : i32
      %dma_wait3A_1313 = arith.constant 0 : i32
      %dma_wait3A_1314 = arith.constant 0 : i32
      %dma_wait3A_1315 = tpu.memref_slice %arg9[%dma_wait3A_1311, %dma_wait3A_1313, %dma_wait3A_1314] : memref<4x128x64xf32, #tpu.memory_space<vmem>> -> memref<1x128x64xf32, #tpu.memory_space<vmem>>
      %dma_wait3A_1316 = tpu.memref_squeeze %dma_wait3A_1315 : memref<1x128x64xf32, #tpu.memory_space<vmem>> -> memref<128x64xf32, #tpu.memory_space<vmem>>
      %dma_wait3A_1317 = arith.constant 0 : i32
      %dma_wait3A_1318 = tpu.memref_slice %arg5[%dma_wait3A_1312, %mul3A_2, %dma_wait3A_1317] : memref<200x4096x64xf32, #tpu.memory_space<hbm>> -> memref<1x128x64xf32, #tpu.memory_space<hbm>>
      %dma_wait3A_1319 = tpu.memref_squeeze %dma_wait3A_1318 : memref<1x128x64xf32, #tpu.memory_space<hbm>> -> memref<128x64xf32, #tpu.memory_space<hbm>>
      %dma_wait3A_1320 = arith.constant 0 : i32
      %dma_wait3A_1321 = tpu.memref_slice %arg5[%dma_wait3A_1312, %mul3A_2, %dma_wait3A_1320] : memref<200x4096x64xf32, #tpu.memory_space<hbm>> -> memref<1x128x64xf32, #tpu.memory_space<hbm>>
      %dma_wait3A_1322 = tpu.memref_squeeze %dma_wait3A_1321 : memref<1x128x64xf32, #tpu.memory_space<hbm>> -> memref<128x64xf32, #tpu.memory_space<hbm>>
      %dma_wait3A_1323 = arith.constant 0 : i32
      %dma_wait3A_1324 = arith.constant 0 : i32
      %dma_wait3A_1325 = tpu.memref_slice %arg9[%dma_wait3A_1311, %dma_wait3A_1323, %dma_wait3A_1324] : memref<4x128x64xf32, #tpu.memory_space<vmem>> -> memref<1x128x64xf32, #tpu.memory_space<vmem>>
      %dma_wait3A_1326 = tpu.memref_squeeze %dma_wait3A_1325 : memref<1x128x64xf32, #tpu.memory_space<vmem>> -> memref<128x64xf32, #tpu.memory_space<vmem>>
      tpu.wait_dma2 semaphore(%arg11 : memref<!tpu.dma_semaphore, #tpu.memory_space<semaphore_mem>>) src(%dma_wait3A_1326 : memref<128x64xf32, #tpu.memory_space<vmem>>) dst(%dma_wait3A_1322 : memref<128x64xf32, #tpu.memory_space<hbm>>)
      %add3A_1327 = arith.constant 3 : i32
      %add3A_1328 = arith.addi %add3A_1295, %add3A_1327 : i32
      %get3A_1329 = arith.index_cast %add3A_1328 : i32 to index
      %get3A_1330 = arith.constant 0 : index
      %get3A_1331 = tpu.vector_load %arg6[%get3A_1329, %get3A_1330] {strides = array<i32>} : memref<200x128xf32, #tpu.memory_space<vmem>>, vector<1x16xf32>,
      %get3A_1332 = vector.shape_cast %get3A_1331 : vector<1x16xf32> to vector<16xf32>
      %bitcast_convert_type3A_1333 = tpu.bitcast %get3A_1332 : vector<16xf32> -> vector<16xi32>
      %swap3A_1334 = arith.constant 3 : i32
      %swap3A_1335 = arith.index_cast %swap3A_1334 : i32 to index
      %swap3A_1336 = arith.constant 0 : index
      %swap3A_1337 = tpu.vector_load %arg7[%swap3A_1335, %swap3A_1336] {strides = array<i32>} : memref<4x128xi32, #tpu.memory_space<vmem>>, vector<1x16xi32>,
      %swap3A_1338 = vector.shape_cast %swap3A_1337 : vector<1x16xi32> to vector<16xi32>
      %swap3A_1339 = vector.shape_cast %bitcast_convert_type3A_1333 : vector<16xi32> to vector<1x16xi32>
      tpu.vector_store %arg7[%swap3A_1335, %swap3A_1336], %swap3A_1339 {strides = array<i32>} : memref<4x128xi32, #tpu.memory_space<vmem>>, vector<1x16xi32>,
      %get3A_1340 = arith.index_cast %add3A_1328 : i32 to index
      %get3A_1341 = arith.constant 16 : index
      %get3A_1342 = tpu.vector_load %arg6[%get3A_1340, %get3A_1341] {strides = array<i32>} : memref<200x128xf32, #tpu.memory_space<vmem>>, vector<1x16xf32>,
      %get3A_1343 = vector.shape_cast %get3A_1342 : vector<1x16xf32> to vector<16xf32>
      %bitcast_convert_type3A_1344 = tpu.bitcast %get3A_1343 : vector<16xf32> -> vector<16xi32>
      %swap3A_1345 = arith.constant 3 : i32
      %swap3A_1346 = arith.index_cast %swap3A_1345 : i32 to index
      %swap3A_1347 = arith.constant 16 : index
      %swap3A_1348 = tpu.vector_load %arg7[%swap3A_1346, %swap3A_1347] {strides = array<i32>} : memref<4x128xi32, #tpu.memory_space<vmem>>, vector<1x16xi32>,
      %swap3A_1349 = vector.shape_cast %swap3A_1348 : vector<1x16xi32> to vector<16xi32>
      %swap3A_1350 = vector.shape_cast %bitcast_convert_type3A_1344 : vector<16xi32> to vector<1x16xi32>
      tpu.vector_store %arg7[%swap3A_1346, %swap3A_1347], %swap3A_1350 {strides = array<i32>} : memref<4x128xi32, #tpu.memory_space<vmem>>, vector<1x16xi32>,
      %get3A_1351 = arith.index_cast %add3A_1328 : i32 to index
      %get3A_1352 = arith.constant 32 : index
      %get3A_1353 = tpu.vector_load %arg6[%get3A_1351, %get3A_1352] {strides = array<i32>} : memref<200x128xf32, #tpu.memory_space<vmem>>, vector<1x16xf32>,
      %get3A_1354 = vector.shape_cast %get3A_1353 : vector<1x16xf32> to vector<16xf32>
      %bitcast_convert_type3A_1355 = tpu.bitcast %get3A_1354 : vector<16xf32> -> vector<16xi32>
      %swap3A_1356 = arith.constant 3 : i32
      %swap3A_1357 = arith.index_cast %swap3A_1356 : i32 to index
      %swap3A_1358 = arith.constant 32 : index
      %swap3A_1359 = tpu.vector_load %arg7[%swap3A_1357, %swap3A_1358] {strides = array<i32>} : memref<4x128xi32, #tpu.memory_space<vmem>>, vector<1x16xi32>,
      %swap3A_1360 = vector.shape_cast %swap3A_1359 : vector<1x16xi32> to vector<16xi32>
      %swap3A_1361 = vector.shape_cast %bitcast_convert_type3A_1355 : vector<16xi32> to vector<1x16xi32>
      tpu.vector_store %arg7[%swap3A_1357, %swap3A_1358], %swap3A_1361 {strides = array<i32>} : memref<4x128xi32, #tpu.memory_space<vmem>>, vector<1x16xi32>,
      %get3A_1362 = arith.index_cast %add3A_1328 : i32 to index
      %get3A_1363 = arith.constant 48 : index
      %get3A_1364 = tpu.vector_load %arg6[%get3A_1362, %get3A_1363] {strides = array<i32>} : memref<200x128xf32, #tpu.memory_space<vmem>>, vector<1x16xf32>,
      %get3A_1365 = vector.shape_cast %get3A_1364 : vector<1x16xf32> to vector<16xf32>
      %bitcast_convert_type3A_1366 = tpu.bitcast %get3A_1365 : vector<16xf32> -> vector<16xi32>
      %swap3A_1367 = arith.constant 3 : i32
      %swap3A_1368 = arith.index_cast %swap3A_1367 : i32 to index
      %swap3A_1369 = arith.constant 48 : index
      %swap3A_1370 = tpu.vector_load %arg7[%swap3A_1368, %swap3A_1369] {strides = array<i32>} : memref<4x128xi32, #tpu.memory_space<vmem>>, vector<1x16xi32>,
      %swap3A_1371 = vector.shape_cast %swap3A_1370 : vector<1x16xi32> to vector<16xi32>
      %swap3A_1372 = vector.shape_cast %bitcast_convert_type3A_1366 : vector<16xi32> to vector<1x16xi32>
      tpu.vector_store %arg7[%swap3A_1368, %swap3A_1369], %swap3A_1372 {strides = array<i32>} : memref<4x128xi32, #tpu.memory_space<vmem>>, vector<1x16xi32>,
      %get3A_1373 = arith.index_cast %add3A_1328 : i32 to index
      %get3A_1374 = arith.constant 64 : index
      %get3A_1375 = tpu.vector_load %arg6[%get3A_1373, %get3A_1374] {strides = array<i32>} : memref<200x128xf32, #tpu.memory_space<vmem>>, vector<1x16xf32>,
      %get3A_1376 = vector.shape_cast %get3A_1375 : vector<1x16xf32> to vector<16xf32>
      %bitcast_convert_type3A_1377 = tpu.bitcast %get3A_1376 : vector<16xf32> -> vector<16xi32>
      %swap3A_1378 = arith.constant 3 : i32
      %swap3A_1379 = arith.index_cast %swap3A_1378 : i32 to index
      %swap3A_1380 = arith.constant 64 : index
      %swap3A_1381 = tpu.vector_load %arg7[%swap3A_1379, %swap3A_1380] {strides = array<i32>} : memref<4x128xi32, #tpu.memory_space<vmem>>, vector<1x16xi32>,
      %swap3A_1382 = vector.shape_cast %swap3A_1381 : vector<1x16xi32> to vector<16xi32>
      %swap3A_1383 = vector.shape_cast %bitcast_convert_type3A_1377 : vector<16xi32> to vector<1x16xi32>
      tpu.vector_store %arg7[%swap3A_1379, %swap3A_1380], %swap3A_1383 {strides = array<i32>} : memref<4x128xi32, #tpu.memory_space<vmem>>, vector<1x16xi32>,
      %get3A_1384 = arith.index_cast %add3A_1328 : i32 to index
      %get3A_1385 = arith.constant 80 : index
      %get3A_1386 = tpu.vector_load %arg6[%get3A_1384, %get3A_1385] {strides = array<i32>} : memref<200x128xf32, #tpu.memory_space<vmem>>, vector<1x16xf32>,
      %get3A_1387 = vector.shape_cast %get3A_1386 : vector<1x16xf32> to vector<16xf32>
      %bitcast_convert_type3A_1388 = tpu.bitcast %get3A_1387 : vector<16xf32> -> vector<16xi32>
      %swap3A_1389 = arith.constant 3 : i32
      %swap3A_1390 = arith.index_cast %swap3A_1389 : i32 to index
      %swap3A_1391 = arith.constant 80 : index
      %swap3A_1392 = tpu.vector_load %arg7[%swap3A_1390, %swap3A_1391] {strides = array<i32>} : memref<4x128xi32, #tpu.memory_space<vmem>>, vector<1x16xi32>,
      %swap3A_1393 = vector.shape_cast %swap3A_1392 : vector<1x16xi32> to vector<16xi32>
      %swap3A_1394 = vector.shape_cast %bitcast_convert_type3A_1388 : vector<16xi32> to vector<1x16xi32>
      tpu.vector_store %arg7[%swap3A_1390, %swap3A_1391], %swap3A_1394 {strides = array<i32>} : memref<4x128xi32, #tpu.memory_space<vmem>>, vector<1x16xi32>,
      %get3A_1395 = arith.index_cast %add3A_1328 : i32 to index
      %get3A_1396 = arith.constant 96 : index
      %get3A_1397 = tpu.vector_load %arg6[%get3A_1395, %get3A_1396] {strides = array<i32>} : memref<200x128xf32, #tpu.memory_space<vmem>>, vector<1x16xf32>,
      %get3A_1398 = vector.shape_cast %get3A_1397 : vector<1x16xf32> to vector<16xf32>
      %bitcast_convert_type3A_1399 = tpu.bitcast %get3A_1398 : vector<16xf32> -> vector<16xi32>
      %swap3A_1400 = arith.constant 3 : i32
      %swap3A_1401 = arith.index_cast %swap3A_1400 : i32 to index
      %swap3A_1402 = arith.constant 96 : index
      %swap3A_1403 = tpu.vector_load %arg7[%swap3A_1401, %swap3A_1402] {strides = array<i32>} : memref<4x128xi32, #tpu.memory_space<vmem>>, vector<1x16xi32>,
      %swap3A_1404 = vector.shape_cast %swap3A_1403 : vector<1x16xi32> to vector<16xi32>
      %swap3A_1405 = vector.shape_cast %bitcast_convert_type3A_1399 : vector<16xi32> to vector<1x16xi32>
      tpu.vector_store %arg7[%swap3A_1401, %swap3A_1402], %swap3A_1405 {strides = array<i32>} : memref<4x128xi32, #tpu.memory_space<vmem>>, vector<1x16xi32>,
      %get3A_1406 = arith.index_cast %add3A_1328 : i32 to index
      %get3A_1407 = arith.constant 112 : index
      %get3A_1408 = tpu.vector_load %arg6[%get3A_1406, %get3A_1407] {strides = array<i32>} : memref<200x128xf32, #tpu.memory_space<vmem>>, vector<1x16xf32>,
      %get3A_1409 = vector.shape_cast %get3A_1408 : vector<1x16xf32> to vector<16xf32>
      %bitcast_convert_type3A_1410 = tpu.bitcast %get3A_1409 : vector<16xf32> -> vector<16xi32>
      %swap3A_1411 = arith.constant 3 : i32
      %swap3A_1412 = arith.index_cast %swap3A_1411 : i32 to index
      %swap3A_1413 = arith.constant 112 : index
      %swap3A_1414 = tpu.vector_load %arg7[%swap3A_1412, %swap3A_1413] {strides = array<i32>} : memref<4x128xi32, #tpu.memory_space<vmem>>, vector<1x16xi32>,
      %swap3A_1415 = vector.shape_cast %swap3A_1414 : vector<1x16xi32> to vector<16xi32>
      %swap3A_1416 = vector.shape_cast %bitcast_convert_type3A_1410 : vector<16xi32> to vector<1x16xi32>
      tpu.vector_store %arg7[%swap3A_1412, %swap3A_1413], %swap3A_1416 {strides = array<i32>} : memref<4x128xi32, #tpu.memory_space<vmem>>, vector<1x16xi32>,
      %dma_start3A_1417 = arith.constant 3 : i32
      %dma_start3A_1418 = arith.constant 3 : i32
      %dma_start3A_1419 = arith.constant 0 : i32
      %dma_start3A_1420 = arith.constant 0 : i32
      %dma_start3A_1421 = tpu.memref_slice %arg9[%dma_start3A_1418, %dma_start3A_1419, %dma_start3A_1420] : memref<4x128x64xf32, #tpu.memory_space<vmem>> -> memref<1x128x64xf32, #tpu.memory_space<vmem>>
      %dma_start3A_1422 = tpu.memref_squeeze %dma_start3A_1421 : memref<1x128x64xf32, #tpu.memory_space<vmem>> -> memref<128x64xf32, #tpu.memory_space<vmem>>
      %dma_start3A_1423 = arith.constant 0 : i32
      %dma_start3A_1424 = tpu.memref_slice %arg7[%dma_start3A_1417, %dma_start3A_1423] : memref<4x128xi32, #tpu.memory_space<vmem>> -> memref<1x128xi32, #tpu.memory_space<vmem>>
      %dma_start3A_1425 = tpu.memref_squeeze %dma_start3A_1424 : memref<1x128xi32, #tpu.memory_space<vmem>> -> memref<128xi32, #tpu.memory_space<vmem>>
      %dma_start3A_1426 = arith.constant 0 : i32
      %dma_start3A_1427 = arith.constant 0 : i32
      %dma_start3A_1428 = tpu.memref_slice %arg3[%dma_start3A_1426, %dma_start3A_1427] : memref<1000000x64xf32, #tpu.memory_space<hbm>> -> memref<1000000x64xf32, #tpu.memory_space<hbm>>
      tpu.enqueue_indirect_dma source(%dma_start3A_1428 : memref<1000000x64xf32, #tpu.memory_space<hbm>>) target(%dma_start3A_1422 : memref<128x64xf32, #tpu.memory_space<vmem>>) offsets(%dma_start3A_1425 : memref<128xi32, #tpu.memory_space<vmem>>) semaphore(%arg10 : memref<!tpu.dma_semaphore, #tpu.memory_space<semaphore_mem>>)
      %scan3A_1429 = arith.constant 0 : i32
      %scan3A_1430 = arith.constant 0 : i32
      %scan3A_1431 = arith.constant 128 : i32
      %scan3A_1432 = arith.addi %scan3A_1430, %scan3A_1431 : i32
      %scan3A_1433 = arith.constant 1 : i32
      scf.for %scan3A_1924 = %scan3A_1430 to %scan3A_1432 step %scan3A_1433  : i32 {
        %get3A_1925 = arith.index_cast %add3A_1295 : i32 to index
        %get3A_1926 = arith.constant 0 : index
        %get3A_1927 = tpu.vector_load %arg8[%get3A_1925, %get3A_1926] {strides = array<i32>} : memref<200x64xf32, #tpu.memory_space<vmem>>, vector<1x16xf32>,
        %get3A_1928 = vector.shape_cast %get3A_1927 : vector<1x16xf32> to vector<16xf32>
        %swap3A_1929 = arith.constant 0 : i32
        %swap3A_1930 = arith.index_cast %swap3A_1929 : i32 to index
        %swap3A_1931 = arith.index_cast %scan3A_1924 : i32 to index
        %swap3A_1932 = arith.constant 0 : index
        %swap3A_1933 = tpu.vector_load %arg9[%swap3A_1930, %swap3A_1931, %swap3A_1932] {strides = array<i32>} : memref<4x128x64xf32, #tpu.memory_space<vmem>>, vector<1x1x16xf32>,
        %swap3A_1934 = vector.shape_cast %swap3A_1933 : vector<1x1x16xf32> to vector<16xf32>
        %swap3A_1935 = vector.shape_cast %get3A_1928 : vector<16xf32> to vector<1x1x16xf32>
        tpu.vector_store %arg9[%swap3A_1930, %swap3A_1931, %swap3A_1932], %swap3A_1935 {add = true, strides = array<i32>} : memref<4x128x64xf32, #tpu.memory_space<vmem>>, vector<1x1x16xf32>,
        %get3A_1936 = arith.index_cast %add3A_1295 : i32 to index
        %get3A_1937 = arith.constant 16 : index
        %get3A_1938 = tpu.vector_load %arg8[%get3A_1936, %get3A_1937] {strides = array<i32>} : memref<200x64xf32, #tpu.memory_space<vmem>>, vector<1x16xf32>,
        %get3A_1939 = vector.shape_cast %get3A_1938 : vector<1x16xf32> to vector<16xf32>
        %swap3A_1940 = arith.constant 0 : i32
        %swap3A_1941 = arith.index_cast %swap3A_1940 : i32 to index
        %swap3A_1942 = arith.index_cast %scan3A_1924 : i32 to index
        %swap3A_1943 = arith.constant 16 : index
        %swap3A_1944 = tpu.vector_load %arg9[%swap3A_1941, %swap3A_1942, %swap3A_1943] {strides = array<i32>} : memref<4x128x64xf32, #tpu.memory_space<vmem>>, vector<1x1x16xf32>,
        %swap3A_1945 = vector.shape_cast %swap3A_1944 : vector<1x1x16xf32> to vector<16xf32>
        %swap3A_1946 = vector.shape_cast %get3A_1939 : vector<16xf32> to vector<1x1x16xf32>
        tpu.vector_store %arg9[%swap3A_1941, %swap3A_1942, %swap3A_1943], %swap3A_1946 {add = true, strides = array<i32>} : memref<4x128x64xf32, #tpu.memory_space<vmem>>, vector<1x1x16xf32>,
        %get3A_1947 = arith.index_cast %add3A_1295 : i32 to index
        %get3A_1948 = arith.constant 32 : index
        %get3A_1949 = tpu.vector_load %arg8[%get3A_1947, %get3A_1948] {strides = array<i32>} : memref<200x64xf32, #tpu.memory_space<vmem>>, vector<1x16xf32>,
        %get3A_1950 = vector.shape_cast %get3A_1949 : vector<1x16xf32> to vector<16xf32>
        %swap3A_1951 = arith.constant 0 : i32
        %swap3A_1952 = arith.index_cast %swap3A_1951 : i32 to index
        %swap3A_1953 = arith.index_cast %scan3A_1924 : i32 to index
        %swap3A_1954 = arith.constant 32 : index
        %swap3A_1955 = tpu.vector_load %arg9[%swap3A_1952, %swap3A_1953, %swap3A_1954] {strides = array<i32>} : memref<4x128x64xf32, #tpu.memory_space<vmem>>, vector<1x1x16xf32>,
        %swap3A_1956 = vector.shape_cast %swap3A_1955 : vector<1x1x16xf32> to vector<16xf32>
        %swap3A_1957 = vector.shape_cast %get3A_1950 : vector<16xf32> to vector<1x1x16xf32>
        tpu.vector_store %arg9[%swap3A_1952, %swap3A_1953, %swap3A_1954], %swap3A_1957 {add = true, strides = array<i32>} : memref<4x128x64xf32, #tpu.memory_space<vmem>>, vector<1x1x16xf32>,
        %get3A_1958 = arith.index_cast %add3A_1295 : i32 to index
        %get3A_1959 = arith.constant 48 : index
        %get3A_1960 = tpu.vector_load %arg8[%get3A_1958, %get3A_1959] {strides = array<i32>} : memref<200x64xf32, #tpu.memory_space<vmem>>, vector<1x16xf32>,
        %get3A_1961 = vector.shape_cast %get3A_1960 : vector<1x16xf32> to vector<16xf32>
        %swap3A_1962 = arith.constant 0 : i32
        %swap3A_1963 = arith.index_cast %swap3A_1962 : i32 to index
        %swap3A_1964 = arith.index_cast %scan3A_1924 : i32 to index
        %swap3A_1965 = arith.constant 48 : index
        %swap3A_1966 = tpu.vector_load %arg9[%swap3A_1963, %swap3A_1964, %swap3A_1965] {strides = array<i32>} : memref<4x128x64xf32, #tpu.memory_space<vmem>>, vector<1x1x16xf32>,
        %swap3A_1967 = vector.shape_cast %swap3A_1966 : vector<1x1x16xf32> to vector<16xf32>
        %swap3A_1968 = vector.shape_cast %get3A_1961 : vector<16xf32> to vector<1x1x16xf32>
        tpu.vector_store %arg9[%swap3A_1963, %swap3A_1964, %swap3A_1965], %swap3A_1968 {add = true, strides = array<i32>} : memref<4x128x64xf32, #tpu.memory_space<vmem>>, vector<1x1x16xf32>,
      }
      %scan3A_1434 = arith.constant 128 : i32
      %dma_start3A_1435 = arith.constant 0 : i32
      %dma_start3A_1436 = arith.constant 0 : i32
      %dma_start3A_1437 = arith.constant 0 : i32
      %dma_start3A_1438 = tpu.memref_slice %arg9[%dma_start3A_1435, %dma_start3A_1436, %dma_start3A_1437] : memref<4x128x64xf32, #tpu.memory_space<vmem>> -> memref<1x128x64xf32, #tpu.memory_space<vmem>>
      %dma_start3A_1439 = tpu.memref_squeeze %dma_start3A_1438 : memref<1x128x64xf32, #tpu.memory_space<vmem>> -> memref<128x64xf32, #tpu.memory_space<vmem>>
      %dma_start3A_1440 = arith.constant 0 : i32
      %dma_start3A_1441 = tpu.memref_slice %arg5[%add3A_1295, %mul3A_2, %dma_start3A_1440] : memref<200x4096x64xf32, #tpu.memory_space<hbm>> -> memref<1x128x64xf32, #tpu.memory_space<hbm>>
      %dma_start3A_1442 = tpu.memref_squeeze %dma_start3A_1441 : memref<1x128x64xf32, #tpu.memory_space<hbm>> -> memref<128x64xf32, #tpu.memory_space<hbm>>
      %dma_start3A_1443 = arith.constant 0 : i32
      %dma_start3A_1444 = tpu.memref_slice %arg5[%add3A_1295, %mul3A_2, %dma_start3A_1443] : memref<200x4096x64xf32, #tpu.memory_space<hbm>> -> memref<1x128x64xf32, #tpu.memory_space<hbm>>
      %dma_start3A_1445 = tpu.memref_squeeze %dma_start3A_1444 : memref<1x128x64xf32, #tpu.memory_space<hbm>> -> memref<128x64xf32, #tpu.memory_space<hbm>>
      %dma_start3A_1446 = arith.constant 0 : i32
      %dma_start3A_1447 = arith.constant 0 : i32
      %dma_start3A_1448 = tpu.memref_slice %arg9[%dma_start3A_1435, %dma_start3A_1446, %dma_start3A_1447] : memref<4x128x64xf32, #tpu.memory_space<vmem>> -> memref<1x128x64xf32, #tpu.memory_space<vmem>>
      %dma_start3A_1449 = tpu.memref_squeeze %dma_start3A_1448 : memref<1x128x64xf32, #tpu.memory_space<vmem>> -> memref<128x64xf32, #tpu.memory_space<vmem>>
      tpu.enqueue_dma source(%dma_start3A_1449 : memref<128x64xf32, #tpu.memory_space<vmem>>) target(%dma_start3A_1445 : memref<128x64xf32, #tpu.memory_space<hbm>>) target_semaphore(%arg11 : memref<!tpu.dma_semaphore, #tpu.memory_space<semaphore_mem>>)
      %mul3A_1450 = arith.constant 4 : i32
      %mul3A_1451 = arith.muli %scan3A_1291, %mul3A_1450 : i32
      %add3A_1452 = arith.constant 1 : i32
      %add3A_1453 = arith.addi %mul3A_1451, %add3A_1452 : i32
      %dma_wait3A_1454 = arith.constant 1 : i32
      %dma_wait3A_1455 = arith.constant 0 : i32
      %dma_wait3A_1456 = arith.constant 0 : i32
      %dma_wait3A_1457 = tpu.memref_slice %arg9[%dma_wait3A_1454, %dma_wait3A_1455, %dma_wait3A_1456] : memref<4x128x64xf32, #tpu.memory_space<vmem>> -> memref<1x128x64xf32, #tpu.memory_space<vmem>>
      %dma_wait3A_1458 = tpu.memref_squeeze %dma_wait3A_1457 : memref<1x128x64xf32, #tpu.memory_space<vmem>> -> memref<128x64xf32, #tpu.memory_space<vmem>>
      %dma_wait3A_1459 = arith.constant 0 : i32
      %dma_wait3A_1460 = arith.constant 0 : i32
      %dma_wait3A_1461 = tpu.memref_slice %arg3[%dma_wait3A_1459, %dma_wait3A_1460] : memref<1000000x64xf32, #tpu.memory_space<hbm>> -> memref<128x64xf32, #tpu.memory_space<hbm>>
      %dma_wait3A_1462 = arith.constant 0 : i32
      %dma_wait3A_1463 = arith.constant 0 : i32
      %dma_wait3A_1464 = tpu.memref_slice %arg9[%dma_wait3A_1454, %dma_wait3A_1462, %dma_wait3A_1463] : memref<4x128x64xf32, #tpu.memory_space<vmem>> -> memref<1x128x64xf32, #tpu.memory_space<vmem>>
      %dma_wait3A_1465 = tpu.memref_squeeze %dma_wait3A_1464 : memref<1x128x64xf32, #tpu.memory_space<vmem>> -> memref<128x64xf32, #tpu.memory_space<vmem>>
      %dma_wait3A_1466 = arith.constant 0 : i32
      %dma_wait3A_1467 = arith.constant 0 : i32
      %dma_wait3A_1468 = tpu.memref_slice %arg3[%dma_wait3A_1466, %dma_wait3A_1467] : memref<1000000x64xf32, #tpu.memory_space<hbm>> -> memref<128x64xf32, #tpu.memory_space<hbm>>
      tpu.wait_dma2 semaphore(%arg10 : memref<!tpu.dma_semaphore, #tpu.memory_space<semaphore_mem>>) src(%dma_wait3A_1468 : memref<128x64xf32, #tpu.memory_space<hbm>>) dst(%dma_wait3A_1465 : memref<128x64xf32, #tpu.memory_space<vmem>>)
      %dma_wait3A_1469 = arith.constant 0 : i32
      %dma_wait3A_1470 = arith.constant 0 : i32
      %dma_wait3A_1471 = arith.constant 0 : i32
      %dma_wait3A_1472 = arith.constant 0 : i32
      %dma_wait3A_1473 = tpu.memref_slice %arg9[%dma_wait3A_1469, %dma_wait3A_1471, %dma_wait3A_1472] : memref<4x128x64xf32, #tpu.memory_space<vmem>> -> memref<1x128x64xf32, #tpu.memory_space<vmem>>
      %dma_wait3A_1474 = tpu.memref_squeeze %dma_wait3A_1473 : memref<1x128x64xf32, #tpu.memory_space<vmem>> -> memref<128x64xf32, #tpu.memory_space<vmem>>
      %dma_wait3A_1475 = arith.constant 0 : i32
      %dma_wait3A_1476 = tpu.memref_slice %arg5[%dma_wait3A_1470, %mul3A_2, %dma_wait3A_1475] : memref<200x4096x64xf32, #tpu.memory_space<hbm>> -> memref<1x128x64xf32, #tpu.memory_space<hbm>>
      %dma_wait3A_1477 = tpu.memref_squeeze %dma_wait3A_1476 : memref<1x128x64xf32, #tpu.memory_space<hbm>> -> memref<128x64xf32, #tpu.memory_space<hbm>>
      %dma_wait3A_1478 = arith.constant 0 : i32
      %dma_wait3A_1479 = tpu.memref_slice %arg5[%dma_wait3A_1470, %mul3A_2, %dma_wait3A_1478] : memref<200x4096x64xf32, #tpu.memory_space<hbm>> -> memref<1x128x64xf32, #tpu.memory_space<hbm>>
      %dma_wait3A_1480 = tpu.memref_squeeze %dma_wait3A_1479 : memref<1x128x64xf32, #tpu.memory_space<hbm>> -> memref<128x64xf32, #tpu.memory_space<hbm>>
      %dma_wait3A_1481 = arith.constant 0 : i32
      %dma_wait3A_1482 = arith.constant 0 : i32
      %dma_wait3A_1483 = tpu.memref_slice %arg9[%dma_wait3A_1469, %dma_wait3A_1481, %dma_wait3A_1482] : memref<4x128x64xf32, #tpu.memory_space<vmem>> -> memref<1x128x64xf32, #tpu.memory_space<vmem>>
      %dma_wait3A_1484 = tpu.memref_squeeze %dma_wait3A_1483 : memref<1x128x64xf32, #tpu.memory_space<vmem>> -> memref<128x64xf32, #tpu.memory_space<vmem>>
      tpu.wait_dma2 semaphore(%arg11 : memref<!tpu.dma_semaphore, #tpu.memory_space<semaphore_mem>>) src(%dma_wait3A_1484 : memref<128x64xf32, #tpu.memory_space<vmem>>) dst(%dma_wait3A_1480 : memref<128x64xf32, #tpu.memory_space<hbm>>)
      %add3A_1485 = arith.constant 3 : i32
      %add3A_1486 = arith.addi %add3A_1453, %add3A_1485 : i32
      %get3A_1487 = arith.index_cast %add3A_1486 : i32 to index
      %get3A_1488 = arith.constant 0 : index
      %get3A_1489 = tpu.vector_load %arg6[%get3A_1487, %get3A_1488] {strides = array<i32>} : memref<200x128xf32, #tpu.memory_space<vmem>>, vector<1x16xf32>,
      %get3A_1490 = vector.shape_cast %get3A_1489 : vector<1x16xf32> to vector<16xf32>
      %bitcast_convert_type3A_1491 = tpu.bitcast %get3A_1490 : vector<16xf32> -> vector<16xi32>
      %swap3A_1492 = arith.constant 0 : i32
      %swap3A_1493 = arith.index_cast %swap3A_1492 : i32 to index
      %swap3A_1494 = arith.constant 0 : index
      %swap3A_1495 = tpu.vector_load %arg7[%swap3A_1493, %swap3A_1494] {strides = array<i32>} : memref<4x128xi32, #tpu.memory_space<vmem>>, vector<1x16xi32>,
      %swap3A_1496 = vector.shape_cast %swap3A_1495 : vector<1x16xi32> to vector<16xi32>
      %swap3A_1497 = vector.shape_cast %bitcast_convert_type3A_1491 : vector<16xi32> to vector<1x16xi32>
      tpu.vector_store %arg7[%swap3A_1493, %swap3A_1494], %swap3A_1497 {strides = array<i32>} : memref<4x128xi32, #tpu.memory_space<vmem>>, vector<1x16xi32>,
      %get3A_1498 = arith.index_cast %add3A_1486 : i32 to index
      %get3A_1499 = arith.constant 16 : index
      %get3A_1500 = tpu.vector_load %arg6[%get3A_1498, %get3A_1499] {strides = array<i32>} : memref<200x128xf32, #tpu.memory_space<vmem>>, vector<1x16xf32>,
      %get3A_1501 = vector.shape_cast %get3A_1500 : vector<1x16xf32> to vector<16xf32>
      %bitcast_convert_type3A_1502 = tpu.bitcast %get3A_1501 : vector<16xf32> -> vector<16xi32>
      %swap3A_1503 = arith.constant 0 : i32
      %swap3A_1504 = arith.index_cast %swap3A_1503 : i32 to index
      %swap3A_1505 = arith.constant 16 : index
      %swap3A_1506 = tpu.vector_load %arg7[%swap3A_1504, %swap3A_1505] {strides = array<i32>} : memref<4x128xi32, #tpu.memory_space<vmem>>, vector<1x16xi32>,
      %swap3A_1507 = vector.shape_cast %swap3A_1506 : vector<1x16xi32> to vector<16xi32>
      %swap3A_1508 = vector.shape_cast %bitcast_convert_type3A_1502 : vector<16xi32> to vector<1x16xi32>
      tpu.vector_store %arg7[%swap3A_1504, %swap3A_1505], %swap3A_1508 {strides = array<i32>} : memref<4x128xi32, #tpu.memory_space<vmem>>, vector<1x16xi32>,
      %get3A_1509 = arith.index_cast %add3A_1486 : i32 to index
      %get3A_1510 = arith.constant 32 : index
      %get3A_1511 = tpu.vector_load %arg6[%get3A_1509, %get3A_1510] {strides = array<i32>} : memref<200x128xf32, #tpu.memory_space<vmem>>, vector<1x16xf32>,
      %get3A_1512 = vector.shape_cast %get3A_1511 : vector<1x16xf32> to vector<16xf32>
      %bitcast_convert_type3A_1513 = tpu.bitcast %get3A_1512 : vector<16xf32> -> vector<16xi32>
      %swap3A_1514 = arith.constant 0 : i32
      %swap3A_1515 = arith.index_cast %swap3A_1514 : i32 to index
      %swap3A_1516 = arith.constant 32 : index
      %swap3A_1517 = tpu.vector_load %arg7[%swap3A_1515, %swap3A_1516] {strides = array<i32>} : memref<4x128xi32, #tpu.memory_space<vmem>>, vector<1x16xi32>,
      %swap3A_1518 = vector.shape_cast %swap3A_1517 : vector<1x16xi32> to vector<16xi32>
      %swap3A_1519 = vector.shape_cast %bitcast_convert_type3A_1513 : vector<16xi32> to vector<1x16xi32>
      tpu.vector_store %arg7[%swap3A_1515, %swap3A_1516], %swap3A_1519 {strides = array<i32>} : memref<4x128xi32, #tpu.memory_space<vmem>>, vector<1x16xi32>,
      %get3A_1520 = arith.index_cast %add3A_1486 : i32 to index
      %get3A_1521 = arith.constant 48 : index
      %get3A_1522 = tpu.vector_load %arg6[%get3A_1520, %get3A_1521] {strides = array<i32>} : memref<200x128xf32, #tpu.memory_space<vmem>>, vector<1x16xf32>,
      %get3A_1523 = vector.shape_cast %get3A_1522 : vector<1x16xf32> to vector<16xf32>
      %bitcast_convert_type3A_1524 = tpu.bitcast %get3A_1523 : vector<16xf32> -> vector<16xi32>
      %swap3A_1525 = arith.constant 0 : i32
      %swap3A_1526 = arith.index_cast %swap3A_1525 : i32 to index
      %swap3A_1527 = arith.constant 48 : index
      %swap3A_1528 = tpu.vector_load %arg7[%swap3A_1526, %swap3A_1527] {strides = array<i32>} : memref<4x128xi32, #tpu.memory_space<vmem>>, vector<1x16xi32>,
      %swap3A_1529 = vector.shape_cast %swap3A_1528 : vector<1x16xi32> to vector<16xi32>
      %swap3A_1530 = vector.shape_cast %bitcast_convert_type3A_1524 : vector<16xi32> to vector<1x16xi32>
      tpu.vector_store %arg7[%swap3A_1526, %swap3A_1527], %swap3A_1530 {strides = array<i32>} : memref<4x128xi32, #tpu.memory_space<vmem>>, vector<1x16xi32>,
      %get3A_1531 = arith.index_cast %add3A_1486 : i32 to index
      %get3A_1532 = arith.constant 64 : index
      %get3A_1533 = tpu.vector_load %arg6[%get3A_1531, %get3A_1532] {strides = array<i32>} : memref<200x128xf32, #tpu.memory_space<vmem>>, vector<1x16xf32>,
      %get3A_1534 = vector.shape_cast %get3A_1533 : vector<1x16xf32> to vector<16xf32>
      %bitcast_convert_type3A_1535 = tpu.bitcast %get3A_1534 : vector<16xf32> -> vector<16xi32>
      %swap3A_1536 = arith.constant 0 : i32
      %swap3A_1537 = arith.index_cast %swap3A_1536 : i32 to index
      %swap3A_1538 = arith.constant 64 : index
      %swap3A_1539 = tpu.vector_load %arg7[%swap3A_1537, %swap3A_1538] {strides = array<i32>} : memref<4x128xi32, #tpu.memory_space<vmem>>, vector<1x16xi32>,
      %swap3A_1540 = vector.shape_cast %swap3A_1539 : vector<1x16xi32> to vector<16xi32>
      %swap3A_1541 = vector.shape_cast %bitcast_convert_type3A_1535 : vector<16xi32> to vector<1x16xi32>
      tpu.vector_store %arg7[%swap3A_1537, %swap3A_1538], %swap3A_1541 {strides = array<i32>} : memref<4x128xi32, #tpu.memory_space<vmem>>, vector<1x16xi32>,
      %get3A_1542 = arith.index_cast %add3A_1486 : i32 to index
      %get3A_1543 = arith.constant 80 : index
      %get3A_1544 = tpu.vector_load %arg6[%get3A_1542, %get3A_1543] {strides = array<i32>} : memref<200x128xf32, #tpu.memory_space<vmem>>, vector<1x16xf32>,
      %get3A_1545 = vector.shape_cast %get3A_1544 : vector<1x16xf32> to vector<16xf32>
      %bitcast_convert_type3A_1546 = tpu.bitcast %get3A_1545 : vector<16xf32> -> vector<16xi32>
      %swap3A_1547 = arith.constant 0 : i32
      %swap3A_1548 = arith.index_cast %swap3A_1547 : i32 to index
      %swap3A_1549 = arith.constant 80 : index
      %swap3A_1550 = tpu.vector_load %arg7[%swap3A_1548, %swap3A_1549] {strides = array<i32>} : memref<4x128xi32, #tpu.memory_space<vmem>>, vector<1x16xi32>,
      %swap3A_1551 = vector.shape_cast %swap3A_1550 : vector<1x16xi32> to vector<16xi32>
      %swap3A_1552 = vector.shape_cast %bitcast_convert_type3A_1546 : vector<16xi32> to vector<1x16xi32>
      tpu.vector_store %arg7[%swap3A_1548, %swap3A_1549], %swap3A_1552 {strides = array<i32>} : memref<4x128xi32, #tpu.memory_space<vmem>>, vector<1x16xi32>,
      %get3A_1553 = arith.index_cast %add3A_1486 : i32 to index
      %get3A_1554 = arith.constant 96 : index
      %get3A_1555 = tpu.vector_load %arg6[%get3A_1553, %get3A_1554] {strides = array<i32>} : memref<200x128xf32, #tpu.memory_space<vmem>>, vector<1x16xf32>,
      %get3A_1556 = vector.shape_cast %get3A_1555 : vector<1x16xf32> to vector<16xf32>
      %bitcast_convert_type3A_1557 = tpu.bitcast %get3A_1556 : vector<16xf32> -> vector<16xi32>
      %swap3A_1558 = arith.constant 0 : i32
      %swap3A_1559 = arith.index_cast %swap3A_1558 : i32 to index
      %swap3A_1560 = arith.constant 96 : index
      %swap3A_1561 = tpu.vector_load %arg7[%swap3A_1559, %swap3A_1560] {strides = array<i32>} : memref<4x128xi32, #tpu.memory_space<vmem>>, vector<1x16xi32>,
      %swap3A_1562 = vector.shape_cast %swap3A_1561 : vector<1x16xi32> to vector<16xi32>
      %swap3A_1563 = vector.shape_cast %bitcast_convert_type3A_1557 : vector<16xi32> to vector<1x16xi32>
      tpu.vector_store %arg7[%swap3A_1559, %swap3A_1560], %swap3A_1563 {strides = array<i32>} : memref<4x128xi32, #tpu.memory_space<vmem>>, vector<1x16xi32>,
      %get3A_1564 = arith.index_cast %add3A_1486 : i32 to index
      %get3A_1565 = arith.constant 112 : index
      %get3A_1566 = tpu.vector_load %arg6[%get3A_1564, %get3A_1565] {strides = array<i32>} : memref<200x128xf32, #tpu.memory_space<vmem>>, vector<1x16xf32>,
      %get3A_1567 = vector.shape_cast %get3A_1566 : vector<1x16xf32> to vector<16xf32>
      %bitcast_convert_type3A_1568 = tpu.bitcast %get3A_1567 : vector<16xf32> -> vector<16xi32>
      %swap3A_1569 = arith.constant 0 : i32
      %swap3A_1570 = arith.index_cast %swap3A_1569 : i32 to index
      %swap3A_1571 = arith.constant 112 : index
      %swap3A_1572 = tpu.vector_load %arg7[%swap3A_1570, %swap3A_1571] {strides = array<i32>} : memref<4x128xi32, #tpu.memory_space<vmem>>, vector<1x16xi32>,
      %swap3A_1573 = vector.shape_cast %swap3A_1572 : vector<1x16xi32> to vector<16xi32>
      %swap3A_1574 = vector.shape_cast %bitcast_convert_type3A_1568 : vector<16xi32> to vector<1x16xi32>
      tpu.vector_store %arg7[%swap3A_1570, %swap3A_1571], %swap3A_1574 {strides = array<i32>} : memref<4x128xi32, #tpu.memory_space<vmem>>, vector<1x16xi32>,
      %dma_start3A_1575 = arith.constant 0 : i32
      %dma_start3A_1576 = arith.constant 0 : i32
      %dma_start3A_1577 = arith.constant 0 : i32
      %dma_start3A_1578 = arith.constant 0 : i32
      %dma_start3A_1579 = tpu.memref_slice %arg9[%dma_start3A_1576, %dma_start3A_1577, %dma_start3A_1578] : memref<4x128x64xf32, #tpu.memory_space<vmem>> -> memref<1x128x64xf32, #tpu.memory_space<vmem>>
      %dma_start3A_1580 = tpu.memref_squeeze %dma_start3A_1579 : memref<1x128x64xf32, #tpu.memory_space<vmem>> -> memref<128x64xf32, #tpu.memory_space<vmem>>
      %dma_start3A_1581 = arith.constant 0 : i32
      %dma_start3A_1582 = tpu.memref_slice %arg7[%dma_start3A_1575, %dma_start3A_1581] : memref<4x128xi32, #tpu.memory_space<vmem>> -> memref<1x128xi32, #tpu.memory_space<vmem>>
      %dma_start3A_1583 = tpu.memref_squeeze %dma_start3A_1582 : memref<1x128xi32, #tpu.memory_space<vmem>> -> memref<128xi32, #tpu.memory_space<vmem>>
      %dma_start3A_1584 = arith.constant 0 : i32
      %dma_start3A_1585 = arith.constant 0 : i32
      %dma_start3A_1586 = tpu.memref_slice %arg3[%dma_start3A_1584, %dma_start3A_1585] : memref<1000000x64xf32, #tpu.memory_space<hbm>> -> memref<1000000x64xf32, #tpu.memory_space<hbm>>
      tpu.enqueue_indirect_dma source(%dma_start3A_1586 : memref<1000000x64xf32, #tpu.memory_space<hbm>>) target(%dma_start3A_1580 : memref<128x64xf32, #tpu.memory_space<vmem>>) offsets(%dma_start3A_1583 : memref<128xi32, #tpu.memory_space<vmem>>) semaphore(%arg10 : memref<!tpu.dma_semaphore, #tpu.memory_space<semaphore_mem>>)
      %scan3A_1587 = arith.constant 0 : i32
      %scan3A_1588 = arith.constant 0 : i32
      %scan3A_1589 = arith.constant 128 : i32
      %scan3A_1590 = arith.addi %scan3A_1588, %scan3A_1589 : i32
      %scan3A_1591 = arith.constant 1 : i32
      scf.for %scan3A_1924 = %scan3A_1588 to %scan3A_1590 step %scan3A_1591  : i32 {
        %get3A_1925 = arith.index_cast %add3A_1453 : i32 to index
        %get3A_1926 = arith.constant 0 : index
        %get3A_1927 = tpu.vector_load %arg8[%get3A_1925, %get3A_1926] {strides = array<i32>} : memref<200x64xf32, #tpu.memory_space<vmem>>, vector<1x16xf32>,
        %get3A_1928 = vector.shape_cast %get3A_1927 : vector<1x16xf32> to vector<16xf32>
        %swap3A_1929 = arith.constant 1 : i32
        %swap3A_1930 = arith.index_cast %swap3A_1929 : i32 to index
        %swap3A_1931 = arith.index_cast %scan3A_1924 : i32 to index
        %swap3A_1932 = arith.constant 0 : index
        %swap3A_1933 = tpu.vector_load %arg9[%swap3A_1930, %swap3A_1931, %swap3A_1932] {strides = array<i32>} : memref<4x128x64xf32, #tpu.memory_space<vmem>>, vector<1x1x16xf32>,
        %swap3A_1934 = vector.shape_cast %swap3A_1933 : vector<1x1x16xf32> to vector<16xf32>
        %swap3A_1935 = vector.shape_cast %get3A_1928 : vector<16xf32> to vector<1x1x16xf32>
        tpu.vector_store %arg9[%swap3A_1930, %swap3A_1931, %swap3A_1932], %swap3A_1935 {add = true, strides = array<i32>} : memref<4x128x64xf32, #tpu.memory_space<vmem>>, vector<1x1x16xf32>,
        %get3A_1936 = arith.index_cast %add3A_1453 : i32 to index
        %get3A_1937 = arith.constant 16 : index
        %get3A_1938 = tpu.vector_load %arg8[%get3A_1936, %get3A_1937] {strides = array<i32>} : memref<200x64xf32, #tpu.memory_space<vmem>>, vector<1x16xf32>,
        %get3A_1939 = vector.shape_cast %get3A_1938 : vector<1x16xf32> to vector<16xf32>
        %swap3A_1940 = arith.constant 1 : i32
        %swap3A_1941 = arith.index_cast %swap3A_1940 : i32 to index
        %swap3A_1942 = arith.index_cast %scan3A_1924 : i32 to index
        %swap3A_1943 = arith.constant 16 : index
        %swap3A_1944 = tpu.vector_load %arg9[%swap3A_1941, %swap3A_1942, %swap3A_1943] {strides = array<i32>} : memref<4x128x64xf32, #tpu.memory_space<vmem>>, vector<1x1x16xf32>,
        %swap3A_1945 = vector.shape_cast %swap3A_1944 : vector<1x1x16xf32> to vector<16xf32>
        %swap3A_1946 = vector.shape_cast %get3A_1939 : vector<16xf32> to vector<1x1x16xf32>
        tpu.vector_store %arg9[%swap3A_1941, %swap3A_1942, %swap3A_1943], %swap3A_1946 {add = true, strides = array<i32>} : memref<4x128x64xf32, #tpu.memory_space<vmem>>, vector<1x1x16xf32>,
        %get3A_1947 = arith.index_cast %add3A_1453 : i32 to index
        %get3A_1948 = arith.constant 32 : index
        %get3A_1949 = tpu.vector_load %arg8[%get3A_1947, %get3A_1948] {strides = array<i32>} : memref<200x64xf32, #tpu.memory_space<vmem>>, vector<1x16xf32>,
        %get3A_1950 = vector.shape_cast %get3A_1949 : vector<1x16xf32> to vector<16xf32>
        %swap3A_1951 = arith.constant 1 : i32
        %swap3A_1952 = arith.index_cast %swap3A_1951 : i32 to index
        %swap3A_1953 = arith.index_cast %scan3A_1924 : i32 to index
        %swap3A_1954 = arith.constant 32 : index
        %swap3A_1955 = tpu.vector_load %arg9[%swap3A_1952, %swap3A_1953, %swap3A_1954] {strides = array<i32>} : memref<4x128x64xf32, #tpu.memory_space<vmem>>, vector<1x1x16xf32>,
        %swap3A_1956 = vector.shape_cast %swap3A_1955 : vector<1x1x16xf32> to vector<16xf32>
        %swap3A_1957 = vector.shape_cast %get3A_1950 : vector<16xf32> to vector<1x1x16xf32>
        tpu.vector_store %arg9[%swap3A_1952, %swap3A_1953, %swap3A_1954], %swap3A_1957 {add = true, strides = array<i32>} : memref<4x128x64xf32, #tpu.memory_space<vmem>>, vector<1x1x16xf32>,
        %get3A_1958 = arith.index_cast %add3A_1453 : i32 to index
        %get3A_1959 = arith.constant 48 : index
        %get3A_1960 = tpu.vector_load %arg8[%get3A_1958, %get3A_1959] {strides = array<i32>} : memref<200x64xf32, #tpu.memory_space<vmem>>, vector<1x16xf32>,
        %get3A_1961 = vector.shape_cast %get3A_1960 : vector<1x16xf32> to vector<16xf32>
        %swap3A_1962 = arith.constant 1 : i32
        %swap3A_1963 = arith.index_cast %swap3A_1962 : i32 to index
        %swap3A_1964 = arith.index_cast %scan3A_1924 : i32 to index
        %swap3A_1965 = arith.constant 48 : index
        %swap3A_1966 = tpu.vector_load %arg9[%swap3A_1963, %swap3A_1964, %swap3A_1965] {strides = array<i32>} : memref<4x128x64xf32, #tpu.memory_space<vmem>>, vector<1x1x16xf32>,
        %swap3A_1967 = vector.shape_cast %swap3A_1966 : vector<1x1x16xf32> to vector<16xf32>
        %swap3A_1968 = vector.shape_cast %get3A_1961 : vector<16xf32> to vector<1x1x16xf32>
        tpu.vector_store %arg9[%swap3A_1963, %swap3A_1964, %swap3A_1965], %swap3A_1968 {add = true, strides = array<i32>} : memref<4x128x64xf32, #tpu.memory_space<vmem>>, vector<1x1x16xf32>,
      }
      %scan3A_1592 = arith.constant 128 : i32
      %dma_start3A_1593 = arith.constant 1 : i32
      %dma_start3A_1594 = arith.constant 0 : i32
      %dma_start3A_1595 = arith.constant 0 : i32
      %dma_start3A_1596 = tpu.memref_slice %arg9[%dma_start3A_1593, %dma_start3A_1594, %dma_start3A_1595] : memref<4x128x64xf32, #tpu.memory_space<vmem>> -> memref<1x128x64xf32, #tpu.memory_space<vmem>>
      %dma_start3A_1597 = tpu.memref_squeeze %dma_start3A_1596 : memref<1x128x64xf32, #tpu.memory_space<vmem>> -> memref<128x64xf32, #tpu.memory_space<vmem>>
      %dma_start3A_1598 = arith.constant 0 : i32
      %dma_start3A_1599 = tpu.memref_slice %arg5[%add3A_1453, %mul3A_2, %dma_start3A_1598] : memref<200x4096x64xf32, #tpu.memory_space<hbm>> -> memref<1x128x64xf32, #tpu.memory_space<hbm>>
      %dma_start3A_1600 = tpu.memref_squeeze %dma_start3A_1599 : memref<1x128x64xf32, #tpu.memory_space<hbm>> -> memref<128x64xf32, #tpu.memory_space<hbm>>
      %dma_start3A_1601 = arith.constant 0 : i32
      %dma_start3A_1602 = tpu.memref_slice %arg5[%add3A_1453, %mul3A_2, %dma_start3A_1601] : memref<200x4096x64xf32, #tpu.memory_space<hbm>> -> memref<1x128x64xf32, #tpu.memory_space<hbm>>
      %dma_start3A_1603 = tpu.memref_squeeze %dma_start3A_1602 : memref<1x128x64xf32, #tpu.memory_space<hbm>> -> memref<128x64xf32, #tpu.memory_space<hbm>>
      %dma_start3A_1604 = arith.constant 0 : i32
      %dma_start3A_1605 = arith.constant 0 : i32
      %dma_start3A_1606 = tpu.memref_slice %arg9[%dma_start3A_1593, %dma_start3A_1604, %dma_start3A_1605] : memref<4x128x64xf32, #tpu.memory_space<vmem>> -> memref<1x128x64xf32, #tpu.memory_space<vmem>>
      %dma_start3A_1607 = tpu.memref_squeeze %dma_start3A_1606 : memref<1x128x64xf32, #tpu.memory_space<vmem>> -> memref<128x64xf32, #tpu.memory_space<vmem>>
      tpu.enqueue_dma source(%dma_start3A_1607 : memref<128x64xf32, #tpu.memory_space<vmem>>) target(%dma_start3A_1603 : memref<128x64xf32, #tpu.memory_space<hbm>>) target_semaphore(%arg11 : memref<!tpu.dma_semaphore, #tpu.memory_space<semaphore_mem>>)
      %mul3A_1608 = arith.constant 4 : i32
      %mul3A_1609 = arith.muli %scan3A_1291, %mul3A_1608 : i32
      %add3A_1610 = arith.constant 2 : i32
      %add3A_1611 = arith.addi %mul3A_1609, %add3A_1610 : i32
      %dma_wait3A_1612 = arith.constant 2 : i32
      %dma_wait3A_1613 = arith.constant 0 : i32
      %dma_wait3A_1614 = arith.constant 0 : i32
      %dma_wait3A_1615 = tpu.memref_slice %arg9[%dma_wait3A_1612, %dma_wait3A_1613, %dma_wait3A_1614] : memref<4x128x64xf32, #tpu.memory_space<vmem>> -> memref<1x128x64xf32, #tpu.memory_space<vmem>>
      %dma_wait3A_1616 = tpu.memref_squeeze %dma_wait3A_1615 : memref<1x128x64xf32, #tpu.memory_space<vmem>> -> memref<128x64xf32, #tpu.memory_space<vmem>>
      %dma_wait3A_1617 = arith.constant 0 : i32
      %dma_wait3A_1618 = arith.constant 0 : i32
      %dma_wait3A_1619 = tpu.memref_slice %arg3[%dma_wait3A_1617, %dma_wait3A_1618] : memref<1000000x64xf32, #tpu.memory_space<hbm>> -> memref<128x64xf32, #tpu.memory_space<hbm>>
      %dma_wait3A_1620 = arith.constant 0 : i32
      %dma_wait3A_1621 = arith.constant 0 : i32
      %dma_wait3A_1622 = tpu.memref_slice %arg9[%dma_wait3A_1612, %dma_wait3A_1620, %dma_wait3A_1621] : memref<4x128x64xf32, #tpu.memory_space<vmem>> -> memref<1x128x64xf32, #tpu.memory_space<vmem>>
      %dma_wait3A_1623 = tpu.memref_squeeze %dma_wait3A_1622 : memref<1x128x64xf32, #tpu.memory_space<vmem>> -> memref<128x64xf32, #tpu.memory_space<vmem>>
      %dma_wait3A_1624 = arith.constant 0 : i32
      %dma_wait3A_1625 = arith.constant 0 : i32
      %dma_wait3A_1626 = tpu.memref_slice %arg3[%dma_wait3A_1624, %dma_wait3A_1625] : memref<1000000x64xf32, #tpu.memory_space<hbm>> -> memref<128x64xf32, #tpu.memory_space<hbm>>
      tpu.wait_dma2 semaphore(%arg10 : memref<!tpu.dma_semaphore, #tpu.memory_space<semaphore_mem>>) src(%dma_wait3A_1626 : memref<128x64xf32, #tpu.memory_space<hbm>>) dst(%dma_wait3A_1623 : memref<128x64xf32, #tpu.memory_space<vmem>>)
      %dma_wait3A_1627 = arith.constant 1 : i32
      %dma_wait3A_1628 = arith.constant 0 : i32
      %dma_wait3A_1629 = arith.constant 0 : i32
      %dma_wait3A_1630 = arith.constant 0 : i32
      %dma_wait3A_1631 = tpu.memref_slice %arg9[%dma_wait3A_1627, %dma_wait3A_1629, %dma_wait3A_1630] : memref<4x128x64xf32, #tpu.memory_space<vmem>> -> memref<1x128x64xf32, #tpu.memory_space<vmem>>
      %dma_wait3A_1632 = tpu.memref_squeeze %dma_wait3A_1631 : memref<1x128x64xf32, #tpu.memory_space<vmem>> -> memref<128x64xf32, #tpu.memory_space<vmem>>
      %dma_wait3A_1633 = arith.constant 0 : i32
      %dma_wait3A_1634 = tpu.memref_slice %arg5[%dma_wait3A_1628, %mul3A_2, %dma_wait3A_1633] : memref<200x4096x64xf32, #tpu.memory_space<hbm>> -> memref<1x128x64xf32, #tpu.memory_space<hbm>>
      %dma_wait3A_1635 = tpu.memref_squeeze %dma_wait3A_1634 : memref<1x128x64xf32, #tpu.memory_space<hbm>> -> memref<128x64xf32, #tpu.memory_space<hbm>>
      %dma_wait3A_1636 = arith.constant 0 : i32
      %dma_wait3A_1637 = tpu.memref_slice %arg5[%dma_wait3A_1628, %mul3A_2, %dma_wait3A_1636] : memref<200x4096x64xf32, #tpu.memory_space<hbm>> -> memref<1x128x64xf32, #tpu.memory_space<hbm>>
      %dma_wait3A_1638 = tpu.memref_squeeze %dma_wait3A_1637 : memref<1x128x64xf32, #tpu.memory_space<hbm>> -> memref<128x64xf32, #tpu.memory_space<hbm>>
      %dma_wait3A_1639 = arith.constant 0 : i32
      %dma_wait3A_1640 = arith.constant 0 : i32
      %dma_wait3A_1641 = tpu.memref_slice %arg9[%dma_wait3A_1627, %dma_wait3A_1639, %dma_wait3A_1640] : memref<4x128x64xf32, #tpu.memory_space<vmem>> -> memref<1x128x64xf32, #tpu.memory_space<vmem>>
      %dma_wait3A_1642 = tpu.memref_squeeze %dma_wait3A_1641 : memref<1x128x64xf32, #tpu.memory_space<vmem>> -> memref<128x64xf32, #tpu.memory_space<vmem>>
      tpu.wait_dma2 semaphore(%arg11 : memref<!tpu.dma_semaphore, #tpu.memory_space<semaphore_mem>>) src(%dma_wait3A_1642 : memref<128x64xf32, #tpu.memory_space<vmem>>) dst(%dma_wait3A_1638 : memref<128x64xf32, #tpu.memory_space<hbm>>)
      %add3A_1643 = arith.constant 3 : i32
      %add3A_1644 = arith.addi %add3A_1611, %add3A_1643 : i32
      %get3A_1645 = arith.index_cast %add3A_1644 : i32 to index
      %get3A_1646 = arith.constant 0 : index
      %get3A_1647 = tpu.vector_load %arg6[%get3A_1645, %get3A_1646] {strides = array<i32>} : memref<200x128xf32, #tpu.memory_space<vmem>>, vector<1x16xf32>,
      %get3A_1648 = vector.shape_cast %get3A_1647 : vector<1x16xf32> to vector<16xf32>
      %bitcast_convert_type3A_1649 = tpu.bitcast %get3A_1648 : vector<16xf32> -> vector<16xi32>
      %swap3A_1650 = arith.constant 1 : i32
      %swap3A_1651 = arith.index_cast %swap3A_1650 : i32 to index
      %swap3A_1652 = arith.constant 0 : index
      %swap3A_1653 = tpu.vector_load %arg7[%swap3A_1651, %swap3A_1652] {strides = array<i32>} : memref<4x128xi32, #tpu.memory_space<vmem>>, vector<1x16xi32>,
      %swap3A_1654 = vector.shape_cast %swap3A_1653 : vector<1x16xi32> to vector<16xi32>
      %swap3A_1655 = vector.shape_cast %bitcast_convert_type3A_1649 : vector<16xi32> to vector<1x16xi32>
      tpu.vector_store %arg7[%swap3A_1651, %swap3A_1652], %swap3A_1655 {strides = array<i32>} : memref<4x128xi32, #tpu.memory_space<vmem>>, vector<1x16xi32>,
      %get3A_1656 = arith.index_cast %add3A_1644 : i32 to index
      %get3A_1657 = arith.constant 16 : index
      %get3A_1658 = tpu.vector_load %arg6[%get3A_1656, %get3A_1657] {strides = array<i32>} : memref<200x128xf32, #tpu.memory_space<vmem>>, vector<1x16xf32>,
      %get3A_1659 = vector.shape_cast %get3A_1658 : vector<1x16xf32> to vector<16xf32>
      %bitcast_convert_type3A_1660 = tpu.bitcast %get3A_1659 : vector<16xf32> -> vector<16xi32>
      %swap3A_1661 = arith.constant 1 : i32
      %swap3A_1662 = arith.index_cast %swap3A_1661 : i32 to index
      %swap3A_1663 = arith.constant 16 : index
      %swap3A_1664 = tpu.vector_load %arg7[%swap3A_1662, %swap3A_1663] {strides = array<i32>} : memref<4x128xi32, #tpu.memory_space<vmem>>, vector<1x16xi32>,
      %swap3A_1665 = vector.shape_cast %swap3A_1664 : vector<1x16xi32> to vector<16xi32>
      %swap3A_1666 = vector.shape_cast %bitcast_convert_type3A_1660 : vector<16xi32> to vector<1x16xi32>
      tpu.vector_store %arg7[%swap3A_1662, %swap3A_1663], %swap3A_1666 {strides = array<i32>} : memref<4x128xi32, #tpu.memory_space<vmem>>, vector<1x16xi32>,
      %get3A_1667 = arith.index_cast %add3A_1644 : i32 to index
      %get3A_1668 = arith.constant 32 : index
      %get3A_1669 = tpu.vector_load %arg6[%get3A_1667, %get3A_1668] {strides = array<i32>} : memref<200x128xf32, #tpu.memory_space<vmem>>, vector<1x16xf32>,
      %get3A_1670 = vector.shape_cast %get3A_1669 : vector<1x16xf32> to vector<16xf32>
      %bitcast_convert_type3A_1671 = tpu.bitcast %get3A_1670 : vector<16xf32> -> vector<16xi32>
      %swap3A_1672 = arith.constant 1 : i32
      %swap3A_1673 = arith.index_cast %swap3A_1672 : i32 to index
      %swap3A_1674 = arith.constant 32 : index
      %swap3A_1675 = tpu.vector_load %arg7[%swap3A_1673, %swap3A_1674] {strides = array<i32>} : memref<4x128xi32, #tpu.memory_space<vmem>>, vector<1x16xi32>,
      %swap3A_1676 = vector.shape_cast %swap3A_1675 : vector<1x16xi32> to vector<16xi32>
      %swap3A_1677 = vector.shape_cast %bitcast_convert_type3A_1671 : vector<16xi32> to vector<1x16xi32>
      tpu.vector_store %arg7[%swap3A_1673, %swap3A_1674], %swap3A_1677 {strides = array<i32>} : memref<4x128xi32, #tpu.memory_space<vmem>>, vector<1x16xi32>,
      %get3A_1678 = arith.index_cast %add3A_1644 : i32 to index
      %get3A_1679 = arith.constant 48 : index
      %get3A_1680 = tpu.vector_load %arg6[%get3A_1678, %get3A_1679] {strides = array<i32>} : memref<200x128xf32, #tpu.memory_space<vmem>>, vector<1x16xf32>,
      %get3A_1681 = vector.shape_cast %get3A_1680 : vector<1x16xf32> to vector<16xf32>
      %bitcast_convert_type3A_1682 = tpu.bitcast %get3A_1681 : vector<16xf32> -> vector<16xi32>
      %swap3A_1683 = arith.constant 1 : i32
      %swap3A_1684 = arith.index_cast %swap3A_1683 : i32 to index
      %swap3A_1685 = arith.constant 48 : index
      %swap3A_1686 = tpu.vector_load %arg7[%swap3A_1684, %swap3A_1685] {strides = array<i32>} : memref<4x128xi32, #tpu.memory_space<vmem>>, vector<1x16xi32>,
      %swap3A_1687 = vector.shape_cast %swap3A_1686 : vector<1x16xi32> to vector<16xi32>
      %swap3A_1688 = vector.shape_cast %bitcast_convert_type3A_1682 : vector<16xi32> to vector<1x16xi32>
      tpu.vector_store %arg7[%swap3A_1684, %swap3A_1685], %swap3A_1688 {strides = array<i32>} : memref<4x128xi32, #tpu.memory_space<vmem>>, vector<1x16xi32>,
      %get3A_1689 = arith.index_cast %add3A_1644 : i32 to index
      %get3A_1690 = arith.constant 64 : index
      %get3A_1691 = tpu.vector_load %arg6[%get3A_1689, %get3A_1690] {strides = array<i32>} : memref<200x128xf32, #tpu.memory_space<vmem>>, vector<1x16xf32>,
      %get3A_1692 = vector.shape_cast %get3A_1691 : vector<1x16xf32> to vector<16xf32>
      %bitcast_convert_type3A_1693 = tpu.bitcast %get3A_1692 : vector<16xf32> -> vector<16xi32>
      %swap3A_1694 = arith.constant 1 : i32
      %swap3A_1695 = arith.index_cast %swap3A_1694 : i32 to index
      %swap3A_1696 = arith.constant 64 : index
      %swap3A_1697 = tpu.vector_load %arg7[%swap3A_1695, %swap3A_1696] {strides = array<i32>} : memref<4x128xi32, #tpu.memory_space<vmem>>, vector<1x16xi32>,
      %swap3A_1698 = vector.shape_cast %swap3A_1697 : vector<1x16xi32> to vector<16xi32>
      %swap3A_1699 = vector.shape_cast %bitcast_convert_type3A_1693 : vector<16xi32> to vector<1x16xi32>
      tpu.vector_store %arg7[%swap3A_1695, %swap3A_1696], %swap3A_1699 {strides = array<i32>} : memref<4x128xi32, #tpu.memory_space<vmem>>, vector<1x16xi32>,
      %get3A_1700 = arith.index_cast %add3A_1644 : i32 to index
      %get3A_1701 = arith.constant 80 : index
      %get3A_1702 = tpu.vector_load %arg6[%get3A_1700, %get3A_1701] {strides = array<i32>} : memref<200x128xf32, #tpu.memory_space<vmem>>, vector<1x16xf32>,
      %get3A_1703 = vector.shape_cast %get3A_1702 : vector<1x16xf32> to vector<16xf32>
      %bitcast_convert_type3A_1704 = tpu.bitcast %get3A_1703 : vector<16xf32> -> vector<16xi32>
      %swap3A_1705 = arith.constant 1 : i32
      %swap3A_1706 = arith.index_cast %swap3A_1705 : i32 to index
      %swap3A_1707 = arith.constant 80 : index
      %swap3A_1708 = tpu.vector_load %arg7[%swap3A_1706, %swap3A_1707] {strides = array<i32>} : memref<4x128xi32, #tpu.memory_space<vmem>>, vector<1x16xi32>,
      %swap3A_1709 = vector.shape_cast %swap3A_1708 : vector<1x16xi32> to vector<16xi32>
      %swap3A_1710 = vector.shape_cast %bitcast_convert_type3A_1704 : vector<16xi32> to vector<1x16xi32>
      tpu.vector_store %arg7[%swap3A_1706, %swap3A_1707], %swap3A_1710 {strides = array<i32>} : memref<4x128xi32, #tpu.memory_space<vmem>>, vector<1x16xi32>,
      %get3A_1711 = arith.index_cast %add3A_1644 : i32 to index
      %get3A_1712 = arith.constant 96 : index
      %get3A_1713 = tpu.vector_load %arg6[%get3A_1711, %get3A_1712] {strides = array<i32>} : memref<200x128xf32, #tpu.memory_space<vmem>>, vector<1x16xf32>,
      %get3A_1714 = vector.shape_cast %get3A_1713 : vector<1x16xf32> to vector<16xf32>
      %bitcast_convert_type3A_1715 = tpu.bitcast %get3A_1714 : vector<16xf32> -> vector<16xi32>
      %swap3A_1716 = arith.constant 1 : i32
      %swap3A_1717 = arith.index_cast %swap3A_1716 : i32 to index
      %swap3A_1718 = arith.constant 96 : index
      %swap3A_1719 = tpu.vector_load %arg7[%swap3A_1717, %swap3A_1718] {strides = array<i32>} : memref<4x128xi32, #tpu.memory_space<vmem>>, vector<1x16xi32>,
      %swap3A_1720 = vector.shape_cast %swap3A_1719 : vector<1x16xi32> to vector<16xi32>
      %swap3A_1721 = vector.shape_cast %bitcast_convert_type3A_1715 : vector<16xi32> to vector<1x16xi32>
      tpu.vector_store %arg7[%swap3A_1717, %swap3A_1718], %swap3A_1721 {strides = array<i32>} : memref<4x128xi32, #tpu.memory_space<vmem>>, vector<1x16xi32>,
      %get3A_1722 = arith.index_cast %add3A_1644 : i32 to index
      %get3A_1723 = arith.constant 112 : index
      %get3A_1724 = tpu.vector_load %arg6[%get3A_1722, %get3A_1723] {strides = array<i32>} : memref<200x128xf32, #tpu.memory_space<vmem>>, vector<1x16xf32>,
      %get3A_1725 = vector.shape_cast %get3A_1724 : vector<1x16xf32> to vector<16xf32>
      %bitcast_convert_type3A_1726 = tpu.bitcast %get3A_1725 : vector<16xf32> -> vector<16xi32>
      %swap3A_1727 = arith.constant 1 : i32
      %swap3A_1728 = arith.index_cast %swap3A_1727 : i32 to index
      %swap3A_1729 = arith.constant 112 : index
      %swap3A_1730 = tpu.vector_load %arg7[%swap3A_1728, %swap3A_1729] {strides = array<i32>} : memref<4x128xi32, #tpu.memory_space<vmem>>, vector<1x16xi32>,
      %swap3A_1731 = vector.shape_cast %swap3A_1730 : vector<1x16xi32> to vector<16xi32>
      %swap3A_1732 = vector.shape_cast %bitcast_convert_type3A_1726 : vector<16xi32> to vector<1x16xi32>
      tpu.vector_store %arg7[%swap3A_1728, %swap3A_1729], %swap3A_1732 {strides = array<i32>} : memref<4x128xi32, #tpu.memory_space<vmem>>, vector<1x16xi32>,
      %dma_start3A_1733 = arith.constant 1 : i32
      %dma_start3A_1734 = arith.constant 1 : i32
      %dma_start3A_1735 = arith.constant 0 : i32
      %dma_start3A_1736 = arith.constant 0 : i32
      %dma_start3A_1737 = tpu.memref_slice %arg9[%dma_start3A_1734, %dma_start3A_1735, %dma_start3A_1736] : memref<4x128x64xf32, #tpu.memory_space<vmem>> -> memref<1x128x64xf32, #tpu.memory_space<vmem>>
      %dma_start3A_1738 = tpu.memref_squeeze %dma_start3A_1737 : memref<1x128x64xf32, #tpu.memory_space<vmem>> -> memref<128x64xf32, #tpu.memory_space<vmem>>
      %dma_start3A_1739 = arith.constant 0 : i32
      %dma_start3A_1740 = tpu.memref_slice %arg7[%dma_start3A_1733, %dma_start3A_1739] : memref<4x128xi32, #tpu.memory_space<vmem>> -> memref<1x128xi32, #tpu.memory_space<vmem>>
      %dma_start3A_1741 = tpu.memref_squeeze %dma_start3A_1740 : memref<1x128xi32, #tpu.memory_space<vmem>> -> memref<128xi32, #tpu.memory_space<vmem>>
      %dma_start3A_1742 = arith.constant 0 : i32
      %dma_start3A_1743 = arith.constant 0 : i32
      %dma_start3A_1744 = tpu.memref_slice %arg3[%dma_start3A_1742, %dma_start3A_1743] : memref<1000000x64xf32, #tpu.memory_space<hbm>> -> memref<1000000x64xf32, #tpu.memory_space<hbm>>
      tpu.enqueue_indirect_dma source(%dma_start3A_1744 : memref<1000000x64xf32, #tpu.memory_space<hbm>>) target(%dma_start3A_1738 : memref<128x64xf32, #tpu.memory_space<vmem>>) offsets(%dma_start3A_1741 : memref<128xi32, #tpu.memory_space<vmem>>) semaphore(%arg10 : memref<!tpu.dma_semaphore, #tpu.memory_space<semaphore_mem>>)
      %scan3A_1745 = arith.constant 0 : i32
      %scan3A_1746 = arith.constant 0 : i32
      %scan3A_1747 = arith.constant 128 : i32
      %scan3A_1748 = arith.addi %scan3A_1746, %scan3A_1747 : i32
      %scan3A_1749 = arith.constant 1 : i32
      scf.for %scan3A_1924 = %scan3A_1746 to %scan3A_1748 step %scan3A_1749  : i32 {
        %get3A_1925 = arith.index_cast %add3A_1611 : i32 to index
        %get3A_1926 = arith.constant 0 : index
        %get3A_1927 = tpu.vector_load %arg8[%get3A_1925, %get3A_1926] {strides = array<i32>} : memref<200x64xf32, #tpu.memory_space<vmem>>, vector<1x16xf32>,
        %get3A_1928 = vector.shape_cast %get3A_1927 : vector<1x16xf32> to vector<16xf32>
        %swap3A_1929 = arith.constant 2 : i32
        %swap3A_1930 = arith.index_cast %swap3A_1929 : i32 to index
        %swap3A_1931 = arith.index_cast %scan3A_1924 : i32 to index
        %swap3A_1932 = arith.constant 0 : index
        %swap3A_1933 = tpu.vector_load %arg9[%swap3A_1930, %swap3A_1931, %swap3A_1932] {strides = array<i32>} : memref<4x128x64xf32, #tpu.memory_space<vmem>>, vector<1x1x16xf32>,
        %swap3A_1934 = vector.shape_cast %swap3A_1933 : vector<1x1x16xf32> to vector<16xf32>
        %swap3A_1935 = vector.shape_cast %get3A_1928 : vector<16xf32> to vector<1x1x16xf32>
        tpu.vector_store %arg9[%swap3A_1930, %swap3A_1931, %swap3A_1932], %swap3A_1935 {add = true, strides = array<i32>} : memref<4x128x64xf32, #tpu.memory_space<vmem>>, vector<1x1x16xf32>,
        %get3A_1936 = arith.index_cast %add3A_1611 : i32 to index
        %get3A_1937 = arith.constant 16 : index
        %get3A_1938 = tpu.vector_load %arg8[%get3A_1936, %get3A_1937] {strides = array<i32>} : memref<200x64xf32, #tpu.memory_space<vmem>>, vector<1x16xf32>,
        %get3A_1939 = vector.shape_cast %get3A_1938 : vector<1x16xf32> to vector<16xf32>
        %swap3A_1940 = arith.constant 2 : i32
        %swap3A_1941 = arith.index_cast %swap3A_1940 : i32 to index
        %swap3A_1942 = arith.index_cast %scan3A_1924 : i32 to index
        %swap3A_1943 = arith.constant 16 : index
        %swap3A_1944 = tpu.vector_load %arg9[%swap3A_1941, %swap3A_1942, %swap3A_1943] {strides = array<i32>} : memref<4x128x64xf32, #tpu.memory_space<vmem>>, vector<1x1x16xf32>,
        %swap3A_1945 = vector.shape_cast %swap3A_1944 : vector<1x1x16xf32> to vector<16xf32>
        %swap3A_1946 = vector.shape_cast %get3A_1939 : vector<16xf32> to vector<1x1x16xf32>
        tpu.vector_store %arg9[%swap3A_1941, %swap3A_1942, %swap3A_1943], %swap3A_1946 {add = true, strides = array<i32>} : memref<4x128x64xf32, #tpu.memory_space<vmem>>, vector<1x1x16xf32>,
        %get3A_1947 = arith.index_cast %add3A_1611 : i32 to index
        %get3A_1948 = arith.constant 32 : index
        %get3A_1949 = tpu.vector_load %arg8[%get3A_1947, %get3A_1948] {strides = array<i32>} : memref<200x64xf32, #tpu.memory_space<vmem>>, vector<1x16xf32>,
        %get3A_1950 = vector.shape_cast %get3A_1949 : vector<1x16xf32> to vector<16xf32>
        %swap3A_1951 = arith.constant 2 : i32
        %swap3A_1952 = arith.index_cast %swap3A_1951 : i32 to index
        %swap3A_1953 = arith.index_cast %scan3A_1924 : i32 to index
        %swap3A_1954 = arith.constant 32 : index
        %swap3A_1955 = tpu.vector_load %arg9[%swap3A_1952, %swap3A_1953, %swap3A_1954] {strides = array<i32>} : memref<4x128x64xf32, #tpu.memory_space<vmem>>, vector<1x1x16xf32>,
        %swap3A_1956 = vector.shape_cast %swap3A_1955 : vector<1x1x16xf32> to vector<16xf32>
        %swap3A_1957 = vector.shape_cast %get3A_1950 : vector<16xf32> to vector<1x1x16xf32>
        tpu.vector_store %arg9[%swap3A_1952, %swap3A_1953, %swap3A_1954], %swap3A_1957 {add = true, strides = array<i32>} : memref<4x128x64xf32, #tpu.memory_space<vmem>>, vector<1x1x16xf32>,
        %get3A_1958 = arith.index_cast %add3A_1611 : i32 to index
        %get3A_1959 = arith.constant 48 : index
        %get3A_1960 = tpu.vector_load %arg8[%get3A_1958, %get3A_1959] {strides = array<i32>} : memref<200x64xf32, #tpu.memory_space<vmem>>, vector<1x16xf32>,
        %get3A_1961 = vector.shape_cast %get3A_1960 : vector<1x16xf32> to vector<16xf32>
        %swap3A_1962 = arith.constant 2 : i32
        %swap3A_1963 = arith.index_cast %swap3A_1962 : i32 to index
        %swap3A_1964 = arith.index_cast %scan3A_1924 : i32 to index
        %swap3A_1965 = arith.constant 48 : index
        %swap3A_1966 = tpu.vector_load %arg9[%swap3A_1963, %swap3A_1964, %swap3A_1965] {strides = array<i32>} : memref<4x128x64xf32, #tpu.memory_space<vmem>>, vector<1x1x16xf32>,
        %swap3A_1967 = vector.shape_cast %swap3A_1966 : vector<1x1x16xf32> to vector<16xf32>
        %swap3A_1968 = vector.shape_cast %get3A_1961 : vector<16xf32> to vector<1x1x16xf32>
        tpu.vector_store %arg9[%swap3A_1963, %swap3A_1964, %swap3A_1965], %swap3A_1968 {add = true, strides = array<i32>} : memref<4x128x64xf32, #tpu.memory_space<vmem>>, vector<1x1x16xf32>,
      }
      %scan3A_1750 = arith.constant 128 : i32
      %dma_start3A_1751 = arith.constant 2 : i32
      %dma_start3A_1752 = arith.constant 0 : i32
      %dma_start3A_1753 = arith.constant 0 : i32
      %dma_start3A_1754 = tpu.memref_slice %arg9[%dma_start3A_1751, %dma_start3A_1752, %dma_start3A_1753] : memref<4x128x64xf32, #tpu.memory_space<vmem>> -> memref<1x128x64xf32, #tpu.memory_space<vmem>>
      %dma_start3A_1755 = tpu.memref_squeeze %dma_start3A_1754 : memref<1x128x64xf32, #tpu.memory_space<vmem>> -> memref<128x64xf32, #tpu.memory_space<vmem>>
      %dma_start3A_1756 = arith.constant 0 : i32
      %dma_start3A_1757 = tpu.memref_slice %arg5[%add3A_1611, %mul3A_2, %dma_start3A_1756] : memref<200x4096x64xf32, #tpu.memory_space<hbm>> -> memref<1x128x64xf32, #tpu.memory_space<hbm>>
      %dma_start3A_1758 = tpu.memref_squeeze %dma_start3A_1757 : memref<1x128x64xf32, #tpu.memory_space<hbm>> -> memref<128x64xf32, #tpu.memory_space<hbm>>
      %dma_start3A_1759 = arith.constant 0 : i32
      %dma_start3A_1760 = tpu.memref_slice %arg5[%add3A_1611, %mul3A_2, %dma_start3A_1759] : memref<200x4096x64xf32, #tpu.memory_space<hbm>> -> memref<1x128x64xf32, #tpu.memory_space<hbm>>
      %dma_start3A_1761 = tpu.memref_squeeze %dma_start3A_1760 : memref<1x128x64xf32, #tpu.memory_space<hbm>> -> memref<128x64xf32, #tpu.memory_space<hbm>>
      %dma_start3A_1762 = arith.constant 0 : i32
      %dma_start3A_1763 = arith.constant 0 : i32
      %dma_start3A_1764 = tpu.memref_slice %arg9[%dma_start3A_1751, %dma_start3A_1762, %dma_start3A_1763] : memref<4x128x64xf32, #tpu.memory_space<vmem>> -> memref<1x128x64xf32, #tpu.memory_space<vmem>>
      %dma_start3A_1765 = tpu.memref_squeeze %dma_start3A_1764 : memref<1x128x64xf32, #tpu.memory_space<vmem>> -> memref<128x64xf32, #tpu.memory_space<vmem>>
      tpu.enqueue_dma source(%dma_start3A_1765 : memref<128x64xf32, #tpu.memory_space<vmem>>) target(%dma_start3A_1761 : memref<128x64xf32, #tpu.memory_space<hbm>>) target_semaphore(%arg11 : memref<!tpu.dma_semaphore, #tpu.memory_space<semaphore_mem>>)
      %mul3A_1766 = arith.constant 4 : i32
      %mul3A_1767 = arith.muli %scan3A_1291, %mul3A_1766 : i32
      %add3A_1768 = arith.constant 3 : i32
      %add3A_1769 = arith.addi %mul3A_1767, %add3A_1768 : i32
      %dma_wait3A_1770 = arith.constant 3 : i32
      %dma_wait3A_1771 = arith.constant 0 : i32
      %dma_wait3A_1772 = arith.constant 0 : i32
      %dma_wait3A_1773 = tpu.memref_slice %arg9[%dma_wait3A_1770, %dma_wait3A_1771, %dma_wait3A_1772] : memref<4x128x64xf32, #tpu.memory_space<vmem>> -> memref<1x128x64xf32, #tpu.memory_space<vmem>>
      %dma_wait3A_1774 = tpu.memref_squeeze %dma_wait3A_1773 : memref<1x128x64xf32, #tpu.memory_space<vmem>> -> memref<128x64xf32, #tpu.memory_space<vmem>>
      %dma_wait3A_1775 = arith.constant 0 : i32
      %dma_wait3A_1776 = arith.constant 0 : i32
      %dma_wait3A_1777 = tpu.memref_slice %arg3[%dma_wait3A_1775, %dma_wait3A_1776] : memref<1000000x64xf32, #tpu.memory_space<hbm>> -> memref<128x64xf32, #tpu.memory_space<hbm>>
      %dma_wait3A_1778 = arith.constant 0 : i32
      %dma_wait3A_1779 = arith.constant 0 : i32
      %dma_wait3A_1780 = tpu.memref_slice %arg9[%dma_wait3A_1770, %dma_wait3A_1778, %dma_wait3A_1779] : memref<4x128x64xf32, #tpu.memory_space<vmem>> -> memref<1x128x64xf32, #tpu.memory_space<vmem>>
      %dma_wait3A_1781 = tpu.memref_squeeze %dma_wait3A_1780 : memref<1x128x64xf32, #tpu.memory_space<vmem>> -> memref<128x64xf32, #tpu.memory_space<vmem>>
      %dma_wait3A_1782 = arith.constant 0 : i32
      %dma_wait3A_1783 = arith.constant 0 : i32
      %dma_wait3A_1784 = tpu.memref_slice %arg3[%dma_wait3A_1782, %dma_wait3A_1783] : memref<1000000x64xf32, #tpu.memory_space<hbm>> -> memref<128x64xf32, #tpu.memory_space<hbm>>
      tpu.wait_dma2 semaphore(%arg10 : memref<!tpu.dma_semaphore, #tpu.memory_space<semaphore_mem>>) src(%dma_wait3A_1784 : memref<128x64xf32, #tpu.memory_space<hbm>>) dst(%dma_wait3A_1781 : memref<128x64xf32, #tpu.memory_space<vmem>>)
      %dma_wait3A_1785 = arith.constant 2 : i32
      %dma_wait3A_1786 = arith.constant 0 : i32
      %dma_wait3A_1787 = arith.constant 0 : i32
      %dma_wait3A_1788 = arith.constant 0 : i32
      %dma_wait3A_1789 = tpu.memref_slice %arg9[%dma_wait3A_1785, %dma_wait3A_1787, %dma_wait3A_1788] : memref<4x128x64xf32, #tpu.memory_space<vmem>> -> memref<1x128x64xf32, #tpu.memory_space<vmem>>
      %dma_wait3A_1790 = tpu.memref_squeeze %dma_wait3A_1789 : memref<1x128x64xf32, #tpu.memory_space<vmem>> -> memref<128x64xf32, #tpu.memory_space<vmem>>
      %dma_wait3A_1791 = arith.constant 0 : i32
      %dma_wait3A_1792 = tpu.memref_slice %arg5[%dma_wait3A_1786, %mul3A_2, %dma_wait3A_1791] : memref<200x4096x64xf32, #tpu.memory_space<hbm>> -> memref<1x128x64xf32, #tpu.memory_space<hbm>>
      %dma_wait3A_1793 = tpu.memref_squeeze %dma_wait3A_1792 : memref<1x128x64xf32, #tpu.memory_space<hbm>> -> memref<128x64xf32, #tpu.memory_space<hbm>>
      %dma_wait3A_1794 = arith.constant 0 : i32
      %dma_wait3A_1795 = tpu.memref_slice %arg5[%dma_wait3A_1786, %mul3A_2, %dma_wait3A_1794] : memref<200x4096x64xf32, #tpu.memory_space<hbm>> -> memref<1x128x64xf32, #tpu.memory_space<hbm>>
      %dma_wait3A_1796 = tpu.memref_squeeze %dma_wait3A_1795 : memref<1x128x64xf32, #tpu.memory_space<hbm>> -> memref<128x64xf32, #tpu.memory_space<hbm>>
      %dma_wait3A_1797 = arith.constant 0 : i32
      %dma_wait3A_1798 = arith.constant 0 : i32
      %dma_wait3A_1799 = tpu.memref_slice %arg9[%dma_wait3A_1785, %dma_wait3A_1797, %dma_wait3A_1798] : memref<4x128x64xf32, #tpu.memory_space<vmem>> -> memref<1x128x64xf32, #tpu.memory_space<vmem>>
      %dma_wait3A_1800 = tpu.memref_squeeze %dma_wait3A_1799 : memref<1x128x64xf32, #tpu.memory_space<vmem>> -> memref<128x64xf32, #tpu.memory_space<vmem>>
      tpu.wait_dma2 semaphore(%arg11 : memref<!tpu.dma_semaphore, #tpu.memory_space<semaphore_mem>>) src(%dma_wait3A_1800 : memref<128x64xf32, #tpu.memory_space<vmem>>) dst(%dma_wait3A_1796 : memref<128x64xf32, #tpu.memory_space<hbm>>)
      %add3A_1801 = arith.constant 3 : i32
      %add3A_1802 = arith.addi %add3A_1769, %add3A_1801 : i32
      %get3A_1803 = arith.index_cast %add3A_1802 : i32 to index
      %get3A_1804 = arith.constant 0 : index
      %get3A_1805 = tpu.vector_load %arg6[%get3A_1803, %get3A_1804] {strides = array<i32>} : memref<200x128xf32, #tpu.memory_space<vmem>>, vector<1x16xf32>,
      %get3A_1806 = vector.shape_cast %get3A_1805 : vector<1x16xf32> to vector<16xf32>
      %bitcast_convert_type3A_1807 = tpu.bitcast %get3A_1806 : vector<16xf32> -> vector<16xi32>
      %swap3A_1808 = arith.constant 2 : i32
      %swap3A_1809 = arith.index_cast %swap3A_1808 : i32 to index
      %swap3A_1810 = arith.constant 0 : index
      %swap3A_1811 = tpu.vector_load %arg7[%swap3A_1809, %swap3A_1810] {strides = array<i32>} : memref<4x128xi32, #tpu.memory_space<vmem>>, vector<1x16xi32>,
      %swap3A_1812 = vector.shape_cast %swap3A_1811 : vector<1x16xi32> to vector<16xi32>
      %swap3A_1813 = vector.shape_cast %bitcast_convert_type3A_1807 : vector<16xi32> to vector<1x16xi32>
      tpu.vector_store %arg7[%swap3A_1809, %swap3A_1810], %swap3A_1813 {strides = array<i32>} : memref<4x128xi32, #tpu.memory_space<vmem>>, vector<1x16xi32>,
      %get3A_1814 = arith.index_cast %add3A_1802 : i32 to index
      %get3A_1815 = arith.constant 16 : index
      %get3A_1816 = tpu.vector_load %arg6[%get3A_1814, %get3A_1815] {strides = array<i32>} : memref<200x128xf32, #tpu.memory_space<vmem>>, vector<1x16xf32>,
      %get3A_1817 = vector.shape_cast %get3A_1816 : vector<1x16xf32> to vector<16xf32>
      %bitcast_convert_type3A_1818 = tpu.bitcast %get3A_1817 : vector<16xf32> -> vector<16xi32>
      %swap3A_1819 = arith.constant 2 : i32
      %swap3A_1820 = arith.index_cast %swap3A_1819 : i32 to index
      %swap3A_1821 = arith.constant 16 : index
      %swap3A_1822 = tpu.vector_load %arg7[%swap3A_1820, %swap3A_1821] {strides = array<i32>} : memref<4x128xi32, #tpu.memory_space<vmem>>, vector<1x16xi32>,
      %swap3A_1823 = vector.shape_cast %swap3A_1822 : vector<1x16xi32> to vector<16xi32>
      %swap3A_1824 = vector.shape_cast %bitcast_convert_type3A_1818 : vector<16xi32> to vector<1x16xi32>
      tpu.vector_store %arg7[%swap3A_1820, %swap3A_1821], %swap3A_1824 {strides = array<i32>} : memref<4x128xi32, #tpu.memory_space<vmem>>, vector<1x16xi32>,
      %get3A_1825 = arith.index_cast %add3A_1802 : i32 to index
      %get3A_1826 = arith.constant 32 : index
      %get3A_1827 = tpu.vector_load %arg6[%get3A_1825, %get3A_1826] {strides = array<i32>} : memref<200x128xf32, #tpu.memory_space<vmem>>, vector<1x16xf32>,
      %get3A_1828 = vector.shape_cast %get3A_1827 : vector<1x16xf32> to vector<16xf32>
      %bitcast_convert_type3A_1829 = tpu.bitcast %get3A_1828 : vector<16xf32> -> vector<16xi32>
      %swap3A_1830 = arith.constant 2 : i32
      %swap3A_1831 = arith.index_cast %swap3A_1830 : i32 to index
      %swap3A_1832 = arith.constant 32 : index
      %swap3A_1833 = tpu.vector_load %arg7[%swap3A_1831, %swap3A_1832] {strides = array<i32>} : memref<4x128xi32, #tpu.memory_space<vmem>>, vector<1x16xi32>,
      %swap3A_1834 = vector.shape_cast %swap3A_1833 : vector<1x16xi32> to vector<16xi32>
      %swap3A_1835 = vector.shape_cast %bitcast_convert_type3A_1829 : vector<16xi32> to vector<1x16xi32>
      tpu.vector_store %arg7[%swap3A_1831, %swap3A_1832], %swap3A_1835 {strides = array<i32>} : memref<4x128xi32, #tpu.memory_space<vmem>>, vector<1x16xi32>,
      %get3A_1836 = arith.index_cast %add3A_1802 : i32 to index
      %get3A_1837 = arith.constant 48 : index
      %get3A_1838 = tpu.vector_load %arg6[%get3A_1836, %get3A_1837] {strides = array<i32>} : memref<200x128xf32, #tpu.memory_space<vmem>>, vector<1x16xf32>,
      %get3A_1839 = vector.shape_cast %get3A_1838 : vector<1x16xf32> to vector<16xf32>
      %bitcast_convert_type3A_1840 = tpu.bitcast %get3A_1839 : vector<16xf32> -> vector<16xi32>
      %swap3A_1841 = arith.constant 2 : i32
      %swap3A_1842 = arith.index_cast %swap3A_1841 : i32 to index
      %swap3A_1843 = arith.constant 48 : index
      %swap3A_1844 = tpu.vector_load %arg7[%swap3A_1842, %swap3A_1843] {strides = array<i32>} : memref<4x128xi32, #tpu.memory_space<vmem>>, vector<1x16xi32>,
      %swap3A_1845 = vector.shape_cast %swap3A_1844 : vector<1x16xi32> to vector<16xi32>
      %swap3A_1846 = vector.shape_cast %bitcast_convert_type3A_1840 : vector<16xi32> to vector<1x16xi32>
      tpu.vector_store %arg7[%swap3A_1842, %swap3A_1843], %swap3A_1846 {strides = array<i32>} : memref<4x128xi32, #tpu.memory_space<vmem>>, vector<1x16xi32>,
      %get3A_1847 = arith.index_cast %add3A_1802 : i32 to index
      %get3A_1848 = arith.constant 64 : index
      %get3A_1849 = tpu.vector_load %arg6[%get3A_1847, %get3A_1848] {strides = array<i32>} : memref<200x128xf32, #tpu.memory_space<vmem>>, vector<1x16xf32>,
      %get3A_1850 = vector.shape_cast %get3A_1849 : vector<1x16xf32> to vector<16xf32>
      %bitcast_convert_type3A_1851 = tpu.bitcast %get3A_1850 : vector<16xf32> -> vector<16xi32>
      %swap3A_1852 = arith.constant 2 : i32
      %swap3A_1853 = arith.index_cast %swap3A_1852 : i32 to index
      %swap3A_1854 = arith.constant 64 : index
      %swap3A_1855 = tpu.vector_load %arg7[%swap3A_1853, %swap3A_1854] {strides = array<i32>} : memref<4x128xi32, #tpu.memory_space<vmem>>, vector<1x16xi32>,
      %swap3A_1856 = vector.shape_cast %swap3A_1855 : vector<1x16xi32> to vector<16xi32>
      %swap3A_1857 = vector.shape_cast %bitcast_convert_type3A_1851 : vector<16xi32> to vector<1x16xi32>
      tpu.vector_store %arg7[%swap3A_1853, %swap3A_1854], %swap3A_1857 {strides = array<i32>} : memref<4x128xi32, #tpu.memory_space<vmem>>, vector<1x16xi32>,
      %get3A_1858 = arith.index_cast %add3A_1802 : i32 to index
      %get3A_1859 = arith.constant 80 : index
      %get3A_1860 = tpu.vector_load %arg6[%get3A_1858, %get3A_1859] {strides = array<i32>} : memref<200x128xf32, #tpu.memory_space<vmem>>, vector<1x16xf32>,
      %get3A_1861 = vector.shape_cast %get3A_1860 : vector<1x16xf32> to vector<16xf32>
      %bitcast_convert_type3A_1862 = tpu.bitcast %get3A_1861 : vector<16xf32> -> vector<16xi32>
      %swap3A_1863 = arith.constant 2 : i32
      %swap3A_1864 = arith.index_cast %swap3A_1863 : i32 to index
      %swap3A_1865 = arith.constant 80 : index
      %swap3A_1866 = tpu.vector_load %arg7[%swap3A_1864, %swap3A_1865] {strides = array<i32>} : memref<4x128xi32, #tpu.memory_space<vmem>>, vector<1x16xi32>,
      %swap3A_1867 = vector.shape_cast %swap3A_1866 : vector<1x16xi32> to vector<16xi32>
      %swap3A_1868 = vector.shape_cast %bitcast_convert_type3A_1862 : vector<16xi32> to vector<1x16xi32>
      tpu.vector_store %arg7[%swap3A_1864, %swap3A_1865], %swap3A_1868 {strides = array<i32>} : memref<4x128xi32, #tpu.memory_space<vmem>>, vector<1x16xi32>,
      %get3A_1869 = arith.index_cast %add3A_1802 : i32 to index
      %get3A_1870 = arith.constant 96 : index
      %get3A_1871 = tpu.vector_load %arg6[%get3A_1869, %get3A_1870] {strides = array<i32>} : memref<200x128xf32, #tpu.memory_space<vmem>>, vector<1x16xf32>,
      %get3A_1872 = vector.shape_cast %get3A_1871 : vector<1x16xf32> to vector<16xf32>
      %bitcast_convert_type3A_1873 = tpu.bitcast %get3A_1872 : vector<16xf32> -> vector<16xi32>
      %swap3A_1874 = arith.constant 2 : i32
      %swap3A_1875 = arith.index_cast %swap3A_1874 : i32 to index
      %swap3A_1876 = arith.constant 96 : index
      %swap3A_1877 = tpu.vector_load %arg7[%swap3A_1875, %swap3A_1876] {strides = array<i32>} : memref<4x128xi32, #tpu.memory_space<vmem>>, vector<1x16xi32>,
      %swap3A_1878 = vector.shape_cast %swap3A_1877 : vector<1x16xi32> to vector<16xi32>
      %swap3A_1879 = vector.shape_cast %bitcast_convert_type3A_1873 : vector<16xi32> to vector<1x16xi32>
      tpu.vector_store %arg7[%swap3A_1875, %swap3A_1876], %swap3A_1879 {strides = array<i32>} : memref<4x128xi32, #tpu.memory_space<vmem>>, vector<1x16xi32>,
      %get3A_1880 = arith.index_cast %add3A_1802 : i32 to index
      %get3A_1881 = arith.constant 112 : index
      %get3A_1882 = tpu.vector_load %arg6[%get3A_1880, %get3A_1881] {strides = array<i32>} : memref<200x128xf32, #tpu.memory_space<vmem>>, vector<1x16xf32>,
      %get3A_1883 = vector.shape_cast %get3A_1882 : vector<1x16xf32> to vector<16xf32>
      %bitcast_convert_type3A_1884 = tpu.bitcast %get3A_1883 : vector<16xf32> -> vector<16xi32>
      %swap3A_1885 = arith.constant 2 : i32
      %swap3A_1886 = arith.index_cast %swap3A_1885 : i32 to index
      %swap3A_1887 = arith.constant 112 : index
      %swap3A_1888 = tpu.vector_load %arg7[%swap3A_1886, %swap3A_1887] {strides = array<i32>} : memref<4x128xi32, #tpu.memory_space<vmem>>, vector<1x16xi32>,
      %swap3A_1889 = vector.shape_cast %swap3A_1888 : vector<1x16xi32> to vector<16xi32>
      %swap3A_1890 = vector.shape_cast %bitcast_convert_type3A_1884 : vector<16xi32> to vector<1x16xi32>
      tpu.vector_store %arg7[%swap3A_1886, %swap3A_1887], %swap3A_1890 {strides = array<i32>} : memref<4x128xi32, #tpu.memory_space<vmem>>, vector<1x16xi32>,
      %dma_start3A_1891 = arith.constant 2 : i32
      %dma_start3A_1892 = arith.constant 2 : i32
      %dma_start3A_1893 = arith.constant 0 : i32
      %dma_start3A_1894 = arith.constant 0 : i32
      %dma_start3A_1895 = tpu.memref_slice %arg9[%dma_start3A_1892, %dma_start3A_1893, %dma_start3A_1894] : memref<4x128x64xf32, #tpu.memory_space<vmem>> -> memref<1x128x64xf32, #tpu.memory_space<vmem>>
      %dma_start3A_1896 = tpu.memref_squeeze %dma_start3A_1895 : memref<1x128x64xf32, #tpu.memory_space<vmem>> -> memref<128x64xf32, #tpu.memory_space<vmem>>
      %dma_start3A_1897 = arith.constant 0 : i32
      %dma_start3A_1898 = tpu.memref_slice %arg7[%dma_start3A_1891, %dma_start3A_1897] : memref<4x128xi32, #tpu.memory_space<vmem>> -> memref<1x128xi32, #tpu.memory_space<vmem>>
      %dma_start3A_1899 = tpu.memref_squeeze %dma_start3A_1898 : memref<1x128xi32, #tpu.memory_space<vmem>> -> memref<128xi32, #tpu.memory_space<vmem>>
      %dma_start3A_1900 = arith.constant 0 : i32
      %dma_start3A_1901 = arith.constant 0 : i32
      %dma_start3A_1902 = tpu.memref_slice %arg3[%dma_start3A_1900, %dma_start3A_1901] : memref<1000000x64xf32, #tpu.memory_space<hbm>> -> memref<1000000x64xf32, #tpu.memory_space<hbm>>
      tpu.enqueue_indirect_dma source(%dma_start3A_1902 : memref<1000000x64xf32, #tpu.memory_space<hbm>>) target(%dma_start3A_1896 : memref<128x64xf32, #tpu.memory_space<vmem>>) offsets(%dma_start3A_1899 : memref<128xi32, #tpu.memory_space<vmem>>) semaphore(%arg10 : memref<!tpu.dma_semaphore, #tpu.memory_space<semaphore_mem>>)
      %scan3A_1903 = arith.constant 0 : i32
      %scan3A_1904 = arith.constant 0 : i32
      %scan3A_1905 = arith.constant 128 : i32
      %scan3A_1906 = arith.addi %scan3A_1904, %scan3A_1905 : i32
      %scan3A_1907 = arith.constant 1 : i32
      scf.for %scan3A_1924 = %scan3A_1904 to %scan3A_1906 step %scan3A_1907  : i32 {
        %get3A_1925 = arith.index_cast %add3A_1769 : i32 to index
        %get3A_1926 = arith.constant 0 : index
        %get3A_1927 = tpu.vector_load %arg8[%get3A_1925, %get3A_1926] {strides = array<i32>} : memref<200x64xf32, #tpu.memory_space<vmem>>, vector<1x16xf32>,
        %get3A_1928 = vector.shape_cast %get3A_1927 : vector<1x16xf32> to vector<16xf32>
        %swap3A_1929 = arith.constant 3 : i32
        %swap3A_1930 = arith.index_cast %swap3A_1929 : i32 to index
        %swap3A_1931 = arith.index_cast %scan3A_1924 : i32 to index
        %swap3A_1932 = arith.constant 0 : index
        %swap3A_1933 = tpu.vector_load %arg9[%swap3A_1930, %swap3A_1931, %swap3A_1932] {strides = array<i32>} : memref<4x128x64xf32, #tpu.memory_space<vmem>>, vector<1x1x16xf32>,
        %swap3A_1934 = vector.shape_cast %swap3A_1933 : vector<1x1x16xf32> to vector<16xf32>
        %swap3A_1935 = vector.shape_cast %get3A_1928 : vector<16xf32> to vector<1x1x16xf32>
        tpu.vector_store %arg9[%swap3A_1930, %swap3A_1931, %swap3A_1932], %swap3A_1935 {add = true, strides = array<i32>} : memref<4x128x64xf32, #tpu.memory_space<vmem>>, vector<1x1x16xf32>,
        %get3A_1936 = arith.index_cast %add3A_1769 : i32 to index
        %get3A_1937 = arith.constant 16 : index
        %get3A_1938 = tpu.vector_load %arg8[%get3A_1936, %get3A_1937] {strides = array<i32>} : memref<200x64xf32, #tpu.memory_space<vmem>>, vector<1x16xf32>,
        %get3A_1939 = vector.shape_cast %get3A_1938 : vector<1x16xf32> to vector<16xf32>
        %swap3A_1940 = arith.constant 3 : i32
        %swap3A_1941 = arith.index_cast %swap3A_1940 : i32 to index
        %swap3A_1942 = arith.index_cast %scan3A_1924 : i32 to index
        %swap3A_1943 = arith.constant 16 : index
        %swap3A_1944 = tpu.vector_load %arg9[%swap3A_1941, %swap3A_1942, %swap3A_1943] {strides = array<i32>} : memref<4x128x64xf32, #tpu.memory_space<vmem>>, vector<1x1x16xf32>,
        %swap3A_1945 = vector.shape_cast %swap3A_1944 : vector<1x1x16xf32> to vector<16xf32>
        %swap3A_1946 = vector.shape_cast %get3A_1939 : vector<16xf32> to vector<1x1x16xf32>
        tpu.vector_store %arg9[%swap3A_1941, %swap3A_1942, %swap3A_1943], %swap3A_1946 {add = true, strides = array<i32>} : memref<4x128x64xf32, #tpu.memory_space<vmem>>, vector<1x1x16xf32>,
        %get3A_1947 = arith.index_cast %add3A_1769 : i32 to index
        %get3A_1948 = arith.constant 32 : index
        %get3A_1949 = tpu.vector_load %arg8[%get3A_1947, %get3A_1948] {strides = array<i32>} : memref<200x64xf32, #tpu.memory_space<vmem>>, vector<1x16xf32>,
        %get3A_1950 = vector.shape_cast %get3A_1949 : vector<1x16xf32> to vector<16xf32>
        %swap3A_1951 = arith.constant 3 : i32
        %swap3A_1952 = arith.index_cast %swap3A_1951 : i32 to index
        %swap3A_1953 = arith.index_cast %scan3A_1924 : i32 to index
        %swap3A_1954 = arith.constant 32 : index
        %swap3A_1955 = tpu.vector_load %arg9[%swap3A_1952, %swap3A_1953, %swap3A_1954] {strides = array<i32>} : memref<4x128x64xf32, #tpu.memory_space<vmem>>, vector<1x1x16xf32>,
        %swap3A_1956 = vector.shape_cast %swap3A_1955 : vector<1x1x16xf32> to vector<16xf32>
        %swap3A_1957 = vector.shape_cast %get3A_1950 : vector<16xf32> to vector<1x1x16xf32>
        tpu.vector_store %arg9[%swap3A_1952, %swap3A_1953, %swap3A_1954], %swap3A_1957 {add = true, strides = array<i32>} : memref<4x128x64xf32, #tpu.memory_space<vmem>>, vector<1x1x16xf32>,
        %get3A_1958 = arith.index_cast %add3A_1769 : i32 to index
        %get3A_1959 = arith.constant 48 : index
        %get3A_1960 = tpu.vector_load %arg8[%get3A_1958, %get3A_1959] {strides = array<i32>} : memref<200x64xf32, #tpu.memory_space<vmem>>, vector<1x16xf32>,
        %get3A_1961 = vector.shape_cast %get3A_1960 : vector<1x16xf32> to vector<16xf32>
        %swap3A_1962 = arith.constant 3 : i32
        %swap3A_1963 = arith.index_cast %swap3A_1962 : i32 to index
        %swap3A_1964 = arith.index_cast %scan3A_1924 : i32 to index
        %swap3A_1965 = arith.constant 48 : index
        %swap3A_1966 = tpu.vector_load %arg9[%swap3A_1963, %swap3A_1964, %swap3A_1965] {strides = array<i32>} : memref<4x128x64xf32, #tpu.memory_space<vmem>>, vector<1x1x16xf32>,
        %swap3A_1967 = vector.shape_cast %swap3A_1966 : vector<1x1x16xf32> to vector<16xf32>
        %swap3A_1968 = vector.shape_cast %get3A_1961 : vector<16xf32> to vector<1x1x16xf32>
        tpu.vector_store %arg9[%swap3A_1963, %swap3A_1964, %swap3A_1965], %swap3A_1968 {add = true, strides = array<i32>} : memref<4x128x64xf32, #tpu.memory_space<vmem>>, vector<1x1x16xf32>,
      }
      %scan3A_1908 = arith.constant 128 : i32
      %dma_start3A_1909 = arith.constant 3 : i32
      %dma_start3A_1910 = arith.constant 0 : i32
      %dma_start3A_1911 = arith.constant 0 : i32
      %dma_start3A_1912 = tpu.memref_slice %arg9[%dma_start3A_1909, %dma_start3A_1910, %dma_start3A_1911] : memref<4x128x64xf32, #tpu.memory_space<vmem>> -> memref<1x128x64xf32, #tpu.memory_space<vmem>>
      %dma_start3A_1913 = tpu.memref_squeeze %dma_start3A_1912 : memref<1x128x64xf32, #tpu.memory_space<vmem>> -> memref<128x64xf32, #tpu.memory_space<vmem>>
      %dma_start3A_1914 = arith.constant 0 : i32
      %dma_start3A_1915 = tpu.memref_slice %arg5[%add3A_1769, %mul3A_2, %dma_start3A_1914] : memref<200x4096x64xf32, #tpu.memory_space<hbm>> -> memref<1x128x64xf32, #tpu.memory_space<hbm>>
      %dma_start3A_1916 = tpu.memref_squeeze %dma_start3A_1915 : memref<1x128x64xf32, #tpu.memory_space<hbm>> -> memref<128x64xf32, #tpu.memory_space<hbm>>
      %dma_start3A_1917 = arith.constant 0 : i32
      %dma_start3A_1918 = tpu.memref_slice %arg5[%add3A_1769, %mul3A_2, %dma_start3A_1917] : memref<200x4096x64xf32, #tpu.memory_space<hbm>> -> memref<1x128x64xf32, #tpu.memory_space<hbm>>
      %dma_start3A_1919 = tpu.memref_squeeze %dma_start3A_1918 : memref<1x128x64xf32, #tpu.memory_space<hbm>> -> memref<128x64xf32, #tpu.memory_space<hbm>>
      %dma_start3A_1920 = arith.constant 0 : i32
      %dma_start3A_1921 = arith.constant 0 : i32
      %dma_start3A_1922 = tpu.memref_slice %arg9[%dma_start3A_1909, %dma_start3A_1920, %dma_start3A_1921] : memref<4x128x64xf32, #tpu.memory_space<vmem>> -> memref<1x128x64xf32, #tpu.memory_space<vmem>>
      %dma_start3A_1923 = tpu.memref_squeeze %dma_start3A_1922 : memref<1x128x64xf32, #tpu.memory_space<vmem>> -> memref<128x64xf32, #tpu.memory_space<vmem>>
      tpu.enqueue_dma source(%dma_start3A_1923 : memref<128x64xf32, #tpu.memory_space<vmem>>) target(%dma_start3A_1919 : memref<128x64xf32, #tpu.memory_space<hbm>>) target_semaphore(%arg11 : memref<!tpu.dma_semaphore, #tpu.memory_space<semaphore_mem>>)
    }
    %scan3A_954 = arith.constant 48 : i32
    %dma_wait3A_955 = arith.constant 0 : i32
    %dma_wait3A_956 = arith.constant 0 : i32
    %dma_wait3A_957 = arith.constant 0 : i32
    %dma_wait3A_958 = tpu.memref_slice %arg9[%dma_wait3A_955, %dma_wait3A_956, %dma_wait3A_957] : memref<4x128x64xf32, #tpu.memory_space<vmem>> -> memref<1x128x64xf32, #tpu.memory_space<vmem>>
    %dma_wait3A_959 = tpu.memref_squeeze %dma_wait3A_958 : memref<1x128x64xf32, #tpu.memory_space<vmem>> -> memref<128x64xf32, #tpu.memory_space<vmem>>
    %dma_wait3A_960 = arith.constant 0 : i32
    %dma_wait3A_961 = arith.constant 0 : i32
    %dma_wait3A_962 = tpu.memref_slice %arg3[%dma_wait3A_960, %dma_wait3A_961] : memref<1000000x64xf32, #tpu.memory_space<hbm>> -> memref<128x64xf32, #tpu.memory_space<hbm>>
    %dma_wait3A_963 = arith.constant 0 : i32
    %dma_wait3A_964 = arith.constant 0 : i32
    %dma_wait3A_965 = tpu.memref_slice %arg9[%dma_wait3A_955, %dma_wait3A_963, %dma_wait3A_964] : memref<4x128x64xf32, #tpu.memory_space<vmem>> -> memref<1x128x64xf32, #tpu.memory_space<vmem>>
    %dma_wait3A_966 = tpu.memref_squeeze %dma_wait3A_965 : memref<1x128x64xf32, #tpu.memory_space<vmem>> -> memref<128x64xf32, #tpu.memory_space<vmem>>
    %dma_wait3A_967 = arith.constant 0 : i32
    %dma_wait3A_968 = arith.constant 0 : i32
    %dma_wait3A_969 = tpu.memref_slice %arg3[%dma_wait3A_967, %dma_wait3A_968] : memref<1000000x64xf32, #tpu.memory_space<hbm>> -> memref<128x64xf32, #tpu.memory_space<hbm>>
    tpu.wait_dma2 semaphore(%arg10 : memref<!tpu.dma_semaphore, #tpu.memory_space<semaphore_mem>>) src(%dma_wait3A_969 : memref<128x64xf32, #tpu.memory_space<hbm>>) dst(%dma_wait3A_966 : memref<128x64xf32, #tpu.memory_space<vmem>>)
    %dma_wait3A_970 = arith.constant 3 : i32
    %dma_wait3A_971 = arith.constant 0 : i32
    %dma_wait3A_972 = arith.constant 0 : i32
    %dma_wait3A_973 = arith.constant 0 : i32
    %dma_wait3A_974 = tpu.memref_slice %arg9[%dma_wait3A_970, %dma_wait3A_972, %dma_wait3A_973] : memref<4x128x64xf32, #tpu.memory_space<vmem>> -> memref<1x128x64xf32, #tpu.memory_space<vmem>>
    %dma_wait3A_975 = tpu.memref_squeeze %dma_wait3A_974 : memref<1x128x64xf32, #tpu.memory_space<vmem>> -> memref<128x64xf32, #tpu.memory_space<vmem>>
    %dma_wait3A_976 = arith.constant 0 : i32
    %dma_wait3A_977 = tpu.memref_slice %arg5[%dma_wait3A_971, %mul3A_2, %dma_wait3A_976] : memref<200x4096x64xf32, #tpu.memory_space<hbm>> -> memref<1x128x64xf32, #tpu.memory_space<hbm>>
    %dma_wait3A_978 = tpu.memref_squeeze %dma_wait3A_977 : memref<1x128x64xf32, #tpu.memory_space<hbm>> -> memref<128x64xf32, #tpu.memory_space<hbm>>
    %dma_wait3A_979 = arith.constant 0 : i32
    %dma_wait3A_980 = tpu.memref_slice %arg5[%dma_wait3A_971, %mul3A_2, %dma_wait3A_979] : memref<200x4096x64xf32, #tpu.memory_space<hbm>> -> memref<1x128x64xf32, #tpu.memory_space<hbm>>
    %dma_wait3A_981 = tpu.memref_squeeze %dma_wait3A_980 : memref<1x128x64xf32, #tpu.memory_space<hbm>> -> memref<128x64xf32, #tpu.memory_space<hbm>>
    %dma_wait3A_982 = arith.constant 0 : i32
    %dma_wait3A_983 = arith.constant 0 : i32
    %dma_wait3A_984 = tpu.memref_slice %arg9[%dma_wait3A_970, %dma_wait3A_982, %dma_wait3A_983] : memref<4x128x64xf32, #tpu.memory_space<vmem>> -> memref<1x128x64xf32, #tpu.memory_space<vmem>>
    %dma_wait3A_985 = tpu.memref_squeeze %dma_wait3A_984 : memref<1x128x64xf32, #tpu.memory_space<vmem>> -> memref<128x64xf32, #tpu.memory_space<vmem>>
    tpu.wait_dma2 semaphore(%arg11 : memref<!tpu.dma_semaphore, #tpu.memory_space<semaphore_mem>>) src(%dma_wait3A_985 : memref<128x64xf32, #tpu.memory_space<vmem>>) dst(%dma_wait3A_981 : memref<128x64xf32, #tpu.memory_space<hbm>>)
    %get3A_986 = arith.constant 199 : i32
    %get3A_987 = arith.index_cast %get3A_986 : i32 to index
    %get3A_988 = arith.constant 0 : index
    %get3A_989 = tpu.vector_load %arg6[%get3A_987, %get3A_988] {strides = array<i32>} : memref<200x128xf32, #tpu.memory_space<vmem>>, vector<1x16xf32>,
    %get3A_990 = vector.shape_cast %get3A_989 : vector<1x16xf32> to vector<16xf32>
    %bitcast_convert_type3A_991 = tpu.bitcast %get3A_990 : vector<16xf32> -> vector<16xi32>
    %swap3A_992 = arith.constant 3 : i32
    %swap3A_993 = arith.index_cast %swap3A_992 : i32 to index
    %swap3A_994 = arith.constant 0 : index
    %swap3A_995 = tpu.vector_load %arg7[%swap3A_993, %swap3A_994] {strides = array<i32>} : memref<4x128xi32, #tpu.memory_space<vmem>>, vector<1x16xi32>,
    %swap3A_996 = vector.shape_cast %swap3A_995 : vector<1x16xi32> to vector<16xi32>
    %swap3A_997 = vector.shape_cast %bitcast_convert_type3A_991 : vector<16xi32> to vector<1x16xi32>
    tpu.vector_store %arg7[%swap3A_993, %swap3A_994], %swap3A_997 {strides = array<i32>} : memref<4x128xi32, #tpu.memory_space<vmem>>, vector<1x16xi32>,
    %get3A_998 = arith.constant 199 : i32
    %get3A_999 = arith.index_cast %get3A_998 : i32 to index
    %get3A_1000 = arith.constant 16 : index
    %get3A_1001 = tpu.vector_load %arg6[%get3A_999, %get3A_1000] {strides = array<i32>} : memref<200x128xf32, #tpu.memory_space<vmem>>, vector<1x16xf32>,
    %get3A_1002 = vector.shape_cast %get3A_1001 : vector<1x16xf32> to vector<16xf32>
    %bitcast_convert_type3A_1003 = tpu.bitcast %get3A_1002 : vector<16xf32> -> vector<16xi32>
    %swap3A_1004 = arith.constant 3 : i32
    %swap3A_1005 = arith.index_cast %swap3A_1004 : i32 to index
    %swap3A_1006 = arith.constant 16 : index
    %swap3A_1007 = tpu.vector_load %arg7[%swap3A_1005, %swap3A_1006] {strides = array<i32>} : memref<4x128xi32, #tpu.memory_space<vmem>>, vector<1x16xi32>,
    %swap3A_1008 = vector.shape_cast %swap3A_1007 : vector<1x16xi32> to vector<16xi32>
    %swap3A_1009 = vector.shape_cast %bitcast_convert_type3A_1003 : vector<16xi32> to vector<1x16xi32>
    tpu.vector_store %arg7[%swap3A_1005, %swap3A_1006], %swap3A_1009 {strides = array<i32>} : memref<4x128xi32, #tpu.memory_space<vmem>>, vector<1x16xi32>,
    %get3A_1010 = arith.constant 199 : i32
    %get3A_1011 = arith.index_cast %get3A_1010 : i32 to index
    %get3A_1012 = arith.constant 32 : index
    %get3A_1013 = tpu.vector_load %arg6[%get3A_1011, %get3A_1012] {strides = array<i32>} : memref<200x128xf32, #tpu.memory_space<vmem>>, vector<1x16xf32>,
    %get3A_1014 = vector.shape_cast %get3A_1013 : vector<1x16xf32> to vector<16xf32>
    %bitcast_convert_type3A_1015 = tpu.bitcast %get3A_1014 : vector<16xf32> -> vector<16xi32>
    %swap3A_1016 = arith.constant 3 : i32
    %swap3A_1017 = arith.index_cast %swap3A_1016 : i32 to index
    %swap3A_1018 = arith.constant 32 : index
    %swap3A_1019 = tpu.vector_load %arg7[%swap3A_1017, %swap3A_1018] {strides = array<i32>} : memref<4x128xi32, #tpu.memory_space<vmem>>, vector<1x16xi32>,
    %swap3A_1020 = vector.shape_cast %swap3A_1019 : vector<1x16xi32> to vector<16xi32>
    %swap3A_1021 = vector.shape_cast %bitcast_convert_type3A_1015 : vector<16xi32> to vector<1x16xi32>
    tpu.vector_store %arg7[%swap3A_1017, %swap3A_1018], %swap3A_1021 {strides = array<i32>} : memref<4x128xi32, #tpu.memory_space<vmem>>, vector<1x16xi32>,
    %get3A_1022 = arith.constant 199 : i32
    %get3A_1023 = arith.index_cast %get3A_1022 : i32 to index
    %get3A_1024 = arith.constant 48 : index
    %get3A_1025 = tpu.vector_load %arg6[%get3A_1023, %get3A_1024] {strides = array<i32>} : memref<200x128xf32, #tpu.memory_space<vmem>>, vector<1x16xf32>,
    %get3A_1026 = vector.shape_cast %get3A_1025 : vector<1x16xf32> to vector<16xf32>
    %bitcast_convert_type3A_1027 = tpu.bitcast %get3A_1026 : vector<16xf32> -> vector<16xi32>
    %swap3A_1028 = arith.constant 3 : i32
    %swap3A_1029 = arith.index_cast %swap3A_1028 : i32 to index
    %swap3A_1030 = arith.constant 48 : index
    %swap3A_1031 = tpu.vector_load %arg7[%swap3A_1029, %swap3A_1030] {strides = array<i32>} : memref<4x128xi32, #tpu.memory_space<vmem>>, vector<1x16xi32>,
    %swap3A_1032 = vector.shape_cast %swap3A_1031 : vector<1x16xi32> to vector<16xi32>
    %swap3A_1033 = vector.shape_cast %bitcast_convert_type3A_1027 : vector<16xi32> to vector<1x16xi32>
    tpu.vector_store %arg7[%swap3A_1029, %swap3A_1030], %swap3A_1033 {strides = array<i32>} : memref<4x128xi32, #tpu.memory_space<vmem>>, vector<1x16xi32>,
    %get3A_1034 = arith.constant 199 : i32
    %get3A_1035 = arith.index_cast %get3A_1034 : i32 to index
    %get3A_1036 = arith.constant 64 : index
    %get3A_1037 = tpu.vector_load %arg6[%get3A_1035, %get3A_1036] {strides = array<i32>} : memref<200x128xf32, #tpu.memory_space<vmem>>, vector<1x16xf32>,
    %get3A_1038 = vector.shape_cast %get3A_1037 : vector<1x16xf32> to vector<16xf32>
    %bitcast_convert_type3A_1039 = tpu.bitcast %get3A_1038 : vector<16xf32> -> vector<16xi32>
    %swap3A_1040 = arith.constant 3 : i32
    %swap3A_1041 = arith.index_cast %swap3A_1040 : i32 to index
    %swap3A_1042 = arith.constant 64 : index
    %swap3A_1043 = tpu.vector_load %arg7[%swap3A_1041, %swap3A_1042] {strides = array<i32>} : memref<4x128xi32, #tpu.memory_space<vmem>>, vector<1x16xi32>,
    %swap3A_1044 = vector.shape_cast %swap3A_1043 : vector<1x16xi32> to vector<16xi32>
    %swap3A_1045 = vector.shape_cast %bitcast_convert_type3A_1039 : vector<16xi32> to vector<1x16xi32>
    tpu.vector_store %arg7[%swap3A_1041, %swap3A_1042], %swap3A_1045 {strides = array<i32>} : memref<4x128xi32, #tpu.memory_space<vmem>>, vector<1x16xi32>,
    %get3A_1046 = arith.constant 199 : i32
    %get3A_1047 = arith.index_cast %get3A_1046 : i32 to index
    %get3A_1048 = arith.constant 80 : index
    %get3A_1049 = tpu.vector_load %arg6[%get3A_1047, %get3A_1048] {strides = array<i32>} : memref<200x128xf32, #tpu.memory_space<vmem>>, vector<1x16xf32>,
    %get3A_1050 = vector.shape_cast %get3A_1049 : vector<1x16xf32> to vector<16xf32>
    %bitcast_convert_type3A_1051 = tpu.bitcast %get3A_1050 : vector<16xf32> -> vector<16xi32>
    %swap3A_1052 = arith.constant 3 : i32
    %swap3A_1053 = arith.index_cast %swap3A_1052 : i32 to index
    %swap3A_1054 = arith.constant 80 : index
    %swap3A_1055 = tpu.vector_load %arg7[%swap3A_1053, %swap3A_1054] {strides = array<i32>} : memref<4x128xi32, #tpu.memory_space<vmem>>, vector<1x16xi32>,
    %swap3A_1056 = vector.shape_cast %swap3A_1055 : vector<1x16xi32> to vector<16xi32>
    %swap3A_1057 = vector.shape_cast %bitcast_convert_type3A_1051 : vector<16xi32> to vector<1x16xi32>
    tpu.vector_store %arg7[%swap3A_1053, %swap3A_1054], %swap3A_1057 {strides = array<i32>} : memref<4x128xi32, #tpu.memory_space<vmem>>, vector<1x16xi32>,
    %get3A_1058 = arith.constant 199 : i32
    %get3A_1059 = arith.index_cast %get3A_1058 : i32 to index
    %get3A_1060 = arith.constant 96 : index
    %get3A_1061 = tpu.vector_load %arg6[%get3A_1059, %get3A_1060] {strides = array<i32>} : memref<200x128xf32, #tpu.memory_space<vmem>>, vector<1x16xf32>,
    %get3A_1062 = vector.shape_cast %get3A_1061 : vector<1x16xf32> to vector<16xf32>
    %bitcast_convert_type3A_1063 = tpu.bitcast %get3A_1062 : vector<16xf32> -> vector<16xi32>
    %swap3A_1064 = arith.constant 3 : i32
    %swap3A_1065 = arith.index_cast %swap3A_1064 : i32 to index
    %swap3A_1066 = arith.constant 96 : index
    %swap3A_1067 = tpu.vector_load %arg7[%swap3A_1065, %swap3A_1066] {strides = array<i32>} : memref<4x128xi32, #tpu.memory_space<vmem>>, vector<1x16xi32>,
    %swap3A_1068 = vector.shape_cast %swap3A_1067 : vector<1x16xi32> to vector<16xi32>
    %swap3A_1069 = vector.shape_cast %bitcast_convert_type3A_1063 : vector<16xi32> to vector<1x16xi32>
    tpu.vector_store %arg7[%swap3A_1065, %swap3A_1066], %swap3A_1069 {strides = array<i32>} : memref<4x128xi32, #tpu.memory_space<vmem>>, vector<1x16xi32>,
    %get3A_1070 = arith.constant 199 : i32
    %get3A_1071 = arith.index_cast %get3A_1070 : i32 to index
    %get3A_1072 = arith.constant 112 : index
    %get3A_1073 = tpu.vector_load %arg6[%get3A_1071, %get3A_1072] {strides = array<i32>} : memref<200x128xf32, #tpu.memory_space<vmem>>, vector<1x16xf32>,
    %get3A_1074 = vector.shape_cast %get3A_1073 : vector<1x16xf32> to vector<16xf32>
    %bitcast_convert_type3A_1075 = tpu.bitcast %get3A_1074 : vector<16xf32> -> vector<16xi32>
    %swap3A_1076 = arith.constant 3 : i32
    %swap3A_1077 = arith.index_cast %swap3A_1076 : i32 to index
    %swap3A_1078 = arith.constant 112 : index
    %swap3A_1079 = tpu.vector_load %arg7[%swap3A_1077, %swap3A_1078] {strides = array<i32>} : memref<4x128xi32, #tpu.memory_space<vmem>>, vector<1x16xi32>,
    %swap3A_1080 = vector.shape_cast %swap3A_1079 : vector<1x16xi32> to vector<16xi32>
    %swap3A_1081 = vector.shape_cast %bitcast_convert_type3A_1075 : vector<16xi32> to vector<1x16xi32>
    tpu.vector_store %arg7[%swap3A_1077, %swap3A_1078], %swap3A_1081 {strides = array<i32>} : memref<4x128xi32, #tpu.memory_space<vmem>>, vector<1x16xi32>,
    %dma_start3A_1082 = arith.constant 3 : i32
    %dma_start3A_1083 = arith.constant 3 : i32
    %dma_start3A_1084 = arith.constant 0 : i32
    %dma_start3A_1085 = arith.constant 0 : i32
    %dma_start3A_1086 = tpu.memref_slice %arg9[%dma_start3A_1083, %dma_start3A_1084, %dma_start3A_1085] : memref<4x128x64xf32, #tpu.memory_space<vmem>> -> memref<1x128x64xf32, #tpu.memory_space<vmem>>
    %dma_start3A_1087 = tpu.memref_squeeze %dma_start3A_1086 : memref<1x128x64xf32, #tpu.memory_space<vmem>> -> memref<128x64xf32, #tpu.memory_space<vmem>>
    %dma_start3A_1088 = arith.constant 0 : i32
    %dma_start3A_1089 = tpu.memref_slice %arg7[%dma_start3A_1082, %dma_start3A_1088] : memref<4x128xi32, #tpu.memory_space<vmem>> -> memref<1x128xi32, #tpu.memory_space<vmem>>
    %dma_start3A_1090 = tpu.memref_squeeze %dma_start3A_1089 : memref<1x128xi32, #tpu.memory_space<vmem>> -> memref<128xi32, #tpu.memory_space<vmem>>
    %dma_start3A_1091 = arith.constant 0 : i32
    %dma_start3A_1092 = arith.constant 0 : i32
    %dma_start3A_1093 = tpu.memref_slice %arg3[%dma_start3A_1091, %dma_start3A_1092] : memref<1000000x64xf32, #tpu.memory_space<hbm>> -> memref<1000000x64xf32, #tpu.memory_space<hbm>>
    tpu.enqueue_indirect_dma source(%dma_start3A_1093 : memref<1000000x64xf32, #tpu.memory_space<hbm>>) target(%dma_start3A_1087 : memref<128x64xf32, #tpu.memory_space<vmem>>) offsets(%dma_start3A_1090 : memref<128xi32, #tpu.memory_space<vmem>>) semaphore(%arg10 : memref<!tpu.dma_semaphore, #tpu.memory_space<semaphore_mem>>)
    %scan3A_1094 = arith.constant 0 : i32
    %scan3A_1095 = arith.constant 0 : i32
    %scan3A_1096 = arith.constant 128 : i32
    %scan3A_1097 = arith.addi %scan3A_1095, %scan3A_1096 : i32
    %scan3A_1098 = arith.constant 1 : i32
    scf.for %scan3A_1291 = %scan3A_1095 to %scan3A_1097 step %scan3A_1098  : i32 {
      %get3A_1292 = arith.constant 196 : i32
      %get3A_1293 = arith.index_cast %get3A_1292 : i32 to index
      %get3A_1294 = arith.constant 0 : index
      %get3A_1295 = tpu.vector_load %arg8[%get3A_1293, %get3A_1294] {strides = array<i32>} : memref<200x64xf32, #tpu.memory_space<vmem>>, vector<1x16xf32>,
      %get3A_1296 = vector.shape_cast %get3A_1295 : vector<1x16xf32> to vector<16xf32>
      %swap3A_1297 = arith.constant 0 : i32
      %swap3A_1298 = arith.index_cast %swap3A_1297 : i32 to index
      %swap3A_1299 = arith.index_cast %scan3A_1291 : i32 to index
      %swap3A_1300 = arith.constant 0 : index
      %swap3A_1301 = tpu.vector_load %arg9[%swap3A_1298, %swap3A_1299, %swap3A_1300] {strides = array<i32>} : memref<4x128x64xf32, #tpu.memory_space<vmem>>, vector<1x1x16xf32>,
      %swap3A_1302 = vector.shape_cast %swap3A_1301 : vector<1x1x16xf32> to vector<16xf32>
      %swap3A_1303 = vector.shape_cast %get3A_1296 : vector<16xf32> to vector<1x1x16xf32>
      tpu.vector_store %arg9[%swap3A_1298, %swap3A_1299, %swap3A_1300], %swap3A_1303 {add = true, strides = array<i32>} : memref<4x128x64xf32, #tpu.memory_space<vmem>>, vector<1x1x16xf32>,
      %get3A_1304 = arith.constant 196 : i32
      %get3A_1305 = arith.index_cast %get3A_1304 : i32 to index
      %get3A_1306 = arith.constant 16 : index
      %get3A_1307 = tpu.vector_load %arg8[%get3A_1305, %get3A_1306] {strides = array<i32>} : memref<200x64xf32, #tpu.memory_space<vmem>>, vector<1x16xf32>,
      %get3A_1308 = vector.shape_cast %get3A_1307 : vector<1x16xf32> to vector<16xf32>
      %swap3A_1309 = arith.constant 0 : i32
      %swap3A_1310 = arith.index_cast %swap3A_1309 : i32 to index
      %swap3A_1311 = arith.index_cast %scan3A_1291 : i32 to index
      %swap3A_1312 = arith.constant 16 : index
      %swap3A_1313 = tpu.vector_load %arg9[%swap3A_1310, %swap3A_1311, %swap3A_1312] {strides = array<i32>} : memref<4x128x64xf32, #tpu.memory_space<vmem>>, vector<1x1x16xf32>,
      %swap3A_1314 = vector.shape_cast %swap3A_1313 : vector<1x1x16xf32> to vector<16xf32>
      %swap3A_1315 = vector.shape_cast %get3A_1308 : vector<16xf32> to vector<1x1x16xf32>
      tpu.vector_store %arg9[%swap3A_1310, %swap3A_1311, %swap3A_1312], %swap3A_1315 {add = true, strides = array<i32>} : memref<4x128x64xf32, #tpu.memory_space<vmem>>, vector<1x1x16xf32>,
      %get3A_1316 = arith.constant 196 : i32
      %get3A_1317 = arith.index_cast %get3A_1316 : i32 to index
      %get3A_1318 = arith.constant 32 : index
      %get3A_1319 = tpu.vector_load %arg8[%get3A_1317, %get3A_1318] {strides = array<i32>} : memref<200x64xf32, #tpu.memory_space<vmem>>, vector<1x16xf32>,
      %get3A_1320 = vector.shape_cast %get3A_1319 : vector<1x16xf32> to vector<16xf32>
      %swap3A_1321 = arith.constant 0 : i32
      %swap3A_1322 = arith.index_cast %swap3A_1321 : i32 to index
      %swap3A_1323 = arith.index_cast %scan3A_1291 : i32 to index
      %swap3A_1324 = arith.constant 32 : index
      %swap3A_1325 = tpu.vector_load %arg9[%swap3A_1322, %swap3A_1323, %swap3A_1324] {strides = array<i32>} : memref<4x128x64xf32, #tpu.memory_space<vmem>>, vector<1x1x16xf32>,
      %swap3A_1326 = vector.shape_cast %swap3A_1325 : vector<1x1x16xf32> to vector<16xf32>
      %swap3A_1327 = vector.shape_cast %get3A_1320 : vector<16xf32> to vector<1x1x16xf32>
      tpu.vector_store %arg9[%swap3A_1322, %swap3A_1323, %swap3A_1324], %swap3A_1327 {add = true, strides = array<i32>} : memref<4x128x64xf32, #tpu.memory_space<vmem>>, vector<1x1x16xf32>,
      %get3A_1328 = arith.constant 196 : i32
      %get3A_1329 = arith.index_cast %get3A_1328 : i32 to index
      %get3A_1330 = arith.constant 48 : index
      %get3A_1331 = tpu.vector_load %arg8[%get3A_1329, %get3A_1330] {strides = array<i32>} : memref<200x64xf32, #tpu.memory_space<vmem>>, vector<1x16xf32>,
      %get3A_1332 = vector.shape_cast %get3A_1331 : vector<1x16xf32> to vector<16xf32>
      %swap3A_1333 = arith.constant 0 : i32
      %swap3A_1334 = arith.index_cast %swap3A_1333 : i32 to index
      %swap3A_1335 = arith.index_cast %scan3A_1291 : i32 to index
      %swap3A_1336 = arith.constant 48 : index
      %swap3A_1337 = tpu.vector_load %arg9[%swap3A_1334, %swap3A_1335, %swap3A_1336] {strides = array<i32>} : memref<4x128x64xf32, #tpu.memory_space<vmem>>, vector<1x1x16xf32>,
      %swap3A_1338 = vector.shape_cast %swap3A_1337 : vector<1x1x16xf32> to vector<16xf32>
      %swap3A_1339 = vector.shape_cast %get3A_1332 : vector<16xf32> to vector<1x1x16xf32>
      tpu.vector_store %arg9[%swap3A_1334, %swap3A_1335, %swap3A_1336], %swap3A_1339 {add = true, strides = array<i32>} : memref<4x128x64xf32, #tpu.memory_space<vmem>>, vector<1x1x16xf32>,
    }
    %scan3A_1099 = arith.constant 128 : i32
    %dma_start3A_1100 = arith.constant 0 : i32
    %dma_start3A_1101 = arith.constant 196 : i32
    %dma_start3A_1102 = arith.constant 0 : i32
    %dma_start3A_1103 = arith.constant 0 : i32
    %dma_start3A_1104 = tpu.memref_slice %arg9[%dma_start3A_1100, %dma_start3A_1102, %dma_start3A_1103] : memref<4x128x64xf32, #tpu.memory_space<vmem>> -> memref<1x128x64xf32, #tpu.memory_space<vmem>>
    %dma_start3A_1105 = tpu.memref_squeeze %dma_start3A_1104 : memref<1x128x64xf32, #tpu.memory_space<vmem>> -> memref<128x64xf32, #tpu.memory_space<vmem>>
    %dma_start3A_1106 = arith.constant 0 : i32
    %dma_start3A_1107 = tpu.memref_slice %arg5[%dma_start3A_1101, %mul3A_2, %dma_start3A_1106] : memref<200x4096x64xf32, #tpu.memory_space<hbm>> -> memref<1x128x64xf32, #tpu.memory_space<hbm>>
    %dma_start3A_1108 = tpu.memref_squeeze %dma_start3A_1107 : memref<1x128x64xf32, #tpu.memory_space<hbm>> -> memref<128x64xf32, #tpu.memory_space<hbm>>
    %dma_start3A_1109 = arith.constant 0 : i32
    %dma_start3A_1110 = tpu.memref_slice %arg5[%dma_start3A_1101, %mul3A_2, %dma_start3A_1109] : memref<200x4096x64xf32, #tpu.memory_space<hbm>> -> memref<1x128x64xf32, #tpu.memory_space<hbm>>
    %dma_start3A_1111 = tpu.memref_squeeze %dma_start3A_1110 : memref<1x128x64xf32, #tpu.memory_space<hbm>> -> memref<128x64xf32, #tpu.memory_space<hbm>>
    %dma_start3A_1112 = arith.constant 0 : i32
    %dma_start3A_1113 = arith.constant 0 : i32
    %dma_start3A_1114 = tpu.memref_slice %arg9[%dma_start3A_1100, %dma_start3A_1112, %dma_start3A_1113] : memref<4x128x64xf32, #tpu.memory_space<vmem>> -> memref<1x128x64xf32, #tpu.memory_space<vmem>>
    %dma_start3A_1115 = tpu.memref_squeeze %dma_start3A_1114 : memref<1x128x64xf32, #tpu.memory_space<vmem>> -> memref<128x64xf32, #tpu.memory_space<vmem>>
    tpu.enqueue_dma source(%dma_start3A_1115 : memref<128x64xf32, #tpu.memory_space<vmem>>) target(%dma_start3A_1111 : memref<128x64xf32, #tpu.memory_space<hbm>>) target_semaphore(%arg11 : memref<!tpu.dma_semaphore, #tpu.memory_space<semaphore_mem>>)
    %dma_wait3A_1116 = arith.constant 1 : i32
    %dma_wait3A_1117 = arith.constant 0 : i32
    %dma_wait3A_1118 = arith.constant 0 : i32
    %dma_wait3A_1119 = tpu.memref_slice %arg9[%dma_wait3A_1116, %dma_wait3A_1117, %dma_wait3A_1118] : memref<4x128x64xf32, #tpu.memory_space<vmem>> -> memref<1x128x64xf32, #tpu.memory_space<vmem>>
    %dma_wait3A_1120 = tpu.memref_squeeze %dma_wait3A_1119 : memref<1x128x64xf32, #tpu.memory_space<vmem>> -> memref<128x64xf32, #tpu.memory_space<vmem>>
    %dma_wait3A_1121 = arith.constant 0 : i32
    %dma_wait3A_1122 = arith.constant 0 : i32
    %dma_wait3A_1123 = tpu.memref_slice %arg3[%dma_wait3A_1121, %dma_wait3A_1122] : memref<1000000x64xf32, #tpu.memory_space<hbm>> -> memref<128x64xf32, #tpu.memory_space<hbm>>
    %dma_wait3A_1124 = arith.constant 0 : i32
    %dma_wait3A_1125 = arith.constant 0 : i32
    %dma_wait3A_1126 = tpu.memref_slice %arg9[%dma_wait3A_1116, %dma_wait3A_1124, %dma_wait3A_1125] : memref<4x128x64xf32, #tpu.memory_space<vmem>> -> memref<1x128x64xf32, #tpu.memory_space<vmem>>
    %dma_wait3A_1127 = tpu.memref_squeeze %dma_wait3A_1126 : memref<1x128x64xf32, #tpu.memory_space<vmem>> -> memref<128x64xf32, #tpu.memory_space<vmem>>
    %dma_wait3A_1128 = arith.constant 0 : i32
    %dma_wait3A_1129 = arith.constant 0 : i32
    %dma_wait3A_1130 = tpu.memref_slice %arg3[%dma_wait3A_1128, %dma_wait3A_1129] : memref<1000000x64xf32, #tpu.memory_space<hbm>> -> memref<128x64xf32, #tpu.memory_space<hbm>>
    tpu.wait_dma2 semaphore(%arg10 : memref<!tpu.dma_semaphore, #tpu.memory_space<semaphore_mem>>) src(%dma_wait3A_1130 : memref<128x64xf32, #tpu.memory_space<hbm>>) dst(%dma_wait3A_1127 : memref<128x64xf32, #tpu.memory_space<vmem>>)
    %dma_wait3A_1131 = arith.constant 0 : i32
    %dma_wait3A_1132 = arith.constant 0 : i32
    %dma_wait3A_1133 = arith.constant 0 : i32
    %dma_wait3A_1134 = arith.constant 0 : i32
    %dma_wait3A_1135 = tpu.memref_slice %arg9[%dma_wait3A_1131, %dma_wait3A_1133, %dma_wait3A_1134] : memref<4x128x64xf32, #tpu.memory_space<vmem>> -> memref<1x128x64xf32, #tpu.memory_space<vmem>>
    %dma_wait3A_1136 = tpu.memref_squeeze %dma_wait3A_1135 : memref<1x128x64xf32, #tpu.memory_space<vmem>> -> memref<128x64xf32, #tpu.memory_space<vmem>>
    %dma_wait3A_1137 = arith.constant 0 : i32
    %dma_wait3A_1138 = tpu.memref_slice %arg5[%dma_wait3A_1132, %mul3A_2, %dma_wait3A_1137] : memref<200x4096x64xf32, #tpu.memory_space<hbm>> -> memref<1x128x64xf32, #tpu.memory_space<hbm>>
    %dma_wait3A_1139 = tpu.memref_squeeze %dma_wait3A_1138 : memref<1x128x64xf32, #tpu.memory_space<hbm>> -> memref<128x64xf32, #tpu.memory_space<hbm>>
    %dma_wait3A_1140 = arith.constant 0 : i32
    %dma_wait3A_1141 = tpu.memref_slice %arg5[%dma_wait3A_1132, %mul3A_2, %dma_wait3A_1140] : memref<200x4096x64xf32, #tpu.memory_space<hbm>> -> memref<1x128x64xf32, #tpu.memory_space<hbm>>
    %dma_wait3A_1142 = tpu.memref_squeeze %dma_wait3A_1141 : memref<1x128x64xf32, #tpu.memory_space<hbm>> -> memref<128x64xf32, #tpu.memory_space<hbm>>
    %dma_wait3A_1143 = arith.constant 0 : i32
    %dma_wait3A_1144 = arith.constant 0 : i32
    %dma_wait3A_1145 = tpu.memref_slice %arg9[%dma_wait3A_1131, %dma_wait3A_1143, %dma_wait3A_1144] : memref<4x128x64xf32, #tpu.memory_space<vmem>> -> memref<1x128x64xf32, #tpu.memory_space<vmem>>
    %dma_wait3A_1146 = tpu.memref_squeeze %dma_wait3A_1145 : memref<1x128x64xf32, #tpu.memory_space<vmem>> -> memref<128x64xf32, #tpu.memory_space<vmem>>
    tpu.wait_dma2 semaphore(%arg11 : memref<!tpu.dma_semaphore, #tpu.memory_space<semaphore_mem>>) src(%dma_wait3A_1146 : memref<128x64xf32, #tpu.memory_space<vmem>>) dst(%dma_wait3A_1142 : memref<128x64xf32, #tpu.memory_space<hbm>>)
    %scan3A_1147 = arith.constant 0 : i32
    %scan3A_1148 = arith.constant 0 : i32
    %scan3A_1149 = arith.constant 128 : i32
    %scan3A_1150 = arith.addi %scan3A_1148, %scan3A_1149 : i32
    %scan3A_1151 = arith.constant 1 : i32
    scf.for %scan3A_1291 = %scan3A_1148 to %scan3A_1150 step %scan3A_1151  : i32 {
      %get3A_1292 = arith.constant 197 : i32
      %get3A_1293 = arith.index_cast %get3A_1292 : i32 to index
      %get3A_1294 = arith.constant 0 : index
      %get3A_1295 = tpu.vector_load %arg8[%get3A_1293, %get3A_1294] {strides = array<i32>} : memref<200x64xf32, #tpu.memory_space<vmem>>, vector<1x16xf32>,
      %get3A_1296 = vector.shape_cast %get3A_1295 : vector<1x16xf32> to vector<16xf32>
      %swap3A_1297 = arith.constant 1 : i32
      %swap3A_1298 = arith.index_cast %swap3A_1297 : i32 to index
      %swap3A_1299 = arith.index_cast %scan3A_1291 : i32 to index
      %swap3A_1300 = arith.constant 0 : index
      %swap3A_1301 = tpu.vector_load %arg9[%swap3A_1298, %swap3A_1299, %swap3A_1300] {strides = array<i32>} : memref<4x128x64xf32, #tpu.memory_space<vmem>>, vector<1x1x16xf32>,
      %swap3A_1302 = vector.shape_cast %swap3A_1301 : vector<1x1x16xf32> to vector<16xf32>
      %swap3A_1303 = vector.shape_cast %get3A_1296 : vector<16xf32> to vector<1x1x16xf32>
      tpu.vector_store %arg9[%swap3A_1298, %swap3A_1299, %swap3A_1300], %swap3A_1303 {add = true, strides = array<i32>} : memref<4x128x64xf32, #tpu.memory_space<vmem>>, vector<1x1x16xf32>,
      %get3A_1304 = arith.constant 197 : i32
      %get3A_1305 = arith.index_cast %get3A_1304 : i32 to index
      %get3A_1306 = arith.constant 16 : index
      %get3A_1307 = tpu.vector_load %arg8[%get3A_1305, %get3A_1306] {strides = array<i32>} : memref<200x64xf32, #tpu.memory_space<vmem>>, vector<1x16xf32>,
      %get3A_1308 = vector.shape_cast %get3A_1307 : vector<1x16xf32> to vector<16xf32>
      %swap3A_1309 = arith.constant 1 : i32
      %swap3A_1310 = arith.index_cast %swap3A_1309 : i32 to index
      %swap3A_1311 = arith.index_cast %scan3A_1291 : i32 to index
      %swap3A_1312 = arith.constant 16 : index
      %swap3A_1313 = tpu.vector_load %arg9[%swap3A_1310, %swap3A_1311, %swap3A_1312] {strides = array<i32>} : memref<4x128x64xf32, #tpu.memory_space<vmem>>, vector<1x1x16xf32>,
      %swap3A_1314 = vector.shape_cast %swap3A_1313 : vector<1x1x16xf32> to vector<16xf32>
      %swap3A_1315 = vector.shape_cast %get3A_1308 : vector<16xf32> to vector<1x1x16xf32>
      tpu.vector_store %arg9[%swap3A_1310, %swap3A_1311, %swap3A_1312], %swap3A_1315 {add = true, strides = array<i32>} : memref<4x128x64xf32, #tpu.memory_space<vmem>>, vector<1x1x16xf32>,
      %get3A_1316 = arith.constant 197 : i32
      %get3A_1317 = arith.index_cast %get3A_1316 : i32 to index
      %get3A_1318 = arith.constant 32 : index
      %get3A_1319 = tpu.vector_load %arg8[%get3A_1317, %get3A_1318] {strides = array<i32>} : memref<200x64xf32, #tpu.memory_space<vmem>>, vector<1x16xf32>,
      %get3A_1320 = vector.shape_cast %get3A_1319 : vector<1x16xf32> to vector<16xf32>
      %swap3A_1321 = arith.constant 1 : i32
      %swap3A_1322 = arith.index_cast %swap3A_1321 : i32 to index
      %swap3A_1323 = arith.index_cast %scan3A_1291 : i32 to index
      %swap3A_1324 = arith.constant 32 : index
      %swap3A_1325 = tpu.vector_load %arg9[%swap3A_1322, %swap3A_1323, %swap3A_1324] {strides = array<i32>} : memref<4x128x64xf32, #tpu.memory_space<vmem>>, vector<1x1x16xf32>,
      %swap3A_1326 = vector.shape_cast %swap3A_1325 : vector<1x1x16xf32> to vector<16xf32>
      %swap3A_1327 = vector.shape_cast %get3A_1320 : vector<16xf32> to vector<1x1x16xf32>
      tpu.vector_store %arg9[%swap3A_1322, %swap3A_1323, %swap3A_1324], %swap3A_1327 {add = true, strides = array<i32>} : memref<4x128x64xf32, #tpu.memory_space<vmem>>, vector<1x1x16xf32>,
      %get3A_1328 = arith.constant 197 : i32
      %get3A_1329 = arith.index_cast %get3A_1328 : i32 to index
      %get3A_1330 = arith.constant 48 : index
      %get3A_1331 = tpu.vector_load %arg8[%get3A_1329, %get3A_1330] {strides = array<i32>} : memref<200x64xf32, #tpu.memory_space<vmem>>, vector<1x16xf32>,
      %get3A_1332 = vector.shape_cast %get3A_1331 : vector<1x16xf32> to vector<16xf32>
      %swap3A_1333 = arith.constant 1 : i32
      %swap3A_1334 = arith.index_cast %swap3A_1333 : i32 to index
      %swap3A_1335 = arith.index_cast %scan3A_1291 : i32 to index
      %swap3A_1336 = arith.constant 48 : index
      %swap3A_1337 = tpu.vector_load %arg9[%swap3A_1334, %swap3A_1335, %swap3A_1336] {strides = array<i32>} : memref<4x128x64xf32, #tpu.memory_space<vmem>>, vector<1x1x16xf32>,
      %swap3A_1338 = vector.shape_cast %swap3A_1337 : vector<1x1x16xf32> to vector<16xf32>
      %swap3A_1339 = vector.shape_cast %get3A_1332 : vector<16xf32> to vector<1x1x16xf32>
      tpu.vector_store %arg9[%swap3A_1334, %swap3A_1335, %swap3A_1336], %swap3A_1339 {add = true, strides = array<i32>} : memref<4x128x64xf32, #tpu.memory_space<vmem>>, vector<1x1x16xf32>,
    }
    %scan3A_1152 = arith.constant 128 : i32
    %dma_start3A_1153 = arith.constant 1 : i32
    %dma_start3A_1154 = arith.constant 197 : i32
    %dma_start3A_1155 = arith.constant 0 : i32
    %dma_start3A_1156 = arith.constant 0 : i32
    %dma_start3A_1157 = tpu.memref_slice %arg9[%dma_start3A_1153, %dma_start3A_1155, %dma_start3A_1156] : memref<4x128x64xf32, #tpu.memory_space<vmem>> -> memref<1x128x64xf32, #tpu.memory_space<vmem>>
    %dma_start3A_1158 = tpu.memref_squeeze %dma_start3A_1157 : memref<1x128x64xf32, #tpu.memory_space<vmem>> -> memref<128x64xf32, #tpu.memory_space<vmem>>
    %dma_start3A_1159 = arith.constant 0 : i32
    %dma_start3A_1160 = tpu.memref_slice %arg5[%dma_start3A_1154, %mul3A_2, %dma_start3A_1159] : memref<200x4096x64xf32, #tpu.memory_space<hbm>> -> memref<1x128x64xf32, #tpu.memory_space<hbm>>
    %dma_start3A_1161 = tpu.memref_squeeze %dma_start3A_1160 : memref<1x128x64xf32, #tpu.memory_space<hbm>> -> memref<128x64xf32, #tpu.memory_space<hbm>>
    %dma_start3A_1162 = arith.constant 0 : i32
    %dma_start3A_1163 = tpu.memref_slice %arg5[%dma_start3A_1154, %mul3A_2, %dma_start3A_1162] : memref<200x4096x64xf32, #tpu.memory_space<hbm>> -> memref<1x128x64xf32, #tpu.memory_space<hbm>>
    %dma_start3A_1164 = tpu.memref_squeeze %dma_start3A_1163 : memref<1x128x64xf32, #tpu.memory_space<hbm>> -> memref<128x64xf32, #tpu.memory_space<hbm>>
    %dma_start3A_1165 = arith.constant 0 : i32
    %dma_start3A_1166 = arith.constant 0 : i32
    %dma_start3A_1167 = tpu.memref_slice %arg9[%dma_start3A_1153, %dma_start3A_1165, %dma_start3A_1166] : memref<4x128x64xf32, #tpu.memory_space<vmem>> -> memref<1x128x64xf32, #tpu.memory_space<vmem>>
    %dma_start3A_1168 = tpu.memref_squeeze %dma_start3A_1167 : memref<1x128x64xf32, #tpu.memory_space<vmem>> -> memref<128x64xf32, #tpu.memory_space<vmem>>
    tpu.enqueue_dma source(%dma_start3A_1168 : memref<128x64xf32, #tpu.memory_space<vmem>>) target(%dma_start3A_1164 : memref<128x64xf32, #tpu.memory_space<hbm>>) target_semaphore(%arg11 : memref<!tpu.dma_semaphore, #tpu.memory_space<semaphore_mem>>)
    %dma_wait3A_1169 = arith.constant 2 : i32
    %dma_wait3A_1170 = arith.constant 0 : i32
    %dma_wait3A_1171 = arith.constant 0 : i32
    %dma_wait3A_1172 = tpu.memref_slice %arg9[%dma_wait3A_1169, %dma_wait3A_1170, %dma_wait3A_1171] : memref<4x128x64xf32, #tpu.memory_space<vmem>> -> memref<1x128x64xf32, #tpu.memory_space<vmem>>
    %dma_wait3A_1173 = tpu.memref_squeeze %dma_wait3A_1172 : memref<1x128x64xf32, #tpu.memory_space<vmem>> -> memref<128x64xf32, #tpu.memory_space<vmem>>
    %dma_wait3A_1174 = arith.constant 0 : i32
    %dma_wait3A_1175 = arith.constant 0 : i32
    %dma_wait3A_1176 = tpu.memref_slice %arg3[%dma_wait3A_1174, %dma_wait3A_1175] : memref<1000000x64xf32, #tpu.memory_space<hbm>> -> memref<128x64xf32, #tpu.memory_space<hbm>>
    %dma_wait3A_1177 = arith.constant 0 : i32
    %dma_wait3A_1178 = arith.constant 0 : i32
    %dma_wait3A_1179 = tpu.memref_slice %arg9[%dma_wait3A_1169, %dma_wait3A_1177, %dma_wait3A_1178] : memref<4x128x64xf32, #tpu.memory_space<vmem>> -> memref<1x128x64xf32, #tpu.memory_space<vmem>>
    %dma_wait3A_1180 = tpu.memref_squeeze %dma_wait3A_1179 : memref<1x128x64xf32, #tpu.memory_space<vmem>> -> memref<128x64xf32, #tpu.memory_space<vmem>>
    %dma_wait3A_1181 = arith.constant 0 : i32
    %dma_wait3A_1182 = arith.constant 0 : i32
    %dma_wait3A_1183 = tpu.memref_slice %arg3[%dma_wait3A_1181, %dma_wait3A_1182] : memref<1000000x64xf32, #tpu.memory_space<hbm>> -> memref<128x64xf32, #tpu.memory_space<hbm>>
    tpu.wait_dma2 semaphore(%arg10 : memref<!tpu.dma_semaphore, #tpu.memory_space<semaphore_mem>>) src(%dma_wait3A_1183 : memref<128x64xf32, #tpu.memory_space<hbm>>) dst(%dma_wait3A_1180 : memref<128x64xf32, #tpu.memory_space<vmem>>)
    %dma_wait3A_1184 = arith.constant 1 : i32
    %dma_wait3A_1185 = arith.constant 0 : i32
    %dma_wait3A_1186 = arith.constant 0 : i32
    %dma_wait3A_1187 = arith.constant 0 : i32
    %dma_wait3A_1188 = tpu.memref_slice %arg9[%dma_wait3A_1184, %dma_wait3A_1186, %dma_wait3A_1187] : memref<4x128x64xf32, #tpu.memory_space<vmem>> -> memref<1x128x64xf32, #tpu.memory_space<vmem>>
    %dma_wait3A_1189 = tpu.memref_squeeze %dma_wait3A_1188 : memref<1x128x64xf32, #tpu.memory_space<vmem>> -> memref<128x64xf32, #tpu.memory_space<vmem>>
    %dma_wait3A_1190 = arith.constant 0 : i32
    %dma_wait3A_1191 = tpu.memref_slice %arg5[%dma_wait3A_1185, %mul3A_2, %dma_wait3A_1190] : memref<200x4096x64xf32, #tpu.memory_space<hbm>> -> memref<1x128x64xf32, #tpu.memory_space<hbm>>
    %dma_wait3A_1192 = tpu.memref_squeeze %dma_wait3A_1191 : memref<1x128x64xf32, #tpu.memory_space<hbm>> -> memref<128x64xf32, #tpu.memory_space<hbm>>
    %dma_wait3A_1193 = arith.constant 0 : i32
    %dma_wait3A_1194 = tpu.memref_slice %arg5[%dma_wait3A_1185, %mul3A_2, %dma_wait3A_1193] : memref<200x4096x64xf32, #tpu.memory_space<hbm>> -> memref<1x128x64xf32, #tpu.memory_space<hbm>>
    %dma_wait3A_1195 = tpu.memref_squeeze %dma_wait3A_1194 : memref<1x128x64xf32, #tpu.memory_space<hbm>> -> memref<128x64xf32, #tpu.memory_space<hbm>>
    %dma_wait3A_1196 = arith.constant 0 : i32
    %dma_wait3A_1197 = arith.constant 0 : i32
    %dma_wait3A_1198 = tpu.memref_slice %arg9[%dma_wait3A_1184, %dma_wait3A_1196, %dma_wait3A_1197] : memref<4x128x64xf32, #tpu.memory_space<vmem>> -> memref<1x128x64xf32, #tpu.memory_space<vmem>>
    %dma_wait3A_1199 = tpu.memref_squeeze %dma_wait3A_1198 : memref<1x128x64xf32, #tpu.memory_space<vmem>> -> memref<128x64xf32, #tpu.memory_space<vmem>>
    tpu.wait_dma2 semaphore(%arg11 : memref<!tpu.dma_semaphore, #tpu.memory_space<semaphore_mem>>) src(%dma_wait3A_1199 : memref<128x64xf32, #tpu.memory_space<vmem>>) dst(%dma_wait3A_1195 : memref<128x64xf32, #tpu.memory_space<hbm>>)
    %scan3A_1200 = arith.constant 0 : i32
    %scan3A_1201 = arith.constant 0 : i32
    %scan3A_1202 = arith.constant 128 : i32
    %scan3A_1203 = arith.addi %scan3A_1201, %scan3A_1202 : i32
    %scan3A_1204 = arith.constant 1 : i32
    scf.for %scan3A_1291 = %scan3A_1201 to %scan3A_1203 step %scan3A_1204  : i32 {
      %get3A_1292 = arith.constant 198 : i32
      %get3A_1293 = arith.index_cast %get3A_1292 : i32 to index
      %get3A_1294 = arith.constant 0 : index
      %get3A_1295 = tpu.vector_load %arg8[%get3A_1293, %get3A_1294] {strides = array<i32>} : memref<200x64xf32, #tpu.memory_space<vmem>>, vector<1x16xf32>,
      %get3A_1296 = vector.shape_cast %get3A_1295 : vector<1x16xf32> to vector<16xf32>
      %swap3A_1297 = arith.constant 2 : i32
      %swap3A_1298 = arith.index_cast %swap3A_1297 : i32 to index
      %swap3A_1299 = arith.index_cast %scan3A_1291 : i32 to index
      %swap3A_1300 = arith.constant 0 : index
      %swap3A_1301 = tpu.vector_load %arg9[%swap3A_1298, %swap3A_1299, %swap3A_1300] {strides = array<i32>} : memref<4x128x64xf32, #tpu.memory_space<vmem>>, vector<1x1x16xf32>,
      %swap3A_1302 = vector.shape_cast %swap3A_1301 : vector<1x1x16xf32> to vector<16xf32>
      %swap3A_1303 = vector.shape_cast %get3A_1296 : vector<16xf32> to vector<1x1x16xf32>
      tpu.vector_store %arg9[%swap3A_1298, %swap3A_1299, %swap3A_1300], %swap3A_1303 {add = true, strides = array<i32>} : memref<4x128x64xf32, #tpu.memory_space<vmem>>, vector<1x1x16xf32>,
      %get3A_1304 = arith.constant 198 : i32
      %get3A_1305 = arith.index_cast %get3A_1304 : i32 to index
      %get3A_1306 = arith.constant 16 : index
      %get3A_1307 = tpu.vector_load %arg8[%get3A_1305, %get3A_1306] {strides = array<i32>} : memref<200x64xf32, #tpu.memory_space<vmem>>, vector<1x16xf32>,
      %get3A_1308 = vector.shape_cast %get3A_1307 : vector<1x16xf32> to vector<16xf32>
      %swap3A_1309 = arith.constant 2 : i32
      %swap3A_1310 = arith.index_cast %swap3A_1309 : i32 to index
      %swap3A_1311 = arith.index_cast %scan3A_1291 : i32 to index
      %swap3A_1312 = arith.constant 16 : index
      %swap3A_1313 = tpu.vector_load %arg9[%swap3A_1310, %swap3A_1311, %swap3A_1312] {strides = array<i32>} : memref<4x128x64xf32, #tpu.memory_space<vmem>>, vector<1x1x16xf32>,
      %swap3A_1314 = vector.shape_cast %swap3A_1313 : vector<1x1x16xf32> to vector<16xf32>
      %swap3A_1315 = vector.shape_cast %get3A_1308 : vector<16xf32> to vector<1x1x16xf32>
      tpu.vector_store %arg9[%swap3A_1310, %swap3A_1311, %swap3A_1312], %swap3A_1315 {add = true, strides = array<i32>} : memref<4x128x64xf32, #tpu.memory_space<vmem>>, vector<1x1x16xf32>,
      %get3A_1316 = arith.constant 198 : i32
      %get3A_1317 = arith.index_cast %get3A_1316 : i32 to index
      %get3A_1318 = arith.constant 32 : index
      %get3A_1319 = tpu.vector_load %arg8[%get3A_1317, %get3A_1318] {strides = array<i32>} : memref<200x64xf32, #tpu.memory_space<vmem>>, vector<1x16xf32>,
      %get3A_1320 = vector.shape_cast %get3A_1319 : vector<1x16xf32> to vector<16xf32>
      %swap3A_1321 = arith.constant 2 : i32
      %swap3A_1322 = arith.index_cast %swap3A_1321 : i32 to index
      %swap3A_1323 = arith.index_cast %scan3A_1291 : i32 to index
      %swap3A_1324 = arith.constant 32 : index
      %swap3A_1325 = tpu.vector_load %arg9[%swap3A_1322, %swap3A_1323, %swap3A_1324] {strides = array<i32>} : memref<4x128x64xf32, #tpu.memory_space<vmem>>, vector<1x1x16xf32>,
      %swap3A_1326 = vector.shape_cast %swap3A_1325 : vector<1x1x16xf32> to vector<16xf32>
      %swap3A_1327 = vector.shape_cast %get3A_1320 : vector<16xf32> to vector<1x1x16xf32>
      tpu.vector_store %arg9[%swap3A_1322, %swap3A_1323, %swap3A_1324], %swap3A_1327 {add = true, strides = array<i32>} : memref<4x128x64xf32, #tpu.memory_space<vmem>>, vector<1x1x16xf32>,
      %get3A_1328 = arith.constant 198 : i32
      %get3A_1329 = arith.index_cast %get3A_1328 : i32 to index
      %get3A_1330 = arith.constant 48 : index
      %get3A_1331 = tpu.vector_load %arg8[%get3A_1329, %get3A_1330] {strides = array<i32>} : memref<200x64xf32, #tpu.memory_space<vmem>>, vector<1x16xf32>,
      %get3A_1332 = vector.shape_cast %get3A_1331 : vector<1x16xf32> to vector<16xf32>
      %swap3A_1333 = arith.constant 2 : i32
      %swap3A_1334 = arith.index_cast %swap3A_1333 : i32 to index
      %swap3A_1335 = arith.index_cast %scan3A_1291 : i32 to index
      %swap3A_1336 = arith.constant 48 : index
      %swap3A_1337 = tpu.vector_load %arg9[%swap3A_1334, %swap3A_1335, %swap3A_1336] {strides = array<i32>} : memref<4x128x64xf32, #tpu.memory_space<vmem>>, vector<1x1x16xf32>,
      %swap3A_1338 = vector.shape_cast %swap3A_1337 : vector<1x1x16xf32> to vector<16xf32>
      %swap3A_1339 = vector.shape_cast %get3A_1332 : vector<16xf32> to vector<1x1x16xf32>
      tpu.vector_store %arg9[%swap3A_1334, %swap3A_1335, %swap3A_1336], %swap3A_1339 {add = true, strides = array<i32>} : memref<4x128x64xf32, #tpu.memory_space<vmem>>, vector<1x1x16xf32>,
    }
    %scan3A_1205 = arith.constant 128 : i32
    %dma_start3A_1206 = arith.constant 2 : i32
    %dma_start3A_1207 = arith.constant 198 : i32
    %dma_start3A_1208 = arith.constant 0 : i32
    %dma_start3A_1209 = arith.constant 0 : i32
    %dma_start3A_1210 = tpu.memref_slice %arg9[%dma_start3A_1206, %dma_start3A_1208, %dma_start3A_1209] : memref<4x128x64xf32, #tpu.memory_space<vmem>> -> memref<1x128x64xf32, #tpu.memory_space<vmem>>
    %dma_start3A_1211 = tpu.memref_squeeze %dma_start3A_1210 : memref<1x128x64xf32, #tpu.memory_space<vmem>> -> memref<128x64xf32, #tpu.memory_space<vmem>>
    %dma_start3A_1212 = arith.constant 0 : i32
    %dma_start3A_1213 = tpu.memref_slice %arg5[%dma_start3A_1207, %mul3A_2, %dma_start3A_1212] : memref<200x4096x64xf32, #tpu.memory_space<hbm>> -> memref<1x128x64xf32, #tpu.memory_space<hbm>>
    %dma_start3A_1214 = tpu.memref_squeeze %dma_start3A_1213 : memref<1x128x64xf32, #tpu.memory_space<hbm>> -> memref<128x64xf32, #tpu.memory_space<hbm>>
    %dma_start3A_1215 = arith.constant 0 : i32
    %dma_start3A_1216 = tpu.memref_slice %arg5[%dma_start3A_1207, %mul3A_2, %dma_start3A_1215] : memref<200x4096x64xf32, #tpu.memory_space<hbm>> -> memref<1x128x64xf32, #tpu.memory_space<hbm>>
    %dma_start3A_1217 = tpu.memref_squeeze %dma_start3A_1216 : memref<1x128x64xf32, #tpu.memory_space<hbm>> -> memref<128x64xf32, #tpu.memory_space<hbm>>
    %dma_start3A_1218 = arith.constant 0 : i32
    %dma_start3A_1219 = arith.constant 0 : i32
    %dma_start3A_1220 = tpu.memref_slice %arg9[%dma_start3A_1206, %dma_start3A_1218, %dma_start3A_1219] : memref<4x128x64xf32, #tpu.memory_space<vmem>> -> memref<1x128x64xf32, #tpu.memory_space<vmem>>
    %dma_start3A_1221 = tpu.memref_squeeze %dma_start3A_1220 : memref<1x128x64xf32, #tpu.memory_space<vmem>> -> memref<128x64xf32, #tpu.memory_space<vmem>>
    tpu.enqueue_dma source(%dma_start3A_1221 : memref<128x64xf32, #tpu.memory_space<vmem>>) target(%dma_start3A_1217 : memref<128x64xf32, #tpu.memory_space<hbm>>) target_semaphore(%arg11 : memref<!tpu.dma_semaphore, #tpu.memory_space<semaphore_mem>>)
    %dma_wait3A_1222 = arith.constant 3 : i32
    %dma_wait3A_1223 = arith.constant 0 : i32
    %dma_wait3A_1224 = arith.constant 0 : i32
    %dma_wait3A_1225 = tpu.memref_slice %arg9[%dma_wait3A_1222, %dma_wait3A_1223, %dma_wait3A_1224] : memref<4x128x64xf32, #tpu.memory_space<vmem>> -> memref<1x128x64xf32, #tpu.memory_space<vmem>>
    %dma_wait3A_1226 = tpu.memref_squeeze %dma_wait3A_1225 : memref<1x128x64xf32, #tpu.memory_space<vmem>> -> memref<128x64xf32, #tpu.memory_space<vmem>>
    %dma_wait3A_1227 = arith.constant 0 : i32
    %dma_wait3A_1228 = arith.constant 0 : i32
    %dma_wait3A_1229 = tpu.memref_slice %arg3[%dma_wait3A_1227, %dma_wait3A_1228] : memref<1000000x64xf32, #tpu.memory_space<hbm>> -> memref<128x64xf32, #tpu.memory_space<hbm>>
    %dma_wait3A_1230 = arith.constant 0 : i32
    %dma_wait3A_1231 = arith.constant 0 : i32
    %dma_wait3A_1232 = tpu.memref_slice %arg9[%dma_wait3A_1222, %dma_wait3A_1230, %dma_wait3A_1231] : memref<4x128x64xf32, #tpu.memory_space<vmem>> -> memref<1x128x64xf32, #tpu.memory_space<vmem>>
    %dma_wait3A_1233 = tpu.memref_squeeze %dma_wait3A_1232 : memref<1x128x64xf32, #tpu.memory_space<vmem>> -> memref<128x64xf32, #tpu.memory_space<vmem>>
    %dma_wait3A_1234 = arith.constant 0 : i32
    %dma_wait3A_1235 = arith.constant 0 : i32
    %dma_wait3A_1236 = tpu.memref_slice %arg3[%dma_wait3A_1234, %dma_wait3A_1235] : memref<1000000x64xf32, #tpu.memory_space<hbm>> -> memref<128x64xf32, #tpu.memory_space<hbm>>
    tpu.wait_dma2 semaphore(%arg10 : memref<!tpu.dma_semaphore, #tpu.memory_space<semaphore_mem>>) src(%dma_wait3A_1236 : memref<128x64xf32, #tpu.memory_space<hbm>>) dst(%dma_wait3A_1233 : memref<128x64xf32, #tpu.memory_space<vmem>>)
    %dma_wait3A_1237 = arith.constant 2 : i32
    %dma_wait3A_1238 = arith.constant 0 : i32
    %dma_wait3A_1239 = arith.constant 0 : i32
    %dma_wait3A_1240 = arith.constant 0 : i32
    %dma_wait3A_1241 = tpu.memref_slice %arg9[%dma_wait3A_1237, %dma_wait3A_1239, %dma_wait3A_1240] : memref<4x128x64xf32, #tpu.memory_space<vmem>> -> memref<1x128x64xf32, #tpu.memory_space<vmem>>
    %dma_wait3A_1242 = tpu.memref_squeeze %dma_wait3A_1241 : memref<1x128x64xf32, #tpu.memory_space<vmem>> -> memref<128x64xf32, #tpu.memory_space<vmem>>
    %dma_wait3A_1243 = arith.constant 0 : i32
    %dma_wait3A_1244 = tpu.memref_slice %arg5[%dma_wait3A_1238, %mul3A_2, %dma_wait3A_1243] : memref<200x4096x64xf32, #tpu.memory_space<hbm>> -> memref<1x128x64xf32, #tpu.memory_space<hbm>>
    %dma_wait3A_1245 = tpu.memref_squeeze %dma_wait3A_1244 : memref<1x128x64xf32, #tpu.memory_space<hbm>> -> memref<128x64xf32, #tpu.memory_space<hbm>>
    %dma_wait3A_1246 = arith.constant 0 : i32
    %dma_wait3A_1247 = tpu.memref_slice %arg5[%dma_wait3A_1238, %mul3A_2, %dma_wait3A_1246] : memref<200x4096x64xf32, #tpu.memory_space<hbm>> -> memref<1x128x64xf32, #tpu.memory_space<hbm>>
    %dma_wait3A_1248 = tpu.memref_squeeze %dma_wait3A_1247 : memref<1x128x64xf32, #tpu.memory_space<hbm>> -> memref<128x64xf32, #tpu.memory_space<hbm>>
    %dma_wait3A_1249 = arith.constant 0 : i32
    %dma_wait3A_1250 = arith.constant 0 : i32
    %dma_wait3A_1251 = tpu.memref_slice %arg9[%dma_wait3A_1237, %dma_wait3A_1249, %dma_wait3A_1250] : memref<4x128x64xf32, #tpu.memory_space<vmem>> -> memref<1x128x64xf32, #tpu.memory_space<vmem>>
    %dma_wait3A_1252 = tpu.memref_squeeze %dma_wait3A_1251 : memref<1x128x64xf32, #tpu.memory_space<vmem>> -> memref<128x64xf32, #tpu.memory_space<vmem>>
    tpu.wait_dma2 semaphore(%arg11 : memref<!tpu.dma_semaphore, #tpu.memory_space<semaphore_mem>>) src(%dma_wait3A_1252 : memref<128x64xf32, #tpu.memory_space<vmem>>) dst(%dma_wait3A_1248 : memref<128x64xf32, #tpu.memory_space<hbm>>)
    %scan3A_1253 = arith.constant 0 : i32
    %scan3A_1254 = arith.constant 0 : i32
    %scan3A_1255 = arith.constant 128 : i32
    %scan3A_1256 = arith.addi %scan3A_1254, %scan3A_1255 : i32
    %scan3A_1257 = arith.constant 1 : i32
    scf.for %scan3A_1291 = %scan3A_1254 to %scan3A_1256 step %scan3A_1257  : i32 {
      %get3A_1292 = arith.constant 199 : i32
      %get3A_1293 = arith.index_cast %get3A_1292 : i32 to index
      %get3A_1294 = arith.constant 0 : index
      %get3A_1295 = tpu.vector_load %arg8[%get3A_1293, %get3A_1294] {strides = array<i32>} : memref<200x64xf32, #tpu.memory_space<vmem>>, vector<1x16xf32>,
      %get3A_1296 = vector.shape_cast %get3A_1295 : vector<1x16xf32> to vector<16xf32>
      %swap3A_1297 = arith.constant 3 : i32
      %swap3A_1298 = arith.index_cast %swap3A_1297 : i32 to index
      %swap3A_1299 = arith.index_cast %scan3A_1291 : i32 to index
      %swap3A_1300 = arith.constant 0 : index
      %swap3A_1301 = tpu.vector_load %arg9[%swap3A_1298, %swap3A_1299, %swap3A_1300] {strides = array<i32>} : memref<4x128x64xf32, #tpu.memory_space<vmem>>, vector<1x1x16xf32>,
      %swap3A_1302 = vector.shape_cast %swap3A_1301 : vector<1x1x16xf32> to vector<16xf32>
      %swap3A_1303 = vector.shape_cast %get3A_1296 : vector<16xf32> to vector<1x1x16xf32>
      tpu.vector_store %arg9[%swap3A_1298, %swap3A_1299, %swap3A_1300], %swap3A_1303 {add = true, strides = array<i32>} : memref<4x128x64xf32, #tpu.memory_space<vmem>>, vector<1x1x16xf32>,
      %get3A_1304 = arith.constant 199 : i32
      %get3A_1305 = arith.index_cast %get3A_1304 : i32 to index
      %get3A_1306 = arith.constant 16 : index
      %get3A_1307 = tpu.vector_load %arg8[%get3A_1305, %get3A_1306] {strides = array<i32>} : memref<200x64xf32, #tpu.memory_space<vmem>>, vector<1x16xf32>,
      %get3A_1308 = vector.shape_cast %get3A_1307 : vector<1x16xf32> to vector<16xf32>
      %swap3A_1309 = arith.constant 3 : i32
      %swap3A_1310 = arith.index_cast %swap3A_1309 : i32 to index
      %swap3A_1311 = arith.index_cast %scan3A_1291 : i32 to index
      %swap3A_1312 = arith.constant 16 : index
      %swap3A_1313 = tpu.vector_load %arg9[%swap3A_1310, %swap3A_1311, %swap3A_1312] {strides = array<i32>} : memref<4x128x64xf32, #tpu.memory_space<vmem>>, vector<1x1x16xf32>,
      %swap3A_1314 = vector.shape_cast %swap3A_1313 : vector<1x1x16xf32> to vector<16xf32>
      %swap3A_1315 = vector.shape_cast %get3A_1308 : vector<16xf32> to vector<1x1x16xf32>
      tpu.vector_store %arg9[%swap3A_1310, %swap3A_1311, %swap3A_1312], %swap3A_1315 {add = true, strides = array<i32>} : memref<4x128x64xf32, #tpu.memory_space<vmem>>, vector<1x1x16xf32>,
      %get3A_1316 = arith.constant 199 : i32
      %get3A_1317 = arith.index_cast %get3A_1316 : i32 to index
      %get3A_1318 = arith.constant 32 : index
      %get3A_1319 = tpu.vector_load %arg8[%get3A_1317, %get3A_1318] {strides = array<i32>} : memref<200x64xf32, #tpu.memory_space<vmem>>, vector<1x16xf32>,
      %get3A_1320 = vector.shape_cast %get3A_1319 : vector<1x16xf32> to vector<16xf32>
      %swap3A_1321 = arith.constant 3 : i32
      %swap3A_1322 = arith.index_cast %swap3A_1321 : i32 to index
      %swap3A_1323 = arith.index_cast %scan3A_1291 : i32 to index
      %swap3A_1324 = arith.constant 32 : index
      %swap3A_1325 = tpu.vector_load %arg9[%swap3A_1322, %swap3A_1323, %swap3A_1324] {strides = array<i32>} : memref<4x128x64xf32, #tpu.memory_space<vmem>>, vector<1x1x16xf32>,
      %swap3A_1326 = vector.shape_cast %swap3A_1325 : vector<1x1x16xf32> to vector<16xf32>
      %swap3A_1327 = vector.shape_cast %get3A_1320 : vector<16xf32> to vector<1x1x16xf32>
      tpu.vector_store %arg9[%swap3A_1322, %swap3A_1323, %swap3A_1324], %swap3A_1327 {add = true, strides = array<i32>} : memref<4x128x64xf32, #tpu.memory_space<vmem>>, vector<1x1x16xf32>,
      %get3A_1328 = arith.constant 199 : i32
      %get3A_1329 = arith.index_cast %get3A_1328 : i32 to index
      %get3A_1330 = arith.constant 48 : index
      %get3A_1331 = tpu.vector_load %arg8[%get3A_1329, %get3A_1330] {strides = array<i32>} : memref<200x64xf32, #tpu.memory_space<vmem>>, vector<1x16xf32>,
      %get3A_1332 = vector.shape_cast %get3A_1331 : vector<1x16xf32> to vector<16xf32>
      %swap3A_1333 = arith.constant 3 : i32
      %swap3A_1334 = arith.index_cast %swap3A_1333 : i32 to index
      %swap3A_1335 = arith.index_cast %scan3A_1291 : i32 to index
      %swap3A_1336 = arith.constant 48 : index
      %swap3A_1337 = tpu.vector_load %arg9[%swap3A_1334, %swap3A_1335, %swap3A_1336] {strides = array<i32>} : memref<4x128x64xf32, #tpu.memory_space<vmem>>, vector<1x1x16xf32>,
      %swap3A_1338 = vector.shape_cast %swap3A_1337 : vector<1x1x16xf32> to vector<16xf32>
      %swap3A_1339 = vector.shape_cast %get3A_1332 : vector<16xf32> to vector<1x1x16xf32>
      tpu.vector_store %arg9[%swap3A_1334, %swap3A_1335, %swap3A_1336], %swap3A_1339 {add = true, strides = array<i32>} : memref<4x128x64xf32, #tpu.memory_space<vmem>>, vector<1x1x16xf32>,
    }
    %scan3A_1258 = arith.constant 128 : i32
    %dma_start3A_1259 = arith.constant 3 : i32
    %dma_start3A_1260 = arith.constant 199 : i32
    %dma_start3A_1261 = arith.constant 0 : i32
    %dma_start3A_1262 = arith.constant 0 : i32
    %dma_start3A_1263 = tpu.memref_slice %arg9[%dma_start3A_1259, %dma_start3A_1261, %dma_start3A_1262] : memref<4x128x64xf32, #tpu.memory_space<vmem>> -> memref<1x128x64xf32, #tpu.memory_space<vmem>>
    %dma_start3A_1264 = tpu.memref_squeeze %dma_start3A_1263 : memref<1x128x64xf32, #tpu.memory_space<vmem>> -> memref<128x64xf32, #tpu.memory_space<vmem>>
    %dma_start3A_1265 = arith.constant 0 : i32
    %dma_start3A_1266 = tpu.memref_slice %arg5[%dma_start3A_1260, %mul3A_2, %dma_start3A_1265] : memref<200x4096x64xf32, #tpu.memory_space<hbm>> -> memref<1x128x64xf32, #tpu.memory_space<hbm>>
    %dma_start3A_1267 = tpu.memref_squeeze %dma_start3A_1266 : memref<1x128x64xf32, #tpu.memory_space<hbm>> -> memref<128x64xf32, #tpu.memory_space<hbm>>
    %dma_start3A_1268 = arith.constant 0 : i32
    %dma_start3A_1269 = tpu.memref_slice %arg5[%dma_start3A_1260, %mul3A_2, %dma_start3A_1268] : memref<200x4096x64xf32, #tpu.memory_space<hbm>> -> memref<1x128x64xf32, #tpu.memory_space<hbm>>
    %dma_start3A_1270 = tpu.memref_squeeze %dma_start3A_1269 : memref<1x128x64xf32, #tpu.memory_space<hbm>> -> memref<128x64xf32, #tpu.memory_space<hbm>>
    %dma_start3A_1271 = arith.constant 0 : i32
    %dma_start3A_1272 = arith.constant 0 : i32
    %dma_start3A_1273 = tpu.memref_slice %arg9[%dma_start3A_1259, %dma_start3A_1271, %dma_start3A_1272] : memref<4x128x64xf32, #tpu.memory_space<vmem>> -> memref<1x128x64xf32, #tpu.memory_space<vmem>>
    %dma_start3A_1274 = tpu.memref_squeeze %dma_start3A_1273 : memref<1x128x64xf32, #tpu.memory_space<vmem>> -> memref<128x64xf32, #tpu.memory_space<vmem>>
    tpu.enqueue_dma source(%dma_start3A_1274 : memref<128x64xf32, #tpu.memory_space<vmem>>) target(%dma_start3A_1270 : memref<128x64xf32, #tpu.memory_space<hbm>>) target_semaphore(%arg11 : memref<!tpu.dma_semaphore, #tpu.memory_space<semaphore_mem>>)
    %dma_wait3A_1275 = arith.constant 3 : i32
    %dma_wait3A_1276 = arith.constant 0 : i32
    %dma_wait3A_1277 = arith.constant 0 : i32
    %dma_wait3A_1278 = arith.constant 0 : i32
    %dma_wait3A_1279 = tpu.memref_slice %arg9[%dma_wait3A_1275, %dma_wait3A_1277, %dma_wait3A_1278] : memref<4x128x64xf32, #tpu.memory_space<vmem>> -> memref<1x128x64xf32, #tpu.memory_space<vmem>>
    %dma_wait3A_1280 = tpu.memref_squeeze %dma_wait3A_1279 : memref<1x128x64xf32, #tpu.memory_space<vmem>> -> memref<128x64xf32, #tpu.memory_space<vmem>>
    %dma_wait3A_1281 = arith.constant 0 : i32
    %dma_wait3A_1282 = tpu.memref_slice %arg5[%dma_wait3A_1276, %mul3A_2, %dma_wait3A_1281] : memref<200x4096x64xf32, #tpu.memory_space<hbm>> -> memref<1x128x64xf32, #tpu.memory_space<hbm>>
    %dma_wait3A_1283 = tpu.memref_squeeze %dma_wait3A_1282 : memref<1x128x64xf32, #tpu.memory_space<hbm>> -> memref<128x64xf32, #tpu.memory_space<hbm>>
    %dma_wait3A_1284 = arith.constant 0 : i32
    %dma_wait3A_1285 = tpu.memref_slice %arg5[%dma_wait3A_1276, %mul3A_2, %dma_wait3A_1284] : memref<200x4096x64xf32, #tpu.memory_space<hbm>> -> memref<1x128x64xf32, #tpu.memory_space<hbm>>
    %dma_wait3A_1286 = tpu.memref_squeeze %dma_wait3A_1285 : memref<1x128x64xf32, #tpu.memory_space<hbm>> -> memref<128x64xf32, #tpu.memory_space<hbm>>
    %dma_wait3A_1287 = arith.constant 0 : i32
    %dma_wait3A_1288 = arith.constant 0 : i32
    %dma_wait3A_1289 = tpu.memref_slice %arg9[%dma_wait3A_1275, %dma_wait3A_1287, %dma_wait3A_1288] : memref<4x128x64xf32, #tpu.memory_space<vmem>> -> memref<1x128x64xf32, #tpu.memory_space<vmem>>
    %dma_wait3A_1290 = tpu.memref_squeeze %dma_wait3A_1289 : memref<1x128x64xf32, #tpu.memory_space<vmem>> -> memref<128x64xf32, #tpu.memory_space<vmem>>
    tpu.wait_dma2 semaphore(%arg11 : memref<!tpu.dma_semaphore, #tpu.memory_space<semaphore_mem>>) src(%dma_wait3A_1290 : memref<128x64xf32, #tpu.memory_space<vmem>>) dst(%dma_wait3A_1286 : memref<128x64xf32, #tpu.memory_space<hbm>>)
    return
  }
}

</mosaic_0001>

<sc_bundles>
// kernel: kernel.3.cloned.1.call-start
scs
__scs_entry_jumppad:
0x0: {  	(pc) =	sbr.rel $0x88, $3  }
0x1: {  	(tag) =	ssettag $0x0;
	lr =	simm.s32 $0x1  }
0x2: {  	[smem:$0x3F9E] =	sst lr;
	_ =	strace $0xD0000000  }
0x3: {  	_ = 	snop  }
0x4: {  	_ = 	snop  }
0x5: {  	_ = 	snop  }
0x6: {  	_ = 	snop  }
0x7: {  	_ = 	snop  }
__scs_overlays_trampoline_lowered:
0x8: {  	[smem:$0x3FAD] =	sst s0  }
0x9: {  	[smem:$0x3FAE] =	sst s1  }
0xa: {  	[smem:$0x3FAF] =	sst s2  }
0xb: {  	[smem:$0x3FB0] =	sst s3  }
0xc: {  	[smem:$0x3FB1] =	sst s4  }
0xd: {  	[smem:$0x3FB2] =	sst s5  }
0xe: {  	[smem:$0x3FB3] =	sst s6  }
0xf: {  	[smem:$0x3FB4] =	sst s7  }
0x10: {  	[smem:$0x3FB5] =	sst s8  }
0x11: {  	[smem:$0x3FB6] =	sst s9;
	s0 =	simm.s32 @!p0 $0x0  }
0x12: {  	s1 =	sld [smem:$0x3F9C];
	s0 =	simm.s32 @p0 $0x1  }
0x13: {  	[smem:$0x3FB7] =	sst s0;
	s0 =	simm.s32 @!p1 $0x0  }
0x14: {  	s2 =	sld [smem:$0x3F9B];
	s0 =	simm.s32 @p1 $0x1  }
0x15: {  	[smem:$0x3FB8] =	sst s0;
	s0 =	simm.s32 @!p2 $0x0  }
0x16: {  	s3 =	sld [smem:$0x3FDB];
	s0 =	simm.s32 @p2 $0x1  }
0x17: {  	s4 =	simm.s32 $0x1BF5;
	[smem:$0x3FBA] =	sst s0  }
0x18: {  	s0 =	sld [smem:$0x3F9D];
	_ =	swait.ge [sflag:s4], $0x0  }
0x19: {  	s7 =	sld [smem:$0x3F9E]  }
0x1a: {  	s8 =	sadd.s32 $0xFFFFE003, lr  }
0x1b: {  	s9 =	sadd.s32 $0xFFFFFEF7, lr;
	s5 =	simm.s32 $0xFFFFFFFF;
	p2 =	slt.u32 s8, $0xFFFFF086  }
0x1c: {  	p1 =	slt.u32 s9, $0xF7A;
	s5 =	simm.s32 @!p2 $0x0  }
0x1d: {  	s5 =	simm.s32 @p1 $0x1;
	p0 =	seq.s32 s7, s2  }
0x1e: {  	s7 =	smul.u32 @!p0 $0xF7A, s2;
	p2 =	seq.s32 @!p0 s5, $0x0  }
0x1f: {  	s9 =	smul.u32 $0xF7A, s1;
	s8 =	simm.s32 @!p0 $0x1BF5;
	p2 =	por !p2, p0  }
0x20: {  	[sflag:s8] =	ssyncset.s32 @!p0 $0xFFFFF086;
	s6 =	sadd.s32 @!p0 s3, s7;
	s7 =	simm.s32 @!p0 $0x108  }
0x21: {  	s3 =	sadd.s32 s3, s9;
	s6 =	sadd.s32 @!p0 $0x88, s6;
	s7 =	simm.s32 @p2 $0x1082  }
0x22: {  	[simem:s7], [sflag:s8] =	dma.local @!p0 [hbm:s6], $0xF7A  }
0x23: {  	s9 =	sor.u32 $0xD0000000, s2;
	s6 =	simm.s32 $0x108;
	_ =	swait.ge @!p0 [sflag:s8], $0x0  }
0x24: {  	s3 =	sadd.s32 $0x88, s3;
	s6 =	simm.s32 @!p1 $0x1082;
	[sflag:s4] =	ssyncset.s32 $0xFFFFF086  }
0x25: {  	[simem:s6], [sflag:s4] =	dma.local [hbm:s3], $0xF7A  }
0x26: {  	[smem:$0x3F9E] =	sst s1;
	(tag) =	ssettag s2;
	_ =	strace s9  }
0x27: {  	s1 =	sld [smem:$0x3FAE]  }
0x28: {  	s2 =	sld [smem:$0x3FAF]  }
0x29: {  	s4 =	sld [smem:$0x3FB1]  }
0x2a: {  	p0 =	seq.s32 s5, $0x0;
	s5 =	sld [smem:$0x3FB2]  }
0x2b: {  	s6 =	sld [smem:$0x3FB3]  }
0x2c: {  	s7 =	sld [smem:$0x3FB4]  }
0x2d: {  	s3 =	simm.s32 $0x108;
	s8 =	sld [smem:$0x3FB5]  }
0x2e: {  	s3 =	simm.s32 @!p0 $0x1082;
	s9 =	sld [smem:$0x3FB6]  }
0x2f: {  	lr =	sadd.s32 s0, s3;
	s0 =	sld [smem:$0x3FAD]  }
0x30: {  	s3 =	sld [smem:$0x3FB0]  }
0x31: {  	[smem:$0x3FB9] =	sst s10  }
0x32: {  	s10 =	sld [smem:$0x3FB7];
	_ =	sdelay $0x3  }
0x33: {  	p0 =	seq.s32 s10, $0x1;
	s10 =	sld [smem:$0x3FB9];
	_ =	sdelay $0x3  }
0x34: {  	[smem:$0x3FB9] =	sst s10  }
0x35: {  	s10 =	sld [smem:$0x3FB8];
	_ =	sdelay $0x3  }
0x36: {  	p1 =	seq.s32 s10, $0x1;
	s10 =	sld [smem:$0x3FB9];
	_ =	sdelay $0x3  }
0x37: {  	[smem:$0x3FB9] =	sst s10  }
0x38: {  	s10 =	sld [smem:$0x3FBA]  }
0x39: {  	_ = 	snop;
	(pc) =	sbr.ind lr, $3  }
0x3a: {  	_ = 	snop  }
0x3b: {  	_ = 	snop  }
0x3c: {  	p2 =	seq.s32 s10, $0x1;
	s10 =	sld [smem:$0x3FB9]  }
0x3d: {  	_ =	shalt  }
0x3e: {  	_ =	shalt  }
0x3f: {  	_ =	shalt  }
0x40: {  	_ =	shalt  }
0x41: {  	_ =	shalt  }
0x42: {  	_ =	shalt  }
0x43: {  	_ =	shalt  }
0x44: {  	_ =	shalt  }
0x45: {  	_ =	shalt  }
0x46: {  	_ =	shalt  }
0x47: {  	_ =	shalt  }
0x48: {  	_ =	shalt  }
0x49: {  	_ =	shalt  }
0x4a: {  	_ =	shalt  }
0x4b: {  	_ =	shalt  }
0x4c: {  	_ =	shalt  }
0x4d: {  	_ =	shalt  }
0x4e: {  	_ =	shalt  }
0x4f: {  	_ =	shalt  }
0x50: {  	_ =	shalt  }
0x51: {  	_ =	shalt  }
0x52: {  	_ =	shalt  }
0x53: {  	_ =	shalt  }
0x54: {  	_ =	shalt  }
0x55: {  	_ =	shalt  }
0x56: {  	_ =	shalt  }
0x57: {  	_ =	shalt  }
0x58: {  	_ =	shalt  }
0x59: {  	_ =	shalt  }
0x5a: {  	_ =	shalt  }
0x5b: {  	_ =	shalt  }
0x5c: {  	_ =	shalt  }
0x5d: {  	_ =	shalt  }
0x5e: {  	_ =	shalt  }
0x5f: {  	_ =	shalt  }
0x60: {  	_ =	shalt  }
0x61: {  	_ =	shalt  }
0x62: {  	_ =	shalt  }
0x63: {  	_ =	shalt  }
0x64: {  	_ =	shalt  }
0x65: {  	_ =	shalt  }
0x66: {  	_ =	shalt  }
0x67: {  	_ =	shalt  }
0x68: {  	_ =	shalt  }
0x69: {  	_ =	shalt  }
0x6a: {  	_ =	shalt  }
0x6b: {  	_ =	shalt  }
0x6c: {  	_ =	shalt  }
0x6d: {  	_ =	shalt  }
0x6e: {  	_ =	shalt  }
0x6f: {  	_ =	shalt  }
0x70: {  	_ =	shalt  }
0x71: {  	_ =	shalt  }
0x72: {  	_ =	shalt  }
0x73: {  	_ =	shalt  }
0x74: {  	_ =	shalt  }
0x75: {  	_ =	shalt  }
0x76: {  	_ =	shalt  }
0x77: {  	_ =	shalt  }
0x78: {  	_ =	shalt  }
0x79: {  	_ =	shalt  }
0x7a: {  	_ =	shalt  }
0x7b: {  	_ =	shalt  }
0x7c: {  	_ =	shalt  }
0x7d: {  	_ =	shalt  }
0x7e: {  	_ =	shalt  }
0x7f: {  	_ =	shalt  }
0x80: {  	_ =	shalt  }
0x81: {  	_ =	shalt  }
0x82: {  	_ =	shalt  }
0x83: {  	_ =	shalt  }
0x84: {  	_ =	shalt  }
0x85: {  	_ =	shalt  }
0x86: {  	_ =	shalt  }
0x87: {  	_ =	shalt  }
.Lfunc_end0:
.L_simem_size_0:
called_computation.1_lowered:
.L_overlay_start_0:
0x88: {  	s2 =	sld [smem:$0x3FD9]  }
0x89: {  	s3 =	sld [smem:$0x3FFE];
	_ =	sdelay $0x1  }
0x8a: {  	s1 =	srdreg.scid  }
0x8b: {  	s0 =	sand.u32 $0x1, s1  }
0x8c: {  	s17 =	sshll.u32 s0, $0xA;
	s2 =	sadd.s32 s3, s2  }
0x8d: {  	s2 =	sadd.s32 s2, s17  }
0x8e: {  	[smem:$0x3FC5] =	sst s2  }
0x8f: {  	_ = 	snop  }
0x90: {  	s2 =	sld [smem:$0x3FD0];
	(tm) =	ssettm $0x1  }
0x91: {  	s18 =	sld [smem:$0x3FFB];
	_ =	sdelay $0x3  }
0x92: {  	_ =	strace s18  }
0x93: {  	s3 =	sld [smem:$0x3FFC];
	_ =	sdelay $0x3  }
0x94: {  	_ =	strace s3  }
0x95: {  	s3 =	sld [smem:$0x3FFD];
	_ =	sdelay $0x3  }
0x96: {  	_ =	strace s3  }
0x97: {  	_ =	strace $0x8FFFFFFF  }
0x98: {  	s19 =	sld [smem:$0x3FDB];
	_ =	sdelay $0x1  }
0x99: {  	s4 =	simm.s32 $_scs_section_size  }
0x9a: {  	s5 =	simm.s32 $_size__tile_overlayer_lowered;
	s6 =	simm.s32 $_tile_overlayer_lowered  }
0x9b: {  	s22 =	simm.s32 $0x1BFF;
	s21 =	sshll.u32 s6, $0x1;
	s3 =	sadd.s32 s4, s19  }
0x9c: {  	s7 =	simm.s32 $0x0;
	s20 =	sshll.u32 s5, $0x1;
	s5 =	sadd.s32 s21, s3  }
0x9d: {  	[timem:s7], [sflag:s22] =	dma.local [hbm:s5], s20  }
0x9e: {  	_ =	swait.ge [sflag:s22], s20  }
0x9f: {  	s4 =	ssub.s32 $0x0, s20;
	[sflag:s22] =	ssyncset.done $0x0  }
0xa0: {  	[sflag:s22] =	ssyncadd.s32 s4;
	_ =	sdelay $0x1  }
0xa1: {  	s23 =	simm.s32 $0x1B8B  }
0xa2: {  	_ =	swait.ge [sflag:s23], $0x1  }
0xa3: {  	[sflag:s23] =	ssyncset.done $0x0  }
0xa4: {  	s25 =	simm.s32 $0x1B8E;
	s24 =	sld [smem:$0x3FFE];
	[sflag:s23] =	ssyncadd.s32 $0xFFFFFFFF  }
0xa5: {  	s26 =	simm.s32 $execute0_lowered;
	[smem:$0x3FD2] =	sst s25  }
0xa6: {  	s5 =	sshll.u32 s26, $0x1;
	_ =	strace $0x80000046;
	[dreg:$0x1] =	wrdreg $0xFFFFFFFF  }
0xa7: {  	s28 =	simm.s32 $_size_execute0_lowered;
	s3 =	sadd.s32 s3, s5;
	[dreg:$0x0] =	wrdreg $0x0  }
0xa8: {  	s5 =	sshll.u32 s28, $0x1;
	[dreg:$0x2] =	wrdreg s3  }
0xa9: {  	[dreg:$0x3] =	wrdreg s5  }
0xaa: {  	[dreg:$0x4] =	wrdreg $0xC0  }
0xab: {  	_ =	task [dreg:s7], $0x5FFFF  }
0xac: {  	[dreg:$0x1] =	wrdreg $0xFFFFFFFF  }
0xad: {  	[dreg:$0x0] =	wrdreg $0x60  }
0xae: {  	[dreg:$0x2] =	wrdreg s24  }
0xaf: {  	[dreg:$0x3] =	wrdreg s2  }
0xb0: {  	[dreg:$0x4] =	wrdreg $0x9  }
0xb1: {  	_ =	task.clear_ibuf [dreg:s7], $0x5FFFF;
	_ =	strace $0x90000046  }
0xb2: {  	s29 =	simm.s32 $0x9;
	_ =	strace $0x80000048  }
0xb3: {  	_ =	swait.ge [sflag:s29], $0x1  }
0xb4: {  	[sflag:s29] =	ssyncadd.s32 $0xFFFFFFFF  }
0xb5: {  	_ =	strace $0x90000048  }
0xb6: {  	_ =	sfence  }
0xb7: {  	s30 =	sld [smem:$0x0];
	_ =	sdelay $0x2  }
0xb8: {  	s31 =	sshll.u32 s1, $0xD;
	s1 =	sshrl.u32 s1, $0x2  }
0xb9: {  	s3 =	sand.u32 $0x4000, s31;
	s1 =	sadd.s32 s1, s30  }
0xba: {  	s0 =	sor.u32 s3, s0;
	s1 =	sshll.u32 s1, $0x11  }
0xbb: {  	s0 =	sor.u32 s1, s0  }
0xbc: {  	s0 =	sadd.s32 $0x8F2B, s0  }
0xbd: {  	[sflag:s0] =	ssyncadd.remote.s32 $0x1  }
0xbe: {  	_ =	sfence.sel $0xFFFF  }
0xbf: {  	[dreg:$0x0] =	wrdreg $0xFFFFFFFF;
	(pc) =	sbr.abs _section_cstart, $3  }
0xc0: {  	[dreg:$0x1] =	wrdreg $0xFFFFFFFF  }
0xc1: {  	_ =	task.clear_ibuf [dreg:s7], $0x2FFFF;
	_ =	strace $0x9FFFFFFF  }
0xc2: {  	(tm) =	ssettm $0x7FFFFFFF  }
0xc3: {  	_ =	shalt  }
tec
execute0_lowered:
.L_overlay_start_1:
0x0: {  	(tag) =	ssettag $0x1  }
0x1: {  	s0 =	rddreg [dreg:$0x0]  }
0x2: {  	s2 =	rddreg [dreg:$0x1]  }
0x3: {  	s1 =	srdreg.scid;
	s4 =	stileid.u32  }
0x4: {  	s3 =	simm.s32 $0x0;
	s18 =	simm.s32 $0x3;
	s19 =	simm.s32 $0x80  }
0x5: {  	s28 =	simm.s32 $0x1;
	s29 =	simm.s32 $0x6580;
	s30 =	simm.s32 $0xF800  }
0x6: {  	s31 =	simm.s32 $0x2;
	s1 =	sand.u32 $0x1, s1;
	s4 =	sshll.u32 s4, $0x8  }
0x7: {  	[smem:$0x7FF] =	sst s3;
	s5 =	sshll.u32 s1, $0x7;
	s1 =	ssub.s32 $0x2, s1  }
0x8: {  	_ =	strace $0x80000047;
	s5 =	sor.u32 s5, s4;
	s21 =	sshrl.u32 s1, $0x1  }
0x9: {  	s4 =	sshrl.u32 s5, $0x3;
	s7 =	sshll.u32 s5, $0x3;
	s8 =	sshll.u32 s5, $0x6  }
0xa: {  	s6 =	sadd.s32 s4, s0;
	s4 =	sadd.s32 $0xF43000, s0;
	s0 =	sadd.s32 $0x19C00, s0  }
0xb: {  	s7 =	sadd.s32 s2, s7;
	[dreg:$0x3] =	wrdreg s0;
	s22 =	sadd.s32 $0xC00, s6  }
0xc: {  	s0 =	ssub.s32 s1, s21;
	s23 =	sadd.s32 $0x8000, s7;
	[dreg:$0x4] =	wrdreg s22  }
0xd: {  	s24 =	sadd.s32 $0x10000, s7;
	s25 =	sadd.s32 $0x18000, s7;
	[dreg:$0x5] =	wrdreg s23  }
0xe: {  	s26 =	sadd.s32 $0x620000, s7;
	s13 =	sadd.s32 $0x628000, s7;
	[dreg:$0x6] =	wrdreg s24  }
0xf: {  	s14 =	sadd.s32 $0x630000, s7;
	s15 =	sadd.s32 $0x638000, s7;
	[dreg:$0x7] =	wrdreg s25  }
0x10: {  	s21 =	simm.s32 $0x6400;
	[dreg:$0x8] =	wrdreg s26;
	s16 =	smax.u32 s0, $0x1  }
0x11: {  	s22 =	simm.s32 $0x9800;
	s23 =	simm.s32 $0x6480;
	s24 =	simm.s32 $0xB800  }
0x12: {  	s25 =	simm.s32 $0x6500;
	s26 =	simm.s32 $0xD800;
	s0 =	simm.s32 $0x0  }
.LBB2_1:
0x13: {  	s1 =	rddreg [dreg:$0x3];
	s5 =	simm.s32 $0x6600  }
0x14: {  	[tilespmem:s5], [sflag:$0x3] =	stream.linear.gather [hbm4b:s1+s3], $0x3200, $0x38;
	[tilespmem:$0x11800] =	vst v63  }
0x15: {  	_ =	swait.ge [sflag:s18], $0x3200  }
0x16: {  	[sflag:s18] =	ssyncset.done $0x0  }
0x17: {  	s20 =	simm.s32 $0x1000;
	s17 =	rddreg [dreg:$0x4];
	[sflag:s18] =	ssyncadd.s32 $0xFFFFCE00  }
0x18: {  	[tilespmem:s3], [sflag:$0x3] =	stream.strided.gather [hbm4b:s17+s19], $0x6400, s20, s19, $0x38;
	[tilespmem:$0x11800] =	vst v63  }
0x19: {  	_ =	swait.ge [sflag:s18], $0x6400  }
0x1a: {  	[sflag:s18] =	ssyncset.done $0x0  }
0x1b: {  	[sflag:s18] =	ssyncadd.s32 $0xFFFF9C00  }
0x1c: {  	v0 =	vld [tilespmem:$0x0]  }
0x1d: {  	v1 =	vld [tilespmem:$0x10]  }
0x1e: {  	v2 =	vld [tilespmem:$0x20]  }
0x1f: {  	v3 =	vld [tilespmem:$0x30]  }
0x20: {  	v4 =	vld [tilespmem:$0x40]  }
0x21: {  	[tilespmem:$0x6400] =	vst v0;
	v0 =	vld [tilespmem:$0x50]  }
0x22: {  	[tilespmem:$0x6410] =	vst v1;
	v1 =	vld [tilespmem:$0x60]  }
0x23: {  	[tilespmem:$0x6420] =	vst v2;
	v2 =	vld [tilespmem:$0x70]  }
0x24: {  	[tilespmem:$0x6430] =	vst v3  }
0x25: {  	[tilespmem:$0x6440] =	vst v4  }
0x26: {  	[tilespmem:$0x6450] =	vst v0  }
0x27: {  	[tilespmem:$0x6460] =	vst v1  }
0x28: {  	[tilespmem:$0x6470] =	vst v2  }
0x29: {  	[tilespmem:s22], [sflag:$0x1] =	stream.indirect.gather [hbm4b:s4+s19], $0x40, s21, s19, $0xb8;
	[tilespmem:$0x11800] =	vst v63  }
0x2a: {  	v0 =	vld [tilespmem:$0x80]  }
0x2b: {  	v1 =	vld [tilespmem:$0x90]  }
0x2c: {  	v2 =	vld [tilespmem:$0xA0]  }
0x2d: {  	v3 =	vld [tilespmem:$0xB0]  }
0x2e: {  	v61 =	vld [tilespmem:$0xC0]  }
0x2f: {  	[tilespmem:$0x6480] =	vst v0;
	v0 =	vld [tilespmem:$0xD0]  }
0x30: {  	[tilespmem:$0x6490] =	vst v1;
	v1 =	vld [tilespmem:$0xE0]  }
0x31: {  	[tilespmem:$0x64A0] =	vst v2;
	v2 =	vld [tilespmem:$0xF0]  }
0x32: {  	[tilespmem:$0x64B0] =	vst v3  }
0x33: {  	[tilespmem:$0x64C0] =	vst v61  }
0x34: {  	[tilespmem:$0x64D0] =	vst v0  }
0x35: {  	[tilespmem:$0x64E0] =	vst v1  }
0x36: {  	[tilespmem:$0x64F0] =	vst v2  }
0x37: {  	[tilespmem:s24], [sflag:$0x1] =	stream.indirect.gather [hbm4b:s4+s19], $0x40, s23, s19, $0xb8;
	[tilespmem:$0x11800] =	vst v63  }
0x38: {  	v0 =	vld [tilespmem:$0x100]  }
0x39: {  	v1 =	vld [tilespmem:$0x110]  }
0x3a: {  	v2 =	vld [tilespmem:$0x120]  }
0x3b: {  	v3 =	vld [tilespmem:$0x130]  }
0x3c: {  	v62 =	vld [tilespmem:$0x140]  }
0x3d: {  	[tilespmem:$0x6500] =	vst v0;
	v0 =	vld [tilespmem:$0x150]  }
0x3e: {  	[tilespmem:$0x6510] =	vst v1;
	v1 =	vld [tilespmem:$0x160]  }
0x3f: {  	[tilespmem:$0x6520] =	vst v2;
	v2 =	vld [tilespmem:$0x170]  }
0x40: {  	[tilespmem:$0x6530] =	vst v3  }
0x41: {  	[tilespmem:$0x6540] =	vst v62  }
0x42: {  	[tilespmem:$0x6550] =	vst v0  }
0x43: {  	[tilespmem:$0x6560] =	vst v1  }
0x44: {  	[tilespmem:$0x6570] =	vst v2  }
0x45: {  	[tilespmem:s26], [sflag:$0x1] =	stream.indirect.gather [hbm4b:s4+s19], $0x40, s25, s19, $0xb8;
	[tilespmem:$0x11800] =	vst v63  }
0x46: {  	_ =	swait.ge [sflag:s28], $0x2000  }
0x47: {  	[sflag:s28] =	ssyncset.done $0x0  }
0x48: {  	[sflag:s28] =	ssyncadd.s32 $0xFFFFE000  }
0x49: {  	v0 =	vld [tilespmem:$0x180]  }
0x4a: {  	v1 =	vld [tilespmem:$0x190]  }
0x4b: {  	v2 =	vld [tilespmem:$0x1A0]  }
0x4c: {  	v3 =	vld [tilespmem:$0x1B0]  }
0x4d: {  	v63 =	vld [tilespmem:$0x1C0]  }
0x4e: {  	[tilespmem:$0x6580] =	vst v0;
	v0 =	vld [tilespmem:$0x1D0]  }
0x4f: {  	[tilespmem:$0x6590] =	vst v1;
	v1 =	vld [tilespmem:$0x1E0]  }
0x50: {  	[tilespmem:$0x65A0] =	vst v2;
	v2 =	vld [tilespmem:$0x1F0]  }
0x51: {  	[tilespmem:$0x65B0] =	vst v3  }
0x52: {  	[tilespmem:$0x65C0] =	vst v63  }
0x53: {  	[tilespmem:$0x65D0] =	vst v0  }
0x54: {  	[tilespmem:$0x65E0] =	vst v1  }
0x55: {  	[tilespmem:$0x65F0] =	vst v2  }
0x56: {  	[tilespmem:s30], [sflag:$0x1] =	stream.indirect.gather [hbm4b:s4+s19], $0x40, s29, s19, $0xb8;
	[tilespmem:$0x11800] =	vst v63  }
0x57: {  	s1 =	simm.s32 $0x100;
	s5 =	simm.s32 $0x0;
	v0 =	vld [tilespmem:$0x6600]  }
.LBB2_2:
0x58: {  	p0 =	sne.s32 s1, $0x7F00;
	_ =	sdelay $0x2  }
0x59: {  	s6 =	sshra.s32 s5, $0x2;
	s5 =	smov.u32 s1  }
0x5a: {  	[tilespmem:s6+$0x9800] =	vst.add.f32.msk $0xffff, v0  }
0x5b: {  	v0 =	vld [tilespmem:$0x6610];
	_ =	sdelay $0x4  }
0x5c: {  	[tilespmem:s6+$0x9810] =	vst.add.f32.msk $0xffff, v0  }
0x5d: {  	v0 =	vld [tilespmem:$0x6620];
	_ =	sdelay $0x4  }
0x5e: {  	[tilespmem:s6+$0x9820] =	vst.add.f32.msk $0xffff, v0  }
0x5f: {  	v0 =	vld [tilespmem:$0x6630];
	_ =	sdelay $0x1  }
.Ltmp0:
0x60: {  	(pc) =	sbr.rel @p0 .LBB2_2-.Ltmp0, $3  }
0x61: {  	_ =	sdelay $0x1  }
0x62: {  	[tilespmem:s6+$0x9830] =	vst.add.f32.msk $0xffff, v0  }
0x63: {  	s1 =	sadd.s32 $0x100, s1;
	v0 =	vld [tilespmem:$0x6600]  }
0x64: {  	_ =	sdelay $0x2  }
0x65: {  	s1 =	sshra.s32 s5, $0x2  }
0x66: {  	[tilespmem:s1+$0x9800] =	vst.add.f32.msk $0xffff, v0  }
0x67: {  	v0 =	vld [tilespmem:$0x6610];
	_ =	sdelay $0x4  }
0x68: {  	[tilespmem:s1+$0x9810] =	vst.add.f32.msk $0xffff, v0  }
0x69: {  	v0 =	vld [tilespmem:$0x6620];
	_ =	sdelay $0x4  }
0x6a: {  	[tilespmem:s1+$0x9820] =	vst.add.f32.msk $0xffff, v0  }
0x6b: {  	v0 =	vld [tilespmem:$0x6630];
	_ =	sdelay $0x4  }
0x6c: {  	[tilespmem:s1+$0x9830] =	vst.add.f32.msk $0xffff, v0  }
0x6d: {  	[hbm4b:s7+s3] =	stream.linear.scatter [tilespmem:s22], [sflag:$0x2], $0x2000, $0x38;
	[tilespmem:$0x11800] =	vst v63  }
0x6e: {  	_ =	swait.ge [sflag:s28], $0x2000  }
0x6f: {  	[sflag:s28] =	ssyncset.done $0x0  }
0x70: {  	[sflag:s28] =	ssyncadd.s32 $0xFFFFE000  }
0x71: {  	_ =	swait.ge [sflag:s31], $0x2000  }
0x72: {  	[sflag:s31] =	ssyncset.done $0x0  }
0x73: {  	[sflag:s31] =	ssyncadd.s32 $0xFFFFE000  }
0x74: {  	v0 =	vld [tilespmem:$0x200]  }
0x75: {  	v1 =	vld [tilespmem:$0x210]  }
0x76: {  	v2 =	vld [tilespmem:$0x220]  }
0x77: {  	v3 =	vld [tilespmem:$0x230]  }
0x78: {  	v4 =	vld [tilespmem:$0x240]  }
0x79: {  	[tilespmem:$0x6400] =	vst v0;
	v0 =	vld [tilespmem:$0x250]  }
0x7a: {  	[tilespmem:$0x6410] =	vst v1;
	v1 =	vld [tilespmem:$0x260]  }
0x7b: {  	[tilespmem:$0x6420] =	vst v2;
	v2 =	vld [tilespmem:$0x270]  }
0x7c: {  	[tilespmem:$0x6430] =	vst v3  }
0x7d: {  	[tilespmem:$0x6440] =	vst v4  }
0x7e: {  	[tilespmem:$0x6450] =	vst v0  }
0x7f: {  	[tilespmem:$0x6460] =	vst v1  }
0x80: {  	[tilespmem:$0x6470] =	vst v2  }
0x81: {  	[tilespmem:s22], [sflag:$0x1] =	stream.indirect.gather [hbm4b:s4+s19], $0x40, s21, s19, $0xb8;
	[tilespmem:$0x11800] =	vst v63  }
0x82: {  	s5 =	simm.s32 $0xFFFF8100;
	s1 =	simm.s32 $0xFFFF8000;
	v0 =	vld [tilespmem:$0x6640]  }
.LBB2_4:
0x83: {  	p0 =	sne.s32 s5, $0xFFFFFF00;
	_ =	sdelay $0x2  }
0x84: {  	s6 =	sshra.s32 s1, $0x2;
	s1 =	smov.u32 s5  }
0x85: {  	[tilespmem:s6+$0xD800] =	vst.add.f32.msk $0xffff, v0  }
0x86: {  	v0 =	vld [tilespmem:$0x6650];
	_ =	sdelay $0x4  }
0x87: {  	[tilespmem:s6+$0xD810] =	vst.add.f32.msk $0xffff, v0  }
0x88: {  	v0 =	vld [tilespmem:$0x6660];
	_ =	sdelay $0x4  }
0x89: {  	[tilespmem:s6+$0xD820] =	vst.add.f32.msk $0xffff, v0  }
0x8a: {  	v0 =	vld [tilespmem:$0x6670];
	_ =	sdelay $0x1  }
.Ltmp1:
0x8b: {  	(pc) =	sbr.rel @p0 .LBB2_4-.Ltmp1, $3  }
0x8c: {  	_ =	sdelay $0x1  }
0x8d: {  	[tilespmem:s6+$0xD830] =	vst.add.f32.msk $0xffff, v0  }
0x8e: {  	s5 =	sadd.s32 $0x100, s5;
	v0 =	vld [tilespmem:$0x6640]  }
0x8f: {  	_ =	sdelay $0x2  }
0x90: {  	s1 =	sshra.s32 s1, $0x2  }
0x91: {  	[tilespmem:s1+$0xD800] =	vst.add.f32.msk $0xffff, v0  }
0x92: {  	v0 =	vld [tilespmem:$0x6650];
	_ =	sdelay $0x4  }
0x93: {  	[tilespmem:s1+$0xD810] =	vst.add.f32.msk $0xffff, v0  }
0x94: {  	v0 =	vld [tilespmem:$0x6660];
	_ =	sdelay $0x4  }
0x95: {  	[tilespmem:s1+$0xD820] =	vst.add.f32.msk $0xffff, v0  }
0x96: {  	v0 =	vld [tilespmem:$0x6670];
	_ =	sdelay $0x4  }
0x97: {  	s20 =	rddreg [dreg:$0x5];
	[tilespmem:s1+$0xD830] =	vst.add.f32.msk $0xffff, v0  }
0x98: {  	[hbm4b:s20+s3] =	stream.linear.scatter [tilespmem:s24], [sflag:$0x2], $0x2000, $0x38;
	[tilespmem:$0x11800] =	vst v63  }
0x99: {  	_ =	swait.ge [sflag:s28], $0x2000  }
0x9a: {  	[sflag:s28] =	ssyncset.done $0x0  }
0x9b: {  	[sflag:s28] =	ssyncadd.s32 $0xFFFFE000  }
0x9c: {  	_ =	swait.ge [sflag:s31], $0x2000  }
0x9d: {  	[sflag:s31] =	ssyncset.done $0x0  }
0x9e: {  	[sflag:s31] =	ssyncadd.s32 $0xFFFFE000  }
0x9f: {  	v0 =	vld [tilespmem:$0x280]  }
0xa0: {  	v1 =	vld [tilespmem:$0x290]  }
0xa1: {  	v2 =	vld [tilespmem:$0x2A0]  }
0xa2: {  	v3 =	vld [tilespmem:$0x2B0]  }
0xa3: {  	v4 =	vld [tilespmem:$0x2C0]  }
0xa4: {  	[tilespmem:$0x6480] =	vst v0;
	v0 =	vld [tilespmem:$0x2D0]  }
0xa5: {  	[tilespmem:$0x6490] =	vst v1;
	v1 =	vld [tilespmem:$0x2E0]  }
0xa6: {  	[tilespmem:$0x64A0] =	vst v2;
	v2 =	vld [tilespmem:$0x2F0]  }
0xa7: {  	[tilespmem:$0x64B0] =	vst v3  }
0xa8: {  	[tilespmem:$0x64C0] =	vst v4  }
0xa9: {  	[tilespmem:$0x64D0] =	vst v0  }
0xaa: {  	[tilespmem:$0x64E0] =	vst v1  }
0xab: {  	[tilespmem:$0x64F0] =	vst v2  }
0xac: {  	[tilespmem:s24], [sflag:$0x1] =	stream.indirect.gather [hbm4b:s4+s19], $0x40, s23, s19, $0xb8;
	[tilespmem:$0x11800] =	vst v63  }
0xad: {  	s5 =	simm.s32 $0xFFFF8100;
	s1 =	simm.s32 $0xFFFF8000;
	v0 =	vld [tilespmem:$0x6680]  }
.LBB2_6:
0xae: {  	p0 =	sne.s32 s5, $0xFFFFFF00;
	_ =	sdelay $0x2  }
0xaf: {  	s6 =	sshra.s32 s1, $0x2;
	s1 =	smov.u32 s5  }
0xb0: {  	[tilespmem:s6+$0xF800] =	vst.add.f32.msk $0xffff, v0  }
0xb1: {  	v0 =	vld [tilespmem:$0x6690];
	_ =	sdelay $0x4  }
0xb2: {  	[tilespmem:s6+$0xF810] =	vst.add.f32.msk $0xffff, v0  }
0xb3: {  	v0 =	vld [tilespmem:$0x66A0];
	_ =	sdelay $0x4  }
0xb4: {  	[tilespmem:s6+$0xF820] =	vst.add.f32.msk $0xffff, v0  }
0xb5: {  	v0 =	vld [tilespmem:$0x66B0];
	_ =	sdelay $0x1  }
.Ltmp2:
0xb6: {  	(pc) =	sbr.rel @p0 .LBB2_6-.Ltmp2, $3  }
0xb7: {  	_ =	sdelay $0x1  }
0xb8: {  	[tilespmem:s6+$0xF830] =	vst.add.f32.msk $0xffff, v0  }
0xb9: {  	s5 =	sadd.s32 $0x100, s5;
	v0 =	vld [tilespmem:$0x6680]  }
0xba: {  	_ =	sdelay $0x2  }
0xbb: {  	s1 =	sshra.s32 s1, $0x2  }
0xbc: {  	[tilespmem:s1+$0xF800] =	vst.add.f32.msk $0xffff, v0  }
0xbd: {  	v0 =	vld [tilespmem:$0x6690];
	_ =	sdelay $0x4  }
0xbe: {  	[tilespmem:s1+$0xF810] =	vst.add.f32.msk $0xffff, v0  }
0xbf: {  	v0 =	vld [tilespmem:$0x66A0];
	_ =	sdelay $0x4  }
0xc0: {  	[tilespmem:s1+$0xF820] =	vst.add.f32.msk $0xffff, v0  }
0xc1: {  	v0 =	vld [tilespmem:$0x66B0];
	_ =	sdelay $0x4  }
0xc2: {  	s20 =	rddreg [dreg:$0x6];
	[tilespmem:s1+$0xF830] =	vst.add.f32.msk $0xffff, v0  }
0xc3: {  	[hbm4b:s20+s3] =	stream.linear.scatter [tilespmem:s26], [sflag:$0x2], $0x2000, $0x38;
	[tilespmem:$0x11800] =	vst v63  }
0xc4: {  	_ =	swait.ge [sflag:s28], $0x2000  }
0xc5: {  	[sflag:s28] =	ssyncset.done $0x0  }
0xc6: {  	[sflag:s28] =	ssyncadd.s32 $0xFFFFE000  }
0xc7: {  	_ =	swait.ge [sflag:s31], $0x2000  }
0xc8: {  	[sflag:s31] =	ssyncset.done $0x0  }
0xc9: {  	[sflag:s31] =	ssyncadd.s32 $0xFFFFE000  }
0xca: {  	v0 =	vld [tilespmem:$0x300]  }
0xcb: {  	v1 =	vld [tilespmem:$0x310]  }
0xcc: {  	v2 =	vld [tilespmem:$0x320]  }
0xcd: {  	v3 =	vld [tilespmem:$0x330]  }
0xce: {  	v4 =	vld [tilespmem:$0x340]  }
0xcf: {  	[tilespmem:$0x6500] =	vst v0;
	v0 =	vld [tilespmem:$0x350]  }
0xd0: {  	[tilespmem:$0x6510] =	vst v1;
	v1 =	vld [tilespmem:$0x360]  }
0xd1: {  	[tilespmem:$0x6520] =	vst v2;
	v2 =	vld [tilespmem:$0x370]  }
0xd2: {  	[tilespmem:$0x6530] =	vst v3  }
0xd3: {  	[tilespmem:$0x6540] =	vst v4  }
0xd4: {  	[tilespmem:$0x6550] =	vst v0  }
0xd5: {  	[tilespmem:$0x6560] =	vst v1  }
0xd6: {  	[tilespmem:$0x6570] =	vst v2  }
0xd7: {  	[tilespmem:s26], [sflag:$0x1] =	stream.indirect.gather [hbm4b:s4+s19], $0x40, s25, s19, $0xb8;
	[tilespmem:$0x11800] =	vst v63  }
0xd8: {  	s5 =	simm.s32 $0xFFFF8100;
	s1 =	simm.s32 $0xFFFF8000;
	v0 =	vld [tilespmem:$0x66C0]  }
.LBB2_8:
0xd9: {  	p0 =	sne.s32 s5, $0xFFFFFF00;
	_ =	sdelay $0x2  }
0xda: {  	s6 =	sshra.s32 s1, $0x2;
	s1 =	smov.u32 s5  }
0xdb: {  	[tilespmem:s6+$0x11800] =	vst.add.f32.msk $0xffff, v0  }
0xdc: {  	v0 =	vld [tilespmem:$0x66D0];
	_ =	sdelay $0x4  }
0xdd: {  	[tilespmem:s6+$0x11810] =	vst.add.f32.msk $0xffff, v0  }
0xde: {  	v0 =	vld [tilespmem:$0x66E0];
	_ =	sdelay $0x4  }
0xdf: {  	[tilespmem:s6+$0x11820] =	vst.add.f32.msk $0xffff, v0  }
0xe0: {  	v0 =	vld [tilespmem:$0x66F0];
	_ =	sdelay $0x1  }
.Ltmp3:
0xe1: {  	(pc) =	sbr.rel @p0 .LBB2_8-.Ltmp3, $3  }
0xe2: {  	_ =	sdelay $0x1  }
0xe3: {  	[tilespmem:s6+$0x11830] =	vst.add.f32.msk $0xffff, v0  }
0xe4: {  	s5 =	sadd.s32 $0x100, s5;
	v0 =	vld [tilespmem:$0x66C0]  }
0xe5: {  	_ =	sdelay $0x2  }
0xe6: {  	s1 =	sshra.s32 s1, $0x2  }
0xe7: {  	[tilespmem:s1+$0x11800] =	vst.add.f32.msk $0xffff, v0  }
0xe8: {  	v0 =	vld [tilespmem:$0x66D0];
	_ =	sdelay $0x4  }
0xe9: {  	[tilespmem:s1+$0x11810] =	vst.add.f32.msk $0xffff, v0  }
0xea: {  	v0 =	vld [tilespmem:$0x66E0];
	_ =	sdelay $0x4  }
0xeb: {  	[tilespmem:s1+$0x11820] =	vst.add.f32.msk $0xffff, v0  }
0xec: {  	v0 =	vld [tilespmem:$0x66F0];
	_ =	sdelay $0x4  }
0xed: {  	s20 =	rddreg [dreg:$0x7];
	[tilespmem:s1+$0x11830] =	vst.add.f32.msk $0xffff, v0;
	s1 =	simm.s32 $0x1  }
0xee: {  	[hbm4b:s20+s3] =	stream.linear.scatter [tilespmem:s30], [sflag:$0x2], $0x2000, $0x38;
	[tilespmem:$0x11800] =	vst v63  }
.LBB2_10:
0xef: {  	_ =	swait.ge [sflag:s28], $0x2000  }
0xf0: {  	[sflag:s28] =	ssyncset.done $0x0  }
0xf1: {  	[sflag:s28] =	ssyncadd.s32 $0xFFFFE000  }
0xf2: {  	s17 =	sshllo.u32 s1, $0x2;
	_ =	swait.ge [sflag:s31], $0x2000  }
0xf3: {  	s5 =	sshll.u32 s17, $0x7;
	[sflag:s31] =	ssyncset.done $0x0  }
0xf4: {  	s5 =	sand.u32 $0x3FFFFF80, s5;
	[sflag:s31] =	ssyncadd.s32 $0xFFFFE000  }
0xf5: {  	v0 =	vld [tilespmem:s5+$0x0];
	_ =	sdelay $0x4  }
0xf6: {  	[tilespmem:$0x6580] =	vst v0  }
0xf7: {  	v0 =	vld [tilespmem:s5+$0x10];
	_ =	sdelay $0x4  }
0xf8: {  	[tilespmem:$0x6590] =	vst v0  }
0xf9: {  	v0 =	vld [tilespmem:s5+$0x20];
	_ =	sdelay $0x4  }
0xfa: {  	[tilespmem:$0x65A0] =	vst v0  }
0xfb: {  	v0 =	vld [tilespmem:s5+$0x30];
	_ =	sdelay $0x4  }
0xfc: {  	[tilespmem:$0x65B0] =	vst v0  }
0xfd: {  	v0 =	vld [tilespmem:s5+$0x40];
	_ =	sdelay $0x4  }
0xfe: {  	[tilespmem:$0x65C0] =	vst v0  }
0xff: {  	v0 =	vld [tilespmem:s5+$0x50];
	_ =	sdelay $0x4  }
0x100: {  	[tilespmem:$0x65D0] =	vst v0  }
0x101: {  	v0 =	vld [tilespmem:s5+$0x60];
	_ =	sdelay $0x4  }
0x102: {  	[tilespmem:$0x65E0] =	vst v0  }
0x103: {  	v0 =	vld [tilespmem:s5+$0x70];
	_ =	sdelay $0x3  }
0x104: {  	s20 =	sshll.u32 s1, $0x8  }
0x105: {  	s6 =	sand.u32 $0x3FFFFF00, s20;
	[tilespmem:$0x65F0] =	vst v0  }
0x106: {  	[tilespmem:s30], [sflag:$0x1] =	stream.indirect.gather [hbm4b:s4+s19], $0x40, s29, s19, $0xb8;
	[tilespmem:$0x11800] =	vst v63  }
0x107: {  	s9 =	simm.s32 $0x0;
	s10 =	simm.s32 $0x100;
	s5 =	sshll.u32 s1, $0x2;
	v0 =	vld [tilespmem:s6+$0x6600]  }
.LBB2_11:
0x108: {  	p0 =	sne.s32 s10, $0x7F00;
	_ =	sdelay $0x2  }
0x109: {  	s11 =	sshra.s32 s9, $0x2;
	s9 =	smov.u32 s10  }
0x10a: {  	[tilespmem:s11+$0x9800] =	vst.add.f32.msk $0xffff, v0  }
0x10b: {  	v0 =	vld [tilespmem:s6+$0x6610];
	_ =	sdelay $0x4  }
0x10c: {  	[tilespmem:s11+$0x9810] =	vst.add.f32.msk $0xffff, v0  }
0x10d: {  	v0 =	vld [tilespmem:s6+$0x6620];
	_ =	sdelay $0x4  }
0x10e: {  	[tilespmem:s11+$0x9820] =	vst.add.f32.msk $0xffff, v0  }
0x10f: {  	v0 =	vld [tilespmem:s6+$0x6630];
	_ =	sdelay $0x1  }
.Ltmp4:
0x110: {  	(pc) =	sbr.rel @p0 .LBB2_11-.Ltmp4, $3  }
0x111: {  	_ =	sdelay $0x1  }
0x112: {  	[tilespmem:s11+$0x9830] =	vst.add.f32.msk $0xffff, v0  }
0x113: {  	s10 =	sadd.s32 $0x100, s10;
	v0 =	vld [tilespmem:s6+$0x6600]  }
0x114: {  	_ =	sdelay $0x2  }
0x115: {  	s9 =	sshra.s32 s9, $0x2  }
0x116: {  	[tilespmem:s9+$0x9800] =	vst.add.f32.msk $0xffff, v0  }
0x117: {  	v0 =	vld [tilespmem:s6+$0x6610];
	_ =	sdelay $0x4  }
0x118: {  	[tilespmem:s9+$0x9810] =	vst.add.f32.msk $0xffff, v0  }
0x119: {  	v0 =	vld [tilespmem:s6+$0x6620];
	_ =	sdelay $0x4  }
0x11a: {  	[tilespmem:s9+$0x9820] =	vst.add.f32.msk $0xffff, v0  }
0x11b: {  	v0 =	vld [tilespmem:s6+$0x6630];
	_ =	sdelay $0x1  }
0x11c: {  	s10 =	sshll.u32 s1, $0x14  }
0x11d: {  	s6 =	sor.u32 s8, s10  }
0x11e: {  	s6 =	sshrl.u32 s6, $0x3  }
0x11f: {  	s6 =	sadd.s32 s2, s6;
	[tilespmem:s9+$0x9830] =	vst.add.f32.msk $0xffff, v0  }
0x120: {  	[hbm4b:s6+s3] =	stream.linear.scatter [tilespmem:s22], [sflag:$0x2], $0x2000, $0x38;
	[tilespmem:$0x11800] =	vst v63  }
0x121: {  	_ =	swait.ge [sflag:s28], $0x2000  }
0x122: {  	[sflag:s28] =	ssyncset.done $0x0  }
0x123: {  	[sflag:s28] =	ssyncadd.s32 $0xFFFFE000  }
0x124: {  	_ =	swait.ge [sflag:s31], $0x2000  }
0x125: {  	s11 =	sshll.u32 s1, $0x9;
	[sflag:s31] =	ssyncset.done $0x0  }
0x126: {  	s20 =	sand.u32 $0x3FFFFE00, s11;
	[sflag:s31] =	ssyncadd.s32 $0xFFFFE000  }
0x127: {  	v0 =	vld [tilespmem:s20+$0x200];
	_ =	sdelay $0x4  }
0x128: {  	[tilespmem:$0x6400] =	vst v0  }
0x129: {  	v0 =	vld [tilespmem:s20+$0x210];
	_ =	sdelay $0x4  }
0x12a: {  	[tilespmem:$0x6410] =	vst v0  }
0x12b: {  	v0 =	vld [tilespmem:s20+$0x220];
	_ =	sdelay $0x4  }
0x12c: {  	[tilespmem:$0x6420] =	vst v0  }
0x12d: {  	v0 =	vld [tilespmem:s20+$0x230];
	_ =	sdelay $0x4  }
0x12e: {  	[tilespmem:$0x6430] =	vst v0  }
0x12f: {  	v0 =	vld [tilespmem:s20+$0x240];
	_ =	sdelay $0x4  }
0x130: {  	[tilespmem:$0x6440] =	vst v0  }
0x131: {  	v0 =	vld [tilespmem:s20+$0x250];
	_ =	sdelay $0x4  }
0x132: {  	[tilespmem:$0x6450] =	vst v0  }
0x133: {  	v0 =	vld [tilespmem:s20+$0x260];
	_ =	sdelay $0x4  }
0x134: {  	[tilespmem:$0x6460] =	vst v0  }
0x135: {  	v0 =	vld [tilespmem:s20+$0x270];
	_ =	sdelay $0x2  }
0x136: {  	s6 =	sor.u32 $0x1, s5  }
0x137: {  	s12 =	sshll.u32 s6, $0x6  }
0x138: {  	s9 =	sand.u32 $0x3FFFFFC0, s12;
	[tilespmem:$0x6470] =	vst v0  }
0x139: {  	[tilespmem:s22], [sflag:$0x1] =	stream.indirect.gather [hbm4b:s4+s19], $0x40, s21, s19, $0xb8;
	[tilespmem:$0x11800] =	vst v63  }
0x13a: {  	s11 =	simm.s32 $0xFFFF8100;
	s10 =	simm.s32 $0xFFFF8000;
	v0 =	vld [tilespmem:s9+$0x6600]  }
.LBB2_13:
0x13b: {  	p0 =	sne.s32 s11, $0xFFFFFF00;
	_ =	sdelay $0x2  }
0x13c: {  	s12 =	sshra.s32 s10, $0x2;
	s10 =	smov.u32 s11  }
0x13d: {  	[tilespmem:s12+$0xD800] =	vst.add.f32.msk $0xffff, v0  }
0x13e: {  	v0 =	vld [tilespmem:s9+$0x6610];
	_ =	sdelay $0x4  }
0x13f: {  	[tilespmem:s12+$0xD810] =	vst.add.f32.msk $0xffff, v0  }
0x140: {  	v0 =	vld [tilespmem:s9+$0x6620];
	_ =	sdelay $0x4  }
0x141: {  	[tilespmem:s12+$0xD820] =	vst.add.f32.msk $0xffff, v0  }
0x142: {  	v0 =	vld [tilespmem:s9+$0x6630];
	_ =	sdelay $0x1  }
.Ltmp5:
0x143: {  	(pc) =	sbr.rel @p0 .LBB2_13-.Ltmp5, $3  }
0x144: {  	_ =	sdelay $0x1  }
0x145: {  	[tilespmem:s12+$0xD830] =	vst.add.f32.msk $0xffff, v0  }
0x146: {  	s11 =	sadd.s32 $0x100, s11;
	v0 =	vld [tilespmem:s9+$0x6600]  }
0x147: {  	_ =	sdelay $0x2  }
0x148: {  	s10 =	sshra.s32 s10, $0x2  }
0x149: {  	[tilespmem:s10+$0xD800] =	vst.add.f32.msk $0xffff, v0  }
0x14a: {  	v0 =	vld [tilespmem:s9+$0x6610];
	_ =	sdelay $0x4  }
0x14b: {  	[tilespmem:s10+$0xD810] =	vst.add.f32.msk $0xffff, v0  }
0x14c: {  	v0 =	vld [tilespmem:s9+$0x6620];
	_ =	sdelay $0x4  }
0x14d: {  	[tilespmem:s10+$0xD820] =	vst.add.f32.msk $0xffff, v0  }
0x14e: {  	v0 =	vld [tilespmem:s9+$0x6630];
	_ =	sdelay $0x1  }
0x14f: {  	s6 =	sshll.u32 s6, $0x12  }
0x150: {  	s6 =	sor.u32 s8, s6  }
0x151: {  	s6 =	sshrl.u32 s6, $0x3  }
0x152: {  	s6 =	sadd.s32 s2, s6;
	[tilespmem:s10+$0xD830] =	vst.add.f32.msk $0xffff, v0  }
0x153: {  	[hbm4b:s6+s3] =	stream.linear.scatter [tilespmem:s24], [sflag:$0x2], $0x2000, $0x38;
	[tilespmem:$0x11800] =	vst v63  }
0x154: {  	_ =	swait.ge [sflag:s28], $0x2000  }
0x155: {  	[sflag:s28] =	ssyncset.done $0x0  }
0x156: {  	[sflag:s28] =	ssyncadd.s32 $0xFFFFE000  }
0x157: {  	_ =	swait.ge [sflag:s31], $0x2000  }
0x158: {  	[sflag:s31] =	ssyncset.done $0x0  }
0x159: {  	[sflag:s31] =	ssyncadd.s32 $0xFFFFE000  }
0x15a: {  	v0 =	vld [tilespmem:s20+$0x280];
	_ =	sdelay $0x4  }
0x15b: {  	[tilespmem:$0x6480] =	vst v0  }
0x15c: {  	v0 =	vld [tilespmem:s20+$0x290];
	_ =	sdelay $0x4  }
0x15d: {  	[tilespmem:$0x6490] =	vst v0  }
0x15e: {  	v0 =	vld [tilespmem:s20+$0x2A0];
	_ =	sdelay $0x4  }
0x15f: {  	[tilespmem:$0x64A0] =	vst v0  }
0x160: {  	v0 =	vld [tilespmem:s20+$0x2B0];
	_ =	sdelay $0x4  }
0x161: {  	[tilespmem:$0x64B0] =	vst v0  }
0x162: {  	v0 =	vld [tilespmem:s20+$0x2C0];
	_ =	sdelay $0x4  }
0x163: {  	[tilespmem:$0x64C0] =	vst v0  }
0x164: {  	v0 =	vld [tilespmem:s20+$0x2D0];
	_ =	sdelay $0x4  }
0x165: {  	[tilespmem:$0x64D0] =	vst v0  }
0x166: {  	v0 =	vld [tilespmem:s20+$0x2E0];
	_ =	sdelay $0x4  }
0x167: {  	[tilespmem:$0x64E0] =	vst v0  }
0x168: {  	v0 =	vld [tilespmem:s20+$0x2F0];
	_ =	sdelay $0x2  }
0x169: {  	s5 =	sor.u32 $0x2, s5  }
0x16a: {  	s12 =	sshll.u32 s5, $0x6  }
0x16b: {  	s6 =	sand.u32 $0x3FFFFFC0, s12;
	[tilespmem:$0x64F0] =	vst v0  }
0x16c: {  	[tilespmem:s24], [sflag:$0x1] =	stream.indirect.gather [hbm4b:s4+s19], $0x40, s23, s19, $0xb8;
	[tilespmem:$0x11800] =	vst v63  }
0x16d: {  	s9 =	simm.s32 $0xFFFF8000;
	s10 =	simm.s32 $0xFFFF8100;
	v0 =	vld [tilespmem:s6+$0x6600]  }
.LBB2_15:
0x16e: {  	p0 =	sne.s32 s10, $0xFFFFFF00;
	_ =	sdelay $0x2  }
0x16f: {  	s11 =	sshra.s32 s9, $0x2;
	s9 =	smov.u32 s10  }
0x170: {  	[tilespmem:s11+$0xF800] =	vst.add.f32.msk $0xffff, v0  }
0x171: {  	v0 =	vld [tilespmem:s6+$0x6610];
	_ =	sdelay $0x4  }
0x172: {  	[tilespmem:s11+$0xF810] =	vst.add.f32.msk $0xffff, v0  }
0x173: {  	v0 =	vld [tilespmem:s6+$0x6620];
	_ =	sdelay $0x4  }
0x174: {  	[tilespmem:s11+$0xF820] =	vst.add.f32.msk $0xffff, v0  }
0x175: {  	v0 =	vld [tilespmem:s6+$0x6630];
	_ =	sdelay $0x1  }
.Ltmp6:
0x176: {  	(pc) =	sbr.rel @p0 .LBB2_15-.Ltmp6, $3  }
0x177: {  	_ =	sdelay $0x1  }
0x178: {  	[tilespmem:s11+$0xF830] =	vst.add.f32.msk $0xffff, v0  }
0x179: {  	s10 =	sadd.s32 $0x100, s10;
	v0 =	vld [tilespmem:s6+$0x6600]  }
0x17a: {  	_ =	sdelay $0x2  }
0x17b: {  	s9 =	sshra.s32 s9, $0x2  }
0x17c: {  	[tilespmem:s9+$0xF800] =	vst.add.f32.msk $0xffff, v0  }
0x17d: {  	v0 =	vld [tilespmem:s6+$0x6610];
	_ =	sdelay $0x4  }
0x17e: {  	[tilespmem:s9+$0xF810] =	vst.add.f32.msk $0xffff, v0  }
0x17f: {  	v0 =	vld [tilespmem:s6+$0x6620];
	_ =	sdelay $0x4  }
0x180: {  	[tilespmem:s9+$0xF820] =	vst.add.f32.msk $0xffff, v0  }
0x181: {  	v0 =	vld [tilespmem:s6+$0x6630];
	_ =	sdelay $0x1  }
0x182: {  	s5 =	sshll.u32 s5, $0x12  }
0x183: {  	s5 =	sor.u32 s8, s5  }
0x184: {  	s5 =	sshrl.u32 s5, $0x3  }
0x185: {  	s5 =	sadd.s32 s2, s5;
	[tilespmem:s9+$0xF830] =	vst.add.f32.msk $0xffff, v0  }
0x186: {  	[hbm4b:s5+s3] =	stream.linear.scatter [tilespmem:s26], [sflag:$0x2], $0x2000, $0x38;
	[tilespmem:$0x11800] =	vst v63  }
0x187: {  	_ =	swait.ge [sflag:s28], $0x2000  }
0x188: {  	[sflag:s28] =	ssyncset.done $0x0  }
0x189: {  	[sflag:s28] =	ssyncadd.s32 $0xFFFFE000  }
0x18a: {  	_ =	swait.ge [sflag:s31], $0x2000  }
0x18b: {  	[sflag:s31] =	ssyncset.done $0x0  }
0x18c: {  	[sflag:s31] =	ssyncadd.s32 $0xFFFFE000  }
0x18d: {  	v0 =	vld [tilespmem:s20+$0x300];
	_ =	sdelay $0x4  }
0x18e: {  	[tilespmem:$0x6500] =	vst v0  }
0x18f: {  	v0 =	vld [tilespmem:s20+$0x310];
	_ =	sdelay $0x4  }
0x190: {  	[tilespmem:$0x6510] =	vst v0  }
0x191: {  	v0 =	vld [tilespmem:s20+$0x320];
	_ =	sdelay $0x4  }
0x192: {  	[tilespmem:$0x6520] =	vst v0  }
0x193: {  	v0 =	vld [tilespmem:s20+$0x330];
	_ =	sdelay $0x4  }
0x194: {  	[tilespmem:$0x6530] =	vst v0  }
0x195: {  	v0 =	vld [tilespmem:s20+$0x340];
	_ =	sdelay $0x4  }
0x196: {  	[tilespmem:$0x6540] =	vst v0  }
0x197: {  	v0 =	vld [tilespmem:s20+$0x350];
	_ =	sdelay $0x4  }
0x198: {  	[tilespmem:$0x6550] =	vst v0  }
0x199: {  	v0 =	vld [tilespmem:s20+$0x360];
	_ =	sdelay $0x4  }
0x19a: {  	[tilespmem:$0x6560] =	vst v0  }
0x19b: {  	v0 =	vld [tilespmem:s20+$0x370];
	_ =	sdelay $0x3  }
0x19c: {  	s20 =	sshll.u32 s17, $0x6  }
0x19d: {  	s5 =	sand.u32 $0x3FFFFFC0, s20;
	[tilespmem:$0x6570] =	vst v0  }
0x19e: {  	[tilespmem:s26], [sflag:$0x1] =	stream.indirect.gather [hbm4b:s4+s19], $0x40, s25, s19, $0xb8;
	[tilespmem:$0x11800] =	vst v63  }
0x19f: {  	s6 =	simm.s32 $0xFFFF8000;
	s9 =	simm.s32 $0xFFFF8100;
	v0 =	vld [tilespmem:s5+$0x6600]  }
.LBB2_17:
0x1a0: {  	p0 =	sne.s32 s9, $0xFFFFFF00;
	_ =	sdelay $0x2  }
0x1a1: {  	s10 =	sshra.s32 s6, $0x2;
	s6 =	smov.u32 s9  }
0x1a2: {  	[tilespmem:s10+$0x11800] =	vst.add.f32.msk $0xffff, v0  }
0x1a3: {  	v0 =	vld [tilespmem:s5+$0x6610];
	_ =	sdelay $0x4  }
0x1a4: {  	[tilespmem:s10+$0x11810] =	vst.add.f32.msk $0xffff, v0  }
0x1a5: {  	v0 =	vld [tilespmem:s5+$0x6620];
	_ =	sdelay $0x4  }
0x1a6: {  	[tilespmem:s10+$0x11820] =	vst.add.f32.msk $0xffff, v0  }
0x1a7: {  	v0 =	vld [tilespmem:s5+$0x6630];
	_ =	sdelay $0x1  }
.Ltmp7:
0x1a8: {  	(pc) =	sbr.rel @p0 .LBB2_17-.Ltmp7, $3  }
0x1a9: {  	_ =	sdelay $0x1  }
0x1aa: {  	[tilespmem:s10+$0x11830] =	vst.add.f32.msk $0xffff, v0  }
0x1ab: {  	s9 =	sadd.s32 $0x100, s9;
	v0 =	vld [tilespmem:s5+$0x6600]  }
0x1ac: {  	_ =	sdelay $0x2  }
0x1ad: {  	s6 =	sshra.s32 s6, $0x2  }
0x1ae: {  	[tilespmem:s6+$0x11800] =	vst.add.f32.msk $0xffff, v0  }
0x1af: {  	v0 =	vld [tilespmem:s5+$0x6610];
	_ =	sdelay $0x4  }
0x1b0: {  	[tilespmem:s6+$0x11810] =	vst.add.f32.msk $0xffff, v0  }
0x1b1: {  	v0 =	vld [tilespmem:s5+$0x6620];
	_ =	sdelay $0x4  }
0x1b2: {  	[tilespmem:s6+$0x11820] =	vst.add.f32.msk $0xffff, v0  }
0x1b3: {  	s1 =	sadd.s32 $0x1, s1;
	v0 =	vld [tilespmem:s5+$0x6630]  }
0x1b4: {  	p0 =	sne.s32 s1, $0x31  }
.Ltmp8:
0x1b5: {  	s20 =	sshll.u32 s17, $0x12;
	(pc) =	sbr.rel @p0 .LBB2_10-.Ltmp8, $4  }
0x1b6: {  	s5 =	sor.u32 s8, s20  }
0x1b7: {  	s5 =	sshrl.u32 s5, $0x3  }
0x1b8: {  	s5 =	sadd.s32 s2, s5;
	[tilespmem:s6+$0x11830] =	vst.add.f32.msk $0xffff, v0  }
0x1b9: {  	[hbm4b:s5+s3] =	stream.linear.scatter [tilespmem:s30], [sflag:$0x2], $0x2000, $0x38;
	[tilespmem:$0x11800] =	vst v63  }
0x1ba: {  	_ =	swait.ge [sflag:s28], $0x2000  }
0x1bb: {  	[sflag:s28] =	ssyncset.done $0x0  }
0x1bc: {  	[sflag:s28] =	ssyncadd.s32 $0xFFFFE000  }
0x1bd: {  	_ =	swait.ge [sflag:s31], $0x2000  }
0x1be: {  	[sflag:s31] =	ssyncset.done $0x0  }
0x1bf: {  	[sflag:s31] =	ssyncadd.s32 $0xFFFFE000  }
0x1c0: {  	v0 =	vld [tilespmem:$0x6380]  }
0x1c1: {  	v1 =	vld [tilespmem:$0x6390]  }
0x1c2: {  	v2 =	vld [tilespmem:$0x63A0]  }
0x1c3: {  	v3 =	vld [tilespmem:$0x63B0]  }
0x1c4: {  	v4 =	vld [tilespmem:$0x63C0]  }
0x1c5: {  	[tilespmem:$0x6580] =	vst v0;
	v0 =	vld [tilespmem:$0x63D0]  }
0x1c6: {  	[tilespmem:$0x6590] =	vst v1;
	v1 =	vld [tilespmem:$0x63E0]  }
0x1c7: {  	[tilespmem:$0x65A0] =	vst v2;
	v2 =	vld [tilespmem:$0x63F0]  }
0x1c8: {  	[tilespmem:$0x65B0] =	vst v3  }
0x1c9: {  	[tilespmem:$0x65C0] =	vst v4  }
0x1ca: {  	[tilespmem:$0x65D0] =	vst v0  }
0x1cb: {  	[tilespmem:$0x65E0] =	vst v1  }
0x1cc: {  	[tilespmem:$0x65F0] =	vst v2  }
0x1cd: {  	[tilespmem:s30], [sflag:$0x1] =	stream.indirect.gather [hbm4b:s4+s19], $0x40, s29, s19, $0xb8;
	[tilespmem:$0x11800] =	vst v63  }
0x1ce: {  	s1 =	simm.s32 $0x0;
	s5 =	simm.s32 $0x100;
	v0 =	vld [tilespmem:$0x9700]  }
.LBB2_20:
0x1cf: {  	p0 =	sne.s32 s5, $0x7F00;
	_ =	sdelay $0x2  }
0x1d0: {  	s6 =	sshra.s32 s1, $0x2;
	s1 =	smov.u32 s5  }
0x1d1: {  	[tilespmem:s6+$0x9800] =	vst.add.f32.msk $0xffff, v0  }
0x1d2: {  	v0 =	vld [tilespmem:$0x9710];
	_ =	sdelay $0x4  }
0x1d3: {  	[tilespmem:s6+$0x9810] =	vst.add.f32.msk $0xffff, v0  }
0x1d4: {  	v0 =	vld [tilespmem:$0x9720];
	_ =	sdelay $0x4  }
0x1d5: {  	[tilespmem:s6+$0x9820] =	vst.add.f32.msk $0xffff, v0  }
0x1d6: {  	v0 =	vld [tilespmem:$0x9730];
	_ =	sdelay $0x1  }
.Ltmp9:
0x1d7: {  	(pc) =	sbr.rel @p0 .LBB2_20-.Ltmp9, $3  }
0x1d8: {  	_ =	sdelay $0x1  }
0x1d9: {  	[tilespmem:s6+$0x9830] =	vst.add.f32.msk $0xffff, v0  }
0x1da: {  	s5 =	sadd.s32 $0x100, s5;
	v0 =	vld [tilespmem:$0x9700]  }
0x1db: {  	_ =	sdelay $0x2  }
0x1dc: {  	s1 =	sshra.s32 s1, $0x2  }
0x1dd: {  	[tilespmem:s1+$0x9800] =	vst.add.f32.msk $0xffff, v0  }
0x1de: {  	v0 =	vld [tilespmem:$0x9710];
	_ =	sdelay $0x4  }
0x1df: {  	[tilespmem:s1+$0x9810] =	vst.add.f32.msk $0xffff, v0  }
0x1e0: {  	v0 =	vld [tilespmem:$0x9720];
	_ =	sdelay $0x4  }
0x1e1: {  	[tilespmem:s1+$0x9820] =	vst.add.f32.msk $0xffff, v0  }
0x1e2: {  	v0 =	vld [tilespmem:$0x9730];
	_ =	sdelay $0x4  }
0x1e3: {  	s20 =	rddreg [dreg:$0x8];
	[tilespmem:s1+$0x9830] =	vst.add.f32.msk $0xffff, v0  }
0x1e4: {  	[hbm4b:s20+s3] =	stream.linear.scatter [tilespmem:s22], [sflag:$0x2], $0x2000, $0x38;
	[tilespmem:$0x11800] =	vst v63  }
0x1e5: {  	_ =	swait.ge [sflag:s28], $0x2000  }
0x1e6: {  	[sflag:s28] =	ssyncset.done $0x0  }
0x1e7: {  	[sflag:s28] =	ssyncadd.s32 $0xFFFFE000  }
0x1e8: {  	_ =	swait.ge [sflag:s31], $0x2000  }
0x1e9: {  	[sflag:s31] =	ssyncset.done $0x0  }
0x1ea: {  	[sflag:s31] =	ssyncadd.s32 $0xFFFFE000  }
0x1eb: {  	s5 =	simm.s32 $0xFFFF8100;
	s1 =	simm.s32 $0xFFFF8000;
	v0 =	vld [tilespmem:$0x9740]  }
.LBB2_22:
0x1ec: {  	p0 =	sne.s32 s5, $0xFFFFFF00;
	_ =	sdelay $0x2  }
0x1ed: {  	s6 =	sshra.s32 s1, $0x2;
	s1 =	smov.u32 s5  }
0x1ee: {  	[tilespmem:s6+$0xD800] =	vst.add.f32.msk $0xffff, v0  }
0x1ef: {  	v0 =	vld [tilespmem:$0x9750];
	_ =	sdelay $0x4  }
0x1f0: {  	[tilespmem:s6+$0xD810] =	vst.add.f32.msk $0xffff, v0  }
0x1f1: {  	v0 =	vld [tilespmem:$0x9760];
	_ =	sdelay $0x4  }
0x1f2: {  	[tilespmem:s6+$0xD820] =	vst.add.f32.msk $0xffff, v0  }
0x1f3: {  	v0 =	vld [tilespmem:$0x9770];
	_ =	sdelay $0x1  }
.Ltmp10:
0x1f4: {  	(pc) =	sbr.rel @p0 .LBB2_22-.Ltmp10, $3  }
0x1f5: {  	_ =	sdelay $0x1  }
0x1f6: {  	[tilespmem:s6+$0xD830] =	vst.add.f32.msk $0xffff, v0  }
0x1f7: {  	s5 =	sadd.s32 $0x100, s5;
	v0 =	vld [tilespmem:$0x9740]  }
0x1f8: {  	_ =	sdelay $0x2  }
0x1f9: {  	s1 =	sshra.s32 s1, $0x2  }
0x1fa: {  	[tilespmem:s1+$0xD800] =	vst.add.f32.msk $0xffff, v0  }
0x1fb: {  	v0 =	vld [tilespmem:$0x9750];
	_ =	sdelay $0x4  }
0x1fc: {  	[tilespmem:s1+$0xD810] =	vst.add.f32.msk $0xffff, v0  }
0x1fd: {  	v0 =	vld [tilespmem:$0x9760];
	_ =	sdelay $0x4  }
0x1fe: {  	[tilespmem:s1+$0xD820] =	vst.add.f32.msk $0xffff, v0  }
0x1ff: {  	v0 =	vld [tilespmem:$0x9770];
	_ =	sdelay $0x4  }
0x200: {  	[tilespmem:s1+$0xD830] =	vst.add.f32.msk $0xffff, v0  }
0x201: {  	[hbm4b:s13+s3] =	stream.linear.scatter [tilespmem:s24], [sflag:$0x2], $0x2000, $0x38;
	[tilespmem:$0x11800] =	vst v63  }
0x202: {  	_ =	swait.ge [sflag:s28], $0x2000  }
0x203: {  	[sflag:s28] =	ssyncset.done $0x0  }
0x204: {  	[sflag:s28] =	ssyncadd.s32 $0xFFFFE000  }
0x205: {  	_ =	swait.ge [sflag:s31], $0x2000  }
0x206: {  	[sflag:s31] =	ssyncset.done $0x0  }
0x207: {  	[sflag:s31] =	ssyncadd.s32 $0xFFFFE000  }
0x208: {  	s5 =	simm.s32 $0xFFFF8100;
	s1 =	simm.s32 $0xFFFF8000;
	v0 =	vld [tilespmem:$0x9780]  }
.LBB2_24:
0x209: {  	p0 =	sne.s32 s5, $0xFFFFFF00;
	_ =	sdelay $0x2  }
0x20a: {  	s6 =	sshra.s32 s1, $0x2;
	s1 =	smov.u32 s5  }
0x20b: {  	[tilespmem:s6+$0xF800] =	vst.add.f32.msk $0xffff, v0  }
0x20c: {  	v0 =	vld [tilespmem:$0x9790];
	_ =	sdelay $0x4  }
0x20d: {  	[tilespmem:s6+$0xF810] =	vst.add.f32.msk $0xffff, v0  }
0x20e: {  	v0 =	vld [tilespmem:$0x97A0];
	_ =	sdelay $0x4  }
0x20f: {  	[tilespmem:s6+$0xF820] =	vst.add.f32.msk $0xffff, v0  }
0x210: {  	v0 =	vld [tilespmem:$0x97B0];
	_ =	sdelay $0x1  }
.Ltmp11:
0x211: {  	(pc) =	sbr.rel @p0 .LBB2_24-.Ltmp11, $3  }
0x212: {  	_ =	sdelay $0x1  }
0x213: {  	[tilespmem:s6+$0xF830] =	vst.add.f32.msk $0xffff, v0  }
0x214: {  	s5 =	sadd.s32 $0x100, s5;
	v0 =	vld [tilespmem:$0x9780]  }
0x215: {  	_ =	sdelay $0x2  }
0x216: {  	s1 =	sshra.s32 s1, $0x2  }
0x217: {  	[tilespmem:s1+$0xF800] =	vst.add.f32.msk $0xffff, v0  }
0x218: {  	v0 =	vld [tilespmem:$0x9790];
	_ =	sdelay $0x4  }
0x219: {  	[tilespmem:s1+$0xF810] =	vst.add.f32.msk $0xffff, v0  }
0x21a: {  	v0 =	vld [tilespmem:$0x97A0];
	_ =	sdelay $0x4  }
0x21b: {  	[tilespmem:s1+$0xF820] =	vst.add.f32.msk $0xffff, v0  }
0x21c: {  	v0 =	vld [tilespmem:$0x97B0];
	_ =	sdelay $0x4  }
0x21d: {  	[tilespmem:s1+$0xF830] =	vst.add.f32.msk $0xffff, v0  }
0x21e: {  	[hbm4b:s14+s3] =	stream.linear.scatter [tilespmem:s26], [sflag:$0x2], $0x2000, $0x38;
	[tilespmem:$0x11800] =	vst v63  }
0x21f: {  	_ =	swait.ge [sflag:s28], $0x2000  }
0x220: {  	[sflag:s28] =	ssyncset.done $0x0  }
0x221: {  	[sflag:s28] =	ssyncadd.s32 $0xFFFFE000  }
0x222: {  	_ =	swait.ge [sflag:s31], $0x2000  }
0x223: {  	[sflag:s31] =	ssyncset.done $0x0  }
0x224: {  	[sflag:s31] =	ssyncadd.s32 $0xFFFFE000  }
0x225: {  	s5 =	simm.s32 $0xFFFF8100;
	s1 =	simm.s32 $0xFFFF8000;
	v0 =	vld [tilespmem:$0x97C0]  }
.LBB2_26:
0x226: {  	p0 =	sne.s32 s5, $0xFFFFFF00;
	_ =	sdelay $0x2  }
0x227: {  	s6 =	sshra.s32 s1, $0x2;
	s1 =	smov.u32 s5  }
0x228: {  	[tilespmem:s6+$0x11800] =	vst.add.f32.msk $0xffff, v0  }
0x229: {  	v0 =	vld [tilespmem:$0x97D0];
	_ =	sdelay $0x4  }
0x22a: {  	[tilespmem:s6+$0x11810] =	vst.add.f32.msk $0xffff, v0  }
0x22b: {  	v0 =	vld [tilespmem:$0x97E0];
	_ =	sdelay $0x4  }
0x22c: {  	[tilespmem:s6+$0x11820] =	vst.add.f32.msk $0xffff, v0  }
0x22d: {  	v0 =	vld [tilespmem:$0x97F0];
	_ =	sdelay $0x1  }
.Ltmp12:
0x22e: {  	(pc) =	sbr.rel @p0 .LBB2_26-.Ltmp12, $3  }
0x22f: {  	_ =	sdelay $0x1  }
0x230: {  	[tilespmem:s6+$0x11830] =	vst.add.f32.msk $0xffff, v0  }
0x231: {  	s5 =	sadd.s32 $0x100, s5;
	v0 =	vld [tilespmem:$0x97C0]  }
0x232: {  	_ =	sdelay $0x2  }
0x233: {  	s1 =	sshra.s32 s1, $0x2  }
0x234: {  	[tilespmem:s1+$0x11800] =	vst.add.f32.msk $0xffff, v0  }
0x235: {  	v0 =	vld [tilespmem:$0x97D0];
	_ =	sdelay $0x4  }
0x236: {  	[tilespmem:s1+$0x11810] =	vst.add.f32.msk $0xffff, v0  }
0x237: {  	v0 =	vld [tilespmem:$0x97E0];
	_ =	sdelay $0x4  }
0x238: {  	[tilespmem:s1+$0x11820] =	vst.add.f32.msk $0xffff, v0  }
0x239: {  	v0 =	vld [tilespmem:$0x97F0];
	_ =	sdelay $0x2  }
0x23a: {  	s0 =	sadd.s32 $0x1, s0  }
0x23b: {  	p0 =	sne.s32 s0, s16  }
.Ltmp13:
0x23c: {  	[tilespmem:s1+$0x11830] =	vst.add.f32.msk $0xffff, v0;
	(pc) =	sbr.rel @p0 .LBB2_1-.Ltmp13, $4  }
0x23d: {  	[hbm4b:s15+s3] =	stream.linear.scatter [tilespmem:s30], [sflag:$0x2], $0x2000, $0x38;
	[tilespmem:$0x11800] =	vst v63  }
0x23e: {  	_ =	swait.ge [sflag:s31], $0x2000  }
0x23f: {  	[sflag:s31] =	ssyncset.done $0x0  }
0x240: {  	[sflag:s31] =	ssyncadd.s32 $0xFFFFE000  }
0x241: {  	_ =	sfence.sel $0x180000  }
0x242: {  	[bflag:$0x0] =	sbarrier.arrive $0xFFFF  }
0x243: {  	_ =	strace $0x90000047  }
0x244: {  	s0 =	stileid.u32;
	[bflag:$0x2] =	sbarrier.arrive $0xFFFF  }
0x245: {  	p0 =	sne.s32 s0, $0x0;
	s0 =	rddreg [dreg:$0x2]  }
0x246: {  	s0 =	sadd.s32 @!p0 $0x100000, s0  }
0x247: {  	[sflag:s0] =	ssyncadd.tile.s32 @!p0 $0x1;
	_ =	shalt  }
.Lfunc_end2:
_tile_overlayer_lowered:
.L_overlay_start_2:
0x248: {  	(tag) =	ssettag $0x2  }
0x249: {  	s0 =	rddreg [dreg:$0x0];
	s2 =	stileid.u32  }
0x24a: {  	s1 =	rddreg [dreg:$0x1];
	p0 =	sne.s32 s2, $0x0  }
0x24b: {  	s3 =	rddreg [dreg:$0x2];
	[bflag:$0x3] =	sbarrier.arrive $0xFFFF;
	s2 =	simm.s32 @!p0 $0x1C03  }
0x24c: {  	[timem:s3], [sflag:s2] =	dma.local @!p0 [hbm:s0], s1  }
0x24d: {  	s0 =	simm.s32 @!p0 $0x3  }
0x24e: {  	_ =	swait.ge @!p0 [sflag:s0], s1  }
0x24f: {  	s1 =	ssub.s32 @!p0 $0x0, s1;
	[sflag:s0] =	ssyncset.done @!p0 $0x0  }
0x250: {  	[sflag:s0] =	ssyncadd.s32 @!p0 s1  }
0x251: {  	[bflag:$0x3] =	sbarrier.arrive $0xFFFF  }
0x252: {  	_ =	shalt  }

// kernel: sparse-core-data-format-call.cloned.1.call-start
scs
called_computation_lowered:
.L_overlay_start_0:
0x0: {  	s2 =	sld [smem:$0x3FD9]  }
0x1: {  	s3 =	sld [smem:$0x3FFE];
	_ =	sdelay $0x1  }
0x2: {  	s1 =	srdreg.scid  }
0x3: {  	s0 =	sand.u32 $0x1, s1  }
0x4: {  	s18 =	sshll.u32 s0, $0xA;
	s2 =	sadd.s32 s3, s2  }
0x5: {  	s2 =	sadd.s32 s2, s18  }
0x6: {  	[smem:$0x3FC5] =	sst s2  }
0x7: {  	_ = 	snop  }
0x8: {  	s2 =	sld [smem:$0x3FD0];
	(tm) =	ssettm $0x1  }
0x9: {  	s19 =	sld [smem:$0x3FFB];
	_ =	sdelay $0x3  }
0xa: {  	_ =	strace s19  }
0xb: {  	s3 =	sld [smem:$0x3FFC];
	_ =	sdelay $0x3  }
0xc: {  	_ =	strace s3  }
0xd: {  	s3 =	sld [smem:$0x3FFD];
	_ =	sdelay $0x3  }
0xe: {  	_ =	strace s3  }
0xf: {  	_ =	strace $0x8FFFFFFF  }
0x10: {  	s20 =	sld [smem:$0x3FDB];
	_ =	sdelay $0x1  }
0x11: {  	s4 =	simm.s32 $_scs_section_size  }
0x12: {  	s5 =	simm.s32 $_size__tile_overlayer_lowered;
	s6 =	simm.s32 $_tile_overlayer_lowered  }
0x13: {  	s23 =	simm.s32 $0x1BFF;
	s22 =	sshll.u32 s6, $0x1;
	s3 =	sadd.s32 s4, s20  }
0x14: {  	s7 =	simm.s32 $0x0;
	s21 =	sshll.u32 s5, $0x1;
	s5 =	sadd.s32 s22, s3  }
0x15: {  	[timem:s7], [sflag:s23] =	dma.local [hbm:s5], s21  }
0x16: {  	_ =	swait.ge [sflag:s23], s21  }
0x17: {  	s4 =	ssub.s32 $0x0, s21;
	[sflag:s23] =	ssyncset.done $0x0  }
0x18: {  	[sflag:s23] =	ssyncadd.s32 s4;
	_ =	sdelay $0x1  }
0x19: {  	s24 =	simm.s32 $0x1B8B  }
0x1a: {  	_ =	swait.ge [sflag:s24], $0x1  }
0x1b: {  	[sflag:s24] =	ssyncset.done $0x0  }
0x1c: {  	s26 =	simm.s32 $0x1B8E;
	s25 =	sld [smem:$0x3FFE];
	[sflag:s24] =	ssyncadd.s32 $0xFFFFFFFF  }
0x1d: {  	s27 =	simm.s32 $execute0_lowered;
	[smem:$0x3FD2] =	sst s26  }
0x1e: {  	s5 =	sshll.u32 s27, $0x1;
	_ =	strace $0x80000049;
	[dreg:$0x1] =	wrdreg $0xFFFFFFFF  }
0x1f: {  	s28 =	simm.s32 $_size_execute0_lowered;
	s3 =	sadd.s32 s3, s5;
	[dreg:$0x0] =	wrdreg $0x0  }
0x20: {  	s5 =	sshll.u32 s28, $0x1;
	[dreg:$0x2] =	wrdreg s3  }
0x21: {  	[dreg:$0x3] =	wrdreg s5  }
0x22: {  	[dreg:$0x4] =	wrdreg $0xC0  }
0x23: {  	_ =	task [dreg:s7], $0x5FFFF  }
0x24: {  	[dreg:$0x1] =	wrdreg $0xFFFFFFFF  }
0x25: {  	[dreg:$0x0] =	wrdreg $0x60  }
0x26: {  	[dreg:$0x2] =	wrdreg s25  }
0x27: {  	[dreg:$0x3] =	wrdreg s2  }
0x28: {  	[dreg:$0x4] =	wrdreg $0x9  }
0x29: {  	_ =	task.clear_ibuf [dreg:s7], $0x5FFFF;
	_ =	strace $0x90000049  }
0x2a: {  	s29 =	simm.s32 $0x9;
	_ =	strace $0x8000004B  }
0x2b: {  	_ =	swait.ge [sflag:s29], $0x1  }
0x2c: {  	[sflag:s29] =	ssyncadd.s32 $0xFFFFFFFF  }
0x2d: {  	_ =	strace $0x9000004B  }
0x2e: {  	_ =	sfence  }
0x2f: {  	s30 =	sld [smem:$0x0];
	_ =	sdelay $0x2  }
0x30: {  	s31 =	sshll.u32 s1, $0xD;
	s1 =	sshrl.u32 s1, $0x2  }
0x31: {  	s3 =	sand.u32 $0x4000, s31;
	s1 =	sadd.s32 s1, s30  }
0x32: {  	s0 =	sor.u32 s3, s0;
	s1 =	sshll.u32 s1, $0x11  }
0x33: {  	s0 =	sor.u32 s1, s0  }
0x34: {  	s0 =	sadd.s32 $0x8F2B, s0  }
0x35: {  	[sflag:s0] =	ssyncadd.remote.s32 $0x1  }
0x36: {  	_ =	sfence.sel $0xFFFF  }
0x37: {  	[dreg:$0x0] =	wrdreg $0xFFFFFFFF;
	(pc) =	sbr.abs _section_cstart, $3  }
0x38: {  	[dreg:$0x1] =	wrdreg $0xFFFFFFFF  }
0x39: {  	_ =	task.clear_ibuf [dreg:s7], $0x2FFFF;
	_ =	strace $0x9FFFFFFF  }
0x3a: {  	(tm) =	ssettm $0x7FFFFFFF  }
0x3b: {  	_ =	shalt  }
tec
execute0_lowered:
.L_overlay_start_1:
0x0: {  	(tag) =	ssettag $0x1  }
0x1: {  	s0 =	srdreg.scid  }
0x2: {  	s1 =	sshll.u32 s0, $0x4  }
0x3: {  	s5 =	rddreg [dreg:$0x0];
	s0 =	stileid.u32;
	s1 =	sand.u32 $0x10, s1  }
0x4: {  	s3 =	rddreg [dreg:$0x1];
	s31 =	simm.s32 $0x2;
	s4 =	sor.u32 s0, s1  }
0x5: {  	s13 =	simm.s32 $0x0;
	s9 =	simm.s32 $0x400;
	s2 =	sshll.u32 s4, $0x7  }
0x6: {  	s10 =	simm.s32 $0x8000;
	s14 =	simm.s32 $0x0;
	s6 =	ssub.s32 $0x1000, s2  }
0x7: {  	s1 =	rddreg [dreg:$0x2];
	_ =	strace $0x8000004A;
	s7 =	sand.u32 $0xF80, s6  }
0x8: {  	s4 =	sshll.u32 s4, $0xB;
	p0 =	sne.s32 s7, $0x0;
	s7 =	simm.s32 $0x1  }
.Ltmp0:
0x9: {  	s6 =	sshrl.u32 s6, $0xC;
	s7 =	simm.s32 @!p0 $0x0;
	(pc) =	sbr.rel .LBB1_1-.Ltmp0, $4  }
0xa: {  	s8 =	sadd.s32 s4, s5;
	s4 =	simm.s32 $0x1;
	s30 =	sadd.s32 s7, s6  }
0xb: {  	s11 =	simm.s32 $0x0;
	[sflag:s4] =	ssyncpa.u1 $0x0;
	s5 =	smul.u32 $0x64, s30  }
0xc: {  	s12 =	simm.s32 $0x0;
	[sflag:s31] =	ssyncpa.u1 $0x0;
	p0 =	por $0x0, $0x0  }
0xd: {  	s6 =	sadd.s32 $0xC00, s8;
	s7 =	sadd.s32 $0x10C00, s8;
	s8 =	sor.u32 $0x1, s5  }
.LBB1_7:
0xe: {  	s15 =	sadd.s32 $0x2, s11  }
0xf: {  	p2 =	sgt.s32 s15, $0xC7  }
0x10: {  	s15 =	simm.s32 @p2 $0x0;
	p2 =	sne.s32 s12, s8  }
.Ltmp1:
0x11: {  	p1 =	slt.u32 s12, $0x2;
	(pc) =	sbr.rel @!p2 .LBB1_8-.Ltmp1, $4  }
0x12: {  	s13 =	simm.s32 @!p1 $0x2  }
0x13: {  	s16 =	sadd.s32 $0x1, s12;
	s14 =	smov.u32 s11;
	_ =	swait.ge @!p1 [sflag:s13], $0x4000  }
0x14: {  	p0 =	por !p0, !p0;
	s12 =	smov.u32 s16;
	[sflag:s13] =	ssyncset.done @!p1 $0x0  }
0x15: {  	s11 =	smov.u32 s15;
	[sflag:s13] =	ssyncadd.s32 @!p1 $0xFFFFC000;
	s13 =	smov.u32 s2  }
.LBB1_1:
0x16: {  	p1 =	sge.u32 s12, s5  }
0x17: {  	s15 =	sxor.u32 @!p1 $0xFFFFFFFF, s12  }
0x18: {  	s16 =	sshll.u32 @!p1 s11, $0x10;
	s18 =	simm.s32 @!p1 $0x40;
	s15 =	sshll.u32 @!p1 s15, $0xE  }
0x19: {  	s19 =	simm.s32 @!p1 $0x80;
	s17 =	sadd.s32 @!p1 s16, s6;
	s15 =	sand.u32 @!p1 $0x4000, s15  }
0x1a: {  	[tilespmem:s15], [sflag:$0x1] =	stream.strided.gather @!p1 [hbm4b:s17+s18], $0x2000, s19, s18, $0x38;
	[tilespmem:$0x10100] =	vst v63  }
0x1b: {  	s31 =	sadd.s32 $0xFFFFFFFF, s12;
	s16 =	sadd.s32 @!p1 s16, s7;
	s15 =	sor.u32 @!p1 $0x2000, s15  }
0x1c: {  	[tilespmem:s15], [sflag:$0x1] =	stream.strided.gather @!p1 [hbm4b:s16+s18], $0x2000, s19, s18, $0x38;
	[tilespmem:$0x10100] =	vst v63  }
0x1d: {  	p1 =	sge.u32 s31, s5  }
.Ltmp2:
0x1e: {  	_ = 	snop;
	(pc) =	sbr.rel @p1 .LBB1_7-.Ltmp2, $1  }
0x1f: {  	_ =	sdelay $0x3  }
0x20: {  	s15 =	simm.s32 $0x1;
	s17 =	sand.u32 $0x1, s12  }
0x21: {  	_ =	swait.ge [sflag:s4], $0x4000;
	s15 =	simm.s32 @!p0 $0x0;
	s17 =	smul.u32 $0x10200, s17  }
0x22: {  	p2 =	por $0x1, $0x1;
	[sflag:s4] =	ssyncset.done $0x0;
	s16 =	smul.u32 $0x10200, s15  }
0x23: {  	s18 =	sshll.u32 s15, $0x10;
	[sflag:s4] =	ssyncadd.s32 $0xFFFFC000;
	s30 =	sshrl.u32 s17, $0x2  }
0x24: {  	s31 =	sshrl.u32 s18, $0x2;
	s18 =	simm.s32 $0x0;
	s16 =	sshrl.u32 s16, $0x2  }
0x25: {  	s15 =	sor.u32 $0x8000, s30;
	s17 =	sadd.s32 $0x20, s31;
	s16 =	sor.u32 $0x8000, s16  }
.LBB1_3:
0x26: {  	s19 =	sshll.u32 s18, $0xD  }
0x27: {  	s19 =	sand.u32 $0x3FFFE000, s19  }
0x28: {  	s21 =	sadd.s32 s19, s17  }
0x29: {  	s31 =	smul.u32 $0x8100, s18;
	v3 =	vld [tilespmem:s21+$0x10]  }
0x2a: {  	v1 =	vld [tilespmem:s21+$0xFFFFFFF0]  }
0x2b: {  	s18 =	sshra.s32 s31, $0x2;
	v0 =	vld [tilespmem:s21+$0x0]  }
0x2c: {  	s18 =	sadd.s32 s18, s16;
	v2 =	vld [tilespmem:s21+$0xFFFFFFE0]  }
0x2d: {  	s19 =	sadd.s32 $0x0, s18  }
0x2e: {  	p1 =	por p2, p2;
	s20 =	simm.s32 $0x4;
	s21 =	sadd.s32 $0x40, s21;
	[tilespmem:s19+$0x1830 ss:$0x81] =	vst.msk $0xffff, v3  }
.LBB1_4:
0x2f: {  	v3 =	vld [tilespmem:s21+$0x10];
	p2 =	sne.s32 s20, $0x1FC;
	[tilespmem:s19+$0x810 ss:$0x81] =	vst.msk $0xffff, v1;
	s22 =	smov.u32 s20;
	s20 =	sadd.s32 $0x4, s20  }
.Ltmp3:
0x30: {  	v1 =	vld [tilespmem:s21+$0xFFFFFFF0];
	[tilespmem:s19+$0x1020 ss:$0x81] =	vst.msk $0xffff, v0;
	(pc) =	sbr.rel @p2 .LBB1_4-.Ltmp3, $4  }
0x31: {  	v0 =	vld [tilespmem:s21+$0x0];
	[tilespmem:s19+$0x0 ss:$0x81] =	vst.msk $0xffff, v2  }
0x32: {  	s19 =	sshra.s32 s22, $0x2;
	v2 =	vld [tilespmem:s21+$0xFFFFFFE0]  }
0x33: {  	s19 =	sadd.s32 s19, s18  }
0x34: {  	s21 =	sadd.s32 $0x40, s21;
	[tilespmem:s19+$0x1830 ss:$0x81] =	vst.msk $0xffff, v3  }
.Ltmp4:
0x35: {  	(pc) =	sbr.rel @p1 .LBB1_3-.Ltmp4, $4  }
0x36: {  	_ = 	snop  }
0x37: {  	[tilespmem:s19+$0x810 ss:$0x81] =	vst.msk $0xffff, v1  }
0x38: {  	[tilespmem:s19+$0x1020 ss:$0x81] =	vst.msk $0xffff, v0  }
0x39: {  	s18 =	simm.s32 $0x1;
	p2 =	por $0x0, $0x0;
	[tilespmem:s19+$0x0 ss:$0x81] =	vst.msk $0xffff, v2  }
.Ltmp5:
0x3a: {  	(pc) =	sbr.rel .LBB1_7-.Ltmp5, $4  }
0x3b: {  	s14 =	sshll.u32 s14, $0xF  }
0x3c: {  	s14 =	sadd.s32 s3, s14  }
0x3d: {  	s13 =	sadd.s32 s13, s14  }
0x3e: {  	[hbm4b:s13+s9] =	stream.strided.scatter [tilespmem:s15], [sflag:$0x2], $0x4000, s10, s9, $0x20;
	[tilespmem:$0x10100] =	vst v63  }
.LBB1_8:
0x3f: {  	_ =	sfence.sel $0x180000  }
0x40: {  	s2 =	simm.s32 $0x1;
	[bflag:$0x0] =	sbarrier.arrive $0xFFFF  }
0x41: {  	s31 =	simm.s32 $0x2;
	[sflag:s2] =	ssyncpa.u1 $0x1  }
0x42: {  	[sflag:s31] =	ssyncpa.u1 $0x1  }
0x43: {  	p0 =	sne.s32 s0, $0x0;
	_ =	strace $0x9000004A  }
0x44: {  	s0 =	sadd.s32 @!p0 $0x100000, s1;
	[bflag:$0x2] =	sbarrier.arrive $0xFFFF  }
0x45: {  	[sflag:s0] =	ssyncadd.tile.s32 @!p0 $0x1;
	_ =	shalt  }
.Lfunc_end1:
_tile_overlayer_lowered:
.L_overlay_start_2:
0x46: {  	(tag) =	ssettag $0x2  }
0x47: {  	s0 =	rddreg [dreg:$0x0];
	s2 =	stileid.u32  }
0x48: {  	s1 =	rddreg [dreg:$0x1];
	p0 =	sne.s32 s2, $0x0  }
0x49: {  	s3 =	rddreg [dreg:$0x2];
	[bflag:$0x3] =	sbarrier.arrive $0xFFFF;
	s2 =	simm.s32 @!p0 $0x1C01  }
0x4a: {  	[timem:s3], [sflag:s2] =	dma.local @!p0 [hbm:s0], s1  }
0x4b: {  	s0 =	simm.s32 @!p0 $0x1  }
0x4c: {  	_ =	swait.ge @!p0 [sflag:s0], s1  }
0x4d: {  	s1 =	ssub.s32 @!p0 $0x0, s1;
	[sflag:s0] =	ssyncset.done @!p0 $0x0  }
0x4e: {  	[sflag:s0] =	ssyncadd.s32 @!p0 s1  }
0x4f: {  	[bflag:$0x3] =	sbarrier.arrive $0xFFFF  }
0x50: {  	_ =	shalt  }

</sc_bundles>
